<compile_context>
chip_gen: v7x
topology: tpu7x:2x2x1
jax: 0.10.2.dev20260603
libtpu: 0.0.44.dev20260713+nightly
codegen_flags: <defaults>
</compile_context>

<pallas_src>
import functools

import jax
import jax.numpy as jnp
from jax import lax
from jax.experimental import pallas as pl
from jax.experimental.pallas import tpu as pltpu
from jax.experimental.pallas import tpu_sc as plsc

N_NODES = 10000
N_IN, N_HID, N_OUT = 128, 64, 128
N_EDGES = 330000
NW = 32
L = 16
CPT = 10368
NCH = CPT // L
EE_PAD = CPT * NW
N_PAD = 10240
RPT = N_PAD // L
ZR = 16
SEG = 72
NSEG = NCH // SEG


def _edge_pass(D):
    mesh = plsc.VectorSubcoreMesh(core_axis_name="c", subcore_axis_name="s")

    @functools.partial(
        pl.kernel,
        out_type=[
            jax.ShapeDtypeStruct((2 * N_PAD, D), jnp.float32),
            jax.ShapeDtypeStruct((NW * N_NODES,), jnp.float32),
        ],
        mesh=mesh,
        compiler_params=pltpu.CompilerParams(
            needs_layout_passes=False, use_tc_tiling_on_sc=False),
        scratch_types=[
            pltpu.VMEM((N_NODES,), jnp.float32),
            pltpu.VMEM((N_NODES,), jnp.float32),
            pltpu.VMEM((SEG, L), jnp.int32),
            pltpu.VMEM((SEG, L), jnp.int32),
            pltpu.VMEM((SEG * L,), jnp.float32),
            pltpu.VMEM((N_NODES,), jnp.float32),
            pltpu.VMEM((L, D), jnp.float32),
            pltpu.VMEM((ZR, D), jnp.float32),
            pltpu.VMEM_SHARED((N_PAD, D), jnp.float32),
            pltpu.SemaphoreType.DMA,
        ],
    )
    def k(src_hbm, dst_hbm, asv_hbm, adv_hbm, h_hbm, out_part, denom_part,
          as_v, ad_v, src2, dst2, ex_v, denom_v, rows_v, zero_v, out_s, sem):
        cid = lax.axis_index("c")
        sid = lax.axis_index("s")
        wid = sid * 2 + cid

        pltpu.sync_copy(asv_hbm, as_v)
        pltpu.sync_copy(adv_hbm, ad_v)

        def zrow(j, _):
            for d in range(D // L):
                zero_v[j, pl.ds(d * L, L)] = jnp.zeros((L,), jnp.float32)
            return 0
        lax.fori_loop(0, ZR, zrow, 0)

        def zden(j, _):
            denom_v[pl.ds(j * L, L)] = jnp.zeros((L,), jnp.float32)
            return 0
        lax.fori_loop(0, N_NODES // L, zden, 0)

        for z in range(RPT // ZR):
            pltpu.sync_copy(zero_v, out_s.at[pl.ds(sid * RPT + z * ZR, ZR)])

        plsc.subcore_barrier()

        ebase = wid * CPT

        def seg_body(s, _):
            pltpu.sync_copy(
                src_hbm.at[pl.ds(wid * NCH + s * SEG, SEG)], src2)
            pltpu.sync_copy(
                dst_hbm.at[pl.ds(wid * NCH + s * SEG, SEG)], dst2)

            def sbody(j, _):
                sv = src2[j]
                dv = dst2[j]
                e = (plsc.load_gather(as_v, [sv])
                     + plsc.load_gather(ad_v, [dv]))
                e = jnp.where(e >= 0.0, e, 0.2 * e)
                ex = jnp.exp(e)
                gid = ebase + (s * SEG + j) * L + lax.iota(jnp.int32, 16)
                ex = jnp.where(gid < N_EDGES, ex, 0.0)
                ex_v[pl.ds(j * L, L)] = ex
                plsc.addupdate_scatter(denom_v, [dv], ex)
                return 0
            lax.fori_loop(0, SEG, sbody, 0)

            def vbody(j, _):
                pltpu.async_copy(h_hbm.at[src2.at[j]], rows_v, sem).wait()
                for g in range(L):
                    w = plsc.load_gather(
                        ex_v, [j * L + g + jnp.zeros((L,), jnp.int32)])
                    for d in range(D // L):
                        rows_v[g, pl.ds(d * L, L)] = (
                            rows_v[g, pl.ds(d * L, L)] * w)
                pltpu.sync_copy(rows_v, out_s.at[dst2.at[j]], add=True)
                return 0
            lax.fori_loop(0, SEG, vbody, 0)
            return 0
        lax.fori_loop(0, NSEG, seg_body, 0)

        plsc.subcore_barrier()

        pltpu.sync_copy(out_s.at[pl.ds(sid * RPT, RPT)],
                        out_part.at[pl.ds(cid * N_PAD + sid * RPT, RPT)])
        pltpu.sync_copy(denom_v, denom_part.at[pl.ds(wid * N_NODES, N_NODES)])

    return k


_edge64 = _edge_pass(N_HID)
_edge128 = _edge_pass(N_OUT)

_BLK = 400
_GRID = N_NODES // _BLK


def _head_call(in_d, out_d):
    def body(x_ref, w_ref, a_ref, h_ref, asd_ref):
        h = jnp.dot(x_ref[...], w_ref[...], preferred_element_type=jnp.float32)
        h_ref[...] = h
        asd_ref[...] = jnp.dot(h, a_ref[...],
                               preferred_element_type=jnp.float32)

    return pl.pallas_call(
        body,
        grid=(_GRID,),
        in_specs=[
            pl.BlockSpec((_BLK, in_d), lambda i: (i, 0)),
            pl.BlockSpec((in_d, out_d), lambda i: (0, 0)),
            pl.BlockSpec((out_d, 2), lambda i: (0, 0)),
        ],
        out_specs=[
            pl.BlockSpec((_BLK, out_d), lambda i: (i, 0)),
            pl.BlockSpec((_BLK, 2), lambda i: (i, 0)),
        ],
        out_shape=[
            jax.ShapeDtypeStruct((N_NODES, out_d), jnp.float32),
            jax.ShapeDtypeStruct((N_NODES, 2), jnp.float32),
        ],
    )


_head1 = _head_call(N_IN, N_HID)


def _mid_body(p0_ref, p1_ref, dp_ref, b_ref, w_ref, a_ref, h2_ref, asd_ref):
    den = jnp.sum(dp_ref[...], axis=1)
    h2 = (p0_ref[...] + p1_ref[...]) / (den[:, None] + 1e-16) + b_ref[...]
    h2 = jnp.where(h2 > 0.0, h2, jnp.exp(jnp.minimum(h2, 0.0)) - 1.0)
    hl2 = jnp.dot(h2, w_ref[...], preferred_element_type=jnp.float32)
    h2_ref[...] = hl2
    asd_ref[...] = jnp.dot(hl2, a_ref[...],
                           preferred_element_type=jnp.float32)


_mid = pl.pallas_call(
    _mid_body,
    grid=(_GRID,),
    in_specs=[
        pl.BlockSpec((_BLK, N_HID), lambda i: (i, 0)),
        pl.BlockSpec((_BLK, N_HID), lambda i: (i, 0)),
        pl.BlockSpec((_BLK, NW), lambda i: (i, 0)),
        pl.BlockSpec((1, N_HID), lambda i: (0, 0)),
        pl.BlockSpec((N_HID, N_OUT), lambda i: (0, 0)),
        pl.BlockSpec((N_OUT, 2), lambda i: (0, 0)),
    ],
    out_specs=[
        pl.BlockSpec((_BLK, N_OUT), lambda i: (i, 0)),
        pl.BlockSpec((_BLK, 2), lambda i: (i, 0)),
    ],
    out_shape=[
        jax.ShapeDtypeStruct((N_NODES, N_OUT), jnp.float32),
        jax.ShapeDtypeStruct((N_NODES, 2), jnp.float32),
    ],
)


def _fin_body(p0_ref, p1_ref, dp_ref, b_ref, o_ref):
    den = jnp.sum(dp_ref[...], axis=1)
    o_ref[...] = ((p0_ref[...] + p1_ref[...]) / (den[:, None] + 1e-16)
                  + b_ref[...])


_fin = pl.pallas_call(
    _fin_body,
    grid=(_GRID,),
    in_specs=[
        pl.BlockSpec((_BLK, N_OUT), lambda i: (i, 0)),
        pl.BlockSpec((_BLK, N_OUT), lambda i: (i, 0)),
        pl.BlockSpec((_BLK, NW), lambda i: (i, 0)),
        pl.BlockSpec((1, N_OUT), lambda i: (0, 0)),
    ],
    out_specs=pl.BlockSpec((_BLK, N_OUT), lambda i: (i, 0)),
    out_shape=jax.ShapeDtypeStruct((N_NODES, N_OUT), jnp.float32),
)


def kernel(x, edge_index, W1, a_src1, a_dst1, b1, W2, a_src2, a_dst2, b2):
    loop = jnp.arange(N_NODES, dtype=edge_index.dtype)
    pad = jnp.zeros((EE_PAD - N_EDGES,), edge_index.dtype)
    src = jnp.concatenate([edge_index[0], loop, pad]).reshape(EE_PAD // L, L)
    dst = jnp.concatenate([edge_index[1], loop, pad]).reshape(EE_PAD // L, L)

    A1 = jnp.concatenate(
        [a_src1.reshape(N_HID, 1), a_dst1.reshape(N_HID, 1)], axis=1)
    A2 = jnp.concatenate(
        [a_src2.reshape(N_OUT, 1), a_dst2.reshape(N_OUT, 1)], axis=1)

    h1, asd1 = _head1(x, W1, A1)
    part1, den1 = _edge64(src, dst, asd1[:, 0], asd1[:, 1], h1)
    den1 = den1.reshape(NW, N_NODES).T
    hl2, asd2 = _mid(part1[:N_NODES], part1[N_PAD:N_PAD + N_NODES], den1,
                     b1.reshape(1, N_HID), W2, A2)
    part2, den2 = _edge128(src, dst, asd2[:, 0], asd2[:, 1], hl2)
    den2 = den2.reshape(NW, N_NODES).T
    out = _fin(part2[:N_NODES], part2[N_PAD:N_PAD + N_NODES], den2,
               b2.reshape(1, N_OUT))
    return out

# --- scband reference (transcript-rebuilt; emitter-appended) ---
"""Pipeline reference for scband-gatencoder-58643483460295 (READ-ONLY COPY).

The authoritative reference and input builder live on the scoring server;
editing this copy changes nothing except your own understanding.
"""

import jax, jax.numpy as jnp
import numpy as np

N, E, IN, HID, OUT = 10000, 320000, 128, 64, 128


def gat_conv(x, edge_index, W, a_src, a_dst, bias, heads, out_ch, concat):
    n = x.shape[0]
    loop = jnp.arange(n, dtype=edge_index.dtype)
    src = jnp.concatenate([edge_index[0], loop])
    dst = jnp.concatenate([edge_index[1], loop])
    h = (x @ W).reshape(n, heads, out_ch)
    alpha_s = jnp.sum(h * a_src, axis=-1)  # [n, heads]
    alpha_d = jnp.sum(h * a_dst, axis=-1)
    e = alpha_s[src] + alpha_d[dst]
    e = jax.nn.leaky_relu(e, negative_slope=0.2)
    e_max = jax.ops.segment_max(e, dst, num_segments=n)
    e_max = jnp.where(jnp.isfinite(e_max), e_max, 0.0)
    ex = jnp.exp(e - e_max[dst])
    denom = jax.ops.segment_sum(ex, dst, num_segments=n)
    alpha = ex / (denom[dst] + 1e-16)
    msg = h[src] * alpha[..., None]
    out = jax.ops.segment_sum(msg, dst, num_segments=n)
    if concat:
        out = out.reshape(n, heads * out_ch)
    else:
        out = out.mean(axis=1)
    return out + bias


def setup_inputs(seed: int = 0):
    key = jax.random.key(seed)
    ks = jax.random.split(key, 12)
    x = jax.random.normal(ks[0], (N, IN), dtype=jnp.float32)
    edge_index = jax.random.randint(ks[1], (2, E), 0, N, dtype=jnp.int32)
    W1 = jax.random.normal(ks[2], (IN, HID), dtype=jnp.float32) * (1.0 / np.sqrt(IN))
    a_src1 = jax.random.normal(ks[3], (1, 1, HID), dtype=jnp.float32) * 0.1
    a_dst1 = jax.random.normal(ks[4], (1, 1, HID), dtype=jnp.float32) * 0.1
    b1 = jnp.zeros((HID,), dtype=jnp.float32)
    W2 = jax.random.normal(ks[5], (HID, OUT), dtype=jnp.float32) * (1.0 / np.sqrt(HID))
    a_src2 = jax.random.normal(ks[6], (1, 1, OUT), dtype=jnp.float32) * 0.1
    a_dst2 = jax.random.normal(ks[7], (1, 1, OUT), dtype=jnp.float32) * 0.1
    b2 = jnp.zeros((OUT,), dtype=jnp.float32)
    return {"x": x, "edge_index": edge_index, "W1": W1, "a_src1": a_src1,
            "a_dst1": a_dst1, "b1": b1, "W2": W2, "a_src2": a_src2,
            "a_dst2": a_dst2, "b2": b2}


def reference(x, edge_index, W1, a_src1, a_dst1, b1, W2, a_src2, a_dst2, b2):
    # dropout p=0.0 -> identity
    h = gat_conv(x, edge_index, W1, a_src1, a_dst1, b1, 1, HID, True)
    h = jax.nn.elu(h)
    out = gat_conv(h, edge_index, W2, a_src2, a_dst2, b2, 1, OUT, False)
    return out

if __name__ == "__main__":
    import jax
    _d = setup_inputs()
    print(jax.jit(kernel)(*tuple(_d.values())))

</pallas_src>

<mosaic_0001>
#map = affine_map<(d0, d1) -> (0, 0)>
#map1 = affine_map<(d0, d1) -> (0)>
module attributes {stable_mosaic.version = 14 : i64} {
  func.func @k(%arg0: i32, %arg1: i32, %arg2: memref<20736x16xi32, #tpu.memory_space<hbm>>, %arg3: memref<20736x16xi32, #tpu.memory_space<hbm>>, %arg4: memref<10000xf32, #tpu.memory_space<hbm>>, %arg5: memref<10000xf32, #tpu.memory_space<hbm>>, %arg6: memref<10000x64xf32, #tpu.memory_space<hbm>>, %arg7: memref<20480x64xf32, #tpu.memory_space<hbm>>, %arg8: memref<320000xf32, #tpu.memory_space<hbm>>, %arg9: memref<10000xf32, #tpu.memory_space<vmem>>, %arg10: memref<10000xf32, #tpu.memory_space<vmem>>, %arg11: memref<72x16xi32, #tpu.memory_space<vmem>>, %arg12: memref<72x16xi32, #tpu.memory_space<vmem>>, %arg13: memref<1152xf32, #tpu.memory_space<vmem>>, %arg14: memref<10000xf32, #tpu.memory_space<vmem>>, %arg15: memref<16x64xf32, #tpu.memory_space<vmem>>, %arg16: memref<16x64xf32, #tpu.memory_space<vmem>>, %arg17: memref<10240x64xf32, #tpu.memory_space<vmem_shared>>, %arg18: memref<!tpu.dma_semaphore, #tpu.memory_space<semaphore_mem>>) attributes {dimension_semantics = [#tpu.dimension_semantics<core_parallel>, #tpu.dimension_semantics<subcore_parallel>], iteration_bounds = array<i64: 2, 16>, scalar_prefetch = 0 : i64, scratch_operands = 10 : i64, tpu.core_type = #tpu.core_type<sc_vector_subcore>, window_params = [{transform_indices = #map}, {transform_indices = #map}, {transform_indices = #map1}, {transform_indices = #map1}, {transform_indices = #map}, {transform_indices = #map}, {transform_indices = #map1}]} {
    %mul3A = arith.constant 2 : i32
    %mul3A_0 = arith.muli %arg1, %mul3A : i32
    %add3A = arith.addi %mul3A_0, %arg0 : i32
    "tpu.region"() ({
      %run_scoped3A = tpu.sem_alloc : memref<!tpu.dma_semaphore, #tpu.memory_space<semaphore_mem>>
      tpu.enqueue_dma source(%arg4 : memref<10000xf32, #tpu.memory_space<hbm>>) target(%arg9 : memref<10000xf32, #tpu.memory_space<vmem>>) target_semaphore(%run_scoped3A : memref<!tpu.dma_semaphore, #tpu.memory_space<semaphore_mem>>)
      tpu.wait_dma2 semaphore(%run_scoped3A : memref<!tpu.dma_semaphore, #tpu.memory_space<semaphore_mem>>) src(%arg4 : memref<10000xf32, #tpu.memory_space<hbm>>) dst(%arg9 : memref<10000xf32, #tpu.memory_space<vmem>>)
      tpu.yield
    }) : () -> ()
    "tpu.region"() ({
      %run_scoped3A = tpu.sem_alloc : memref<!tpu.dma_semaphore, #tpu.memory_space<semaphore_mem>>
      tpu.enqueue_dma source(%arg5 : memref<10000xf32, #tpu.memory_space<hbm>>) target(%arg10 : memref<10000xf32, #tpu.memory_space<vmem>>) target_semaphore(%run_scoped3A : memref<!tpu.dma_semaphore, #tpu.memory_space<semaphore_mem>>)
      tpu.wait_dma2 semaphore(%run_scoped3A : memref<!tpu.dma_semaphore, #tpu.memory_space<semaphore_mem>>) src(%arg5 : memref<10000xf32, #tpu.memory_space<hbm>>) dst(%arg10 : memref<10000xf32, #tpu.memory_space<vmem>>)
      tpu.yield
    }) : () -> ()
    %scan3A = arith.constant 0 : i32
    %scan3A_1 = arith.constant 0 : i32
    %scan3A_2 = arith.constant 16 : i32
    %scan3A_3 = arith.addi %scan3A_1, %scan3A_2 : i32
    %scan3A_4 = arith.constant 1 : i32
    %scan3A_5 = scf.for %scan3A_193 = %scan3A_1 to %scan3A_3 step %scan3A_4 iter_args(%scan3A_194 = %scan3A) -> (i32)  : i32 {
      %broadcast_in_dim3A = arith.constant 0.000000e+00 : f32
      %broadcast_in_dim3A_195 = vector.broadcast %broadcast_in_dim3A : f32 to vector<16xf32>
      %swap3A = arith.index_cast %scan3A_193 : i32 to index
      %swap3A_196 = arith.constant 0 : index
      %swap3A_197 = tpu.vector_load %arg16[%swap3A, %swap3A_196] {strides = array<i32>} : memref<16x64xf32, #tpu.memory_space<vmem>>, vector<16xf32>,
      tpu.vector_store %arg16[%swap3A, %swap3A_196], %broadcast_in_dim3A_195 {strides = array<i32>} : memref<16x64xf32, #tpu.memory_space<vmem>>, vector<16xf32>,
      %broadcast_in_dim3A_198 = arith.constant 0.000000e+00 : f32
      %broadcast_in_dim3A_199 = vector.broadcast %broadcast_in_dim3A_198 : f32 to vector<16xf32>
      %swap3A_200 = arith.index_cast %scan3A_193 : i32 to index
      %swap3A_201 = arith.constant 16 : index
      %swap3A_202 = tpu.vector_load %arg16[%swap3A_200, %swap3A_201] {strides = array<i32>} : memref<16x64xf32, #tpu.memory_space<vmem>>, vector<16xf32>,
      tpu.vector_store %arg16[%swap3A_200, %swap3A_201], %broadcast_in_dim3A_199 {strides = array<i32>} : memref<16x64xf32, #tpu.memory_space<vmem>>, vector<16xf32>,
      %broadcast_in_dim3A_203 = arith.constant 0.000000e+00 : f32
      %broadcast_in_dim3A_204 = vector.broadcast %broadcast_in_dim3A_203 : f32 to vector<16xf32>
      %swap3A_205 = arith.index_cast %scan3A_193 : i32 to index
      %swap3A_206 = arith.constant 32 : index
      %swap3A_207 = tpu.vector_load %arg16[%swap3A_205, %swap3A_206] {strides = array<i32>} : memref<16x64xf32, #tpu.memory_space<vmem>>, vector<16xf32>,
      tpu.vector_store %arg16[%swap3A_205, %swap3A_206], %broadcast_in_dim3A_204 {strides = array<i32>} : memref<16x64xf32, #tpu.memory_space<vmem>>, vector<16xf32>,
      %broadcast_in_dim3A_208 = arith.constant 0.000000e+00 : f32
      %broadcast_in_dim3A_209 = vector.broadcast %broadcast_in_dim3A_208 : f32 to vector<16xf32>
      %swap3A_210 = arith.index_cast %scan3A_193 : i32 to index
      %swap3A_211 = arith.constant 48 : index
      %swap3A_212 = tpu.vector_load %arg16[%swap3A_210, %swap3A_211] {strides = array<i32>} : memref<16x64xf32, #tpu.memory_space<vmem>>, vector<16xf32>,
      tpu.vector_store %arg16[%swap3A_210, %swap3A_211], %broadcast_in_dim3A_209 {strides = array<i32>} : memref<16x64xf32, #tpu.memory_space<vmem>>, vector<16xf32>,
      %scan3A_213 = arith.constant 0 : i32
      scf.yield %scan3A_213 : i32
    }
    %scan3A_6 = arith.constant 16 : i32
    %scan3A_7 = arith.constant 0 : i32
    %scan3A_8 = arith.constant 0 : i32
    %scan3A_9 = arith.constant 625 : i32
    %scan3A_10 = arith.addi %scan3A_8, %scan3A_9 : i32
    %scan3A_11 = arith.constant 1 : i32
    %scan3A_12 = scf.for %scan3A_193 = %scan3A_8 to %scan3A_10 step %scan3A_11 iter_args(%scan3A_194 = %scan3A_7) -> (i32)  : i32 {
      %broadcast_in_dim3A = arith.constant 0.000000e+00 : f32
      %broadcast_in_dim3A_195 = vector.broadcast %broadcast_in_dim3A : f32 to vector<16xf32>
      %mul3A_196 = arith.constant 16 : i32
      %mul3A_197 = arith.muli %scan3A_193, %mul3A_196 : i32
      %swap3A = arith.index_cast %mul3A_197 : i32 to index
      %swap3A_198 = tpu.vector_load %arg14[%swap3A] {strides = array<i32>} : memref<10000xf32, #tpu.memory_space<vmem>>, vector<16xf32>,
      tpu.vector_store %arg14[%swap3A], %broadcast_in_dim3A_195 {strides = array<i32>} : memref<10000xf32, #tpu.memory_space<vmem>>, vector<16xf32>,
      %scan3A_199 = arith.constant 0 : i32
      scf.yield %scan3A_199 : i32
    }
    %scan3A_13 = arith.constant 625 : i32
    %mul3A_14 = arith.constant 640 : i32
    %mul3A_15 = arith.muli %arg1, %mul3A_14 : i32
    %add3A_16 = arith.constant 0 : i32
    %add3A_17 = arith.addi %mul3A_15, %add3A_16 : i32
    "tpu.region"() ({
      %run_scoped3A = tpu.sem_alloc : memref<!tpu.dma_semaphore, #tpu.memory_space<semaphore_mem>>
      %dma_start3A = arith.constant 0 : i32
      %dma_start3A_193 = tpu.memref_slice %arg17[%add3A_17, %dma_start3A] : memref<10240x64xf32, #tpu.memory_space<vmem_shared>> -> memref<16x64xf32, #tpu.memory_space<vmem_shared>>
      %dma_start3A_194 = arith.constant 0 : i32
      %dma_start3A_195 = tpu.memref_slice %arg17[%add3A_17, %dma_start3A_194] : memref<10240x64xf32, #tpu.memory_space<vmem_shared>> -> memref<16x64xf32, #tpu.memory_space<vmem_shared>>
      tpu.enqueue_dma source(%arg16 : memref<16x64xf32, #tpu.memory_space<vmem>>) target(%dma_start3A_195 : memref<16x64xf32, #tpu.memory_space<vmem_shared>>) target_semaphore(%run_scoped3A : memref<!tpu.dma_semaphore, #tpu.memory_space<semaphore_mem>>)
      %dma_wait3A = arith.constant 0 : i32
      %dma_wait3A_196 = tpu.memref_slice %arg17[%add3A_17, %dma_wait3A] : memref<10240x64xf32, #tpu.memory_space<vmem_shared>> -> memref<16x64xf32, #tpu.memory_space<vmem_shared>>
      %dma_wait3A_197 = arith.constant 0 : i32
      %dma_wait3A_198 = tpu.memref_slice %arg17[%add3A_17, %dma_wait3A_197] : memref<10240x64xf32, #tpu.memory_space<vmem_shared>> -> memref<16x64xf32, #tpu.memory_space<vmem_shared>>
      tpu.wait_dma2 semaphore(%run_scoped3A : memref<!tpu.dma_semaphore, #tpu.memory_space<semaphore_mem>>) src(%arg16 : memref<16x64xf32, #tpu.memory_space<vmem>>) dst(%dma_wait3A_198 : memref<16x64xf32, #tpu.memory_space<vmem_shared>>)
      tpu.yield
    }) : () -> ()
    %mul3A_18 = arith.constant 640 : i32
    %mul3A_19 = arith.muli %arg1, %mul3A_18 : i32
    %add3A_20 = arith.constant 16 : i32
    %add3A_21 = arith.addi %mul3A_19, %add3A_20 : i32
    "tpu.region"() ({
      %run_scoped3A = tpu.sem_alloc : memref<!tpu.dma_semaphore, #tpu.memory_space<semaphore_mem>>
      %dma_start3A = arith.constant 0 : i32
      %dma_start3A_193 = tpu.memref_slice %arg17[%add3A_21, %dma_start3A] : memref<10240x64xf32, #tpu.memory_space<vmem_shared>> -> memref<16x64xf32, #tpu.memory_space<vmem_shared>>
      %dma_start3A_194 = arith.constant 0 : i32
      %dma_start3A_195 = tpu.memref_slice %arg17[%add3A_21, %dma_start3A_194] : memref<10240x64xf32, #tpu.memory_space<vmem_shared>> -> memref<16x64xf32, #tpu.memory_space<vmem_shared>>
      tpu.enqueue_dma source(%arg16 : memref<16x64xf32, #tpu.memory_space<vmem>>) target(%dma_start3A_195 : memref<16x64xf32, #tpu.memory_space<vmem_shared>>) target_semaphore(%run_scoped3A : memref<!tpu.dma_semaphore, #tpu.memory_space<semaphore_mem>>)
      %dma_wait3A = arith.constant 0 : i32
      %dma_wait3A_196 = tpu.memref_slice %arg17[%add3A_21, %dma_wait3A] : memref<10240x64xf32, #tpu.memory_space<vmem_shared>> -> memref<16x64xf32, #tpu.memory_space<vmem_shared>>
      %dma_wait3A_197 = arith.constant 0 : i32
      %dma_wait3A_198 = tpu.memref_slice %arg17[%add3A_21, %dma_wait3A_197] : memref<10240x64xf32, #tpu.memory_space<vmem_shared>> -> memref<16x64xf32, #tpu.memory_space<vmem_shared>>
      tpu.wait_dma2 semaphore(%run_scoped3A : memref<!tpu.dma_semaphore, #tpu.memory_space<semaphore_mem>>) src(%arg16 : memref<16x64xf32, #tpu.memory_space<vmem>>) dst(%dma_wait3A_198 : memref<16x64xf32, #tpu.memory_space<vmem_shared>>)
      tpu.yield
    }) : () -> ()
    %mul3A_22 = arith.constant 640 : i32
    %mul3A_23 = arith.muli %arg1, %mul3A_22 : i32
    %add3A_24 = arith.constant 32 : i32
    %add3A_25 = arith.addi %mul3A_23, %add3A_24 : i32
    "tpu.region"() ({
      %run_scoped3A = tpu.sem_alloc : memref<!tpu.dma_semaphore, #tpu.memory_space<semaphore_mem>>
      %dma_start3A = arith.constant 0 : i32
      %dma_start3A_193 = tpu.memref_slice %arg17[%add3A_25, %dma_start3A] : memref<10240x64xf32, #tpu.memory_space<vmem_shared>> -> memref<16x64xf32, #tpu.memory_space<vmem_shared>>
      %dma_start3A_194 = arith.constant 0 : i32
      %dma_start3A_195 = tpu.memref_slice %arg17[%add3A_25, %dma_start3A_194] : memref<10240x64xf32, #tpu.memory_space<vmem_shared>> -> memref<16x64xf32, #tpu.memory_space<vmem_shared>>
      tpu.enqueue_dma source(%arg16 : memref<16x64xf32, #tpu.memory_space<vmem>>) target(%dma_start3A_195 : memref<16x64xf32, #tpu.memory_space<vmem_shared>>) target_semaphore(%run_scoped3A : memref<!tpu.dma_semaphore, #tpu.memory_space<semaphore_mem>>)
      %dma_wait3A = arith.constant 0 : i32
      %dma_wait3A_196 = tpu.memref_slice %arg17[%add3A_25, %dma_wait3A] : memref<10240x64xf32, #tpu.memory_space<vmem_shared>> -> memref<16x64xf32, #tpu.memory_space<vmem_shared>>
      %dma_wait3A_197 = arith.constant 0 : i32
      %dma_wait3A_198 = tpu.memref_slice %arg17[%add3A_25, %dma_wait3A_197] : memref<10240x64xf32, #tpu.memory_space<vmem_shared>> -> memref<16x64xf32, #tpu.memory_space<vmem_shared>>
      tpu.wait_dma2 semaphore(%run_scoped3A : memref<!tpu.dma_semaphore, #tpu.memory_space<semaphore_mem>>) src(%arg16 : memref<16x64xf32, #tpu.memory_space<vmem>>) dst(%dma_wait3A_198 : memref<16x64xf32, #tpu.memory_space<vmem_shared>>)
      tpu.yield
    }) : () -> ()
    %mul3A_26 = arith.constant 640 : i32
    %mul3A_27 = arith.muli %arg1, %mul3A_26 : i32
    %add3A_28 = arith.constant 48 : i32
    %add3A_29 = arith.addi %mul3A_27, %add3A_28 : i32
    "tpu.region"() ({
      %run_scoped3A = tpu.sem_alloc : memref<!tpu.dma_semaphore, #tpu.memory_space<semaphore_mem>>
      %dma_start3A = arith.constant 0 : i32
      %dma_start3A_193 = tpu.memref_slice %arg17[%add3A_29, %dma_start3A] : memref<10240x64xf32, #tpu.memory_space<vmem_shared>> -> memref<16x64xf32, #tpu.memory_space<vmem_shared>>
      %dma_start3A_194 = arith.constant 0 : i32
      %dma_start3A_195 = tpu.memref_slice %arg17[%add3A_29, %dma_start3A_194] : memref<10240x64xf32, #tpu.memory_space<vmem_shared>> -> memref<16x64xf32, #tpu.memory_space<vmem_shared>>
      tpu.enqueue_dma source(%arg16 : memref<16x64xf32, #tpu.memory_space<vmem>>) target(%dma_start3A_195 : memref<16x64xf32, #tpu.memory_space<vmem_shared>>) target_semaphore(%run_scoped3A : memref<!tpu.dma_semaphore, #tpu.memory_space<semaphore_mem>>)
      %dma_wait3A = arith.constant 0 : i32
      %dma_wait3A_196 = tpu.memref_slice %arg17[%add3A_29, %dma_wait3A] : memref<10240x64xf32, #tpu.memory_space<vmem_shared>> -> memref<16x64xf32, #tpu.memory_space<vmem_shared>>
      %dma_wait3A_197 = arith.constant 0 : i32
      %dma_wait3A_198 = tpu.memref_slice %arg17[%add3A_29, %dma_wait3A_197] : memref<10240x64xf32, #tpu.memory_space<vmem_shared>> -> memref<16x64xf32, #tpu.memory_space<vmem_shared>>
      tpu.wait_dma2 semaphore(%run_scoped3A : memref<!tpu.dma_semaphore, #tpu.memory_space<semaphore_mem>>) src(%arg16 : memref<16x64xf32, #tpu.memory_space<vmem>>) dst(%dma_wait3A_198 : memref<16x64xf32, #tpu.memory_space<vmem_shared>>)
      tpu.yield
    }) : () -> ()
    %mul3A_30 = arith.constant 640 : i32
    %mul3A_31 = arith.muli %arg1, %mul3A_30 : i32
    %add3A_32 = arith.constant 64 : i32
    %add3A_33 = arith.addi %mul3A_31, %add3A_32 : i32
    "tpu.region"() ({
      %run_scoped3A = tpu.sem_alloc : memref<!tpu.dma_semaphore, #tpu.memory_space<semaphore_mem>>
      %dma_start3A = arith.constant 0 : i32
      %dma_start3A_193 = tpu.memref_slice %arg17[%add3A_33, %dma_start3A] : memref<10240x64xf32, #tpu.memory_space<vmem_shared>> -> memref<16x64xf32, #tpu.memory_space<vmem_shared>>
      %dma_start3A_194 = arith.constant 0 : i32
      %dma_start3A_195 = tpu.memref_slice %arg17[%add3A_33, %dma_start3A_194] : memref<10240x64xf32, #tpu.memory_space<vmem_shared>> -> memref<16x64xf32, #tpu.memory_space<vmem_shared>>
      tpu.enqueue_dma source(%arg16 : memref<16x64xf32, #tpu.memory_space<vmem>>) target(%dma_start3A_195 : memref<16x64xf32, #tpu.memory_space<vmem_shared>>) target_semaphore(%run_scoped3A : memref<!tpu.dma_semaphore, #tpu.memory_space<semaphore_mem>>)
      %dma_wait3A = arith.constant 0 : i32
      %dma_wait3A_196 = tpu.memref_slice %arg17[%add3A_33, %dma_wait3A] : memref<10240x64xf32, #tpu.memory_space<vmem_shared>> -> memref<16x64xf32, #tpu.memory_space<vmem_shared>>
      %dma_wait3A_197 = arith.constant 0 : i32
      %dma_wait3A_198 = tpu.memref_slice %arg17[%add3A_33, %dma_wait3A_197] : memref<10240x64xf32, #tpu.memory_space<vmem_shared>> -> memref<16x64xf32, #tpu.memory_space<vmem_shared>>
      tpu.wait_dma2 semaphore(%run_scoped3A : memref<!tpu.dma_semaphore, #tpu.memory_space<semaphore_mem>>) src(%arg16 : memref<16x64xf32, #tpu.memory_space<vmem>>) dst(%dma_wait3A_198 : memref<16x64xf32, #tpu.memory_space<vmem_shared>>)
      tpu.yield
    }) : () -> ()
    %mul3A_34 = arith.constant 640 : i32
    %mul3A_35 = arith.muli %arg1, %mul3A_34 : i32
    %add3A_36 = arith.constant 80 : i32
    %add3A_37 = arith.addi %mul3A_35, %add3A_36 : i32
    "tpu.region"() ({
      %run_scoped3A = tpu.sem_alloc : memref<!tpu.dma_semaphore, #tpu.memory_space<semaphore_mem>>
      %dma_start3A = arith.constant 0 : i32
      %dma_start3A_193 = tpu.memref_slice %arg17[%add3A_37, %dma_start3A] : memref<10240x64xf32, #tpu.memory_space<vmem_shared>> -> memref<16x64xf32, #tpu.memory_space<vmem_shared>>
      %dma_start3A_194 = arith.constant 0 : i32
      %dma_start3A_195 = tpu.memref_slice %arg17[%add3A_37, %dma_start3A_194] : memref<10240x64xf32, #tpu.memory_space<vmem_shared>> -> memref<16x64xf32, #tpu.memory_space<vmem_shared>>
      tpu.enqueue_dma source(%arg16 : memref<16x64xf32, #tpu.memory_space<vmem>>) target(%dma_start3A_195 : memref<16x64xf32, #tpu.memory_space<vmem_shared>>) target_semaphore(%run_scoped3A : memref<!tpu.dma_semaphore, #tpu.memory_space<semaphore_mem>>)
      %dma_wait3A = arith.constant 0 : i32
      %dma_wait3A_196 = tpu.memref_slice %arg17[%add3A_37, %dma_wait3A] : memref<10240x64xf32, #tpu.memory_space<vmem_shared>> -> memref<16x64xf32, #tpu.memory_space<vmem_shared>>
      %dma_wait3A_197 = arith.constant 0 : i32
      %dma_wait3A_198 = tpu.memref_slice %arg17[%add3A_37, %dma_wait3A_197] : memref<10240x64xf32, #tpu.memory_space<vmem_shared>> -> memref<16x64xf32, #tpu.memory_space<vmem_shared>>
      tpu.wait_dma2 semaphore(%run_scoped3A : memref<!tpu.dma_semaphore, #tpu.memory_space<semaphore_mem>>) src(%arg16 : memref<16x64xf32, #tpu.memory_space<vmem>>) dst(%dma_wait3A_198 : memref<16x64xf32, #tpu.memory_space<vmem_shared>>)
      tpu.yield
    }) : () -> ()
    %mul3A_38 = arith.constant 640 : i32
    %mul3A_39 = arith.muli %arg1, %mul3A_38 : i32
    %add3A_40 = arith.constant 96 : i32
    %add3A_41 = arith.addi %mul3A_39, %add3A_40 : i32
    "tpu.region"() ({
      %run_scoped3A = tpu.sem_alloc : memref<!tpu.dma_semaphore, #tpu.memory_space<semaphore_mem>>
      %dma_start3A = arith.constant 0 : i32
      %dma_start3A_193 = tpu.memref_slice %arg17[%add3A_41, %dma_start3A] : memref<10240x64xf32, #tpu.memory_space<vmem_shared>> -> memref<16x64xf32, #tpu.memory_space<vmem_shared>>
      %dma_start3A_194 = arith.constant 0 : i32
      %dma_start3A_195 = tpu.memref_slice %arg17[%add3A_41, %dma_start3A_194] : memref<10240x64xf32, #tpu.memory_space<vmem_shared>> -> memref<16x64xf32, #tpu.memory_space<vmem_shared>>
      tpu.enqueue_dma source(%arg16 : memref<16x64xf32, #tpu.memory_space<vmem>>) target(%dma_start3A_195 : memref<16x64xf32, #tpu.memory_space<vmem_shared>>) target_semaphore(%run_scoped3A : memref<!tpu.dma_semaphore, #tpu.memory_space<semaphore_mem>>)
      %dma_wait3A = arith.constant 0 : i32
      %dma_wait3A_196 = tpu.memref_slice %arg17[%add3A_41, %dma_wait3A] : memref<10240x64xf32, #tpu.memory_space<vmem_shared>> -> memref<16x64xf32, #tpu.memory_space<vmem_shared>>
      %dma_wait3A_197 = arith.constant 0 : i32
      %dma_wait3A_198 = tpu.memref_slice %arg17[%add3A_41, %dma_wait3A_197] : memref<10240x64xf32, #tpu.memory_space<vmem_shared>> -> memref<16x64xf32, #tpu.memory_space<vmem_shared>>
      tpu.wait_dma2 semaphore(%run_scoped3A : memref<!tpu.dma_semaphore, #tpu.memory_space<semaphore_mem>>) src(%arg16 : memref<16x64xf32, #tpu.memory_space<vmem>>) dst(%dma_wait3A_198 : memref<16x64xf32, #tpu.memory_space<vmem_shared>>)
      tpu.yield
    }) : () -> ()
    %mul3A_42 = arith.constant 640 : i32
    %mul3A_43 = arith.muli %arg1, %mul3A_42 : i32
    %add3A_44 = arith.constant 112 : i32
    %add3A_45 = arith.addi %mul3A_43, %add3A_44 : i32
    "tpu.region"() ({
      %run_scoped3A = tpu.sem_alloc : memref<!tpu.dma_semaphore, #tpu.memory_space<semaphore_mem>>
      %dma_start3A = arith.constant 0 : i32
      %dma_start3A_193 = tpu.memref_slice %arg17[%add3A_45, %dma_start3A] : memref<10240x64xf32, #tpu.memory_space<vmem_shared>> -> memref<16x64xf32, #tpu.memory_space<vmem_shared>>
      %dma_start3A_194 = arith.constant 0 : i32
      %dma_start3A_195 = tpu.memref_slice %arg17[%add3A_45, %dma_start3A_194] : memref<10240x64xf32, #tpu.memory_space<vmem_shared>> -> memref<16x64xf32, #tpu.memory_space<vmem_shared>>
      tpu.enqueue_dma source(%arg16 : memref<16x64xf32, #tpu.memory_space<vmem>>) target(%dma_start3A_195 : memref<16x64xf32, #tpu.memory_space<vmem_shared>>) target_semaphore(%run_scoped3A : memref<!tpu.dma_semaphore, #tpu.memory_space<semaphore_mem>>)
      %dma_wait3A = arith.constant 0 : i32
      %dma_wait3A_196 = tpu.memref_slice %arg17[%add3A_45, %dma_wait3A] : memref<10240x64xf32, #tpu.memory_space<vmem_shared>> -> memref<16x64xf32, #tpu.memory_space<vmem_shared>>
      %dma_wait3A_197 = arith.constant 0 : i32
      %dma_wait3A_198 = tpu.memref_slice %arg17[%add3A_45, %dma_wait3A_197] : memref<10240x64xf32, #tpu.memory_space<vmem_shared>> -> memref<16x64xf32, #tpu.memory_space<vmem_shared>>
      tpu.wait_dma2 semaphore(%run_scoped3A : memref<!tpu.dma_semaphore, #tpu.memory_space<semaphore_mem>>) src(%arg16 : memref<16x64xf32, #tpu.memory_space<vmem>>) dst(%dma_wait3A_198 : memref<16x64xf32, #tpu.memory_space<vmem_shared>>)
      tpu.yield
    }) : () -> ()
    %mul3A_46 = arith.constant 640 : i32
    %mul3A_47 = arith.muli %arg1, %mul3A_46 : i32
    %add3A_48 = arith.constant 128 : i32
    %add3A_49 = arith.addi %mul3A_47, %add3A_48 : i32
    "tpu.region"() ({
      %run_scoped3A = tpu.sem_alloc : memref<!tpu.dma_semaphore, #tpu.memory_space<semaphore_mem>>
      %dma_start3A = arith.constant 0 : i32
      %dma_start3A_193 = tpu.memref_slice %arg17[%add3A_49, %dma_start3A] : memref<10240x64xf32, #tpu.memory_space<vmem_shared>> -> memref<16x64xf32, #tpu.memory_space<vmem_shared>>
      %dma_start3A_194 = arith.constant 0 : i32
      %dma_start3A_195 = tpu.memref_slice %arg17[%add3A_49, %dma_start3A_194] : memref<10240x64xf32, #tpu.memory_space<vmem_shared>> -> memref<16x64xf32, #tpu.memory_space<vmem_shared>>
      tpu.enqueue_dma source(%arg16 : memref<16x64xf32, #tpu.memory_space<vmem>>) target(%dma_start3A_195 : memref<16x64xf32, #tpu.memory_space<vmem_shared>>) target_semaphore(%run_scoped3A : memref<!tpu.dma_semaphore, #tpu.memory_space<semaphore_mem>>)
      %dma_wait3A = arith.constant 0 : i32
      %dma_wait3A_196 = tpu.memref_slice %arg17[%add3A_49, %dma_wait3A] : memref<10240x64xf32, #tpu.memory_space<vmem_shared>> -> memref<16x64xf32, #tpu.memory_space<vmem_shared>>
      %dma_wait3A_197 = arith.constant 0 : i32
      %dma_wait3A_198 = tpu.memref_slice %arg17[%add3A_49, %dma_wait3A_197] : memref<10240x64xf32, #tpu.memory_space<vmem_shared>> -> memref<16x64xf32, #tpu.memory_space<vmem_shared>>
      tpu.wait_dma2 semaphore(%run_scoped3A : memref<!tpu.dma_semaphore, #tpu.memory_space<semaphore_mem>>) src(%arg16 : memref<16x64xf32, #tpu.memory_space<vmem>>) dst(%dma_wait3A_198 : memref<16x64xf32, #tpu.memory_space<vmem_shared>>)
      tpu.yield
    }) : () -> ()
    %mul3A_50 = arith.constant 640 : i32
    %mul3A_51 = arith.muli %arg1, %mul3A_50 : i32
    %add3A_52 = arith.constant 144 : i32
    %add3A_53 = arith.addi %mul3A_51, %add3A_52 : i32
    "tpu.region"() ({
      %run_scoped3A = tpu.sem_alloc : memref<!tpu.dma_semaphore, #tpu.memory_space<semaphore_mem>>
      %dma_start3A = arith.constant 0 : i32
      %dma_start3A_193 = tpu.memref_slice %arg17[%add3A_53, %dma_start3A] : memref<10240x64xf32, #tpu.memory_space<vmem_shared>> -> memref<16x64xf32, #tpu.memory_space<vmem_shared>>
      %dma_start3A_194 = arith.constant 0 : i32
      %dma_start3A_195 = tpu.memref_slice %arg17[%add3A_53, %dma_start3A_194] : memref<10240x64xf32, #tpu.memory_space<vmem_shared>> -> memref<16x64xf32, #tpu.memory_space<vmem_shared>>
      tpu.enqueue_dma source(%arg16 : memref<16x64xf32, #tpu.memory_space<vmem>>) target(%dma_start3A_195 : memref<16x64xf32, #tpu.memory_space<vmem_shared>>) target_semaphore(%run_scoped3A : memref<!tpu.dma_semaphore, #tpu.memory_space<semaphore_mem>>)
      %dma_wait3A = arith.constant 0 : i32
      %dma_wait3A_196 = tpu.memref_slice %arg17[%add3A_53, %dma_wait3A] : memref<10240x64xf32, #tpu.memory_space<vmem_shared>> -> memref<16x64xf32, #tpu.memory_space<vmem_shared>>
      %dma_wait3A_197 = arith.constant 0 : i32
      %dma_wait3A_198 = tpu.memref_slice %arg17[%add3A_53, %dma_wait3A_197] : memref<10240x64xf32, #tpu.memory_space<vmem_shared>> -> memref<16x64xf32, #tpu.memory_space<vmem_shared>>
      tpu.wait_dma2 semaphore(%run_scoped3A : memref<!tpu.dma_semaphore, #tpu.memory_space<semaphore_mem>>) src(%arg16 : memref<16x64xf32, #tpu.memory_space<vmem>>) dst(%dma_wait3A_198 : memref<16x64xf32, #tpu.memory_space<vmem_shared>>)
      tpu.yield
    }) : () -> ()
    %mul3A_54 = arith.constant 640 : i32
    %mul3A_55 = arith.muli %arg1, %mul3A_54 : i32
    %add3A_56 = arith.constant 160 : i32
    %add3A_57 = arith.addi %mul3A_55, %add3A_56 : i32
    "tpu.region"() ({
      %run_scoped3A = tpu.sem_alloc : memref<!tpu.dma_semaphore, #tpu.memory_space<semaphore_mem>>
      %dma_start3A = arith.constant 0 : i32
      %dma_start3A_193 = tpu.memref_slice %arg17[%add3A_57, %dma_start3A] : memref<10240x64xf32, #tpu.memory_space<vmem_shared>> -> memref<16x64xf32, #tpu.memory_space<vmem_shared>>
      %dma_start3A_194 = arith.constant 0 : i32
      %dma_start3A_195 = tpu.memref_slice %arg17[%add3A_57, %dma_start3A_194] : memref<10240x64xf32, #tpu.memory_space<vmem_shared>> -> memref<16x64xf32, #tpu.memory_space<vmem_shared>>
      tpu.enqueue_dma source(%arg16 : memref<16x64xf32, #tpu.memory_space<vmem>>) target(%dma_start3A_195 : memref<16x64xf32, #tpu.memory_space<vmem_shared>>) target_semaphore(%run_scoped3A : memref<!tpu.dma_semaphore, #tpu.memory_space<semaphore_mem>>)
      %dma_wait3A = arith.constant 0 : i32
      %dma_wait3A_196 = tpu.memref_slice %arg17[%add3A_57, %dma_wait3A] : memref<10240x64xf32, #tpu.memory_space<vmem_shared>> -> memref<16x64xf32, #tpu.memory_space<vmem_shared>>
      %dma_wait3A_197 = arith.constant 0 : i32
      %dma_wait3A_198 = tpu.memref_slice %arg17[%add3A_57, %dma_wait3A_197] : memref<10240x64xf32, #tpu.memory_space<vmem_shared>> -> memref<16x64xf32, #tpu.memory_space<vmem_shared>>
      tpu.wait_dma2 semaphore(%run_scoped3A : memref<!tpu.dma_semaphore, #tpu.memory_space<semaphore_mem>>) src(%arg16 : memref<16x64xf32, #tpu.memory_space<vmem>>) dst(%dma_wait3A_198 : memref<16x64xf32, #tpu.memory_space<vmem_shared>>)
      tpu.yield
    }) : () -> ()
    %mul3A_58 = arith.constant 640 : i32
    %mul3A_59 = arith.muli %arg1, %mul3A_58 : i32
    %add3A_60 = arith.constant 176 : i32
    %add3A_61 = arith.addi %mul3A_59, %add3A_60 : i32
    "tpu.region"() ({
      %run_scoped3A = tpu.sem_alloc : memref<!tpu.dma_semaphore, #tpu.memory_space<semaphore_mem>>
      %dma_start3A = arith.constant 0 : i32
      %dma_start3A_193 = tpu.memref_slice %arg17[%add3A_61, %dma_start3A] : memref<10240x64xf32, #tpu.memory_space<vmem_shared>> -> memref<16x64xf32, #tpu.memory_space<vmem_shared>>
      %dma_start3A_194 = arith.constant 0 : i32
      %dma_start3A_195 = tpu.memref_slice %arg17[%add3A_61, %dma_start3A_194] : memref<10240x64xf32, #tpu.memory_space<vmem_shared>> -> memref<16x64xf32, #tpu.memory_space<vmem_shared>>
      tpu.enqueue_dma source(%arg16 : memref<16x64xf32, #tpu.memory_space<vmem>>) target(%dma_start3A_195 : memref<16x64xf32, #tpu.memory_space<vmem_shared>>) target_semaphore(%run_scoped3A : memref<!tpu.dma_semaphore, #tpu.memory_space<semaphore_mem>>)
      %dma_wait3A = arith.constant 0 : i32
      %dma_wait3A_196 = tpu.memref_slice %arg17[%add3A_61, %dma_wait3A] : memref<10240x64xf32, #tpu.memory_space<vmem_shared>> -> memref<16x64xf32, #tpu.memory_space<vmem_shared>>
      %dma_wait3A_197 = arith.constant 0 : i32
      %dma_wait3A_198 = tpu.memref_slice %arg17[%add3A_61, %dma_wait3A_197] : memref<10240x64xf32, #tpu.memory_space<vmem_shared>> -> memref<16x64xf32, #tpu.memory_space<vmem_shared>>
      tpu.wait_dma2 semaphore(%run_scoped3A : memref<!tpu.dma_semaphore, #tpu.memory_space<semaphore_mem>>) src(%arg16 : memref<16x64xf32, #tpu.memory_space<vmem>>) dst(%dma_wait3A_198 : memref<16x64xf32, #tpu.memory_space<vmem_shared>>)
      tpu.yield
    }) : () -> ()
    %mul3A_62 = arith.constant 640 : i32
    %mul3A_63 = arith.muli %arg1, %mul3A_62 : i32
    %add3A_64 = arith.constant 192 : i32
    %add3A_65 = arith.addi %mul3A_63, %add3A_64 : i32
    "tpu.region"() ({
      %run_scoped3A = tpu.sem_alloc : memref<!tpu.dma_semaphore, #tpu.memory_space<semaphore_mem>>
      %dma_start3A = arith.constant 0 : i32
      %dma_start3A_193 = tpu.memref_slice %arg17[%add3A_65, %dma_start3A] : memref<10240x64xf32, #tpu.memory_space<vmem_shared>> -> memref<16x64xf32, #tpu.memory_space<vmem_shared>>
      %dma_start3A_194 = arith.constant 0 : i32
      %dma_start3A_195 = tpu.memref_slice %arg17[%add3A_65, %dma_start3A_194] : memref<10240x64xf32, #tpu.memory_space<vmem_shared>> -> memref<16x64xf32, #tpu.memory_space<vmem_shared>>
      tpu.enqueue_dma source(%arg16 : memref<16x64xf32, #tpu.memory_space<vmem>>) target(%dma_start3A_195 : memref<16x64xf32, #tpu.memory_space<vmem_shared>>) target_semaphore(%run_scoped3A : memref<!tpu.dma_semaphore, #tpu.memory_space<semaphore_mem>>)
      %dma_wait3A = arith.constant 0 : i32
      %dma_wait3A_196 = tpu.memref_slice %arg17[%add3A_65, %dma_wait3A] : memref<10240x64xf32, #tpu.memory_space<vmem_shared>> -> memref<16x64xf32, #tpu.memory_space<vmem_shared>>
      %dma_wait3A_197 = arith.constant 0 : i32
      %dma_wait3A_198 = tpu.memref_slice %arg17[%add3A_65, %dma_wait3A_197] : memref<10240x64xf32, #tpu.memory_space<vmem_shared>> -> memref<16x64xf32, #tpu.memory_space<vmem_shared>>
      tpu.wait_dma2 semaphore(%run_scoped3A : memref<!tpu.dma_semaphore, #tpu.memory_space<semaphore_mem>>) src(%arg16 : memref<16x64xf32, #tpu.memory_space<vmem>>) dst(%dma_wait3A_198 : memref<16x64xf32, #tpu.memory_space<vmem_shared>>)
      tpu.yield
    }) : () -> ()
    %mul3A_66 = arith.constant 640 : i32
    %mul3A_67 = arith.muli %arg1, %mul3A_66 : i32
    %add3A_68 = arith.constant 208 : i32
    %add3A_69 = arith.addi %mul3A_67, %add3A_68 : i32
    "tpu.region"() ({
      %run_scoped3A = tpu.sem_alloc : memref<!tpu.dma_semaphore, #tpu.memory_space<semaphore_mem>>
      %dma_start3A = arith.constant 0 : i32
      %dma_start3A_193 = tpu.memref_slice %arg17[%add3A_69, %dma_start3A] : memref<10240x64xf32, #tpu.memory_space<vmem_shared>> -> memref<16x64xf32, #tpu.memory_space<vmem_shared>>
      %dma_start3A_194 = arith.constant 0 : i32
      %dma_start3A_195 = tpu.memref_slice %arg17[%add3A_69, %dma_start3A_194] : memref<10240x64xf32, #tpu.memory_space<vmem_shared>> -> memref<16x64xf32, #tpu.memory_space<vmem_shared>>
      tpu.enqueue_dma source(%arg16 : memref<16x64xf32, #tpu.memory_space<vmem>>) target(%dma_start3A_195 : memref<16x64xf32, #tpu.memory_space<vmem_shared>>) target_semaphore(%run_scoped3A : memref<!tpu.dma_semaphore, #tpu.memory_space<semaphore_mem>>)
      %dma_wait3A = arith.constant 0 : i32
      %dma_wait3A_196 = tpu.memref_slice %arg17[%add3A_69, %dma_wait3A] : memref<10240x64xf32, #tpu.memory_space<vmem_shared>> -> memref<16x64xf32, #tpu.memory_space<vmem_shared>>
      %dma_wait3A_197 = arith.constant 0 : i32
      %dma_wait3A_198 = tpu.memref_slice %arg17[%add3A_69, %dma_wait3A_197] : memref<10240x64xf32, #tpu.memory_space<vmem_shared>> -> memref<16x64xf32, #tpu.memory_space<vmem_shared>>
      tpu.wait_dma2 semaphore(%run_scoped3A : memref<!tpu.dma_semaphore, #tpu.memory_space<semaphore_mem>>) src(%arg16 : memref<16x64xf32, #tpu.memory_space<vmem>>) dst(%dma_wait3A_198 : memref<16x64xf32, #tpu.memory_space<vmem_shared>>)
      tpu.yield
    }) : () -> ()
    %mul3A_70 = arith.constant 640 : i32
    %mul3A_71 = arith.muli %arg1, %mul3A_70 : i32
    %add3A_72 = arith.constant 224 : i32
    %add3A_73 = arith.addi %mul3A_71, %add3A_72 : i32
    "tpu.region"() ({
      %run_scoped3A = tpu.sem_alloc : memref<!tpu.dma_semaphore, #tpu.memory_space<semaphore_mem>>
      %dma_start3A = arith.constant 0 : i32
      %dma_start3A_193 = tpu.memref_slice %arg17[%add3A_73, %dma_start3A] : memref<10240x64xf32, #tpu.memory_space<vmem_shared>> -> memref<16x64xf32, #tpu.memory_space<vmem_shared>>
      %dma_start3A_194 = arith.constant 0 : i32
      %dma_start3A_195 = tpu.memref_slice %arg17[%add3A_73, %dma_start3A_194] : memref<10240x64xf32, #tpu.memory_space<vmem_shared>> -> memref<16x64xf32, #tpu.memory_space<vmem_shared>>
      tpu.enqueue_dma source(%arg16 : memref<16x64xf32, #tpu.memory_space<vmem>>) target(%dma_start3A_195 : memref<16x64xf32, #tpu.memory_space<vmem_shared>>) target_semaphore(%run_scoped3A : memref<!tpu.dma_semaphore, #tpu.memory_space<semaphore_mem>>)
      %dma_wait3A = arith.constant 0 : i32
      %dma_wait3A_196 = tpu.memref_slice %arg17[%add3A_73, %dma_wait3A] : memref<10240x64xf32, #tpu.memory_space<vmem_shared>> -> memref<16x64xf32, #tpu.memory_space<vmem_shared>>
      %dma_wait3A_197 = arith.constant 0 : i32
      %dma_wait3A_198 = tpu.memref_slice %arg17[%add3A_73, %dma_wait3A_197] : memref<10240x64xf32, #tpu.memory_space<vmem_shared>> -> memref<16x64xf32, #tpu.memory_space<vmem_shared>>
      tpu.wait_dma2 semaphore(%run_scoped3A : memref<!tpu.dma_semaphore, #tpu.memory_space<semaphore_mem>>) src(%arg16 : memref<16x64xf32, #tpu.memory_space<vmem>>) dst(%dma_wait3A_198 : memref<16x64xf32, #tpu.memory_space<vmem_shared>>)
      tpu.yield
    }) : () -> ()
    %mul3A_74 = arith.constant 640 : i32
    %mul3A_75 = arith.muli %arg1, %mul3A_74 : i32
    %add3A_76 = arith.constant 240 : i32
    %add3A_77 = arith.addi %mul3A_75, %add3A_76 : i32
    "tpu.region"() ({
      %run_scoped3A = tpu.sem_alloc : memref<!tpu.dma_semaphore, #tpu.memory_space<semaphore_mem>>
      %dma_start3A = arith.constant 0 : i32
      %dma_start3A_193 = tpu.memref_slice %arg17[%add3A_77, %dma_start3A] : memref<10240x64xf32, #tpu.memory_space<vmem_shared>> -> memref<16x64xf32, #tpu.memory_space<vmem_shared>>
      %dma_start3A_194 = arith.constant 0 : i32
      %dma_start3A_195 = tpu.memref_slice %arg17[%add3A_77, %dma_start3A_194] : memref<10240x64xf32, #tpu.memory_space<vmem_shared>> -> memref<16x64xf32, #tpu.memory_space<vmem_shared>>
      tpu.enqueue_dma source(%arg16 : memref<16x64xf32, #tpu.memory_space<vmem>>) target(%dma_start3A_195 : memref<16x64xf32, #tpu.memory_space<vmem_shared>>) target_semaphore(%run_scoped3A : memref<!tpu.dma_semaphore, #tpu.memory_space<semaphore_mem>>)
      %dma_wait3A = arith.constant 0 : i32
      %dma_wait3A_196 = tpu.memref_slice %arg17[%add3A_77, %dma_wait3A] : memref<10240x64xf32, #tpu.memory_space<vmem_shared>> -> memref<16x64xf32, #tpu.memory_space<vmem_shared>>
      %dma_wait3A_197 = arith.constant 0 : i32
      %dma_wait3A_198 = tpu.memref_slice %arg17[%add3A_77, %dma_wait3A_197] : memref<10240x64xf32, #tpu.memory_space<vmem_shared>> -> memref<16x64xf32, #tpu.memory_space<vmem_shared>>
      tpu.wait_dma2 semaphore(%run_scoped3A : memref<!tpu.dma_semaphore, #tpu.memory_space<semaphore_mem>>) src(%arg16 : memref<16x64xf32, #tpu.memory_space<vmem>>) dst(%dma_wait3A_198 : memref<16x64xf32, #tpu.memory_space<vmem_shared>>)
      tpu.yield
    }) : () -> ()
    %mul3A_78 = arith.constant 640 : i32
    %mul3A_79 = arith.muli %arg1, %mul3A_78 : i32
    %add3A_80 = arith.constant 256 : i32
    %add3A_81 = arith.addi %mul3A_79, %add3A_80 : i32
    "tpu.region"() ({
      %run_scoped3A = tpu.sem_alloc : memref<!tpu.dma_semaphore, #tpu.memory_space<semaphore_mem>>
      %dma_start3A = arith.constant 0 : i32
      %dma_start3A_193 = tpu.memref_slice %arg17[%add3A_81, %dma_start3A] : memref<10240x64xf32, #tpu.memory_space<vmem_shared>> -> memref<16x64xf32, #tpu.memory_space<vmem_shared>>
      %dma_start3A_194 = arith.constant 0 : i32
      %dma_start3A_195 = tpu.memref_slice %arg17[%add3A_81, %dma_start3A_194] : memref<10240x64xf32, #tpu.memory_space<vmem_shared>> -> memref<16x64xf32, #tpu.memory_space<vmem_shared>>
      tpu.enqueue_dma source(%arg16 : memref<16x64xf32, #tpu.memory_space<vmem>>) target(%dma_start3A_195 : memref<16x64xf32, #tpu.memory_space<vmem_shared>>) target_semaphore(%run_scoped3A : memref<!tpu.dma_semaphore, #tpu.memory_space<semaphore_mem>>)
      %dma_wait3A = arith.constant 0 : i32
      %dma_wait3A_196 = tpu.memref_slice %arg17[%add3A_81, %dma_wait3A] : memref<10240x64xf32, #tpu.memory_space<vmem_shared>> -> memref<16x64xf32, #tpu.memory_space<vmem_shared>>
      %dma_wait3A_197 = arith.constant 0 : i32
      %dma_wait3A_198 = tpu.memref_slice %arg17[%add3A_81, %dma_wait3A_197] : memref<10240x64xf32, #tpu.memory_space<vmem_shared>> -> memref<16x64xf32, #tpu.memory_space<vmem_shared>>
      tpu.wait_dma2 semaphore(%run_scoped3A : memref<!tpu.dma_semaphore, #tpu.memory_space<semaphore_mem>>) src(%arg16 : memref<16x64xf32, #tpu.memory_space<vmem>>) dst(%dma_wait3A_198 : memref<16x64xf32, #tpu.memory_space<vmem_shared>>)
      tpu.yield
    }) : () -> ()
    %mul3A_82 = arith.constant 640 : i32
    %mul3A_83 = arith.muli %arg1, %mul3A_82 : i32
    %add3A_84 = arith.constant 272 : i32
    %add3A_85 = arith.addi %mul3A_83, %add3A_84 : i32
    "tpu.region"() ({
      %run_scoped3A = tpu.sem_alloc : memref<!tpu.dma_semaphore, #tpu.memory_space<semaphore_mem>>
      %dma_start3A = arith.constant 0 : i32
      %dma_start3A_193 = tpu.memref_slice %arg17[%add3A_85, %dma_start3A] : memref<10240x64xf32, #tpu.memory_space<vmem_shared>> -> memref<16x64xf32, #tpu.memory_space<vmem_shared>>
      %dma_start3A_194 = arith.constant 0 : i32
      %dma_start3A_195 = tpu.memref_slice %arg17[%add3A_85, %dma_start3A_194] : memref<10240x64xf32, #tpu.memory_space<vmem_shared>> -> memref<16x64xf32, #tpu.memory_space<vmem_shared>>
      tpu.enqueue_dma source(%arg16 : memref<16x64xf32, #tpu.memory_space<vmem>>) target(%dma_start3A_195 : memref<16x64xf32, #tpu.memory_space<vmem_shared>>) target_semaphore(%run_scoped3A : memref<!tpu.dma_semaphore, #tpu.memory_space<semaphore_mem>>)
      %dma_wait3A = arith.constant 0 : i32
      %dma_wait3A_196 = tpu.memref_slice %arg17[%add3A_85, %dma_wait3A] : memref<10240x64xf32, #tpu.memory_space<vmem_shared>> -> memref<16x64xf32, #tpu.memory_space<vmem_shared>>
      %dma_wait3A_197 = arith.constant 0 : i32
      %dma_wait3A_198 = tpu.memref_slice %arg17[%add3A_85, %dma_wait3A_197] : memref<10240x64xf32, #tpu.memory_space<vmem_shared>> -> memref<16x64xf32, #tpu.memory_space<vmem_shared>>
      tpu.wait_dma2 semaphore(%run_scoped3A : memref<!tpu.dma_semaphore, #tpu.memory_space<semaphore_mem>>) src(%arg16 : memref<16x64xf32, #tpu.memory_space<vmem>>) dst(%dma_wait3A_198 : memref<16x64xf32, #tpu.memory_space<vmem_shared>>)
      tpu.yield
    }) : () -> ()
    %mul3A_86 = arith.constant 640 : i32
    %mul3A_87 = arith.muli %arg1, %mul3A_86 : i32
    %add3A_88 = arith.constant 288 : i32
    %add3A_89 = arith.addi %mul3A_87, %add3A_88 : i32
    "tpu.region"() ({
      %run_scoped3A = tpu.sem_alloc : memref<!tpu.dma_semaphore, #tpu.memory_space<semaphore_mem>>
      %dma_start3A = arith.constant 0 : i32
      %dma_start3A_193 = tpu.memref_slice %arg17[%add3A_89, %dma_start3A] : memref<10240x64xf32, #tpu.memory_space<vmem_shared>> -> memref<16x64xf32, #tpu.memory_space<vmem_shared>>
      %dma_start3A_194 = arith.constant 0 : i32
      %dma_start3A_195 = tpu.memref_slice %arg17[%add3A_89, %dma_start3A_194] : memref<10240x64xf32, #tpu.memory_space<vmem_shared>> -> memref<16x64xf32, #tpu.memory_space<vmem_shared>>
      tpu.enqueue_dma source(%arg16 : memref<16x64xf32, #tpu.memory_space<vmem>>) target(%dma_start3A_195 : memref<16x64xf32, #tpu.memory_space<vmem_shared>>) target_semaphore(%run_scoped3A : memref<!tpu.dma_semaphore, #tpu.memory_space<semaphore_mem>>)
      %dma_wait3A = arith.constant 0 : i32
      %dma_wait3A_196 = tpu.memref_slice %arg17[%add3A_89, %dma_wait3A] : memref<10240x64xf32, #tpu.memory_space<vmem_shared>> -> memref<16x64xf32, #tpu.memory_space<vmem_shared>>
      %dma_wait3A_197 = arith.constant 0 : i32
      %dma_wait3A_198 = tpu.memref_slice %arg17[%add3A_89, %dma_wait3A_197] : memref<10240x64xf32, #tpu.memory_space<vmem_shared>> -> memref<16x64xf32, #tpu.memory_space<vmem_shared>>
      tpu.wait_dma2 semaphore(%run_scoped3A : memref<!tpu.dma_semaphore, #tpu.memory_space<semaphore_mem>>) src(%arg16 : memref<16x64xf32, #tpu.memory_space<vmem>>) dst(%dma_wait3A_198 : memref<16x64xf32, #tpu.memory_space<vmem_shared>>)
      tpu.yield
    }) : () -> ()
    %mul3A_90 = arith.constant 640 : i32
    %mul3A_91 = arith.muli %arg1, %mul3A_90 : i32
    %add3A_92 = arith.constant 304 : i32
    %add3A_93 = arith.addi %mul3A_91, %add3A_92 : i32
    "tpu.region"() ({
      %run_scoped3A = tpu.sem_alloc : memref<!tpu.dma_semaphore, #tpu.memory_space<semaphore_mem>>
      %dma_start3A = arith.constant 0 : i32
      %dma_start3A_193 = tpu.memref_slice %arg17[%add3A_93, %dma_start3A] : memref<10240x64xf32, #tpu.memory_space<vmem_shared>> -> memref<16x64xf32, #tpu.memory_space<vmem_shared>>
      %dma_start3A_194 = arith.constant 0 : i32
      %dma_start3A_195 = tpu.memref_slice %arg17[%add3A_93, %dma_start3A_194] : memref<10240x64xf32, #tpu.memory_space<vmem_shared>> -> memref<16x64xf32, #tpu.memory_space<vmem_shared>>
      tpu.enqueue_dma source(%arg16 : memref<16x64xf32, #tpu.memory_space<vmem>>) target(%dma_start3A_195 : memref<16x64xf32, #tpu.memory_space<vmem_shared>>) target_semaphore(%run_scoped3A : memref<!tpu.dma_semaphore, #tpu.memory_space<semaphore_mem>>)
      %dma_wait3A = arith.constant 0 : i32
      %dma_wait3A_196 = tpu.memref_slice %arg17[%add3A_93, %dma_wait3A] : memref<10240x64xf32, #tpu.memory_space<vmem_shared>> -> memref<16x64xf32, #tpu.memory_space<vmem_shared>>
      %dma_wait3A_197 = arith.constant 0 : i32
      %dma_wait3A_198 = tpu.memref_slice %arg17[%add3A_93, %dma_wait3A_197] : memref<10240x64xf32, #tpu.memory_space<vmem_shared>> -> memref<16x64xf32, #tpu.memory_space<vmem_shared>>
      tpu.wait_dma2 semaphore(%run_scoped3A : memref<!tpu.dma_semaphore, #tpu.memory_space<semaphore_mem>>) src(%arg16 : memref<16x64xf32, #tpu.memory_space<vmem>>) dst(%dma_wait3A_198 : memref<16x64xf32, #tpu.memory_space<vmem_shared>>)
      tpu.yield
    }) : () -> ()
    %mul3A_94 = arith.constant 640 : i32
    %mul3A_95 = arith.muli %arg1, %mul3A_94 : i32
    %add3A_96 = arith.constant 320 : i32
    %add3A_97 = arith.addi %mul3A_95, %add3A_96 : i32
    "tpu.region"() ({
      %run_scoped3A = tpu.sem_alloc : memref<!tpu.dma_semaphore, #tpu.memory_space<semaphore_mem>>
      %dma_start3A = arith.constant 0 : i32
      %dma_start3A_193 = tpu.memref_slice %arg17[%add3A_97, %dma_start3A] : memref<10240x64xf32, #tpu.memory_space<vmem_shared>> -> memref<16x64xf32, #tpu.memory_space<vmem_shared>>
      %dma_start3A_194 = arith.constant 0 : i32
      %dma_start3A_195 = tpu.memref_slice %arg17[%add3A_97, %dma_start3A_194] : memref<10240x64xf32, #tpu.memory_space<vmem_shared>> -> memref<16x64xf32, #tpu.memory_space<vmem_shared>>
      tpu.enqueue_dma source(%arg16 : memref<16x64xf32, #tpu.memory_space<vmem>>) target(%dma_start3A_195 : memref<16x64xf32, #tpu.memory_space<vmem_shared>>) target_semaphore(%run_scoped3A : memref<!tpu.dma_semaphore, #tpu.memory_space<semaphore_mem>>)
      %dma_wait3A = arith.constant 0 : i32
      %dma_wait3A_196 = tpu.memref_slice %arg17[%add3A_97, %dma_wait3A] : memref<10240x64xf32, #tpu.memory_space<vmem_shared>> -> memref<16x64xf32, #tpu.memory_space<vmem_shared>>
      %dma_wait3A_197 = arith.constant 0 : i32
      %dma_wait3A_198 = tpu.memref_slice %arg17[%add3A_97, %dma_wait3A_197] : memref<10240x64xf32, #tpu.memory_space<vmem_shared>> -> memref<16x64xf32, #tpu.memory_space<vmem_shared>>
      tpu.wait_dma2 semaphore(%run_scoped3A : memref<!tpu.dma_semaphore, #tpu.memory_space<semaphore_mem>>) src(%arg16 : memref<16x64xf32, #tpu.memory_space<vmem>>) dst(%dma_wait3A_198 : memref<16x64xf32, #tpu.memory_space<vmem_shared>>)
      tpu.yield
    }) : () -> ()
    %mul3A_98 = arith.constant 640 : i32
    %mul3A_99 = arith.muli %arg1, %mul3A_98 : i32
    %add3A_100 = arith.constant 336 : i32
    %add3A_101 = arith.addi %mul3A_99, %add3A_100 : i32
    "tpu.region"() ({
      %run_scoped3A = tpu.sem_alloc : memref<!tpu.dma_semaphore, #tpu.memory_space<semaphore_mem>>
      %dma_start3A = arith.constant 0 : i32
      %dma_start3A_193 = tpu.memref_slice %arg17[%add3A_101, %dma_start3A] : memref<10240x64xf32, #tpu.memory_space<vmem_shared>> -> memref<16x64xf32, #tpu.memory_space<vmem_shared>>
      %dma_start3A_194 = arith.constant 0 : i32
      %dma_start3A_195 = tpu.memref_slice %arg17[%add3A_101, %dma_start3A_194] : memref<10240x64xf32, #tpu.memory_space<vmem_shared>> -> memref<16x64xf32, #tpu.memory_space<vmem_shared>>
      tpu.enqueue_dma source(%arg16 : memref<16x64xf32, #tpu.memory_space<vmem>>) target(%dma_start3A_195 : memref<16x64xf32, #tpu.memory_space<vmem_shared>>) target_semaphore(%run_scoped3A : memref<!tpu.dma_semaphore, #tpu.memory_space<semaphore_mem>>)
      %dma_wait3A = arith.constant 0 : i32
      %dma_wait3A_196 = tpu.memref_slice %arg17[%add3A_101, %dma_wait3A] : memref<10240x64xf32, #tpu.memory_space<vmem_shared>> -> memref<16x64xf32, #tpu.memory_space<vmem_shared>>
      %dma_wait3A_197 = arith.constant 0 : i32
      %dma_wait3A_198 = tpu.memref_slice %arg17[%add3A_101, %dma_wait3A_197] : memref<10240x64xf32, #tpu.memory_space<vmem_shared>> -> memref<16x64xf32, #tpu.memory_space<vmem_shared>>
      tpu.wait_dma2 semaphore(%run_scoped3A : memref<!tpu.dma_semaphore, #tpu.memory_space<semaphore_mem>>) src(%arg16 : memref<16x64xf32, #tpu.memory_space<vmem>>) dst(%dma_wait3A_198 : memref<16x64xf32, #tpu.memory_space<vmem_shared>>)
      tpu.yield
    }) : () -> ()
    %mul3A_102 = arith.constant 640 : i32
    %mul3A_103 = arith.muli %arg1, %mul3A_102 : i32
    %add3A_104 = arith.constant 352 : i32
    %add3A_105 = arith.addi %mul3A_103, %add3A_104 : i32
    "tpu.region"() ({
      %run_scoped3A = tpu.sem_alloc : memref<!tpu.dma_semaphore, #tpu.memory_space<semaphore_mem>>
      %dma_start3A = arith.constant 0 : i32
      %dma_start3A_193 = tpu.memref_slice %arg17[%add3A_105, %dma_start3A] : memref<10240x64xf32, #tpu.memory_space<vmem_shared>> -> memref<16x64xf32, #tpu.memory_space<vmem_shared>>
      %dma_start3A_194 = arith.constant 0 : i32
      %dma_start3A_195 = tpu.memref_slice %arg17[%add3A_105, %dma_start3A_194] : memref<10240x64xf32, #tpu.memory_space<vmem_shared>> -> memref<16x64xf32, #tpu.memory_space<vmem_shared>>
      tpu.enqueue_dma source(%arg16 : memref<16x64xf32, #tpu.memory_space<vmem>>) target(%dma_start3A_195 : memref<16x64xf32, #tpu.memory_space<vmem_shared>>) target_semaphore(%run_scoped3A : memref<!tpu.dma_semaphore, #tpu.memory_space<semaphore_mem>>)
      %dma_wait3A = arith.constant 0 : i32
      %dma_wait3A_196 = tpu.memref_slice %arg17[%add3A_105, %dma_wait3A] : memref<10240x64xf32, #tpu.memory_space<vmem_shared>> -> memref<16x64xf32, #tpu.memory_space<vmem_shared>>
      %dma_wait3A_197 = arith.constant 0 : i32
      %dma_wait3A_198 = tpu.memref_slice %arg17[%add3A_105, %dma_wait3A_197] : memref<10240x64xf32, #tpu.memory_space<vmem_shared>> -> memref<16x64xf32, #tpu.memory_space<vmem_shared>>
      tpu.wait_dma2 semaphore(%run_scoped3A : memref<!tpu.dma_semaphore, #tpu.memory_space<semaphore_mem>>) src(%arg16 : memref<16x64xf32, #tpu.memory_space<vmem>>) dst(%dma_wait3A_198 : memref<16x64xf32, #tpu.memory_space<vmem_shared>>)
      tpu.yield
    }) : () -> ()
    %mul3A_106 = arith.constant 640 : i32
    %mul3A_107 = arith.muli %arg1, %mul3A_106 : i32
    %add3A_108 = arith.constant 368 : i32
    %add3A_109 = arith.addi %mul3A_107, %add3A_108 : i32
    "tpu.region"() ({
      %run_scoped3A = tpu.sem_alloc : memref<!tpu.dma_semaphore, #tpu.memory_space<semaphore_mem>>
      %dma_start3A = arith.constant 0 : i32
      %dma_start3A_193 = tpu.memref_slice %arg17[%add3A_109, %dma_start3A] : memref<10240x64xf32, #tpu.memory_space<vmem_shared>> -> memref<16x64xf32, #tpu.memory_space<vmem_shared>>
      %dma_start3A_194 = arith.constant 0 : i32
      %dma_start3A_195 = tpu.memref_slice %arg17[%add3A_109, %dma_start3A_194] : memref<10240x64xf32, #tpu.memory_space<vmem_shared>> -> memref<16x64xf32, #tpu.memory_space<vmem_shared>>
      tpu.enqueue_dma source(%arg16 : memref<16x64xf32, #tpu.memory_space<vmem>>) target(%dma_start3A_195 : memref<16x64xf32, #tpu.memory_space<vmem_shared>>) target_semaphore(%run_scoped3A : memref<!tpu.dma_semaphore, #tpu.memory_space<semaphore_mem>>)
      %dma_wait3A = arith.constant 0 : i32
      %dma_wait3A_196 = tpu.memref_slice %arg17[%add3A_109, %dma_wait3A] : memref<10240x64xf32, #tpu.memory_space<vmem_shared>> -> memref<16x64xf32, #tpu.memory_space<vmem_shared>>
      %dma_wait3A_197 = arith.constant 0 : i32
      %dma_wait3A_198 = tpu.memref_slice %arg17[%add3A_109, %dma_wait3A_197] : memref<10240x64xf32, #tpu.memory_space<vmem_shared>> -> memref<16x64xf32, #tpu.memory_space<vmem_shared>>
      tpu.wait_dma2 semaphore(%run_scoped3A : memref<!tpu.dma_semaphore, #tpu.memory_space<semaphore_mem>>) src(%arg16 : memref<16x64xf32, #tpu.memory_space<vmem>>) dst(%dma_wait3A_198 : memref<16x64xf32, #tpu.memory_space<vmem_shared>>)
      tpu.yield
    }) : () -> ()
    %mul3A_110 = arith.constant 640 : i32
    %mul3A_111 = arith.muli %arg1, %mul3A_110 : i32
    %add3A_112 = arith.constant 384 : i32
    %add3A_113 = arith.addi %mul3A_111, %add3A_112 : i32
    "tpu.region"() ({
      %run_scoped3A = tpu.sem_alloc : memref<!tpu.dma_semaphore, #tpu.memory_space<semaphore_mem>>
      %dma_start3A = arith.constant 0 : i32
      %dma_start3A_193 = tpu.memref_slice %arg17[%add3A_113, %dma_start3A] : memref<10240x64xf32, #tpu.memory_space<vmem_shared>> -> memref<16x64xf32, #tpu.memory_space<vmem_shared>>
      %dma_start3A_194 = arith.constant 0 : i32
      %dma_start3A_195 = tpu.memref_slice %arg17[%add3A_113, %dma_start3A_194] : memref<10240x64xf32, #tpu.memory_space<vmem_shared>> -> memref<16x64xf32, #tpu.memory_space<vmem_shared>>
      tpu.enqueue_dma source(%arg16 : memref<16x64xf32, #tpu.memory_space<vmem>>) target(%dma_start3A_195 : memref<16x64xf32, #tpu.memory_space<vmem_shared>>) target_semaphore(%run_scoped3A : memref<!tpu.dma_semaphore, #tpu.memory_space<semaphore_mem>>)
      %dma_wait3A = arith.constant 0 : i32
      %dma_wait3A_196 = tpu.memref_slice %arg17[%add3A_113, %dma_wait3A] : memref<10240x64xf32, #tpu.memory_space<vmem_shared>> -> memref<16x64xf32, #tpu.memory_space<vmem_shared>>
      %dma_wait3A_197 = arith.constant 0 : i32
      %dma_wait3A_198 = tpu.memref_slice %arg17[%add3A_113, %dma_wait3A_197] : memref<10240x64xf32, #tpu.memory_space<vmem_shared>> -> memref<16x64xf32, #tpu.memory_space<vmem_shared>>
      tpu.wait_dma2 semaphore(%run_scoped3A : memref<!tpu.dma_semaphore, #tpu.memory_space<semaphore_mem>>) src(%arg16 : memref<16x64xf32, #tpu.memory_space<vmem>>) dst(%dma_wait3A_198 : memref<16x64xf32, #tpu.memory_space<vmem_shared>>)
      tpu.yield
    }) : () -> ()
    %mul3A_114 = arith.constant 640 : i32
    %mul3A_115 = arith.muli %arg1, %mul3A_114 : i32
    %add3A_116 = arith.constant 400 : i32
    %add3A_117 = arith.addi %mul3A_115, %add3A_116 : i32
    "tpu.region"() ({
      %run_scoped3A = tpu.sem_alloc : memref<!tpu.dma_semaphore, #tpu.memory_space<semaphore_mem>>
      %dma_start3A = arith.constant 0 : i32
      %dma_start3A_193 = tpu.memref_slice %arg17[%add3A_117, %dma_start3A] : memref<10240x64xf32, #tpu.memory_space<vmem_shared>> -> memref<16x64xf32, #tpu.memory_space<vmem_shared>>
      %dma_start3A_194 = arith.constant 0 : i32
      %dma_start3A_195 = tpu.memref_slice %arg17[%add3A_117, %dma_start3A_194] : memref<10240x64xf32, #tpu.memory_space<vmem_shared>> -> memref<16x64xf32, #tpu.memory_space<vmem_shared>>
      tpu.enqueue_dma source(%arg16 : memref<16x64xf32, #tpu.memory_space<vmem>>) target(%dma_start3A_195 : memref<16x64xf32, #tpu.memory_space<vmem_shared>>) target_semaphore(%run_scoped3A : memref<!tpu.dma_semaphore, #tpu.memory_space<semaphore_mem>>)
      %dma_wait3A = arith.constant 0 : i32
      %dma_wait3A_196 = tpu.memref_slice %arg17[%add3A_117, %dma_wait3A] : memref<10240x64xf32, #tpu.memory_space<vmem_shared>> -> memref<16x64xf32, #tpu.memory_space<vmem_shared>>
      %dma_wait3A_197 = arith.constant 0 : i32
      %dma_wait3A_198 = tpu.memref_slice %arg17[%add3A_117, %dma_wait3A_197] : memref<10240x64xf32, #tpu.memory_space<vmem_shared>> -> memref<16x64xf32, #tpu.memory_space<vmem_shared>>
      tpu.wait_dma2 semaphore(%run_scoped3A : memref<!tpu.dma_semaphore, #tpu.memory_space<semaphore_mem>>) src(%arg16 : memref<16x64xf32, #tpu.memory_space<vmem>>) dst(%dma_wait3A_198 : memref<16x64xf32, #tpu.memory_space<vmem_shared>>)
      tpu.yield
    }) : () -> ()
    %mul3A_118 = arith.constant 640 : i32
    %mul3A_119 = arith.muli %arg1, %mul3A_118 : i32
    %add3A_120 = arith.constant 416 : i32
    %add3A_121 = arith.addi %mul3A_119, %add3A_120 : i32
    "tpu.region"() ({
      %run_scoped3A = tpu.sem_alloc : memref<!tpu.dma_semaphore, #tpu.memory_space<semaphore_mem>>
      %dma_start3A = arith.constant 0 : i32
      %dma_start3A_193 = tpu.memref_slice %arg17[%add3A_121, %dma_start3A] : memref<10240x64xf32, #tpu.memory_space<vmem_shared>> -> memref<16x64xf32, #tpu.memory_space<vmem_shared>>
      %dma_start3A_194 = arith.constant 0 : i32
      %dma_start3A_195 = tpu.memref_slice %arg17[%add3A_121, %dma_start3A_194] : memref<10240x64xf32, #tpu.memory_space<vmem_shared>> -> memref<16x64xf32, #tpu.memory_space<vmem_shared>>
      tpu.enqueue_dma source(%arg16 : memref<16x64xf32, #tpu.memory_space<vmem>>) target(%dma_start3A_195 : memref<16x64xf32, #tpu.memory_space<vmem_shared>>) target_semaphore(%run_scoped3A : memref<!tpu.dma_semaphore, #tpu.memory_space<semaphore_mem>>)
      %dma_wait3A = arith.constant 0 : i32
      %dma_wait3A_196 = tpu.memref_slice %arg17[%add3A_121, %dma_wait3A] : memref<10240x64xf32, #tpu.memory_space<vmem_shared>> -> memref<16x64xf32, #tpu.memory_space<vmem_shared>>
      %dma_wait3A_197 = arith.constant 0 : i32
      %dma_wait3A_198 = tpu.memref_slice %arg17[%add3A_121, %dma_wait3A_197] : memref<10240x64xf32, #tpu.memory_space<vmem_shared>> -> memref<16x64xf32, #tpu.memory_space<vmem_shared>>
      tpu.wait_dma2 semaphore(%run_scoped3A : memref<!tpu.dma_semaphore, #tpu.memory_space<semaphore_mem>>) src(%arg16 : memref<16x64xf32, #tpu.memory_space<vmem>>) dst(%dma_wait3A_198 : memref<16x64xf32, #tpu.memory_space<vmem_shared>>)
      tpu.yield
    }) : () -> ()
    %mul3A_122 = arith.constant 640 : i32
    %mul3A_123 = arith.muli %arg1, %mul3A_122 : i32
    %add3A_124 = arith.constant 432 : i32
    %add3A_125 = arith.addi %mul3A_123, %add3A_124 : i32
    "tpu.region"() ({
      %run_scoped3A = tpu.sem_alloc : memref<!tpu.dma_semaphore, #tpu.memory_space<semaphore_mem>>
      %dma_start3A = arith.constant 0 : i32
      %dma_start3A_193 = tpu.memref_slice %arg17[%add3A_125, %dma_start3A] : memref<10240x64xf32, #tpu.memory_space<vmem_shared>> -> memref<16x64xf32, #tpu.memory_space<vmem_shared>>
      %dma_start3A_194 = arith.constant 0 : i32
      %dma_start3A_195 = tpu.memref_slice %arg17[%add3A_125, %dma_start3A_194] : memref<10240x64xf32, #tpu.memory_space<vmem_shared>> -> memref<16x64xf32, #tpu.memory_space<vmem_shared>>
      tpu.enqueue_dma source(%arg16 : memref<16x64xf32, #tpu.memory_space<vmem>>) target(%dma_start3A_195 : memref<16x64xf32, #tpu.memory_space<vmem_shared>>) target_semaphore(%run_scoped3A : memref<!tpu.dma_semaphore, #tpu.memory_space<semaphore_mem>>)
      %dma_wait3A = arith.constant 0 : i32
      %dma_wait3A_196 = tpu.memref_slice %arg17[%add3A_125, %dma_wait3A] : memref<10240x64xf32, #tpu.memory_space<vmem_shared>> -> memref<16x64xf32, #tpu.memory_space<vmem_shared>>
      %dma_wait3A_197 = arith.constant 0 : i32
      %dma_wait3A_198 = tpu.memref_slice %arg17[%add3A_125, %dma_wait3A_197] : memref<10240x64xf32, #tpu.memory_space<vmem_shared>> -> memref<16x64xf32, #tpu.memory_space<vmem_shared>>
      tpu.wait_dma2 semaphore(%run_scoped3A : memref<!tpu.dma_semaphore, #tpu.memory_space<semaphore_mem>>) src(%arg16 : memref<16x64xf32, #tpu.memory_space<vmem>>) dst(%dma_wait3A_198 : memref<16x64xf32, #tpu.memory_space<vmem_shared>>)
      tpu.yield
    }) : () -> ()
    %mul3A_126 = arith.constant 640 : i32
    %mul3A_127 = arith.muli %arg1, %mul3A_126 : i32
    %add3A_128 = arith.constant 448 : i32
    %add3A_129 = arith.addi %mul3A_127, %add3A_128 : i32
    "tpu.region"() ({
      %run_scoped3A = tpu.sem_alloc : memref<!tpu.dma_semaphore, #tpu.memory_space<semaphore_mem>>
      %dma_start3A = arith.constant 0 : i32
      %dma_start3A_193 = tpu.memref_slice %arg17[%add3A_129, %dma_start3A] : memref<10240x64xf32, #tpu.memory_space<vmem_shared>> -> memref<16x64xf32, #tpu.memory_space<vmem_shared>>
      %dma_start3A_194 = arith.constant 0 : i32
      %dma_start3A_195 = tpu.memref_slice %arg17[%add3A_129, %dma_start3A_194] : memref<10240x64xf32, #tpu.memory_space<vmem_shared>> -> memref<16x64xf32, #tpu.memory_space<vmem_shared>>
      tpu.enqueue_dma source(%arg16 : memref<16x64xf32, #tpu.memory_space<vmem>>) target(%dma_start3A_195 : memref<16x64xf32, #tpu.memory_space<vmem_shared>>) target_semaphore(%run_scoped3A : memref<!tpu.dma_semaphore, #tpu.memory_space<semaphore_mem>>)
      %dma_wait3A = arith.constant 0 : i32
      %dma_wait3A_196 = tpu.memref_slice %arg17[%add3A_129, %dma_wait3A] : memref<10240x64xf32, #tpu.memory_space<vmem_shared>> -> memref<16x64xf32, #tpu.memory_space<vmem_shared>>
      %dma_wait3A_197 = arith.constant 0 : i32
      %dma_wait3A_198 = tpu.memref_slice %arg17[%add3A_129, %dma_wait3A_197] : memref<10240x64xf32, #tpu.memory_space<vmem_shared>> -> memref<16x64xf32, #tpu.memory_space<vmem_shared>>
      tpu.wait_dma2 semaphore(%run_scoped3A : memref<!tpu.dma_semaphore, #tpu.memory_space<semaphore_mem>>) src(%arg16 : memref<16x64xf32, #tpu.memory_space<vmem>>) dst(%dma_wait3A_198 : memref<16x64xf32, #tpu.memory_space<vmem_shared>>)
      tpu.yield
    }) : () -> ()
    %mul3A_130 = arith.constant 640 : i32
    %mul3A_131 = arith.muli %arg1, %mul3A_130 : i32
    %add3A_132 = arith.constant 464 : i32
    %add3A_133 = arith.addi %mul3A_131, %add3A_132 : i32
    "tpu.region"() ({
      %run_scoped3A = tpu.sem_alloc : memref<!tpu.dma_semaphore, #tpu.memory_space<semaphore_mem>>
      %dma_start3A = arith.constant 0 : i32
      %dma_start3A_193 = tpu.memref_slice %arg17[%add3A_133, %dma_start3A] : memref<10240x64xf32, #tpu.memory_space<vmem_shared>> -> memref<16x64xf32, #tpu.memory_space<vmem_shared>>
      %dma_start3A_194 = arith.constant 0 : i32
      %dma_start3A_195 = tpu.memref_slice %arg17[%add3A_133, %dma_start3A_194] : memref<10240x64xf32, #tpu.memory_space<vmem_shared>> -> memref<16x64xf32, #tpu.memory_space<vmem_shared>>
      tpu.enqueue_dma source(%arg16 : memref<16x64xf32, #tpu.memory_space<vmem>>) target(%dma_start3A_195 : memref<16x64xf32, #tpu.memory_space<vmem_shared>>) target_semaphore(%run_scoped3A : memref<!tpu.dma_semaphore, #tpu.memory_space<semaphore_mem>>)
      %dma_wait3A = arith.constant 0 : i32
      %dma_wait3A_196 = tpu.memref_slice %arg17[%add3A_133, %dma_wait3A] : memref<10240x64xf32, #tpu.memory_space<vmem_shared>> -> memref<16x64xf32, #tpu.memory_space<vmem_shared>>
      %dma_wait3A_197 = arith.constant 0 : i32
      %dma_wait3A_198 = tpu.memref_slice %arg17[%add3A_133, %dma_wait3A_197] : memref<10240x64xf32, #tpu.memory_space<vmem_shared>> -> memref<16x64xf32, #tpu.memory_space<vmem_shared>>
      tpu.wait_dma2 semaphore(%run_scoped3A : memref<!tpu.dma_semaphore, #tpu.memory_space<semaphore_mem>>) src(%arg16 : memref<16x64xf32, #tpu.memory_space<vmem>>) dst(%dma_wait3A_198 : memref<16x64xf32, #tpu.memory_space<vmem_shared>>)
      tpu.yield
    }) : () -> ()
    %mul3A_134 = arith.constant 640 : i32
    %mul3A_135 = arith.muli %arg1, %mul3A_134 : i32
    %add3A_136 = arith.constant 480 : i32
    %add3A_137 = arith.addi %mul3A_135, %add3A_136 : i32
    "tpu.region"() ({
      %run_scoped3A = tpu.sem_alloc : memref<!tpu.dma_semaphore, #tpu.memory_space<semaphore_mem>>
      %dma_start3A = arith.constant 0 : i32
      %dma_start3A_193 = tpu.memref_slice %arg17[%add3A_137, %dma_start3A] : memref<10240x64xf32, #tpu.memory_space<vmem_shared>> -> memref<16x64xf32, #tpu.memory_space<vmem_shared>>
      %dma_start3A_194 = arith.constant 0 : i32
      %dma_start3A_195 = tpu.memref_slice %arg17[%add3A_137, %dma_start3A_194] : memref<10240x64xf32, #tpu.memory_space<vmem_shared>> -> memref<16x64xf32, #tpu.memory_space<vmem_shared>>
      tpu.enqueue_dma source(%arg16 : memref<16x64xf32, #tpu.memory_space<vmem>>) target(%dma_start3A_195 : memref<16x64xf32, #tpu.memory_space<vmem_shared>>) target_semaphore(%run_scoped3A : memref<!tpu.dma_semaphore, #tpu.memory_space<semaphore_mem>>)
      %dma_wait3A = arith.constant 0 : i32
      %dma_wait3A_196 = tpu.memref_slice %arg17[%add3A_137, %dma_wait3A] : memref<10240x64xf32, #tpu.memory_space<vmem_shared>> -> memref<16x64xf32, #tpu.memory_space<vmem_shared>>
      %dma_wait3A_197 = arith.constant 0 : i32
      %dma_wait3A_198 = tpu.memref_slice %arg17[%add3A_137, %dma_wait3A_197] : memref<10240x64xf32, #tpu.memory_space<vmem_shared>> -> memref<16x64xf32, #tpu.memory_space<vmem_shared>>
      tpu.wait_dma2 semaphore(%run_scoped3A : memref<!tpu.dma_semaphore, #tpu.memory_space<semaphore_mem>>) src(%arg16 : memref<16x64xf32, #tpu.memory_space<vmem>>) dst(%dma_wait3A_198 : memref<16x64xf32, #tpu.memory_space<vmem_shared>>)
      tpu.yield
    }) : () -> ()
    %mul3A_138 = arith.constant 640 : i32
    %mul3A_139 = arith.muli %arg1, %mul3A_138 : i32
    %add3A_140 = arith.constant 496 : i32
    %add3A_141 = arith.addi %mul3A_139, %add3A_140 : i32
    "tpu.region"() ({
      %run_scoped3A = tpu.sem_alloc : memref<!tpu.dma_semaphore, #tpu.memory_space<semaphore_mem>>
      %dma_start3A = arith.constant 0 : i32
      %dma_start3A_193 = tpu.memref_slice %arg17[%add3A_141, %dma_start3A] : memref<10240x64xf32, #tpu.memory_space<vmem_shared>> -> memref<16x64xf32, #tpu.memory_space<vmem_shared>>
      %dma_start3A_194 = arith.constant 0 : i32
      %dma_start3A_195 = tpu.memref_slice %arg17[%add3A_141, %dma_start3A_194] : memref<10240x64xf32, #tpu.memory_space<vmem_shared>> -> memref<16x64xf32, #tpu.memory_space<vmem_shared>>
      tpu.enqueue_dma source(%arg16 : memref<16x64xf32, #tpu.memory_space<vmem>>) target(%dma_start3A_195 : memref<16x64xf32, #tpu.memory_space<vmem_shared>>) target_semaphore(%run_scoped3A : memref<!tpu.dma_semaphore, #tpu.memory_space<semaphore_mem>>)
      %dma_wait3A = arith.constant 0 : i32
      %dma_wait3A_196 = tpu.memref_slice %arg17[%add3A_141, %dma_wait3A] : memref<10240x64xf32, #tpu.memory_space<vmem_shared>> -> memref<16x64xf32, #tpu.memory_space<vmem_shared>>
      %dma_wait3A_197 = arith.constant 0 : i32
      %dma_wait3A_198 = tpu.memref_slice %arg17[%add3A_141, %dma_wait3A_197] : memref<10240x64xf32, #tpu.memory_space<vmem_shared>> -> memref<16x64xf32, #tpu.memory_space<vmem_shared>>
      tpu.wait_dma2 semaphore(%run_scoped3A : memref<!tpu.dma_semaphore, #tpu.memory_space<semaphore_mem>>) src(%arg16 : memref<16x64xf32, #tpu.memory_space<vmem>>) dst(%dma_wait3A_198 : memref<16x64xf32, #tpu.memory_space<vmem_shared>>)
      tpu.yield
    }) : () -> ()
    %mul3A_142 = arith.constant 640 : i32
    %mul3A_143 = arith.muli %arg1, %mul3A_142 : i32
    %add3A_144 = arith.constant 512 : i32
    %add3A_145 = arith.addi %mul3A_143, %add3A_144 : i32
    "tpu.region"() ({
      %run_scoped3A = tpu.sem_alloc : memref<!tpu.dma_semaphore, #tpu.memory_space<semaphore_mem>>
      %dma_start3A = arith.constant 0 : i32
      %dma_start3A_193 = tpu.memref_slice %arg17[%add3A_145, %dma_start3A] : memref<10240x64xf32, #tpu.memory_space<vmem_shared>> -> memref<16x64xf32, #tpu.memory_space<vmem_shared>>
      %dma_start3A_194 = arith.constant 0 : i32
      %dma_start3A_195 = tpu.memref_slice %arg17[%add3A_145, %dma_start3A_194] : memref<10240x64xf32, #tpu.memory_space<vmem_shared>> -> memref<16x64xf32, #tpu.memory_space<vmem_shared>>
      tpu.enqueue_dma source(%arg16 : memref<16x64xf32, #tpu.memory_space<vmem>>) target(%dma_start3A_195 : memref<16x64xf32, #tpu.memory_space<vmem_shared>>) target_semaphore(%run_scoped3A : memref<!tpu.dma_semaphore, #tpu.memory_space<semaphore_mem>>)
      %dma_wait3A = arith.constant 0 : i32
      %dma_wait3A_196 = tpu.memref_slice %arg17[%add3A_145, %dma_wait3A] : memref<10240x64xf32, #tpu.memory_space<vmem_shared>> -> memref<16x64xf32, #tpu.memory_space<vmem_shared>>
      %dma_wait3A_197 = arith.constant 0 : i32
      %dma_wait3A_198 = tpu.memref_slice %arg17[%add3A_145, %dma_wait3A_197] : memref<10240x64xf32, #tpu.memory_space<vmem_shared>> -> memref<16x64xf32, #tpu.memory_space<vmem_shared>>
      tpu.wait_dma2 semaphore(%run_scoped3A : memref<!tpu.dma_semaphore, #tpu.memory_space<semaphore_mem>>) src(%arg16 : memref<16x64xf32, #tpu.memory_space<vmem>>) dst(%dma_wait3A_198 : memref<16x64xf32, #tpu.memory_space<vmem_shared>>)
      tpu.yield
    }) : () -> ()
    %mul3A_146 = arith.constant 640 : i32
    %mul3A_147 = arith.muli %arg1, %mul3A_146 : i32
    %add3A_148 = arith.constant 528 : i32
    %add3A_149 = arith.addi %mul3A_147, %add3A_148 : i32
    "tpu.region"() ({
      %run_scoped3A = tpu.sem_alloc : memref<!tpu.dma_semaphore, #tpu.memory_space<semaphore_mem>>
      %dma_start3A = arith.constant 0 : i32
      %dma_start3A_193 = tpu.memref_slice %arg17[%add3A_149, %dma_start3A] : memref<10240x64xf32, #tpu.memory_space<vmem_shared>> -> memref<16x64xf32, #tpu.memory_space<vmem_shared>>
      %dma_start3A_194 = arith.constant 0 : i32
      %dma_start3A_195 = tpu.memref_slice %arg17[%add3A_149, %dma_start3A_194] : memref<10240x64xf32, #tpu.memory_space<vmem_shared>> -> memref<16x64xf32, #tpu.memory_space<vmem_shared>>
      tpu.enqueue_dma source(%arg16 : memref<16x64xf32, #tpu.memory_space<vmem>>) target(%dma_start3A_195 : memref<16x64xf32, #tpu.memory_space<vmem_shared>>) target_semaphore(%run_scoped3A : memref<!tpu.dma_semaphore, #tpu.memory_space<semaphore_mem>>)
      %dma_wait3A = arith.constant 0 : i32
      %dma_wait3A_196 = tpu.memref_slice %arg17[%add3A_149, %dma_wait3A] : memref<10240x64xf32, #tpu.memory_space<vmem_shared>> -> memref<16x64xf32, #tpu.memory_space<vmem_shared>>
      %dma_wait3A_197 = arith.constant 0 : i32
      %dma_wait3A_198 = tpu.memref_slice %arg17[%add3A_149, %dma_wait3A_197] : memref<10240x64xf32, #tpu.memory_space<vmem_shared>> -> memref<16x64xf32, #tpu.memory_space<vmem_shared>>
      tpu.wait_dma2 semaphore(%run_scoped3A : memref<!tpu.dma_semaphore, #tpu.memory_space<semaphore_mem>>) src(%arg16 : memref<16x64xf32, #tpu.memory_space<vmem>>) dst(%dma_wait3A_198 : memref<16x64xf32, #tpu.memory_space<vmem_shared>>)
      tpu.yield
    }) : () -> ()
    %mul3A_150 = arith.constant 640 : i32
    %mul3A_151 = arith.muli %arg1, %mul3A_150 : i32
    %add3A_152 = arith.constant 544 : i32
    %add3A_153 = arith.addi %mul3A_151, %add3A_152 : i32
    "tpu.region"() ({
      %run_scoped3A = tpu.sem_alloc : memref<!tpu.dma_semaphore, #tpu.memory_space<semaphore_mem>>
      %dma_start3A = arith.constant 0 : i32
      %dma_start3A_193 = tpu.memref_slice %arg17[%add3A_153, %dma_start3A] : memref<10240x64xf32, #tpu.memory_space<vmem_shared>> -> memref<16x64xf32, #tpu.memory_space<vmem_shared>>
      %dma_start3A_194 = arith.constant 0 : i32
      %dma_start3A_195 = tpu.memref_slice %arg17[%add3A_153, %dma_start3A_194] : memref<10240x64xf32, #tpu.memory_space<vmem_shared>> -> memref<16x64xf32, #tpu.memory_space<vmem_shared>>
      tpu.enqueue_dma source(%arg16 : memref<16x64xf32, #tpu.memory_space<vmem>>) target(%dma_start3A_195 : memref<16x64xf32, #tpu.memory_space<vmem_shared>>) target_semaphore(%run_scoped3A : memref<!tpu.dma_semaphore, #tpu.memory_space<semaphore_mem>>)
      %dma_wait3A = arith.constant 0 : i32
      %dma_wait3A_196 = tpu.memref_slice %arg17[%add3A_153, %dma_wait3A] : memref<10240x64xf32, #tpu.memory_space<vmem_shared>> -> memref<16x64xf32, #tpu.memory_space<vmem_shared>>
      %dma_wait3A_197 = arith.constant 0 : i32
      %dma_wait3A_198 = tpu.memref_slice %arg17[%add3A_153, %dma_wait3A_197] : memref<10240x64xf32, #tpu.memory_space<vmem_shared>> -> memref<16x64xf32, #tpu.memory_space<vmem_shared>>
      tpu.wait_dma2 semaphore(%run_scoped3A : memref<!tpu.dma_semaphore, #tpu.memory_space<semaphore_mem>>) src(%arg16 : memref<16x64xf32, #tpu.memory_space<vmem>>) dst(%dma_wait3A_198 : memref<16x64xf32, #tpu.memory_space<vmem_shared>>)
      tpu.yield
    }) : () -> ()
    %mul3A_154 = arith.constant 640 : i32
    %mul3A_155 = arith.muli %arg1, %mul3A_154 : i32
    %add3A_156 = arith.constant 560 : i32
    %add3A_157 = arith.addi %mul3A_155, %add3A_156 : i32
    "tpu.region"() ({
      %run_scoped3A = tpu.sem_alloc : memref<!tpu.dma_semaphore, #tpu.memory_space<semaphore_mem>>
      %dma_start3A = arith.constant 0 : i32
      %dma_start3A_193 = tpu.memref_slice %arg17[%add3A_157, %dma_start3A] : memref<10240x64xf32, #tpu.memory_space<vmem_shared>> -> memref<16x64xf32, #tpu.memory_space<vmem_shared>>
      %dma_start3A_194 = arith.constant 0 : i32
      %dma_start3A_195 = tpu.memref_slice %arg17[%add3A_157, %dma_start3A_194] : memref<10240x64xf32, #tpu.memory_space<vmem_shared>> -> memref<16x64xf32, #tpu.memory_space<vmem_shared>>
      tpu.enqueue_dma source(%arg16 : memref<16x64xf32, #tpu.memory_space<vmem>>) target(%dma_start3A_195 : memref<16x64xf32, #tpu.memory_space<vmem_shared>>) target_semaphore(%run_scoped3A : memref<!tpu.dma_semaphore, #tpu.memory_space<semaphore_mem>>)
      %dma_wait3A = arith.constant 0 : i32
      %dma_wait3A_196 = tpu.memref_slice %arg17[%add3A_157, %dma_wait3A] : memref<10240x64xf32, #tpu.memory_space<vmem_shared>> -> memref<16x64xf32, #tpu.memory_space<vmem_shared>>
      %dma_wait3A_197 = arith.constant 0 : i32
      %dma_wait3A_198 = tpu.memref_slice %arg17[%add3A_157, %dma_wait3A_197] : memref<10240x64xf32, #tpu.memory_space<vmem_shared>> -> memref<16x64xf32, #tpu.memory_space<vmem_shared>>
      tpu.wait_dma2 semaphore(%run_scoped3A : memref<!tpu.dma_semaphore, #tpu.memory_space<semaphore_mem>>) src(%arg16 : memref<16x64xf32, #tpu.memory_space<vmem>>) dst(%dma_wait3A_198 : memref<16x64xf32, #tpu.memory_space<vmem_shared>>)
      tpu.yield
    }) : () -> ()
    %mul3A_158 = arith.constant 640 : i32
    %mul3A_159 = arith.muli %arg1, %mul3A_158 : i32
    %add3A_160 = arith.constant 576 : i32
    %add3A_161 = arith.addi %mul3A_159, %add3A_160 : i32
    "tpu.region"() ({
      %run_scoped3A = tpu.sem_alloc : memref<!tpu.dma_semaphore, #tpu.memory_space<semaphore_mem>>
      %dma_start3A = arith.constant 0 : i32
      %dma_start3A_193 = tpu.memref_slice %arg17[%add3A_161, %dma_start3A] : memref<10240x64xf32, #tpu.memory_space<vmem_shared>> -> memref<16x64xf32, #tpu.memory_space<vmem_shared>>
      %dma_start3A_194 = arith.constant 0 : i32
      %dma_start3A_195 = tpu.memref_slice %arg17[%add3A_161, %dma_start3A_194] : memref<10240x64xf32, #tpu.memory_space<vmem_shared>> -> memref<16x64xf32, #tpu.memory_space<vmem_shared>>
      tpu.enqueue_dma source(%arg16 : memref<16x64xf32, #tpu.memory_space<vmem>>) target(%dma_start3A_195 : memref<16x64xf32, #tpu.memory_space<vmem_shared>>) target_semaphore(%run_scoped3A : memref<!tpu.dma_semaphore, #tpu.memory_space<semaphore_mem>>)
      %dma_wait3A = arith.constant 0 : i32
      %dma_wait3A_196 = tpu.memref_slice %arg17[%add3A_161, %dma_wait3A] : memref<10240x64xf32, #tpu.memory_space<vmem_shared>> -> memref<16x64xf32, #tpu.memory_space<vmem_shared>>
      %dma_wait3A_197 = arith.constant 0 : i32
      %dma_wait3A_198 = tpu.memref_slice %arg17[%add3A_161, %dma_wait3A_197] : memref<10240x64xf32, #tpu.memory_space<vmem_shared>> -> memref<16x64xf32, #tpu.memory_space<vmem_shared>>
      tpu.wait_dma2 semaphore(%run_scoped3A : memref<!tpu.dma_semaphore, #tpu.memory_space<semaphore_mem>>) src(%arg16 : memref<16x64xf32, #tpu.memory_space<vmem>>) dst(%dma_wait3A_198 : memref<16x64xf32, #tpu.memory_space<vmem_shared>>)
      tpu.yield
    }) : () -> ()
    %mul3A_162 = arith.constant 640 : i32
    %mul3A_163 = arith.muli %arg1, %mul3A_162 : i32
    %add3A_164 = arith.constant 592 : i32
    %add3A_165 = arith.addi %mul3A_163, %add3A_164 : i32
    "tpu.region"() ({
      %run_scoped3A = tpu.sem_alloc : memref<!tpu.dma_semaphore, #tpu.memory_space<semaphore_mem>>
      %dma_start3A = arith.constant 0 : i32
      %dma_start3A_193 = tpu.memref_slice %arg17[%add3A_165, %dma_start3A] : memref<10240x64xf32, #tpu.memory_space<vmem_shared>> -> memref<16x64xf32, #tpu.memory_space<vmem_shared>>
      %dma_start3A_194 = arith.constant 0 : i32
      %dma_start3A_195 = tpu.memref_slice %arg17[%add3A_165, %dma_start3A_194] : memref<10240x64xf32, #tpu.memory_space<vmem_shared>> -> memref<16x64xf32, #tpu.memory_space<vmem_shared>>
      tpu.enqueue_dma source(%arg16 : memref<16x64xf32, #tpu.memory_space<vmem>>) target(%dma_start3A_195 : memref<16x64xf32, #tpu.memory_space<vmem_shared>>) target_semaphore(%run_scoped3A : memref<!tpu.dma_semaphore, #tpu.memory_space<semaphore_mem>>)
      %dma_wait3A = arith.constant 0 : i32
      %dma_wait3A_196 = tpu.memref_slice %arg17[%add3A_165, %dma_wait3A] : memref<10240x64xf32, #tpu.memory_space<vmem_shared>> -> memref<16x64xf32, #tpu.memory_space<vmem_shared>>
      %dma_wait3A_197 = arith.constant 0 : i32
      %dma_wait3A_198 = tpu.memref_slice %arg17[%add3A_165, %dma_wait3A_197] : memref<10240x64xf32, #tpu.memory_space<vmem_shared>> -> memref<16x64xf32, #tpu.memory_space<vmem_shared>>
      tpu.wait_dma2 semaphore(%run_scoped3A : memref<!tpu.dma_semaphore, #tpu.memory_space<semaphore_mem>>) src(%arg16 : memref<16x64xf32, #tpu.memory_space<vmem>>) dst(%dma_wait3A_198 : memref<16x64xf32, #tpu.memory_space<vmem_shared>>)
      tpu.yield
    }) : () -> ()
    %mul3A_166 = arith.constant 640 : i32
    %mul3A_167 = arith.muli %arg1, %mul3A_166 : i32
    %add3A_168 = arith.constant 608 : i32
    %add3A_169 = arith.addi %mul3A_167, %add3A_168 : i32
    "tpu.region"() ({
      %run_scoped3A = tpu.sem_alloc : memref<!tpu.dma_semaphore, #tpu.memory_space<semaphore_mem>>
      %dma_start3A = arith.constant 0 : i32
      %dma_start3A_193 = tpu.memref_slice %arg17[%add3A_169, %dma_start3A] : memref<10240x64xf32, #tpu.memory_space<vmem_shared>> -> memref<16x64xf32, #tpu.memory_space<vmem_shared>>
      %dma_start3A_194 = arith.constant 0 : i32
      %dma_start3A_195 = tpu.memref_slice %arg17[%add3A_169, %dma_start3A_194] : memref<10240x64xf32, #tpu.memory_space<vmem_shared>> -> memref<16x64xf32, #tpu.memory_space<vmem_shared>>
      tpu.enqueue_dma source(%arg16 : memref<16x64xf32, #tpu.memory_space<vmem>>) target(%dma_start3A_195 : memref<16x64xf32, #tpu.memory_space<vmem_shared>>) target_semaphore(%run_scoped3A : memref<!tpu.dma_semaphore, #tpu.memory_space<semaphore_mem>>)
      %dma_wait3A = arith.constant 0 : i32
      %dma_wait3A_196 = tpu.memref_slice %arg17[%add3A_169, %dma_wait3A] : memref<10240x64xf32, #tpu.memory_space<vmem_shared>> -> memref<16x64xf32, #tpu.memory_space<vmem_shared>>
      %dma_wait3A_197 = arith.constant 0 : i32
      %dma_wait3A_198 = tpu.memref_slice %arg17[%add3A_169, %dma_wait3A_197] : memref<10240x64xf32, #tpu.memory_space<vmem_shared>> -> memref<16x64xf32, #tpu.memory_space<vmem_shared>>
      tpu.wait_dma2 semaphore(%run_scoped3A : memref<!tpu.dma_semaphore, #tpu.memory_space<semaphore_mem>>) src(%arg16 : memref<16x64xf32, #tpu.memory_space<vmem>>) dst(%dma_wait3A_198 : memref<16x64xf32, #tpu.memory_space<vmem_shared>>)
      tpu.yield
    }) : () -> ()
    %mul3A_170 = arith.constant 640 : i32
    %mul3A_171 = arith.muli %arg1, %mul3A_170 : i32
    %add3A_172 = arith.constant 624 : i32
    %add3A_173 = arith.addi %mul3A_171, %add3A_172 : i32
    "tpu.region"() ({
      %run_scoped3A = tpu.sem_alloc : memref<!tpu.dma_semaphore, #tpu.memory_space<semaphore_mem>>
      %dma_start3A = arith.constant 0 : i32
      %dma_start3A_193 = tpu.memref_slice %arg17[%add3A_173, %dma_start3A] : memref<10240x64xf32, #tpu.memory_space<vmem_shared>> -> memref<16x64xf32, #tpu.memory_space<vmem_shared>>
      %dma_start3A_194 = arith.constant 0 : i32
      %dma_start3A_195 = tpu.memref_slice %arg17[%add3A_173, %dma_start3A_194] : memref<10240x64xf32, #tpu.memory_space<vmem_shared>> -> memref<16x64xf32, #tpu.memory_space<vmem_shared>>
      tpu.enqueue_dma source(%arg16 : memref<16x64xf32, #tpu.memory_space<vmem>>) target(%dma_start3A_195 : memref<16x64xf32, #tpu.memory_space<vmem_shared>>) target_semaphore(%run_scoped3A : memref<!tpu.dma_semaphore, #tpu.memory_space<semaphore_mem>>)
      %dma_wait3A = arith.constant 0 : i32
      %dma_wait3A_196 = tpu.memref_slice %arg17[%add3A_173, %dma_wait3A] : memref<10240x64xf32, #tpu.memory_space<vmem_shared>> -> memref<16x64xf32, #tpu.memory_space<vmem_shared>>
      %dma_wait3A_197 = arith.constant 0 : i32
      %dma_wait3A_198 = tpu.memref_slice %arg17[%add3A_173, %dma_wait3A_197] : memref<10240x64xf32, #tpu.memory_space<vmem_shared>> -> memref<16x64xf32, #tpu.memory_space<vmem_shared>>
      tpu.wait_dma2 semaphore(%run_scoped3A : memref<!tpu.dma_semaphore, #tpu.memory_space<semaphore_mem>>) src(%arg16 : memref<16x64xf32, #tpu.memory_space<vmem>>) dst(%dma_wait3A_198 : memref<16x64xf32, #tpu.memory_space<vmem_shared>>)
      tpu.yield
    }) : () -> ()
    %barrier3A = arith.constant 0 : index
    tpu.barrier barrier_id(%barrier3A)
    %mul3A_174 = arith.constant 10368 : i32
    %mul3A_175 = arith.muli %add3A, %mul3A_174 : i32
    %scan3A_176 = arith.constant 0 : i32
    %scan3A_177 = arith.constant 0 : i32
    %scan3A_178 = arith.constant 9 : i32
    %scan3A_179 = arith.addi %scan3A_177, %scan3A_178 : i32
    %scan3A_180 = arith.constant 1 : i32
    %scan3A_181 = scf.for %scan3A_193 = %scan3A_177 to %scan3A_179 step %scan3A_180 iter_args(%scan3A_194 = %scan3A_176) -> (i32)  : i32 {
      %mul3A_195 = arith.constant 648 : i32
      %mul3A_196 = arith.muli %add3A, %mul3A_195 : i32
      %mul3A_197 = arith.constant 72 : i32
      %mul3A_198 = arith.muli %scan3A_193, %mul3A_197 : i32
      %add3A_199 = arith.addi %mul3A_196, %mul3A_198 : i32
      "tpu.region"() ({
        %run_scoped3A = tpu.sem_alloc : memref<!tpu.dma_semaphore, #tpu.memory_space<semaphore_mem>>
        %dma_start3A = arith.constant 0 : i32
        %dma_start3A_220 = tpu.memref_slice %arg2[%add3A_199, %dma_start3A] : memref<20736x16xi32, #tpu.memory_space<hbm>> -> memref<72x16xi32, #tpu.memory_space<hbm>>
        %dma_start3A_221 = arith.constant 0 : i32
        %dma_start3A_222 = tpu.memref_slice %arg2[%add3A_199, %dma_start3A_221] : memref<20736x16xi32, #tpu.memory_space<hbm>> -> memref<72x16xi32, #tpu.memory_space<hbm>>
        tpu.enqueue_dma source(%dma_start3A_222 : memref<72x16xi32, #tpu.memory_space<hbm>>) target(%arg11 : memref<72x16xi32, #tpu.memory_space<vmem>>) target_semaphore(%run_scoped3A : memref<!tpu.dma_semaphore, #tpu.memory_space<semaphore_mem>>)
        %dma_wait3A = arith.constant 0 : i32
        %dma_wait3A_223 = tpu.memref_slice %arg2[%add3A_199, %dma_wait3A] : memref<20736x16xi32, #tpu.memory_space<hbm>> -> memref<72x16xi32, #tpu.memory_space<hbm>>
        %dma_wait3A_224 = arith.constant 0 : i32
        %dma_wait3A_225 = tpu.memref_slice %arg2[%add3A_199, %dma_wait3A_224] : memref<20736x16xi32, #tpu.memory_space<hbm>> -> memref<72x16xi32, #tpu.memory_space<hbm>>
        tpu.wait_dma2 semaphore(%run_scoped3A : memref<!tpu.dma_semaphore, #tpu.memory_space<semaphore_mem>>) src(%dma_wait3A_225 : memref<72x16xi32, #tpu.memory_space<hbm>>) dst(%arg11 : memref<72x16xi32, #tpu.memory_space<vmem>>)
        tpu.yield
      }) : () -> ()
      %mul3A_200 = arith.constant 648 : i32
      %mul3A_201 = arith.muli %add3A, %mul3A_200 : i32
      %mul3A_202 = arith.constant 72 : i32
      %mul3A_203 = arith.muli %scan3A_193, %mul3A_202 : i32
      %add3A_204 = arith.addi %mul3A_201, %mul3A_203 : i32
      "tpu.region"() ({
        %run_scoped3A = tpu.sem_alloc : memref<!tpu.dma_semaphore, #tpu.memory_space<semaphore_mem>>
        %dma_start3A = arith.constant 0 : i32
        %dma_start3A_220 = tpu.memref_slice %arg3[%add3A_204, %dma_start3A] : memref<20736x16xi32, #tpu.memory_space<hbm>> -> memref<72x16xi32, #tpu.memory_space<hbm>>
        %dma_start3A_221 = arith.constant 0 : i32
        %dma_start3A_222 = tpu.memref_slice %arg3[%add3A_204, %dma_start3A_221] : memref<20736x16xi32, #tpu.memory_space<hbm>> -> memref<72x16xi32, #tpu.memory_space<hbm>>
        tpu.enqueue_dma source(%dma_start3A_222 : memref<72x16xi32, #tpu.memory_space<hbm>>) target(%arg12 : memref<72x16xi32, #tpu.memory_space<vmem>>) target_semaphore(%run_scoped3A : memref<!tpu.dma_semaphore, #tpu.memory_space<semaphore_mem>>)
        %dma_wait3A = arith.constant 0 : i32
        %dma_wait3A_223 = tpu.memref_slice %arg3[%add3A_204, %dma_wait3A] : memref<20736x16xi32, #tpu.memory_space<hbm>> -> memref<72x16xi32, #tpu.memory_space<hbm>>
        %dma_wait3A_224 = arith.constant 0 : i32
        %dma_wait3A_225 = tpu.memref_slice %arg3[%add3A_204, %dma_wait3A_224] : memref<20736x16xi32, #tpu.memory_space<hbm>> -> memref<72x16xi32, #tpu.memory_space<hbm>>
        tpu.wait_dma2 semaphore(%run_scoped3A : memref<!tpu.dma_semaphore, #tpu.memory_space<semaphore_mem>>) src(%dma_wait3A_225 : memref<72x16xi32, #tpu.memory_space<hbm>>) dst(%arg12 : memref<72x16xi32, #tpu.memory_space<vmem>>)
        tpu.yield
      }) : () -> ()
      %scan3A_205 = arith.constant 0 : i32
      %scan3A_206 = arith.constant 0 : i32
      %scan3A_207 = arith.constant 72 : i32
      %scan3A_208 = arith.addi %scan3A_206, %scan3A_207 : i32
      %scan3A_209 = arith.constant 1 : i32
      %scan3A_210 = scf.for %scan3A_220 = %scan3A_206 to %scan3A_208 step %scan3A_209 iter_args(%scan3A_221 = %scan3A_205) -> (i32)  : i32 {
        %get3A = arith.index_cast %scan3A_220 : i32 to index
        %get3A_222 = arith.constant 0 : index
        %get3A_223 = tpu.vector_load %arg11[%get3A, %get3A_222] {strides = array<i32>} : memref<72x16xi32, #tpu.memory_space<vmem>>, vector<16xi32>,
        %get3A_224 = arith.index_cast %scan3A_220 : i32 to index
        %get3A_225 = arith.constant 0 : index
        %get3A_226 = tpu.vector_load %arg12[%get3A_224, %get3A_225] {strides = array<i32>} : memref<72x16xi32, #tpu.memory_space<vmem>>, vector<16xi32>,
        %gather3A = tpu.vector_load_idx %arg9[%get3A_223] : memref<10000xf32, #tpu.memory_space<vmem>>[vector<16xi32>], vector<16xf32>,
        %gather3A_227 = tpu.vector_load_idx %arg10[%get3A_226] : memref<10000xf32, #tpu.memory_space<vmem>>[vector<16xi32>], vector<16xf32>,
        %add3A_228 = arith.addf %gather3A, %gather3A_227 : vector<16xf32>
        %ge3A = arith.constant 0.000000e+00 : f32
        %ge3A_229 = vector.broadcast %ge3A : f32 to vector<16xf32>
        %ge3A_230 = arith.cmpf oge, %add3A_228, %ge3A_229 : vector<16xf32>
        %mul3A_231 = arith.constant 2.000000e-01 : f32
        %mul3A_232 = vector.broadcast %mul3A_231 : f32 to vector<16xf32>
        %mul3A_233 = arith.mulf %mul3A_232, %add3A_228 : vector<16xf32>
        %select_n3A = arith.select %ge3A_230, %add3A_228, %mul3A_233 : vector<16xi1>, vector<16xf32>
        %exp3A = math.exp %select_n3A : vector<16xf32>
        %mul3A_234 = arith.constant 72 : i32
        %mul3A_235 = arith.muli %scan3A_193, %mul3A_234 : i32
        %add3A_236 = arith.addi %mul3A_235, %scan3A_220 : i32
        %mul3A_237 = arith.constant 16 : i32
        %mul3A_238 = arith.muli %add3A_236, %mul3A_237 : i32
        %add3A_239 = arith.addi %mul3A_175, %mul3A_238 : i32
        %iota3A = tpu.iota {dimensions = array<i32: 0>} : vector<16xi32>
        %add3A_240 = vector.broadcast %add3A_239 : i32 to vector<16xi32>
        %add3A_241 = arith.addi %add3A_240, %iota3A : vector<16xi32>
        %lt3A = arith.constant 330000 : i32
        %lt3A_242 = vector.broadcast %lt3A : i32 to vector<16xi32>
        %lt3A_243 = arith.cmpi slt, %add3A_241, %lt3A_242 : vector<16xi32>
        %jit3A = arith.constant 0.000000e+00 : f32
        %broadcast_in_dim3A = vector.broadcast %jit3A : f32 to vector<16xf32>
        %select_n3A_244 = arith.select %lt3A_243, %exp3A, %broadcast_in_dim3A : vector<16xi1>, vector<16xf32>
        %mul3A_245 = arith.constant 16 : i32
        %mul3A_246 = arith.muli %scan3A_220, %mul3A_245 : i32
        %swap3A = arith.index_cast %mul3A_246 : i32 to index
        %swap3A_247 = tpu.vector_load %arg13[%swap3A] {strides = array<i32>} : memref<1152xf32, #tpu.memory_space<vmem>>, vector<16xf32>,
        tpu.vector_store %arg13[%swap3A], %select_n3A_244 {strides = array<i32>} : memref<1152xf32, #tpu.memory_space<vmem>>, vector<16xf32>,
        tpu.vector_store_idx %arg14[%get3A_226], %select_n3A_244 {add = true} : memref<10000xf32, #tpu.memory_space<vmem>>[vector<16xi32>], vector<16xf32>,
        %scan3A_248 = arith.constant 0 : i32
        scf.yield %scan3A_248 : i32
      }
      %scan3A_211 = arith.constant 72 : i32
      %scan3A_212 = arith.constant 0 : i32
      %scan3A_213 = arith.constant 0 : i32
      %scan3A_214 = arith.constant 72 : i32
      %scan3A_215 = arith.addi %scan3A_213, %scan3A_214 : i32
      %scan3A_216 = arith.constant 1 : i32
      %scan3A_217 = scf.for %scan3A_220 = %scan3A_213 to %scan3A_215 step %scan3A_216 iter_args(%scan3A_221 = %scan3A_212) -> (i32)  : i32 {
        %dma_start3A = arith.constant 0 : i32
        %dma_start3A_222 = tpu.memref_slice %arg11[%scan3A_220, %dma_start3A] : memref<72x16xi32, #tpu.memory_space<vmem>> -> memref<1x16xi32, #tpu.memory_space<vmem>>
        %dma_start3A_223 = tpu.memref_squeeze %dma_start3A_222 : memref<1x16xi32, #tpu.memory_space<vmem>> -> memref<16xi32, #tpu.memory_space<vmem>>
        %dma_start3A_224 = arith.constant 0 : i32
        %dma_start3A_225 = arith.constant 0 : i32
        %dma_start3A_226 = tpu.memref_slice %arg6[%dma_start3A_224, %dma_start3A_225] : memref<10000x64xf32, #tpu.memory_space<hbm>> -> memref<10000x64xf32, #tpu.memory_space<hbm>>
        tpu.enqueue_indirect_dma source(%dma_start3A_226 : memref<10000x64xf32, #tpu.memory_space<hbm>>) target(%arg15 : memref<16x64xf32, #tpu.memory_space<vmem>>) offsets(%dma_start3A_223 : memref<16xi32, #tpu.memory_space<vmem>>) semaphore(%arg18 : memref<!tpu.dma_semaphore, #tpu.memory_space<semaphore_mem>>)
        %dma_wait3A = arith.constant 0 : i32
        %dma_wait3A_227 = tpu.memref_slice %arg11[%scan3A_220, %dma_wait3A] : memref<72x16xi32, #tpu.memory_space<vmem>> -> memref<1x16xi32, #tpu.memory_space<vmem>>
        %dma_wait3A_228 = tpu.memref_squeeze %dma_wait3A_227 : memref<1x16xi32, #tpu.memory_space<vmem>> -> memref<16xi32, #tpu.memory_space<vmem>>
        %dma_wait3A_229 = arith.constant 0 : i32
        %dma_wait3A_230 = arith.constant 0 : i32
        %dma_wait3A_231 = tpu.memref_slice %arg6[%dma_wait3A_229, %dma_wait3A_230] : memref<10000x64xf32, #tpu.memory_space<hbm>> -> memref<10000x64xf32, #tpu.memory_space<hbm>>
        tpu.wait_indirect_dma semaphore(%arg18 : memref<!tpu.dma_semaphore, #tpu.memory_space<semaphore_mem>>) src(%dma_wait3A_231 : memref<10000x64xf32, #tpu.memory_space<hbm>>) dst(%arg15 : memref<16x64xf32, #tpu.memory_space<vmem>>)
        %mul3A_232 = arith.constant 16 : i32
        %mul3A_233 = arith.muli %scan3A_220, %mul3A_232 : i32
        %add3A_234 = arith.constant 0 : i32
        %add3A_235 = arith.addi %mul3A_233, %add3A_234 : i32
        %broadcast_in_dim3A = arith.constant 0 : i32
        %broadcast_in_dim3A_236 = vector.broadcast %broadcast_in_dim3A : i32 to vector<16xi32>
        %add3A_237 = vector.broadcast %add3A_235 : i32 to vector<16xi32>
        %add3A_238 = arith.addi %add3A_237, %broadcast_in_dim3A_236 : vector<16xi32>
        %gather3A = tpu.vector_load_idx %arg13[%add3A_238] : memref<1152xf32, #tpu.memory_space<vmem>>[vector<16xi32>], vector<16xf32>,
        %get3A = arith.constant 0 : i32
        %get3A_239 = arith.index_cast %get3A : i32 to index
        %get3A_240 = arith.constant 0 : index
        %get3A_241 = tpu.vector_load %arg15[%get3A_239, %get3A_240] {strides = array<i32>} : memref<16x64xf32, #tpu.memory_space<vmem>>, vector<16xf32>,
        %mul3A_242 = arith.mulf %get3A_241, %gather3A : vector<16xf32>
        %swap3A = arith.constant 0 : i32
        %swap3A_243 = arith.index_cast %swap3A : i32 to index
        %swap3A_244 = arith.constant 0 : index
        %swap3A_245 = tpu.vector_load %arg15[%swap3A_243, %swap3A_244] {strides = array<i32>} : memref<16x64xf32, #tpu.memory_space<vmem>>, vector<16xf32>,
        tpu.vector_store %arg15[%swap3A_243, %swap3A_244], %mul3A_242 {strides = array<i32>} : memref<16x64xf32, #tpu.memory_space<vmem>>, vector<16xf32>,
        %get3A_246 = arith.constant 0 : i32
        %get3A_247 = arith.index_cast %get3A_246 : i32 to index
        %get3A_248 = arith.constant 16 : index
        %get3A_249 = tpu.vector_load %arg15[%get3A_247, %get3A_248] {strides = array<i32>} : memref<16x64xf32, #tpu.memory_space<vmem>>, vector<16xf32>,
        %mul3A_250 = arith.mulf %get3A_249, %gather3A : vector<16xf32>
        %swap3A_251 = arith.constant 0 : i32
        %swap3A_252 = arith.index_cast %swap3A_251 : i32 to index
        %swap3A_253 = arith.constant 16 : index
        %swap3A_254 = tpu.vector_load %arg15[%swap3A_252, %swap3A_253] {strides = array<i32>} : memref<16x64xf32, #tpu.memory_space<vmem>>, vector<16xf32>,
        tpu.vector_store %arg15[%swap3A_252, %swap3A_253], %mul3A_250 {strides = array<i32>} : memref<16x64xf32, #tpu.memory_space<vmem>>, vector<16xf32>,
        %get3A_255 = arith.constant 0 : i32
        %get3A_256 = arith.index_cast %get3A_255 : i32 to index
        %get3A_257 = arith.constant 32 : index
        %get3A_258 = tpu.vector_load %arg15[%get3A_256, %get3A_257] {strides = array<i32>} : memref<16x64xf32, #tpu.memory_space<vmem>>, vector<16xf32>,
        %mul3A_259 = arith.mulf %get3A_258, %gather3A : vector<16xf32>
        %swap3A_260 = arith.constant 0 : i32
        %swap3A_261 = arith.index_cast %swap3A_260 : i32 to index
        %swap3A_262 = arith.constant 32 : index
        %swap3A_263 = tpu.vector_load %arg15[%swap3A_261, %swap3A_262] {strides = array<i32>} : memref<16x64xf32, #tpu.memory_space<vmem>>, vector<16xf32>,
        tpu.vector_store %arg15[%swap3A_261, %swap3A_262], %mul3A_259 {strides = array<i32>} : memref<16x64xf32, #tpu.memory_space<vmem>>, vector<16xf32>,
        %get3A_264 = arith.constant 0 : i32
        %get3A_265 = arith.index_cast %get3A_264 : i32 to index
        %get3A_266 = arith.constant 48 : index
        %get3A_267 = tpu.vector_load %arg15[%get3A_265, %get3A_266] {strides = array<i32>} : memref<16x64xf32, #tpu.memory_space<vmem>>, vector<16xf32>,
        %mul3A_268 = arith.mulf %get3A_267, %gather3A : vector<16xf32>
        %swap3A_269 = arith.constant 0 : i32
        %swap3A_270 = arith.index_cast %swap3A_269 : i32 to index
        %swap3A_271 = arith.constant 48 : index
        %swap3A_272 = tpu.vector_load %arg15[%swap3A_270, %swap3A_271] {strides = array<i32>} : memref<16x64xf32, #tpu.memory_space<vmem>>, vector<16xf32>,
        tpu.vector_store %arg15[%swap3A_270, %swap3A_271], %mul3A_268 {strides = array<i32>} : memref<16x64xf32, #tpu.memory_space<vmem>>, vector<16xf32>,
        %mul3A_273 = arith.constant 16 : i32
        %mul3A_274 = arith.muli %scan3A_220, %mul3A_273 : i32
        %add3A_275 = arith.constant 1 : i32
        %add3A_276 = arith.addi %mul3A_274, %add3A_275 : i32
        %broadcast_in_dim3A_277 = arith.constant 0 : i32
        %broadcast_in_dim3A_278 = vector.broadcast %broadcast_in_dim3A_277 : i32 to vector<16xi32>
        %add3A_279 = vector.broadcast %add3A_276 : i32 to vector<16xi32>
        %add3A_280 = arith.addi %add3A_279, %broadcast_in_dim3A_278 : vector<16xi32>
        %gather3A_281 = tpu.vector_load_idx %arg13[%add3A_280] : memref<1152xf32, #tpu.memory_space<vmem>>[vector<16xi32>], vector<16xf32>,
        %get3A_282 = arith.constant 1 : i32
        %get3A_283 = arith.index_cast %get3A_282 : i32 to index
        %get3A_284 = arith.constant 0 : index
        %get3A_285 = tpu.vector_load %arg15[%get3A_283, %get3A_284] {strides = array<i32>} : memref<16x64xf32, #tpu.memory_space<vmem>>, vector<16xf32>,
        %mul3A_286 = arith.mulf %get3A_285, %gather3A_281 : vector<16xf32>
        %swap3A_287 = arith.constant 1 : i32
        %swap3A_288 = arith.index_cast %swap3A_287 : i32 to index
        %swap3A_289 = arith.constant 0 : index
        %swap3A_290 = tpu.vector_load %arg15[%swap3A_288, %swap3A_289] {strides = array<i32>} : memref<16x64xf32, #tpu.memory_space<vmem>>, vector<16xf32>,
        tpu.vector_store %arg15[%swap3A_288, %swap3A_289], %mul3A_286 {strides = array<i32>} : memref<16x64xf32, #tpu.memory_space<vmem>>, vector<16xf32>,
        %get3A_291 = arith.constant 1 : i32
        %get3A_292 = arith.index_cast %get3A_291 : i32 to index
        %get3A_293 = arith.constant 16 : index
        %get3A_294 = tpu.vector_load %arg15[%get3A_292, %get3A_293] {strides = array<i32>} : memref<16x64xf32, #tpu.memory_space<vmem>>, vector<16xf32>,
        %mul3A_295 = arith.mulf %get3A_294, %gather3A_281 : vector<16xf32>
        %swap3A_296 = arith.constant 1 : i32
        %swap3A_297 = arith.index_cast %swap3A_296 : i32 to index
        %swap3A_298 = arith.constant 16 : index
        %swap3A_299 = tpu.vector_load %arg15[%swap3A_297, %swap3A_298] {strides = array<i32>} : memref<16x64xf32, #tpu.memory_space<vmem>>, vector<16xf32>,
        tpu.vector_store %arg15[%swap3A_297, %swap3A_298], %mul3A_295 {strides = array<i32>} : memref<16x64xf32, #tpu.memory_space<vmem>>, vector<16xf32>,
        %get3A_300 = arith.constant 1 : i32
        %get3A_301 = arith.index_cast %get3A_300 : i32 to index
        %get3A_302 = arith.constant 32 : index
        %get3A_303 = tpu.vector_load %arg15[%get3A_301, %get3A_302] {strides = array<i32>} : memref<16x64xf32, #tpu.memory_space<vmem>>, vector<16xf32>,
        %mul3A_304 = arith.mulf %get3A_303, %gather3A_281 : vector<16xf32>
        %swap3A_305 = arith.constant 1 : i32
        %swap3A_306 = arith.index_cast %swap3A_305 : i32 to index
        %swap3A_307 = arith.constant 32 : index
        %swap3A_308 = tpu.vector_load %arg15[%swap3A_306, %swap3A_307] {strides = array<i32>} : memref<16x64xf32, #tpu.memory_space<vmem>>, vector<16xf32>,
        tpu.vector_store %arg15[%swap3A_306, %swap3A_307], %mul3A_304 {strides = array<i32>} : memref<16x64xf32, #tpu.memory_space<vmem>>, vector<16xf32>,
        %get3A_309 = arith.constant 1 : i32
        %get3A_310 = arith.index_cast %get3A_309 : i32 to index
        %get3A_311 = arith.constant 48 : index
        %get3A_312 = tpu.vector_load %arg15[%get3A_310, %get3A_311] {strides = array<i32>} : memref<16x64xf32, #tpu.memory_space<vmem>>, vector<16xf32>,
        %mul3A_313 = arith.mulf %get3A_312, %gather3A_281 : vector<16xf32>
        %swap3A_314 = arith.constant 1 : i32
        %swap3A_315 = arith.index_cast %swap3A_314 : i32 to index
        %swap3A_316 = arith.constant 48 : index
        %swap3A_317 = tpu.vector_load %arg15[%swap3A_315, %swap3A_316] {strides = array<i32>} : memref<16x64xf32, #tpu.memory_space<vmem>>, vector<16xf32>,
        tpu.vector_store %arg15[%swap3A_315, %swap3A_316], %mul3A_313 {strides = array<i32>} : memref<16x64xf32, #tpu.memory_space<vmem>>, vector<16xf32>,
        %mul3A_318 = arith.constant 16 : i32
        %mul3A_319 = arith.muli %scan3A_220, %mul3A_318 : i32
        %add3A_320 = arith.constant 2 : i32
        %add3A_321 = arith.addi %mul3A_319, %add3A_320 : i32
        %broadcast_in_dim3A_322 = arith.constant 0 : i32
        %broadcast_in_dim3A_323 = vector.broadcast %broadcast_in_dim3A_322 : i32 to vector<16xi32>
        %add3A_324 = vector.broadcast %add3A_321 : i32 to vector<16xi32>
        %add3A_325 = arith.addi %add3A_324, %broadcast_in_dim3A_323 : vector<16xi32>
        %gather3A_326 = tpu.vector_load_idx %arg13[%add3A_325] : memref<1152xf32, #tpu.memory_space<vmem>>[vector<16xi32>], vector<16xf32>,
        %get3A_327 = arith.constant 2 : i32
        %get3A_328 = arith.index_cast %get3A_327 : i32 to index
        %get3A_329 = arith.constant 0 : index
        %get3A_330 = tpu.vector_load %arg15[%get3A_328, %get3A_329] {strides = array<i32>} : memref<16x64xf32, #tpu.memory_space<vmem>>, vector<16xf32>,
        %mul3A_331 = arith.mulf %get3A_330, %gather3A_326 : vector<16xf32>
        %swap3A_332 = arith.constant 2 : i32
        %swap3A_333 = arith.index_cast %swap3A_332 : i32 to index
        %swap3A_334 = arith.constant 0 : index
        %swap3A_335 = tpu.vector_load %arg15[%swap3A_333, %swap3A_334] {strides = array<i32>} : memref<16x64xf32, #tpu.memory_space<vmem>>, vector<16xf32>,
        tpu.vector_store %arg15[%swap3A_333, %swap3A_334], %mul3A_331 {strides = array<i32>} : memref<16x64xf32, #tpu.memory_space<vmem>>, vector<16xf32>,
        %get3A_336 = arith.constant 2 : i32
        %get3A_337 = arith.index_cast %get3A_336 : i32 to index
        %get3A_338 = arith.constant 16 : index
        %get3A_339 = tpu.vector_load %arg15[%get3A_337, %get3A_338] {strides = array<i32>} : memref<16x64xf32, #tpu.memory_space<vmem>>, vector<16xf32>,
        %mul3A_340 = arith.mulf %get3A_339, %gather3A_326 : vector<16xf32>
        %swap3A_341 = arith.constant 2 : i32
        %swap3A_342 = arith.index_cast %swap3A_341 : i32 to index
        %swap3A_343 = arith.constant 16 : index
        %swap3A_344 = tpu.vector_load %arg15[%swap3A_342, %swap3A_343] {strides = array<i32>} : memref<16x64xf32, #tpu.memory_space<vmem>>, vector<16xf32>,
        tpu.vector_store %arg15[%swap3A_342, %swap3A_343], %mul3A_340 {strides = array<i32>} : memref<16x64xf32, #tpu.memory_space<vmem>>, vector<16xf32>,
        %get3A_345 = arith.constant 2 : i32
        %get3A_346 = arith.index_cast %get3A_345 : i32 to index
        %get3A_347 = arith.constant 32 : index
        %get3A_348 = tpu.vector_load %arg15[%get3A_346, %get3A_347] {strides = array<i32>} : memref<16x64xf32, #tpu.memory_space<vmem>>, vector<16xf32>,
        %mul3A_349 = arith.mulf %get3A_348, %gather3A_326 : vector<16xf32>
        %swap3A_350 = arith.constant 2 : i32
        %swap3A_351 = arith.index_cast %swap3A_350 : i32 to index
        %swap3A_352 = arith.constant 32 : index
        %swap3A_353 = tpu.vector_load %arg15[%swap3A_351, %swap3A_352] {strides = array<i32>} : memref<16x64xf32, #tpu.memory_space<vmem>>, vector<16xf32>,
        tpu.vector_store %arg15[%swap3A_351, %swap3A_352], %mul3A_349 {strides = array<i32>} : memref<16x64xf32, #tpu.memory_space<vmem>>, vector<16xf32>,
        %get3A_354 = arith.constant 2 : i32
        %get3A_355 = arith.index_cast %get3A_354 : i32 to index
        %get3A_356 = arith.constant 48 : index
        %get3A_357 = tpu.vector_load %arg15[%get3A_355, %get3A_356] {strides = array<i32>} : memref<16x64xf32, #tpu.memory_space<vmem>>, vector<16xf32>,
        %mul3A_358 = arith.mulf %get3A_357, %gather3A_326 : vector<16xf32>
        %swap3A_359 = arith.constant 2 : i32
        %swap3A_360 = arith.index_cast %swap3A_359 : i32 to index
        %swap3A_361 = arith.constant 48 : index
        %swap3A_362 = tpu.vector_load %arg15[%swap3A_360, %swap3A_361] {strides = array<i32>} : memref<16x64xf32, #tpu.memory_space<vmem>>, vector<16xf32>,
        tpu.vector_store %arg15[%swap3A_360, %swap3A_361], %mul3A_358 {strides = array<i32>} : memref<16x64xf32, #tpu.memory_space<vmem>>, vector<16xf32>,
        %mul3A_363 = arith.constant 16 : i32
        %mul3A_364 = arith.muli %scan3A_220, %mul3A_363 : i32
        %add3A_365 = arith.constant 3 : i32
        %add3A_366 = arith.addi %mul3A_364, %add3A_365 : i32
        %broadcast_in_dim3A_367 = arith.constant 0 : i32
        %broadcast_in_dim3A_368 = vector.broadcast %broadcast_in_dim3A_367 : i32 to vector<16xi32>
        %add3A_369 = vector.broadcast %add3A_366 : i32 to vector<16xi32>
        %add3A_370 = arith.addi %add3A_369, %broadcast_in_dim3A_368 : vector<16xi32>
        %gather3A_371 = tpu.vector_load_idx %arg13[%add3A_370] : memref<1152xf32, #tpu.memory_space<vmem>>[vector<16xi32>], vector<16xf32>,
        %get3A_372 = arith.constant 3 : i32
        %get3A_373 = arith.index_cast %get3A_372 : i32 to index
        %get3A_374 = arith.constant 0 : index
        %get3A_375 = tpu.vector_load %arg15[%get3A_373, %get3A_374] {strides = array<i32>} : memref<16x64xf32, #tpu.memory_space<vmem>>, vector<16xf32>,
        %mul3A_376 = arith.mulf %get3A_375, %gather3A_371 : vector<16xf32>
        %swap3A_377 = arith.constant 3 : i32
        %swap3A_378 = arith.index_cast %swap3A_377 : i32 to index
        %swap3A_379 = arith.constant 0 : index
        %swap3A_380 = tpu.vector_load %arg15[%swap3A_378, %swap3A_379] {strides = array<i32>} : memref<16x64xf32, #tpu.memory_space<vmem>>, vector<16xf32>,
        tpu.vector_store %arg15[%swap3A_378, %swap3A_379], %mul3A_376 {strides = array<i32>} : memref<16x64xf32, #tpu.memory_space<vmem>>, vector<16xf32>,
        %get3A_381 = arith.constant 3 : i32
        %get3A_382 = arith.index_cast %get3A_381 : i32 to index
        %get3A_383 = arith.constant 16 : index
        %get3A_384 = tpu.vector_load %arg15[%get3A_382, %get3A_383] {strides = array<i32>} : memref<16x64xf32, #tpu.memory_space<vmem>>, vector<16xf32>,
        %mul3A_385 = arith.mulf %get3A_384, %gather3A_371 : vector<16xf32>
        %swap3A_386 = arith.constant 3 : i32
        %swap3A_387 = arith.index_cast %swap3A_386 : i32 to index
        %swap3A_388 = arith.constant 16 : index
        %swap3A_389 = tpu.vector_load %arg15[%swap3A_387, %swap3A_388] {strides = array<i32>} : memref<16x64xf32, #tpu.memory_space<vmem>>, vector<16xf32>,
        tpu.vector_store %arg15[%swap3A_387, %swap3A_388], %mul3A_385 {strides = array<i32>} : memref<16x64xf32, #tpu.memory_space<vmem>>, vector<16xf32>,
        %get3A_390 = arith.constant 3 : i32
        %get3A_391 = arith.index_cast %get3A_390 : i32 to index
        %get3A_392 = arith.constant 32 : index
        %get3A_393 = tpu.vector_load %arg15[%get3A_391, %get3A_392] {strides = array<i32>} : memref<16x64xf32, #tpu.memory_space<vmem>>, vector<16xf32>,
        %mul3A_394 = arith.mulf %get3A_393, %gather3A_371 : vector<16xf32>
        %swap3A_395 = arith.constant 3 : i32
        %swap3A_396 = arith.index_cast %swap3A_395 : i32 to index
        %swap3A_397 = arith.constant 32 : index
        %swap3A_398 = tpu.vector_load %arg15[%swap3A_396, %swap3A_397] {strides = array<i32>} : memref<16x64xf32, #tpu.memory_space<vmem>>, vector<16xf32>,
        tpu.vector_store %arg15[%swap3A_396, %swap3A_397], %mul3A_394 {strides = array<i32>} : memref<16x64xf32, #tpu.memory_space<vmem>>, vector<16xf32>,
        %get3A_399 = arith.constant 3 : i32
        %get3A_400 = arith.index_cast %get3A_399 : i32 to index
        %get3A_401 = arith.constant 48 : index
        %get3A_402 = tpu.vector_load %arg15[%get3A_400, %get3A_401] {strides = array<i32>} : memref<16x64xf32, #tpu.memory_space<vmem>>, vector<16xf32>,
        %mul3A_403 = arith.mulf %get3A_402, %gather3A_371 : vector<16xf32>
        %swap3A_404 = arith.constant 3 : i32
        %swap3A_405 = arith.index_cast %swap3A_404 : i32 to index
        %swap3A_406 = arith.constant 48 : index
        %swap3A_407 = tpu.vector_load %arg15[%swap3A_405, %swap3A_406] {strides = array<i32>} : memref<16x64xf32, #tpu.memory_space<vmem>>, vector<16xf32>,
        tpu.vector_store %arg15[%swap3A_405, %swap3A_406], %mul3A_403 {strides = array<i32>} : memref<16x64xf32, #tpu.memory_space<vmem>>, vector<16xf32>,
        %mul3A_408 = arith.constant 16 : i32
        %mul3A_409 = arith.muli %scan3A_220, %mul3A_408 : i32
        %add3A_410 = arith.constant 4 : i32
        %add3A_411 = arith.addi %mul3A_409, %add3A_410 : i32
        %broadcast_in_dim3A_412 = arith.constant 0 : i32
        %broadcast_in_dim3A_413 = vector.broadcast %broadcast_in_dim3A_412 : i32 to vector<16xi32>
        %add3A_414 = vector.broadcast %add3A_411 : i32 to vector<16xi32>
        %add3A_415 = arith.addi %add3A_414, %broadcast_in_dim3A_413 : vector<16xi32>
        %gather3A_416 = tpu.vector_load_idx %arg13[%add3A_415] : memref<1152xf32, #tpu.memory_space<vmem>>[vector<16xi32>], vector<16xf32>,
        %get3A_417 = arith.constant 4 : i32
        %get3A_418 = arith.index_cast %get3A_417 : i32 to index
        %get3A_419 = arith.constant 0 : index
        %get3A_420 = tpu.vector_load %arg15[%get3A_418, %get3A_419] {strides = array<i32>} : memref<16x64xf32, #tpu.memory_space<vmem>>, vector<16xf32>,
        %mul3A_421 = arith.mulf %get3A_420, %gather3A_416 : vector<16xf32>
        %swap3A_422 = arith.constant 4 : i32
        %swap3A_423 = arith.index_cast %swap3A_422 : i32 to index
        %swap3A_424 = arith.constant 0 : index
        %swap3A_425 = tpu.vector_load %arg15[%swap3A_423, %swap3A_424] {strides = array<i32>} : memref<16x64xf32, #tpu.memory_space<vmem>>, vector<16xf32>,
        tpu.vector_store %arg15[%swap3A_423, %swap3A_424], %mul3A_421 {strides = array<i32>} : memref<16x64xf32, #tpu.memory_space<vmem>>, vector<16xf32>,
        %get3A_426 = arith.constant 4 : i32
        %get3A_427 = arith.index_cast %get3A_426 : i32 to index
        %get3A_428 = arith.constant 16 : index
        %get3A_429 = tpu.vector_load %arg15[%get3A_427, %get3A_428] {strides = array<i32>} : memref<16x64xf32, #tpu.memory_space<vmem>>, vector<16xf32>,
        %mul3A_430 = arith.mulf %get3A_429, %gather3A_416 : vector<16xf32>
        %swap3A_431 = arith.constant 4 : i32
        %swap3A_432 = arith.index_cast %swap3A_431 : i32 to index
        %swap3A_433 = arith.constant 16 : index
        %swap3A_434 = tpu.vector_load %arg15[%swap3A_432, %swap3A_433] {strides = array<i32>} : memref<16x64xf32, #tpu.memory_space<vmem>>, vector<16xf32>,
        tpu.vector_store %arg15[%swap3A_432, %swap3A_433], %mul3A_430 {strides = array<i32>} : memref<16x64xf32, #tpu.memory_space<vmem>>, vector<16xf32>,
        %get3A_435 = arith.constant 4 : i32
        %get3A_436 = arith.index_cast %get3A_435 : i32 to index
        %get3A_437 = arith.constant 32 : index
        %get3A_438 = tpu.vector_load %arg15[%get3A_436, %get3A_437] {strides = array<i32>} : memref<16x64xf32, #tpu.memory_space<vmem>>, vector<16xf32>,
        %mul3A_439 = arith.mulf %get3A_438, %gather3A_416 : vector<16xf32>
        %swap3A_440 = arith.constant 4 : i32
        %swap3A_441 = arith.index_cast %swap3A_440 : i32 to index
        %swap3A_442 = arith.constant 32 : index
        %swap3A_443 = tpu.vector_load %arg15[%swap3A_441, %swap3A_442] {strides = array<i32>} : memref<16x64xf32, #tpu.memory_space<vmem>>, vector<16xf32>,
        tpu.vector_store %arg15[%swap3A_441, %swap3A_442], %mul3A_439 {strides = array<i32>} : memref<16x64xf32, #tpu.memory_space<vmem>>, vector<16xf32>,
        %get3A_444 = arith.constant 4 : i32
        %get3A_445 = arith.index_cast %get3A_444 : i32 to index
        %get3A_446 = arith.constant 48 : index
        %get3A_447 = tpu.vector_load %arg15[%get3A_445, %get3A_446] {strides = array<i32>} : memref<16x64xf32, #tpu.memory_space<vmem>>, vector<16xf32>,
        %mul3A_448 = arith.mulf %get3A_447, %gather3A_416 : vector<16xf32>
        %swap3A_449 = arith.constant 4 : i32
        %swap3A_450 = arith.index_cast %swap3A_449 : i32 to index
        %swap3A_451 = arith.constant 48 : index
        %swap3A_452 = tpu.vector_load %arg15[%swap3A_450, %swap3A_451] {strides = array<i32>} : memref<16x64xf32, #tpu.memory_space<vmem>>, vector<16xf32>,
        tpu.vector_store %arg15[%swap3A_450, %swap3A_451], %mul3A_448 {strides = array<i32>} : memref<16x64xf32, #tpu.memory_space<vmem>>, vector<16xf32>,
        %mul3A_453 = arith.constant 16 : i32
        %mul3A_454 = arith.muli %scan3A_220, %mul3A_453 : i32
        %add3A_455 = arith.constant 5 : i32
        %add3A_456 = arith.addi %mul3A_454, %add3A_455 : i32
        %broadcast_in_dim3A_457 = arith.constant 0 : i32
        %broadcast_in_dim3A_458 = vector.broadcast %broadcast_in_dim3A_457 : i32 to vector<16xi32>
        %add3A_459 = vector.broadcast %add3A_456 : i32 to vector<16xi32>
        %add3A_460 = arith.addi %add3A_459, %broadcast_in_dim3A_458 : vector<16xi32>
        %gather3A_461 = tpu.vector_load_idx %arg13[%add3A_460] : memref<1152xf32, #tpu.memory_space<vmem>>[vector<16xi32>], vector<16xf32>,
        %get3A_462 = arith.constant 5 : i32
        %get3A_463 = arith.index_cast %get3A_462 : i32 to index
        %get3A_464 = arith.constant 0 : index
        %get3A_465 = tpu.vector_load %arg15[%get3A_463, %get3A_464] {strides = array<i32>} : memref<16x64xf32, #tpu.memory_space<vmem>>, vector<16xf32>,
        %mul3A_466 = arith.mulf %get3A_465, %gather3A_461 : vector<16xf32>
        %swap3A_467 = arith.constant 5 : i32
        %swap3A_468 = arith.index_cast %swap3A_467 : i32 to index
        %swap3A_469 = arith.constant 0 : index
        %swap3A_470 = tpu.vector_load %arg15[%swap3A_468, %swap3A_469] {strides = array<i32>} : memref<16x64xf32, #tpu.memory_space<vmem>>, vector<16xf32>,
        tpu.vector_store %arg15[%swap3A_468, %swap3A_469], %mul3A_466 {strides = array<i32>} : memref<16x64xf32, #tpu.memory_space<vmem>>, vector<16xf32>,
        %get3A_471 = arith.constant 5 : i32
        %get3A_472 = arith.index_cast %get3A_471 : i32 to index
        %get3A_473 = arith.constant 16 : index
        %get3A_474 = tpu.vector_load %arg15[%get3A_472, %get3A_473] {strides = array<i32>} : memref<16x64xf32, #tpu.memory_space<vmem>>, vector<16xf32>,
        %mul3A_475 = arith.mulf %get3A_474, %gather3A_461 : vector<16xf32>
        %swap3A_476 = arith.constant 5 : i32
        %swap3A_477 = arith.index_cast %swap3A_476 : i32 to index
        %swap3A_478 = arith.constant 16 : index
        %swap3A_479 = tpu.vector_load %arg15[%swap3A_477, %swap3A_478] {strides = array<i32>} : memref<16x64xf32, #tpu.memory_space<vmem>>, vector<16xf32>,
        tpu.vector_store %arg15[%swap3A_477, %swap3A_478], %mul3A_475 {strides = array<i32>} : memref<16x64xf32, #tpu.memory_space<vmem>>, vector<16xf32>,
        %get3A_480 = arith.constant 5 : i32
        %get3A_481 = arith.index_cast %get3A_480 : i32 to index
        %get3A_482 = arith.constant 32 : index
        %get3A_483 = tpu.vector_load %arg15[%get3A_481, %get3A_482] {strides = array<i32>} : memref<16x64xf32, #tpu.memory_space<vmem>>, vector<16xf32>,
        %mul3A_484 = arith.mulf %get3A_483, %gather3A_461 : vector<16xf32>
        %swap3A_485 = arith.constant 5 : i32
        %swap3A_486 = arith.index_cast %swap3A_485 : i32 to index
        %swap3A_487 = arith.constant 32 : index
        %swap3A_488 = tpu.vector_load %arg15[%swap3A_486, %swap3A_487] {strides = array<i32>} : memref<16x64xf32, #tpu.memory_space<vmem>>, vector<16xf32>,
        tpu.vector_store %arg15[%swap3A_486, %swap3A_487], %mul3A_484 {strides = array<i32>} : memref<16x64xf32, #tpu.memory_space<vmem>>, vector<16xf32>,
        %get3A_489 = arith.constant 5 : i32
        %get3A_490 = arith.index_cast %get3A_489 : i32 to index
        %get3A_491 = arith.constant 48 : index
        %get3A_492 = tpu.vector_load %arg15[%get3A_490, %get3A_491] {strides = array<i32>} : memref<16x64xf32, #tpu.memory_space<vmem>>, vector<16xf32>,
        %mul3A_493 = arith.mulf %get3A_492, %gather3A_461 : vector<16xf32>
        %swap3A_494 = arith.constant 5 : i32
        %swap3A_495 = arith.index_cast %swap3A_494 : i32 to index
        %swap3A_496 = arith.constant 48 : index
        %swap3A_497 = tpu.vector_load %arg15[%swap3A_495, %swap3A_496] {strides = array<i32>} : memref<16x64xf32, #tpu.memory_space<vmem>>, vector<16xf32>,
        tpu.vector_store %arg15[%swap3A_495, %swap3A_496], %mul3A_493 {strides = array<i32>} : memref<16x64xf32, #tpu.memory_space<vmem>>, vector<16xf32>,
        %mul3A_498 = arith.constant 16 : i32
        %mul3A_499 = arith.muli %scan3A_220, %mul3A_498 : i32
        %add3A_500 = arith.constant 6 : i32
        %add3A_501 = arith.addi %mul3A_499, %add3A_500 : i32
        %broadcast_in_dim3A_502 = arith.constant 0 : i32
        %broadcast_in_dim3A_503 = vector.broadcast %broadcast_in_dim3A_502 : i32 to vector<16xi32>
        %add3A_504 = vector.broadcast %add3A_501 : i32 to vector<16xi32>
        %add3A_505 = arith.addi %add3A_504, %broadcast_in_dim3A_503 : vector<16xi32>
        %gather3A_506 = tpu.vector_load_idx %arg13[%add3A_505] : memref<1152xf32, #tpu.memory_space<vmem>>[vector<16xi32>], vector<16xf32>,
        %get3A_507 = arith.constant 6 : i32
        %get3A_508 = arith.index_cast %get3A_507 : i32 to index
        %get3A_509 = arith.constant 0 : index
        %get3A_510 = tpu.vector_load %arg15[%get3A_508, %get3A_509] {strides = array<i32>} : memref<16x64xf32, #tpu.memory_space<vmem>>, vector<16xf32>,
        %mul3A_511 = arith.mulf %get3A_510, %gather3A_506 : vector<16xf32>
        %swap3A_512 = arith.constant 6 : i32
        %swap3A_513 = arith.index_cast %swap3A_512 : i32 to index
        %swap3A_514 = arith.constant 0 : index
        %swap3A_515 = tpu.vector_load %arg15[%swap3A_513, %swap3A_514] {strides = array<i32>} : memref<16x64xf32, #tpu.memory_space<vmem>>, vector<16xf32>,
        tpu.vector_store %arg15[%swap3A_513, %swap3A_514], %mul3A_511 {strides = array<i32>} : memref<16x64xf32, #tpu.memory_space<vmem>>, vector<16xf32>,
        %get3A_516 = arith.constant 6 : i32
        %get3A_517 = arith.index_cast %get3A_516 : i32 to index
        %get3A_518 = arith.constant 16 : index
        %get3A_519 = tpu.vector_load %arg15[%get3A_517, %get3A_518] {strides = array<i32>} : memref<16x64xf32, #tpu.memory_space<vmem>>, vector<16xf32>,
        %mul3A_520 = arith.mulf %get3A_519, %gather3A_506 : vector<16xf32>
        %swap3A_521 = arith.constant 6 : i32
        %swap3A_522 = arith.index_cast %swap3A_521 : i32 to index
        %swap3A_523 = arith.constant 16 : index
        %swap3A_524 = tpu.vector_load %arg15[%swap3A_522, %swap3A_523] {strides = array<i32>} : memref<16x64xf32, #tpu.memory_space<vmem>>, vector<16xf32>,
        tpu.vector_store %arg15[%swap3A_522, %swap3A_523], %mul3A_520 {strides = array<i32>} : memref<16x64xf32, #tpu.memory_space<vmem>>, vector<16xf32>,
        %get3A_525 = arith.constant 6 : i32
        %get3A_526 = arith.index_cast %get3A_525 : i32 to index
        %get3A_527 = arith.constant 32 : index
        %get3A_528 = tpu.vector_load %arg15[%get3A_526, %get3A_527] {strides = array<i32>} : memref<16x64xf32, #tpu.memory_space<vmem>>, vector<16xf32>,
        %mul3A_529 = arith.mulf %get3A_528, %gather3A_506 : vector<16xf32>
        %swap3A_530 = arith.constant 6 : i32
        %swap3A_531 = arith.index_cast %swap3A_530 : i32 to index
        %swap3A_532 = arith.constant 32 : index
        %swap3A_533 = tpu.vector_load %arg15[%swap3A_531, %swap3A_532] {strides = array<i32>} : memref<16x64xf32, #tpu.memory_space<vmem>>, vector<16xf32>,
        tpu.vector_store %arg15[%swap3A_531, %swap3A_532], %mul3A_529 {strides = array<i32>} : memref<16x64xf32, #tpu.memory_space<vmem>>, vector<16xf32>,
        %get3A_534 = arith.constant 6 : i32
        %get3A_535 = arith.index_cast %get3A_534 : i32 to index
        %get3A_536 = arith.constant 48 : index
        %get3A_537 = tpu.vector_load %arg15[%get3A_535, %get3A_536] {strides = array<i32>} : memref<16x64xf32, #tpu.memory_space<vmem>>, vector<16xf32>,
        %mul3A_538 = arith.mulf %get3A_537, %gather3A_506 : vector<16xf32>
        %swap3A_539 = arith.constant 6 : i32
        %swap3A_540 = arith.index_cast %swap3A_539 : i32 to index
        %swap3A_541 = arith.constant 48 : index
        %swap3A_542 = tpu.vector_load %arg15[%swap3A_540, %swap3A_541] {strides = array<i32>} : memref<16x64xf32, #tpu.memory_space<vmem>>, vector<16xf32>,
        tpu.vector_store %arg15[%swap3A_540, %swap3A_541], %mul3A_538 {strides = array<i32>} : memref<16x64xf32, #tpu.memory_space<vmem>>, vector<16xf32>,
        %mul3A_543 = arith.constant 16 : i32
        %mul3A_544 = arith.muli %scan3A_220, %mul3A_543 : i32
        %add3A_545 = arith.constant 7 : i32
        %add3A_546 = arith.addi %mul3A_544, %add3A_545 : i32
        %broadcast_in_dim3A_547 = arith.constant 0 : i32
        %broadcast_in_dim3A_548 = vector.broadcast %broadcast_in_dim3A_547 : i32 to vector<16xi32>
        %add3A_549 = vector.broadcast %add3A_546 : i32 to vector<16xi32>
        %add3A_550 = arith.addi %add3A_549, %broadcast_in_dim3A_548 : vector<16xi32>
        %gather3A_551 = tpu.vector_load_idx %arg13[%add3A_550] : memref<1152xf32, #tpu.memory_space<vmem>>[vector<16xi32>], vector<16xf32>,
        %get3A_552 = arith.constant 7 : i32
        %get3A_553 = arith.index_cast %get3A_552 : i32 to index
        %get3A_554 = arith.constant 0 : index
        %get3A_555 = tpu.vector_load %arg15[%get3A_553, %get3A_554] {strides = array<i32>} : memref<16x64xf32, #tpu.memory_space<vmem>>, vector<16xf32>,
        %mul3A_556 = arith.mulf %get3A_555, %gather3A_551 : vector<16xf32>
        %swap3A_557 = arith.constant 7 : i32
        %swap3A_558 = arith.index_cast %swap3A_557 : i32 to index
        %swap3A_559 = arith.constant 0 : index
        %swap3A_560 = tpu.vector_load %arg15[%swap3A_558, %swap3A_559] {strides = array<i32>} : memref<16x64xf32, #tpu.memory_space<vmem>>, vector<16xf32>,
        tpu.vector_store %arg15[%swap3A_558, %swap3A_559], %mul3A_556 {strides = array<i32>} : memref<16x64xf32, #tpu.memory_space<vmem>>, vector<16xf32>,
        %get3A_561 = arith.constant 7 : i32
        %get3A_562 = arith.index_cast %get3A_561 : i32 to index
        %get3A_563 = arith.constant 16 : index
        %get3A_564 = tpu.vector_load %arg15[%get3A_562, %get3A_563] {strides = array<i32>} : memref<16x64xf32, #tpu.memory_space<vmem>>, vector<16xf32>,
        %mul3A_565 = arith.mulf %get3A_564, %gather3A_551 : vector<16xf32>
        %swap3A_566 = arith.constant 7 : i32
        %swap3A_567 = arith.index_cast %swap3A_566 : i32 to index
        %swap3A_568 = arith.constant 16 : index
        %swap3A_569 = tpu.vector_load %arg15[%swap3A_567, %swap3A_568] {strides = array<i32>} : memref<16x64xf32, #tpu.memory_space<vmem>>, vector<16xf32>,
        tpu.vector_store %arg15[%swap3A_567, %swap3A_568], %mul3A_565 {strides = array<i32>} : memref<16x64xf32, #tpu.memory_space<vmem>>, vector<16xf32>,
        %get3A_570 = arith.constant 7 : i32
        %get3A_571 = arith.index_cast %get3A_570 : i32 to index
        %get3A_572 = arith.constant 32 : index
        %get3A_573 = tpu.vector_load %arg15[%get3A_571, %get3A_572] {strides = array<i32>} : memref<16x64xf32, #tpu.memory_space<vmem>>, vector<16xf32>,
        %mul3A_574 = arith.mulf %get3A_573, %gather3A_551 : vector<16xf32>
        %swap3A_575 = arith.constant 7 : i32
        %swap3A_576 = arith.index_cast %swap3A_575 : i32 to index
        %swap3A_577 = arith.constant 32 : index
        %swap3A_578 = tpu.vector_load %arg15[%swap3A_576, %swap3A_577] {strides = array<i32>} : memref<16x64xf32, #tpu.memory_space<vmem>>, vector<16xf32>,
        tpu.vector_store %arg15[%swap3A_576, %swap3A_577], %mul3A_574 {strides = array<i32>} : memref<16x64xf32, #tpu.memory_space<vmem>>, vector<16xf32>,
        %get3A_579 = arith.constant 7 : i32
        %get3A_580 = arith.index_cast %get3A_579 : i32 to index
        %get3A_581 = arith.constant 48 : index
        %get3A_582 = tpu.vector_load %arg15[%get3A_580, %get3A_581] {strides = array<i32>} : memref<16x64xf32, #tpu.memory_space<vmem>>, vector<16xf32>,
        %mul3A_583 = arith.mulf %get3A_582, %gather3A_551 : vector<16xf32>
        %swap3A_584 = arith.constant 7 : i32
        %swap3A_585 = arith.index_cast %swap3A_584 : i32 to index
        %swap3A_586 = arith.constant 48 : index
        %swap3A_587 = tpu.vector_load %arg15[%swap3A_585, %swap3A_586] {strides = array<i32>} : memref<16x64xf32, #tpu.memory_space<vmem>>, vector<16xf32>,
        tpu.vector_store %arg15[%swap3A_585, %swap3A_586], %mul3A_583 {strides = array<i32>} : memref<16x64xf32, #tpu.memory_space<vmem>>, vector<16xf32>,
        %mul3A_588 = arith.constant 16 : i32
        %mul3A_589 = arith.muli %scan3A_220, %mul3A_588 : i32
        %add3A_590 = arith.constant 8 : i32
        %add3A_591 = arith.addi %mul3A_589, %add3A_590 : i32
        %broadcast_in_dim3A_592 = arith.constant 0 : i32
        %broadcast_in_dim3A_593 = vector.broadcast %broadcast_in_dim3A_592 : i32 to vector<16xi32>
        %add3A_594 = vector.broadcast %add3A_591 : i32 to vector<16xi32>
        %add3A_595 = arith.addi %add3A_594, %broadcast_in_dim3A_593 : vector<16xi32>
        %gather3A_596 = tpu.vector_load_idx %arg13[%add3A_595] : memref<1152xf32, #tpu.memory_space<vmem>>[vector<16xi32>], vector<16xf32>,
        %get3A_597 = arith.constant 8 : i32
        %get3A_598 = arith.index_cast %get3A_597 : i32 to index
        %get3A_599 = arith.constant 0 : index
        %get3A_600 = tpu.vector_load %arg15[%get3A_598, %get3A_599] {strides = array<i32>} : memref<16x64xf32, #tpu.memory_space<vmem>>, vector<16xf32>,
        %mul3A_601 = arith.mulf %get3A_600, %gather3A_596 : vector<16xf32>
        %swap3A_602 = arith.constant 8 : i32
        %swap3A_603 = arith.index_cast %swap3A_602 : i32 to index
        %swap3A_604 = arith.constant 0 : index
        %swap3A_605 = tpu.vector_load %arg15[%swap3A_603, %swap3A_604] {strides = array<i32>} : memref<16x64xf32, #tpu.memory_space<vmem>>, vector<16xf32>,
        tpu.vector_store %arg15[%swap3A_603, %swap3A_604], %mul3A_601 {strides = array<i32>} : memref<16x64xf32, #tpu.memory_space<vmem>>, vector<16xf32>,
        %get3A_606 = arith.constant 8 : i32
        %get3A_607 = arith.index_cast %get3A_606 : i32 to index
        %get3A_608 = arith.constant 16 : index
        %get3A_609 = tpu.vector_load %arg15[%get3A_607, %get3A_608] {strides = array<i32>} : memref<16x64xf32, #tpu.memory_space<vmem>>, vector<16xf32>,
        %mul3A_610 = arith.mulf %get3A_609, %gather3A_596 : vector<16xf32>
        %swap3A_611 = arith.constant 8 : i32
        %swap3A_612 = arith.index_cast %swap3A_611 : i32 to index
        %swap3A_613 = arith.constant 16 : index
        %swap3A_614 = tpu.vector_load %arg15[%swap3A_612, %swap3A_613] {strides = array<i32>} : memref<16x64xf32, #tpu.memory_space<vmem>>, vector<16xf32>,
        tpu.vector_store %arg15[%swap3A_612, %swap3A_613], %mul3A_610 {strides = array<i32>} : memref<16x64xf32, #tpu.memory_space<vmem>>, vector<16xf32>,
        %get3A_615 = arith.constant 8 : i32
        %get3A_616 = arith.index_cast %get3A_615 : i32 to index
        %get3A_617 = arith.constant 32 : index
        %get3A_618 = tpu.vector_load %arg15[%get3A_616, %get3A_617] {strides = array<i32>} : memref<16x64xf32, #tpu.memory_space<vmem>>, vector<16xf32>,
        %mul3A_619 = arith.mulf %get3A_618, %gather3A_596 : vector<16xf32>
        %swap3A_620 = arith.constant 8 : i32
        %swap3A_621 = arith.index_cast %swap3A_620 : i32 to index
        %swap3A_622 = arith.constant 32 : index
        %swap3A_623 = tpu.vector_load %arg15[%swap3A_621, %swap3A_622] {strides = array<i32>} : memref<16x64xf32, #tpu.memory_space<vmem>>, vector<16xf32>,
        tpu.vector_store %arg15[%swap3A_621, %swap3A_622], %mul3A_619 {strides = array<i32>} : memref<16x64xf32, #tpu.memory_space<vmem>>, vector<16xf32>,
        %get3A_624 = arith.constant 8 : i32
        %get3A_625 = arith.index_cast %get3A_624 : i32 to index
        %get3A_626 = arith.constant 48 : index
        %get3A_627 = tpu.vector_load %arg15[%get3A_625, %get3A_626] {strides = array<i32>} : memref<16x64xf32, #tpu.memory_space<vmem>>, vector<16xf32>,
        %mul3A_628 = arith.mulf %get3A_627, %gather3A_596 : vector<16xf32>
        %swap3A_629 = arith.constant 8 : i32
        %swap3A_630 = arith.index_cast %swap3A_629 : i32 to index
        %swap3A_631 = arith.constant 48 : index
        %swap3A_632 = tpu.vector_load %arg15[%swap3A_630, %swap3A_631] {strides = array<i32>} : memref<16x64xf32, #tpu.memory_space<vmem>>, vector<16xf32>,
        tpu.vector_store %arg15[%swap3A_630, %swap3A_631], %mul3A_628 {strides = array<i32>} : memref<16x64xf32, #tpu.memory_space<vmem>>, vector<16xf32>,
        %mul3A_633 = arith.constant 16 : i32
        %mul3A_634 = arith.muli %scan3A_220, %mul3A_633 : i32
        %add3A_635 = arith.constant 9 : i32
        %add3A_636 = arith.addi %mul3A_634, %add3A_635 : i32
        %broadcast_in_dim3A_637 = arith.constant 0 : i32
        %broadcast_in_dim3A_638 = vector.broadcast %broadcast_in_dim3A_637 : i32 to vector<16xi32>
        %add3A_639 = vector.broadcast %add3A_636 : i32 to vector<16xi32>
        %add3A_640 = arith.addi %add3A_639, %broadcast_in_dim3A_638 : vector<16xi32>
        %gather3A_641 = tpu.vector_load_idx %arg13[%add3A_640] : memref<1152xf32, #tpu.memory_space<vmem>>[vector<16xi32>], vector<16xf32>,
        %get3A_642 = arith.constant 9 : i32
        %get3A_643 = arith.index_cast %get3A_642 : i32 to index
        %get3A_644 = arith.constant 0 : index
        %get3A_645 = tpu.vector_load %arg15[%get3A_643, %get3A_644] {strides = array<i32>} : memref<16x64xf32, #tpu.memory_space<vmem>>, vector<16xf32>,
        %mul3A_646 = arith.mulf %get3A_645, %gather3A_641 : vector<16xf32>
        %swap3A_647 = arith.constant 9 : i32
        %swap3A_648 = arith.index_cast %swap3A_647 : i32 to index
        %swap3A_649 = arith.constant 0 : index
        %swap3A_650 = tpu.vector_load %arg15[%swap3A_648, %swap3A_649] {strides = array<i32>} : memref<16x64xf32, #tpu.memory_space<vmem>>, vector<16xf32>,
        tpu.vector_store %arg15[%swap3A_648, %swap3A_649], %mul3A_646 {strides = array<i32>} : memref<16x64xf32, #tpu.memory_space<vmem>>, vector<16xf32>,
        %get3A_651 = arith.constant 9 : i32
        %get3A_652 = arith.index_cast %get3A_651 : i32 to index
        %get3A_653 = arith.constant 16 : index
        %get3A_654 = tpu.vector_load %arg15[%get3A_652, %get3A_653] {strides = array<i32>} : memref<16x64xf32, #tpu.memory_space<vmem>>, vector<16xf32>,
        %mul3A_655 = arith.mulf %get3A_654, %gather3A_641 : vector<16xf32>
        %swap3A_656 = arith.constant 9 : i32
        %swap3A_657 = arith.index_cast %swap3A_656 : i32 to index
        %swap3A_658 = arith.constant 16 : index
        %swap3A_659 = tpu.vector_load %arg15[%swap3A_657, %swap3A_658] {strides = array<i32>} : memref<16x64xf32, #tpu.memory_space<vmem>>, vector<16xf32>,
        tpu.vector_store %arg15[%swap3A_657, %swap3A_658], %mul3A_655 {strides = array<i32>} : memref<16x64xf32, #tpu.memory_space<vmem>>, vector<16xf32>,
        %get3A_660 = arith.constant 9 : i32
        %get3A_661 = arith.index_cast %get3A_660 : i32 to index
        %get3A_662 = arith.constant 32 : index
        %get3A_663 = tpu.vector_load %arg15[%get3A_661, %get3A_662] {strides = array<i32>} : memref<16x64xf32, #tpu.memory_space<vmem>>, vector<16xf32>,
        %mul3A_664 = arith.mulf %get3A_663, %gather3A_641 : vector<16xf32>
        %swap3A_665 = arith.constant 9 : i32
        %swap3A_666 = arith.index_cast %swap3A_665 : i32 to index
        %swap3A_667 = arith.constant 32 : index
        %swap3A_668 = tpu.vector_load %arg15[%swap3A_666, %swap3A_667] {strides = array<i32>} : memref<16x64xf32, #tpu.memory_space<vmem>>, vector<16xf32>,
        tpu.vector_store %arg15[%swap3A_666, %swap3A_667], %mul3A_664 {strides = array<i32>} : memref<16x64xf32, #tpu.memory_space<vmem>>, vector<16xf32>,
        %get3A_669 = arith.constant 9 : i32
        %get3A_670 = arith.index_cast %get3A_669 : i32 to index
        %get3A_671 = arith.constant 48 : index
        %get3A_672 = tpu.vector_load %arg15[%get3A_670, %get3A_671] {strides = array<i32>} : memref<16x64xf32, #tpu.memory_space<vmem>>, vector<16xf32>,
        %mul3A_673 = arith.mulf %get3A_672, %gather3A_641 : vector<16xf32>
        %swap3A_674 = arith.constant 9 : i32
        %swap3A_675 = arith.index_cast %swap3A_674 : i32 to index
        %swap3A_676 = arith.constant 48 : index
        %swap3A_677 = tpu.vector_load %arg15[%swap3A_675, %swap3A_676] {strides = array<i32>} : memref<16x64xf32, #tpu.memory_space<vmem>>, vector<16xf32>,
        tpu.vector_store %arg15[%swap3A_675, %swap3A_676], %mul3A_673 {strides = array<i32>} : memref<16x64xf32, #tpu.memory_space<vmem>>, vector<16xf32>,
        %mul3A_678 = arith.constant 16 : i32
        %mul3A_679 = arith.muli %scan3A_220, %mul3A_678 : i32
        %add3A_680 = arith.constant 10 : i32
        %add3A_681 = arith.addi %mul3A_679, %add3A_680 : i32
        %broadcast_in_dim3A_682 = arith.constant 0 : i32
        %broadcast_in_dim3A_683 = vector.broadcast %broadcast_in_dim3A_682 : i32 to vector<16xi32>
        %add3A_684 = vector.broadcast %add3A_681 : i32 to vector<16xi32>
        %add3A_685 = arith.addi %add3A_684, %broadcast_in_dim3A_683 : vector<16xi32>
        %gather3A_686 = tpu.vector_load_idx %arg13[%add3A_685] : memref<1152xf32, #tpu.memory_space<vmem>>[vector<16xi32>], vector<16xf32>,
        %get3A_687 = arith.constant 10 : i32
        %get3A_688 = arith.index_cast %get3A_687 : i32 to index
        %get3A_689 = arith.constant 0 : index
        %get3A_690 = tpu.vector_load %arg15[%get3A_688, %get3A_689] {strides = array<i32>} : memref<16x64xf32, #tpu.memory_space<vmem>>, vector<16xf32>,
        %mul3A_691 = arith.mulf %get3A_690, %gather3A_686 : vector<16xf32>
        %swap3A_692 = arith.constant 10 : i32
        %swap3A_693 = arith.index_cast %swap3A_692 : i32 to index
        %swap3A_694 = arith.constant 0 : index
        %swap3A_695 = tpu.vector_load %arg15[%swap3A_693, %swap3A_694] {strides = array<i32>} : memref<16x64xf32, #tpu.memory_space<vmem>>, vector<16xf32>,
        tpu.vector_store %arg15[%swap3A_693, %swap3A_694], %mul3A_691 {strides = array<i32>} : memref<16x64xf32, #tpu.memory_space<vmem>>, vector<16xf32>,
        %get3A_696 = arith.constant 10 : i32
        %get3A_697 = arith.index_cast %get3A_696 : i32 to index
        %get3A_698 = arith.constant 16 : index
        %get3A_699 = tpu.vector_load %arg15[%get3A_697, %get3A_698] {strides = array<i32>} : memref<16x64xf32, #tpu.memory_space<vmem>>, vector<16xf32>,
        %mul3A_700 = arith.mulf %get3A_699, %gather3A_686 : vector<16xf32>
        %swap3A_701 = arith.constant 10 : i32
        %swap3A_702 = arith.index_cast %swap3A_701 : i32 to index
        %swap3A_703 = arith.constant 16 : index
        %swap3A_704 = tpu.vector_load %arg15[%swap3A_702, %swap3A_703] {strides = array<i32>} : memref<16x64xf32, #tpu.memory_space<vmem>>, vector<16xf32>,
        tpu.vector_store %arg15[%swap3A_702, %swap3A_703], %mul3A_700 {strides = array<i32>} : memref<16x64xf32, #tpu.memory_space<vmem>>, vector<16xf32>,
        %get3A_705 = arith.constant 10 : i32
        %get3A_706 = arith.index_cast %get3A_705 : i32 to index
        %get3A_707 = arith.constant 32 : index
        %get3A_708 = tpu.vector_load %arg15[%get3A_706, %get3A_707] {strides = array<i32>} : memref<16x64xf32, #tpu.memory_space<vmem>>, vector<16xf32>,
        %mul3A_709 = arith.mulf %get3A_708, %gather3A_686 : vector<16xf32>
        %swap3A_710 = arith.constant 10 : i32
        %swap3A_711 = arith.index_cast %swap3A_710 : i32 to index
        %swap3A_712 = arith.constant 32 : index
        %swap3A_713 = tpu.vector_load %arg15[%swap3A_711, %swap3A_712] {strides = array<i32>} : memref<16x64xf32, #tpu.memory_space<vmem>>, vector<16xf32>,
        tpu.vector_store %arg15[%swap3A_711, %swap3A_712], %mul3A_709 {strides = array<i32>} : memref<16x64xf32, #tpu.memory_space<vmem>>, vector<16xf32>,
        %get3A_714 = arith.constant 10 : i32
        %get3A_715 = arith.index_cast %get3A_714 : i32 to index
        %get3A_716 = arith.constant 48 : index
        %get3A_717 = tpu.vector_load %arg15[%get3A_715, %get3A_716] {strides = array<i32>} : memref<16x64xf32, #tpu.memory_space<vmem>>, vector<16xf32>,
        %mul3A_718 = arith.mulf %get3A_717, %gather3A_686 : vector<16xf32>
        %swap3A_719 = arith.constant 10 : i32
        %swap3A_720 = arith.index_cast %swap3A_719 : i32 to index
        %swap3A_721 = arith.constant 48 : index
        %swap3A_722 = tpu.vector_load %arg15[%swap3A_720, %swap3A_721] {strides = array<i32>} : memref<16x64xf32, #tpu.memory_space<vmem>>, vector<16xf32>,
        tpu.vector_store %arg15[%swap3A_720, %swap3A_721], %mul3A_718 {strides = array<i32>} : memref<16x64xf32, #tpu.memory_space<vmem>>, vector<16xf32>,
        %mul3A_723 = arith.constant 16 : i32
        %mul3A_724 = arith.muli %scan3A_220, %mul3A_723 : i32
        %add3A_725 = arith.constant 11 : i32
        %add3A_726 = arith.addi %mul3A_724, %add3A_725 : i32
        %broadcast_in_dim3A_727 = arith.constant 0 : i32
        %broadcast_in_dim3A_728 = vector.broadcast %broadcast_in_dim3A_727 : i32 to vector<16xi32>
        %add3A_729 = vector.broadcast %add3A_726 : i32 to vector<16xi32>
        %add3A_730 = arith.addi %add3A_729, %broadcast_in_dim3A_728 : vector<16xi32>
        %gather3A_731 = tpu.vector_load_idx %arg13[%add3A_730] : memref<1152xf32, #tpu.memory_space<vmem>>[vector<16xi32>], vector<16xf32>,
        %get3A_732 = arith.constant 11 : i32
        %get3A_733 = arith.index_cast %get3A_732 : i32 to index
        %get3A_734 = arith.constant 0 : index
        %get3A_735 = tpu.vector_load %arg15[%get3A_733, %get3A_734] {strides = array<i32>} : memref<16x64xf32, #tpu.memory_space<vmem>>, vector<16xf32>,
        %mul3A_736 = arith.mulf %get3A_735, %gather3A_731 : vector<16xf32>
        %swap3A_737 = arith.constant 11 : i32
        %swap3A_738 = arith.index_cast %swap3A_737 : i32 to index
        %swap3A_739 = arith.constant 0 : index
        %swap3A_740 = tpu.vector_load %arg15[%swap3A_738, %swap3A_739] {strides = array<i32>} : memref<16x64xf32, #tpu.memory_space<vmem>>, vector<16xf32>,
        tpu.vector_store %arg15[%swap3A_738, %swap3A_739], %mul3A_736 {strides = array<i32>} : memref<16x64xf32, #tpu.memory_space<vmem>>, vector<16xf32>,
        %get3A_741 = arith.constant 11 : i32
        %get3A_742 = arith.index_cast %get3A_741 : i32 to index
        %get3A_743 = arith.constant 16 : index
        %get3A_744 = tpu.vector_load %arg15[%get3A_742, %get3A_743] {strides = array<i32>} : memref<16x64xf32, #tpu.memory_space<vmem>>, vector<16xf32>,
        %mul3A_745 = arith.mulf %get3A_744, %gather3A_731 : vector<16xf32>
        %swap3A_746 = arith.constant 11 : i32
        %swap3A_747 = arith.index_cast %swap3A_746 : i32 to index
        %swap3A_748 = arith.constant 16 : index
        %swap3A_749 = tpu.vector_load %arg15[%swap3A_747, %swap3A_748] {strides = array<i32>} : memref<16x64xf32, #tpu.memory_space<vmem>>, vector<16xf32>,
        tpu.vector_store %arg15[%swap3A_747, %swap3A_748], %mul3A_745 {strides = array<i32>} : memref<16x64xf32, #tpu.memory_space<vmem>>, vector<16xf32>,
        %get3A_750 = arith.constant 11 : i32
        %get3A_751 = arith.index_cast %get3A_750 : i32 to index
        %get3A_752 = arith.constant 32 : index
        %get3A_753 = tpu.vector_load %arg15[%get3A_751, %get3A_752] {strides = array<i32>} : memref<16x64xf32, #tpu.memory_space<vmem>>, vector<16xf32>,
        %mul3A_754 = arith.mulf %get3A_753, %gather3A_731 : vector<16xf32>
        %swap3A_755 = arith.constant 11 : i32
        %swap3A_756 = arith.index_cast %swap3A_755 : i32 to index
        %swap3A_757 = arith.constant 32 : index
        %swap3A_758 = tpu.vector_load %arg15[%swap3A_756, %swap3A_757] {strides = array<i32>} : memref<16x64xf32, #tpu.memory_space<vmem>>, vector<16xf32>,
        tpu.vector_store %arg15[%swap3A_756, %swap3A_757], %mul3A_754 {strides = array<i32>} : memref<16x64xf32, #tpu.memory_space<vmem>>, vector<16xf32>,
        %get3A_759 = arith.constant 11 : i32
        %get3A_760 = arith.index_cast %get3A_759 : i32 to index
        %get3A_761 = arith.constant 48 : index
        %get3A_762 = tpu.vector_load %arg15[%get3A_760, %get3A_761] {strides = array<i32>} : memref<16x64xf32, #tpu.memory_space<vmem>>, vector<16xf32>,
        %mul3A_763 = arith.mulf %get3A_762, %gather3A_731 : vector<16xf32>
        %swap3A_764 = arith.constant 11 : i32
        %swap3A_765 = arith.index_cast %swap3A_764 : i32 to index
        %swap3A_766 = arith.constant 48 : index
        %swap3A_767 = tpu.vector_load %arg15[%swap3A_765, %swap3A_766] {strides = array<i32>} : memref<16x64xf32, #tpu.memory_space<vmem>>, vector<16xf32>,
        tpu.vector_store %arg15[%swap3A_765, %swap3A_766], %mul3A_763 {strides = array<i32>} : memref<16x64xf32, #tpu.memory_space<vmem>>, vector<16xf32>,
        %mul3A_768 = arith.constant 16 : i32
        %mul3A_769 = arith.muli %scan3A_220, %mul3A_768 : i32
        %add3A_770 = arith.constant 12 : i32
        %add3A_771 = arith.addi %mul3A_769, %add3A_770 : i32
        %broadcast_in_dim3A_772 = arith.constant 0 : i32
        %broadcast_in_dim3A_773 = vector.broadcast %broadcast_in_dim3A_772 : i32 to vector<16xi32>
        %add3A_774 = vector.broadcast %add3A_771 : i32 to vector<16xi32>
        %add3A_775 = arith.addi %add3A_774, %broadcast_in_dim3A_773 : vector<16xi32>
        %gather3A_776 = tpu.vector_load_idx %arg13[%add3A_775] : memref<1152xf32, #tpu.memory_space<vmem>>[vector<16xi32>], vector<16xf32>,
        %get3A_777 = arith.constant 12 : i32
        %get3A_778 = arith.index_cast %get3A_777 : i32 to index
        %get3A_779 = arith.constant 0 : index
        %get3A_780 = tpu.vector_load %arg15[%get3A_778, %get3A_779] {strides = array<i32>} : memref<16x64xf32, #tpu.memory_space<vmem>>, vector<16xf32>,
        %mul3A_781 = arith.mulf %get3A_780, %gather3A_776 : vector<16xf32>
        %swap3A_782 = arith.constant 12 : i32
        %swap3A_783 = arith.index_cast %swap3A_782 : i32 to index
        %swap3A_784 = arith.constant 0 : index
        %swap3A_785 = tpu.vector_load %arg15[%swap3A_783, %swap3A_784] {strides = array<i32>} : memref<16x64xf32, #tpu.memory_space<vmem>>, vector<16xf32>,
        tpu.vector_store %arg15[%swap3A_783, %swap3A_784], %mul3A_781 {strides = array<i32>} : memref<16x64xf32, #tpu.memory_space<vmem>>, vector<16xf32>,
        %get3A_786 = arith.constant 12 : i32
        %get3A_787 = arith.index_cast %get3A_786 : i32 to index
        %get3A_788 = arith.constant 16 : index
        %get3A_789 = tpu.vector_load %arg15[%get3A_787, %get3A_788] {strides = array<i32>} : memref<16x64xf32, #tpu.memory_space<vmem>>, vector<16xf32>,
        %mul3A_790 = arith.mulf %get3A_789, %gather3A_776 : vector<16xf32>
        %swap3A_791 = arith.constant 12 : i32
        %swap3A_792 = arith.index_cast %swap3A_791 : i32 to index
        %swap3A_793 = arith.constant 16 : index
        %swap3A_794 = tpu.vector_load %arg15[%swap3A_792, %swap3A_793] {strides = array<i32>} : memref<16x64xf32, #tpu.memory_space<vmem>>, vector<16xf32>,
        tpu.vector_store %arg15[%swap3A_792, %swap3A_793], %mul3A_790 {strides = array<i32>} : memref<16x64xf32, #tpu.memory_space<vmem>>, vector<16xf32>,
        %get3A_795 = arith.constant 12 : i32
        %get3A_796 = arith.index_cast %get3A_795 : i32 to index
        %get3A_797 = arith.constant 32 : index
        %get3A_798 = tpu.vector_load %arg15[%get3A_796, %get3A_797] {strides = array<i32>} : memref<16x64xf32, #tpu.memory_space<vmem>>, vector<16xf32>,
        %mul3A_799 = arith.mulf %get3A_798, %gather3A_776 : vector<16xf32>
        %swap3A_800 = arith.constant 12 : i32
        %swap3A_801 = arith.index_cast %swap3A_800 : i32 to index
        %swap3A_802 = arith.constant 32 : index
        %swap3A_803 = tpu.vector_load %arg15[%swap3A_801, %swap3A_802] {strides = array<i32>} : memref<16x64xf32, #tpu.memory_space<vmem>>, vector<16xf32>,
        tpu.vector_store %arg15[%swap3A_801, %swap3A_802], %mul3A_799 {strides = array<i32>} : memref<16x64xf32, #tpu.memory_space<vmem>>, vector<16xf32>,
        %get3A_804 = arith.constant 12 : i32
        %get3A_805 = arith.index_cast %get3A_804 : i32 to index
        %get3A_806 = arith.constant 48 : index
        %get3A_807 = tpu.vector_load %arg15[%get3A_805, %get3A_806] {strides = array<i32>} : memref<16x64xf32, #tpu.memory_space<vmem>>, vector<16xf32>,
        %mul3A_808 = arith.mulf %get3A_807, %gather3A_776 : vector<16xf32>
        %swap3A_809 = arith.constant 12 : i32
        %swap3A_810 = arith.index_cast %swap3A_809 : i32 to index
        %swap3A_811 = arith.constant 48 : index
        %swap3A_812 = tpu.vector_load %arg15[%swap3A_810, %swap3A_811] {strides = array<i32>} : memref<16x64xf32, #tpu.memory_space<vmem>>, vector<16xf32>,
        tpu.vector_store %arg15[%swap3A_810, %swap3A_811], %mul3A_808 {strides = array<i32>} : memref<16x64xf32, #tpu.memory_space<vmem>>, vector<16xf32>,
        %mul3A_813 = arith.constant 16 : i32
        %mul3A_814 = arith.muli %scan3A_220, %mul3A_813 : i32
        %add3A_815 = arith.constant 13 : i32
        %add3A_816 = arith.addi %mul3A_814, %add3A_815 : i32
        %broadcast_in_dim3A_817 = arith.constant 0 : i32
        %broadcast_in_dim3A_818 = vector.broadcast %broadcast_in_dim3A_817 : i32 to vector<16xi32>
        %add3A_819 = vector.broadcast %add3A_816 : i32 to vector<16xi32>
        %add3A_820 = arith.addi %add3A_819, %broadcast_in_dim3A_818 : vector<16xi32>
        %gather3A_821 = tpu.vector_load_idx %arg13[%add3A_820] : memref<1152xf32, #tpu.memory_space<vmem>>[vector<16xi32>], vector<16xf32>,
        %get3A_822 = arith.constant 13 : i32
        %get3A_823 = arith.index_cast %get3A_822 : i32 to index
        %get3A_824 = arith.constant 0 : index
        %get3A_825 = tpu.vector_load %arg15[%get3A_823, %get3A_824] {strides = array<i32>} : memref<16x64xf32, #tpu.memory_space<vmem>>, vector<16xf32>,
        %mul3A_826 = arith.mulf %get3A_825, %gather3A_821 : vector<16xf32>
        %swap3A_827 = arith.constant 13 : i32
        %swap3A_828 = arith.index_cast %swap3A_827 : i32 to index
        %swap3A_829 = arith.constant 0 : index
        %swap3A_830 = tpu.vector_load %arg15[%swap3A_828, %swap3A_829] {strides = array<i32>} : memref<16x64xf32, #tpu.memory_space<vmem>>, vector<16xf32>,
        tpu.vector_store %arg15[%swap3A_828, %swap3A_829], %mul3A_826 {strides = array<i32>} : memref<16x64xf32, #tpu.memory_space<vmem>>, vector<16xf32>,
        %get3A_831 = arith.constant 13 : i32
        %get3A_832 = arith.index_cast %get3A_831 : i32 to index
        %get3A_833 = arith.constant 16 : index
        %get3A_834 = tpu.vector_load %arg15[%get3A_832, %get3A_833] {strides = array<i32>} : memref<16x64xf32, #tpu.memory_space<vmem>>, vector<16xf32>,
        %mul3A_835 = arith.mulf %get3A_834, %gather3A_821 : vector<16xf32>
        %swap3A_836 = arith.constant 13 : i32
        %swap3A_837 = arith.index_cast %swap3A_836 : i32 to index
        %swap3A_838 = arith.constant 16 : index
        %swap3A_839 = tpu.vector_load %arg15[%swap3A_837, %swap3A_838] {strides = array<i32>} : memref<16x64xf32, #tpu.memory_space<vmem>>, vector<16xf32>,
        tpu.vector_store %arg15[%swap3A_837, %swap3A_838], %mul3A_835 {strides = array<i32>} : memref<16x64xf32, #tpu.memory_space<vmem>>, vector<16xf32>,
        %get3A_840 = arith.constant 13 : i32
        %get3A_841 = arith.index_cast %get3A_840 : i32 to index
        %get3A_842 = arith.constant 32 : index
        %get3A_843 = tpu.vector_load %arg15[%get3A_841, %get3A_842] {strides = array<i32>} : memref<16x64xf32, #tpu.memory_space<vmem>>, vector<16xf32>,
        %mul3A_844 = arith.mulf %get3A_843, %gather3A_821 : vector<16xf32>
        %swap3A_845 = arith.constant 13 : i32
        %swap3A_846 = arith.index_cast %swap3A_845 : i32 to index
        %swap3A_847 = arith.constant 32 : index
        %swap3A_848 = tpu.vector_load %arg15[%swap3A_846, %swap3A_847] {strides = array<i32>} : memref<16x64xf32, #tpu.memory_space<vmem>>, vector<16xf32>,
        tpu.vector_store %arg15[%swap3A_846, %swap3A_847], %mul3A_844 {strides = array<i32>} : memref<16x64xf32, #tpu.memory_space<vmem>>, vector<16xf32>,
        %get3A_849 = arith.constant 13 : i32
        %get3A_850 = arith.index_cast %get3A_849 : i32 to index
        %get3A_851 = arith.constant 48 : index
        %get3A_852 = tpu.vector_load %arg15[%get3A_850, %get3A_851] {strides = array<i32>} : memref<16x64xf32, #tpu.memory_space<vmem>>, vector<16xf32>,
        %mul3A_853 = arith.mulf %get3A_852, %gather3A_821 : vector<16xf32>
        %swap3A_854 = arith.constant 13 : i32
        %swap3A_855 = arith.index_cast %swap3A_854 : i32 to index
        %swap3A_856 = arith.constant 48 : index
        %swap3A_857 = tpu.vector_load %arg15[%swap3A_855, %swap3A_856] {strides = array<i32>} : memref<16x64xf32, #tpu.memory_space<vmem>>, vector<16xf32>,
        tpu.vector_store %arg15[%swap3A_855, %swap3A_856], %mul3A_853 {strides = array<i32>} : memref<16x64xf32, #tpu.memory_space<vmem>>, vector<16xf32>,
        %mul3A_858 = arith.constant 16 : i32
        %mul3A_859 = arith.muli %scan3A_220, %mul3A_858 : i32
        %add3A_860 = arith.constant 14 : i32
        %add3A_861 = arith.addi %mul3A_859, %add3A_860 : i32
        %broadcast_in_dim3A_862 = arith.constant 0 : i32
        %broadcast_in_dim3A_863 = vector.broadcast %broadcast_in_dim3A_862 : i32 to vector<16xi32>
        %add3A_864 = vector.broadcast %add3A_861 : i32 to vector<16xi32>
        %add3A_865 = arith.addi %add3A_864, %broadcast_in_dim3A_863 : vector<16xi32>
        %gather3A_866 = tpu.vector_load_idx %arg13[%add3A_865] : memref<1152xf32, #tpu.memory_space<vmem>>[vector<16xi32>], vector<16xf32>,
        %get3A_867 = arith.constant 14 : i32
        %get3A_868 = arith.index_cast %get3A_867 : i32 to index
        %get3A_869 = arith.constant 0 : index
        %get3A_870 = tpu.vector_load %arg15[%get3A_868, %get3A_869] {strides = array<i32>} : memref<16x64xf32, #tpu.memory_space<vmem>>, vector<16xf32>,
        %mul3A_871 = arith.mulf %get3A_870, %gather3A_866 : vector<16xf32>
        %swap3A_872 = arith.constant 14 : i32
        %swap3A_873 = arith.index_cast %swap3A_872 : i32 to index
        %swap3A_874 = arith.constant 0 : index
        %swap3A_875 = tpu.vector_load %arg15[%swap3A_873, %swap3A_874] {strides = array<i32>} : memref<16x64xf32, #tpu.memory_space<vmem>>, vector<16xf32>,
        tpu.vector_store %arg15[%swap3A_873, %swap3A_874], %mul3A_871 {strides = array<i32>} : memref<16x64xf32, #tpu.memory_space<vmem>>, vector<16xf32>,
        %get3A_876 = arith.constant 14 : i32
        %get3A_877 = arith.index_cast %get3A_876 : i32 to index
        %get3A_878 = arith.constant 16 : index
        %get3A_879 = tpu.vector_load %arg15[%get3A_877, %get3A_878] {strides = array<i32>} : memref<16x64xf32, #tpu.memory_space<vmem>>, vector<16xf32>,
        %mul3A_880 = arith.mulf %get3A_879, %gather3A_866 : vector<16xf32>
        %swap3A_881 = arith.constant 14 : i32
        %swap3A_882 = arith.index_cast %swap3A_881 : i32 to index
        %swap3A_883 = arith.constant 16 : index
        %swap3A_884 = tpu.vector_load %arg15[%swap3A_882, %swap3A_883] {strides = array<i32>} : memref<16x64xf32, #tpu.memory_space<vmem>>, vector<16xf32>,
        tpu.vector_store %arg15[%swap3A_882, %swap3A_883], %mul3A_880 {strides = array<i32>} : memref<16x64xf32, #tpu.memory_space<vmem>>, vector<16xf32>,
        %get3A_885 = arith.constant 14 : i32
        %get3A_886 = arith.index_cast %get3A_885 : i32 to index
        %get3A_887 = arith.constant 32 : index
        %get3A_888 = tpu.vector_load %arg15[%get3A_886, %get3A_887] {strides = array<i32>} : memref<16x64xf32, #tpu.memory_space<vmem>>, vector<16xf32>,
        %mul3A_889 = arith.mulf %get3A_888, %gather3A_866 : vector<16xf32>
        %swap3A_890 = arith.constant 14 : i32
        %swap3A_891 = arith.index_cast %swap3A_890 : i32 to index
        %swap3A_892 = arith.constant 32 : index
        %swap3A_893 = tpu.vector_load %arg15[%swap3A_891, %swap3A_892] {strides = array<i32>} : memref<16x64xf32, #tpu.memory_space<vmem>>, vector<16xf32>,
        tpu.vector_store %arg15[%swap3A_891, %swap3A_892], %mul3A_889 {strides = array<i32>} : memref<16x64xf32, #tpu.memory_space<vmem>>, vector<16xf32>,
        %get3A_894 = arith.constant 14 : i32
        %get3A_895 = arith.index_cast %get3A_894 : i32 to index
        %get3A_896 = arith.constant 48 : index
        %get3A_897 = tpu.vector_load %arg15[%get3A_895, %get3A_896] {strides = array<i32>} : memref<16x64xf32, #tpu.memory_space<vmem>>, vector<16xf32>,
        %mul3A_898 = arith.mulf %get3A_897, %gather3A_866 : vector<16xf32>
        %swap3A_899 = arith.constant 14 : i32
        %swap3A_900 = arith.index_cast %swap3A_899 : i32 to index
        %swap3A_901 = arith.constant 48 : index
        %swap3A_902 = tpu.vector_load %arg15[%swap3A_900, %swap3A_901] {strides = array<i32>} : memref<16x64xf32, #tpu.memory_space<vmem>>, vector<16xf32>,
        tpu.vector_store %arg15[%swap3A_900, %swap3A_901], %mul3A_898 {strides = array<i32>} : memref<16x64xf32, #tpu.memory_space<vmem>>, vector<16xf32>,
        %mul3A_903 = arith.constant 16 : i32
        %mul3A_904 = arith.muli %scan3A_220, %mul3A_903 : i32
        %add3A_905 = arith.constant 15 : i32
        %add3A_906 = arith.addi %mul3A_904, %add3A_905 : i32
        %broadcast_in_dim3A_907 = arith.constant 0 : i32
        %broadcast_in_dim3A_908 = vector.broadcast %broadcast_in_dim3A_907 : i32 to vector<16xi32>
        %add3A_909 = vector.broadcast %add3A_906 : i32 to vector<16xi32>
        %add3A_910 = arith.addi %add3A_909, %broadcast_in_dim3A_908 : vector<16xi32>
        %gather3A_911 = tpu.vector_load_idx %arg13[%add3A_910] : memref<1152xf32, #tpu.memory_space<vmem>>[vector<16xi32>], vector<16xf32>,
        %get3A_912 = arith.constant 15 : i32
        %get3A_913 = arith.index_cast %get3A_912 : i32 to index
        %get3A_914 = arith.constant 0 : index
        %get3A_915 = tpu.vector_load %arg15[%get3A_913, %get3A_914] {strides = array<i32>} : memref<16x64xf32, #tpu.memory_space<vmem>>, vector<16xf32>,
        %mul3A_916 = arith.mulf %get3A_915, %gather3A_911 : vector<16xf32>
        %swap3A_917 = arith.constant 15 : i32
        %swap3A_918 = arith.index_cast %swap3A_917 : i32 to index
        %swap3A_919 = arith.constant 0 : index
        %swap3A_920 = tpu.vector_load %arg15[%swap3A_918, %swap3A_919] {strides = array<i32>} : memref<16x64xf32, #tpu.memory_space<vmem>>, vector<16xf32>,
        tpu.vector_store %arg15[%swap3A_918, %swap3A_919], %mul3A_916 {strides = array<i32>} : memref<16x64xf32, #tpu.memory_space<vmem>>, vector<16xf32>,
        %get3A_921 = arith.constant 15 : i32
        %get3A_922 = arith.index_cast %get3A_921 : i32 to index
        %get3A_923 = arith.constant 16 : index
        %get3A_924 = tpu.vector_load %arg15[%get3A_922, %get3A_923] {strides = array<i32>} : memref<16x64xf32, #tpu.memory_space<vmem>>, vector<16xf32>,
        %mul3A_925 = arith.mulf %get3A_924, %gather3A_911 : vector<16xf32>
        %swap3A_926 = arith.constant 15 : i32
        %swap3A_927 = arith.index_cast %swap3A_926 : i32 to index
        %swap3A_928 = arith.constant 16 : index
        %swap3A_929 = tpu.vector_load %arg15[%swap3A_927, %swap3A_928] {strides = array<i32>} : memref<16x64xf32, #tpu.memory_space<vmem>>, vector<16xf32>,
        tpu.vector_store %arg15[%swap3A_927, %swap3A_928], %mul3A_925 {strides = array<i32>} : memref<16x64xf32, #tpu.memory_space<vmem>>, vector<16xf32>,
        %get3A_930 = arith.constant 15 : i32
        %get3A_931 = arith.index_cast %get3A_930 : i32 to index
        %get3A_932 = arith.constant 32 : index
        %get3A_933 = tpu.vector_load %arg15[%get3A_931, %get3A_932] {strides = array<i32>} : memref<16x64xf32, #tpu.memory_space<vmem>>, vector<16xf32>,
        %mul3A_934 = arith.mulf %get3A_933, %gather3A_911 : vector<16xf32>
        %swap3A_935 = arith.constant 15 : i32
        %swap3A_936 = arith.index_cast %swap3A_935 : i32 to index
        %swap3A_937 = arith.constant 32 : index
        %swap3A_938 = tpu.vector_load %arg15[%swap3A_936, %swap3A_937] {strides = array<i32>} : memref<16x64xf32, #tpu.memory_space<vmem>>, vector<16xf32>,
        tpu.vector_store %arg15[%swap3A_936, %swap3A_937], %mul3A_934 {strides = array<i32>} : memref<16x64xf32, #tpu.memory_space<vmem>>, vector<16xf32>,
        %get3A_939 = arith.constant 15 : i32
        %get3A_940 = arith.index_cast %get3A_939 : i32 to index
        %get3A_941 = arith.constant 48 : index
        %get3A_942 = tpu.vector_load %arg15[%get3A_940, %get3A_941] {strides = array<i32>} : memref<16x64xf32, #tpu.memory_space<vmem>>, vector<16xf32>,
        %mul3A_943 = arith.mulf %get3A_942, %gather3A_911 : vector<16xf32>
        %swap3A_944 = arith.constant 15 : i32
        %swap3A_945 = arith.index_cast %swap3A_944 : i32 to index
        %swap3A_946 = arith.constant 48 : index
        %swap3A_947 = tpu.vector_load %arg15[%swap3A_945, %swap3A_946] {strides = array<i32>} : memref<16x64xf32, #tpu.memory_space<vmem>>, vector<16xf32>,
        tpu.vector_store %arg15[%swap3A_945, %swap3A_946], %mul3A_943 {strides = array<i32>} : memref<16x64xf32, #tpu.memory_space<vmem>>, vector<16xf32>,
        "tpu.region"() ({
          %run_scoped3A = tpu.sem_alloc : memref<!tpu.dma_semaphore, #tpu.memory_space<semaphore_mem>>
          %dma_start3A_949 = arith.constant 0 : i32
          %dma_start3A_950 = tpu.memref_slice %arg12[%scan3A_220, %dma_start3A_949] : memref<72x16xi32, #tpu.memory_space<vmem>> -> memref<1x16xi32, #tpu.memory_space<vmem>>
          %dma_start3A_951 = tpu.memref_squeeze %dma_start3A_950 : memref<1x16xi32, #tpu.memory_space<vmem>> -> memref<16xi32, #tpu.memory_space<vmem>>
          %dma_start3A_952 = arith.constant 0 : i32
          %dma_start3A_953 = arith.constant 0 : i32
          %dma_start3A_954 = tpu.memref_slice %arg17[%dma_start3A_952, %dma_start3A_953] : memref<10240x64xf32, #tpu.memory_space<vmem_shared>> -> memref<10240x64xf32, #tpu.memory_space<vmem_shared>>
          tpu.enqueue_indirect_dma source(%arg15 : memref<16x64xf32, #tpu.memory_space<vmem>>) target(%dma_start3A_954 : memref<10240x64xf32, #tpu.memory_space<vmem_shared>>) offsets(%dma_start3A_951 : memref<16xi32, #tpu.memory_space<vmem>>) semaphore(%run_scoped3A : memref<!tpu.dma_semaphore, #tpu.memory_space<semaphore_mem>>) {add = true}
          %dma_wait3A_955 = arith.constant 0 : i32
          %dma_wait3A_956 = tpu.memref_slice %arg12[%scan3A_220, %dma_wait3A_955] : memref<72x16xi32, #tpu.memory_space<vmem>> -> memref<1x16xi32, #tpu.memory_space<vmem>>
          %dma_wait3A_957 = tpu.memref_squeeze %dma_wait3A_956 : memref<1x16xi32, #tpu.memory_space<vmem>> -> memref<16xi32, #tpu.memory_space<vmem>>
          %dma_wait3A_958 = arith.constant 0 : i32
          %dma_wait3A_959 = arith.constant 0 : i32
          %dma_wait3A_960 = tpu.memref_slice %arg17[%dma_wait3A_958, %dma_wait3A_959] : memref<10240x64xf32, #tpu.memory_space<vmem_shared>> -> memref<10240x64xf32, #tpu.memory_space<vmem_shared>>
          tpu.wait_indirect_dma semaphore(%run_scoped3A : memref<!tpu.dma_semaphore, #tpu.memory_space<semaphore_mem>>) src(%arg15 : memref<16x64xf32, #tpu.memory_space<vmem>>) dst(%dma_wait3A_960 : memref<10240x64xf32, #tpu.memory_space<vmem_shared>>)
          tpu.yield
        }) : () -> ()
        %scan3A_948 = arith.constant 0 : i32
        scf.yield %scan3A_948 : i32
      }
      %scan3A_218 = arith.constant 72 : i32
      %scan3A_219 = arith.constant 0 : i32
      scf.yield %scan3A_219 : i32
    }
    %scan3A_182 = arith.constant 9 : i32
    %barrier3A_183 = arith.constant 0 : index
    tpu.barrier barrier_id(%barrier3A_183)
    %mul3A_184 = arith.constant 640 : i32
    %mul3A_185 = arith.muli %arg1, %mul3A_184 : i32
    %mul3A_186 = arith.constant 10240 : i32
    %mul3A_187 = arith.muli %arg0, %mul3A_186 : i32
    %mul3A_188 = arith.constant 640 : i32
    %mul3A_189 = arith.muli %arg1, %mul3A_188 : i32
    %add3A_190 = arith.addi %mul3A_187, %mul3A_189 : i32
    "tpu.region"() ({
      %run_scoped3A = tpu.sem_alloc : memref<!tpu.dma_semaphore, #tpu.memory_space<semaphore_mem>>
      %dma_start3A = arith.constant 0 : i32
      %dma_start3A_193 = tpu.memref_slice %arg7[%add3A_190, %dma_start3A] : memref<20480x64xf32, #tpu.memory_space<hbm>> -> memref<640x64xf32, #tpu.memory_space<hbm>>
      %dma_start3A_194 = arith.constant 0 : i32
      %dma_start3A_195 = tpu.memref_slice %arg17[%mul3A_185, %dma_start3A_194] : memref<10240x64xf32, #tpu.memory_space<vmem_shared>> -> memref<640x64xf32, #tpu.memory_space<vmem_shared>>
      tpu.enqueue_dma source(%dma_start3A_195 : memref<640x64xf32, #tpu.memory_space<vmem_shared>>) target(%dma_start3A_193 : memref<640x64xf32, #tpu.memory_space<hbm>>) target_semaphore(%run_scoped3A : memref<!tpu.dma_semaphore, #tpu.memory_space<semaphore_mem>>)
      %dma_wait3A = arith.constant 0 : i32
      %dma_wait3A_196 = tpu.memref_slice %arg7[%add3A_190, %dma_wait3A] : memref<20480x64xf32, #tpu.memory_space<hbm>> -> memref<640x64xf32, #tpu.memory_space<hbm>>
      %dma_wait3A_197 = arith.constant 0 : i32
      %dma_wait3A_198 = tpu.memref_slice %arg17[%mul3A_185, %dma_wait3A_197] : memref<10240x64xf32, #tpu.memory_space<vmem_shared>> -> memref<640x64xf32, #tpu.memory_space<vmem_shared>>
      tpu.wait_dma2 semaphore(%run_scoped3A : memref<!tpu.dma_semaphore, #tpu.memory_space<semaphore_mem>>) src(%dma_wait3A_198 : memref<640x64xf32, #tpu.memory_space<vmem_shared>>) dst(%dma_wait3A_196 : memref<640x64xf32, #tpu.memory_space<hbm>>)
      tpu.yield
    }) : () -> ()
    %mul3A_191 = arith.constant 10000 : i32
    %mul3A_192 = arith.muli %add3A, %mul3A_191 : i32
    "tpu.region"() ({
      %run_scoped3A = tpu.sem_alloc : memref<!tpu.dma_semaphore, #tpu.memory_space<semaphore_mem>>
      %dma_start3A = tpu.memref_slice %arg8[%mul3A_192] : memref<320000xf32, #tpu.memory_space<hbm>> -> memref<10000xf32, #tpu.memory_space<hbm>>
      %dma_start3A_193 = tpu.memref_slice %arg8[%mul3A_192] : memref<320000xf32, #tpu.memory_space<hbm>> -> memref<10000xf32, #tpu.memory_space<hbm>>
      tpu.enqueue_dma source(%arg14 : memref<10000xf32, #tpu.memory_space<vmem>>) target(%dma_start3A_193 : memref<10000xf32, #tpu.memory_space<hbm>>) target_semaphore(%run_scoped3A : memref<!tpu.dma_semaphore, #tpu.memory_space<semaphore_mem>>)
      %dma_wait3A = tpu.memref_slice %arg8[%mul3A_192] : memref<320000xf32, #tpu.memory_space<hbm>> -> memref<10000xf32, #tpu.memory_space<hbm>>
      %dma_wait3A_194 = tpu.memref_slice %arg8[%mul3A_192] : memref<320000xf32, #tpu.memory_space<hbm>> -> memref<10000xf32, #tpu.memory_space<hbm>>
      tpu.wait_dma2 semaphore(%run_scoped3A : memref<!tpu.dma_semaphore, #tpu.memory_space<semaphore_mem>>) src(%arg14 : memref<10000xf32, #tpu.memory_space<vmem>>) dst(%dma_wait3A_194 : memref<10000xf32, #tpu.memory_space<hbm>>)
      tpu.yield
    }) : () -> ()
    return
  }
}

#map = affine_map<(d0, d1) -> (0, 0)>
#map1 = affine_map<(d0, d1) -> (0)>
module attributes {stable_mosaic.version = 14 : i64} {
  func.func @k(%arg0: i32, %arg1: i32, %arg2: memref<20736x16xi32, #tpu.memory_space<hbm>>, %arg3: memref<20736x16xi32, #tpu.memory_space<hbm>>, %arg4: memref<10000xf32, #tpu.memory_space<hbm>>, %arg5: memref<10000xf32, #tpu.memory_space<hbm>>, %arg6: memref<10000x128xf32, #tpu.memory_space<hbm>>, %arg7: memref<20480x128xf32, #tpu.memory_space<hbm>>, %arg8: memref<320000xf32, #tpu.memory_space<hbm>>, %arg9: memref<10000xf32, #tpu.memory_space<vmem>>, %arg10: memref<10000xf32, #tpu.memory_space<vmem>>, %arg11: memref<72x16xi32, #tpu.memory_space<vmem>>, %arg12: memref<72x16xi32, #tpu.memory_space<vmem>>, %arg13: memref<1152xf32, #tpu.memory_space<vmem>>, %arg14: memref<10000xf32, #tpu.memory_space<vmem>>, %arg15: memref<16x128xf32, #tpu.memory_space<vmem>>, %arg16: memref<16x128xf32, #tpu.memory_space<vmem>>, %arg17: memref<10240x128xf32, #tpu.memory_space<vmem_shared>>, %arg18: memref<!tpu.dma_semaphore, #tpu.memory_space<semaphore_mem>>) attributes {dimension_semantics = [#tpu.dimension_semantics<core_parallel>, #tpu.dimension_semantics<subcore_parallel>], iteration_bounds = array<i64: 2, 16>, scalar_prefetch = 0 : i64, scratch_operands = 10 : i64, tpu.core_type = #tpu.core_type<sc_vector_subcore>, window_params = [{transform_indices = #map}, {transform_indices = #map}, {transform_indices = #map1}, {transform_indices = #map1}, {transform_indices = #map}, {transform_indices = #map}, {transform_indices = #map1}]} {
    %mul3A = arith.constant 2 : i32
    %mul3A_0 = arith.muli %arg1, %mul3A : i32
    %add3A = arith.addi %mul3A_0, %arg0 : i32
    "tpu.region"() ({
      %run_scoped3A = tpu.sem_alloc : memref<!tpu.dma_semaphore, #tpu.memory_space<semaphore_mem>>
      tpu.enqueue_dma source(%arg4 : memref<10000xf32, #tpu.memory_space<hbm>>) target(%arg9 : memref<10000xf32, #tpu.memory_space<vmem>>) target_semaphore(%run_scoped3A : memref<!tpu.dma_semaphore, #tpu.memory_space<semaphore_mem>>)
      tpu.wait_dma2 semaphore(%run_scoped3A : memref<!tpu.dma_semaphore, #tpu.memory_space<semaphore_mem>>) src(%arg4 : memref<10000xf32, #tpu.memory_space<hbm>>) dst(%arg9 : memref<10000xf32, #tpu.memory_space<vmem>>)
      tpu.yield
    }) : () -> ()
    "tpu.region"() ({
      %run_scoped3A = tpu.sem_alloc : memref<!tpu.dma_semaphore, #tpu.memory_space<semaphore_mem>>
      tpu.enqueue_dma source(%arg5 : memref<10000xf32, #tpu.memory_space<hbm>>) target(%arg10 : memref<10000xf32, #tpu.memory_space<vmem>>) target_semaphore(%run_scoped3A : memref<!tpu.dma_semaphore, #tpu.memory_space<semaphore_mem>>)
      tpu.wait_dma2 semaphore(%run_scoped3A : memref<!tpu.dma_semaphore, #tpu.memory_space<semaphore_mem>>) src(%arg5 : memref<10000xf32, #tpu.memory_space<hbm>>) dst(%arg10 : memref<10000xf32, #tpu.memory_space<vmem>>)
      tpu.yield
    }) : () -> ()
    %scan3A = arith.constant 0 : i32
    %scan3A_1 = arith.constant 0 : i32
    %scan3A_2 = arith.constant 16 : i32
    %scan3A_3 = arith.addi %scan3A_1, %scan3A_2 : i32
    %scan3A_4 = arith.constant 1 : i32
    %scan3A_5 = scf.for %scan3A_193 = %scan3A_1 to %scan3A_3 step %scan3A_4 iter_args(%scan3A_194 = %scan3A) -> (i32)  : i32 {
      %broadcast_in_dim3A = arith.constant 0.000000e+00 : f32
      %broadcast_in_dim3A_195 = vector.broadcast %broadcast_in_dim3A : f32 to vector<16xf32>
      %swap3A = arith.index_cast %scan3A_193 : i32 to index
      %swap3A_196 = arith.constant 0 : index
      %swap3A_197 = tpu.vector_load %arg16[%swap3A, %swap3A_196] {strides = array<i32>} : memref<16x128xf32, #tpu.memory_space<vmem>>, vector<16xf32>,
      tpu.vector_store %arg16[%swap3A, %swap3A_196], %broadcast_in_dim3A_195 {strides = array<i32>} : memref<16x128xf32, #tpu.memory_space<vmem>>, vector<16xf32>,
      %broadcast_in_dim3A_198 = arith.constant 0.000000e+00 : f32
      %broadcast_in_dim3A_199 = vector.broadcast %broadcast_in_dim3A_198 : f32 to vector<16xf32>
      %swap3A_200 = arith.index_cast %scan3A_193 : i32 to index
      %swap3A_201 = arith.constant 16 : index
      %swap3A_202 = tpu.vector_load %arg16[%swap3A_200, %swap3A_201] {strides = array<i32>} : memref<16x128xf32, #tpu.memory_space<vmem>>, vector<16xf32>,
      tpu.vector_store %arg16[%swap3A_200, %swap3A_201], %broadcast_in_dim3A_199 {strides = array<i32>} : memref<16x128xf32, #tpu.memory_space<vmem>>, vector<16xf32>,
      %broadcast_in_dim3A_203 = arith.constant 0.000000e+00 : f32
      %broadcast_in_dim3A_204 = vector.broadcast %broadcast_in_dim3A_203 : f32 to vector<16xf32>
      %swap3A_205 = arith.index_cast %scan3A_193 : i32 to index
      %swap3A_206 = arith.constant 32 : index
      %swap3A_207 = tpu.vector_load %arg16[%swap3A_205, %swap3A_206] {strides = array<i32>} : memref<16x128xf32, #tpu.memory_space<vmem>>, vector<16xf32>,
      tpu.vector_store %arg16[%swap3A_205, %swap3A_206], %broadcast_in_dim3A_204 {strides = array<i32>} : memref<16x128xf32, #tpu.memory_space<vmem>>, vector<16xf32>,
      %broadcast_in_dim3A_208 = arith.constant 0.000000e+00 : f32
      %broadcast_in_dim3A_209 = vector.broadcast %broadcast_in_dim3A_208 : f32 to vector<16xf32>
      %swap3A_210 = arith.index_cast %scan3A_193 : i32 to index
      %swap3A_211 = arith.constant 48 : index
      %swap3A_212 = tpu.vector_load %arg16[%swap3A_210, %swap3A_211] {strides = array<i32>} : memref<16x128xf32, #tpu.memory_space<vmem>>, vector<16xf32>,
      tpu.vector_store %arg16[%swap3A_210, %swap3A_211], %broadcast_in_dim3A_209 {strides = array<i32>} : memref<16x128xf32, #tpu.memory_space<vmem>>, vector<16xf32>,
      %broadcast_in_dim3A_213 = arith.constant 0.000000e+00 : f32
      %broadcast_in_dim3A_214 = vector.broadcast %broadcast_in_dim3A_213 : f32 to vector<16xf32>
      %swap3A_215 = arith.index_cast %scan3A_193 : i32 to index
      %swap3A_216 = arith.constant 64 : index
      %swap3A_217 = tpu.vector_load %arg16[%swap3A_215, %swap3A_216] {strides = array<i32>} : memref<16x128xf32, #tpu.memory_space<vmem>>, vector<16xf32>,
      tpu.vector_store %arg16[%swap3A_215, %swap3A_216], %broadcast_in_dim3A_214 {strides = array<i32>} : memref<16x128xf32, #tpu.memory_space<vmem>>, vector<16xf32>,
      %broadcast_in_dim3A_218 = arith.constant 0.000000e+00 : f32
      %broadcast_in_dim3A_219 = vector.broadcast %broadcast_in_dim3A_218 : f32 to vector<16xf32>
      %swap3A_220 = arith.index_cast %scan3A_193 : i32 to index
      %swap3A_221 = arith.constant 80 : index
      %swap3A_222 = tpu.vector_load %arg16[%swap3A_220, %swap3A_221] {strides = array<i32>} : memref<16x128xf32, #tpu.memory_space<vmem>>, vector<16xf32>,
      tpu.vector_store %arg16[%swap3A_220, %swap3A_221], %broadcast_in_dim3A_219 {strides = array<i32>} : memref<16x128xf32, #tpu.memory_space<vmem>>, vector<16xf32>,
      %broadcast_in_dim3A_223 = arith.constant 0.000000e+00 : f32
      %broadcast_in_dim3A_224 = vector.broadcast %broadcast_in_dim3A_223 : f32 to vector<16xf32>
      %swap3A_225 = arith.index_cast %scan3A_193 : i32 to index
      %swap3A_226 = arith.constant 96 : index
      %swap3A_227 = tpu.vector_load %arg16[%swap3A_225, %swap3A_226] {strides = array<i32>} : memref<16x128xf32, #tpu.memory_space<vmem>>, vector<16xf32>,
      tpu.vector_store %arg16[%swap3A_225, %swap3A_226], %broadcast_in_dim3A_224 {strides = array<i32>} : memref<16x128xf32, #tpu.memory_space<vmem>>, vector<16xf32>,
      %broadcast_in_dim3A_228 = arith.constant 0.000000e+00 : f32
      %broadcast_in_dim3A_229 = vector.broadcast %broadcast_in_dim3A_228 : f32 to vector<16xf32>
      %swap3A_230 = arith.index_cast %scan3A_193 : i32 to index
      %swap3A_231 = arith.constant 112 : index
      %swap3A_232 = tpu.vector_load %arg16[%swap3A_230, %swap3A_231] {strides = array<i32>} : memref<16x128xf32, #tpu.memory_space<vmem>>, vector<16xf32>,
      tpu.vector_store %arg16[%swap3A_230, %swap3A_231], %broadcast_in_dim3A_229 {strides = array<i32>} : memref<16x128xf32, #tpu.memory_space<vmem>>, vector<16xf32>,
      %scan3A_233 = arith.constant 0 : i32
      scf.yield %scan3A_233 : i32
    }
    %scan3A_6 = arith.constant 16 : i32
    %scan3A_7 = arith.constant 0 : i32
    %scan3A_8 = arith.constant 0 : i32
    %scan3A_9 = arith.constant 625 : i32
    %scan3A_10 = arith.addi %scan3A_8, %scan3A_9 : i32
    %scan3A_11 = arith.constant 1 : i32
    %scan3A_12 = scf.for %scan3A_193 = %scan3A_8 to %scan3A_10 step %scan3A_11 iter_args(%scan3A_194 = %scan3A_7) -> (i32)  : i32 {
      %broadcast_in_dim3A = arith.constant 0.000000e+00 : f32
      %broadcast_in_dim3A_195 = vector.broadcast %broadcast_in_dim3A : f32 to vector<16xf32>
      %mul3A_196 = arith.constant 16 : i32
      %mul3A_197 = arith.muli %scan3A_193, %mul3A_196 : i32
      %swap3A = arith.index_cast %mul3A_197 : i32 to index
      %swap3A_198 = tpu.vector_load %arg14[%swap3A] {strides = array<i32>} : memref<10000xf32, #tpu.memory_space<vmem>>, vector<16xf32>,
      tpu.vector_store %arg14[%swap3A], %broadcast_in_dim3A_195 {strides = array<i32>} : memref<10000xf32, #tpu.memory_space<vmem>>, vector<16xf32>,
      %scan3A_199 = arith.constant 0 : i32
      scf.yield %scan3A_199 : i32
    }
    %scan3A_13 = arith.constant 625 : i32
    %mul3A_14 = arith.constant 640 : i32
    %mul3A_15 = arith.muli %arg1, %mul3A_14 : i32
    %add3A_16 = arith.constant 0 : i32
    %add3A_17 = arith.addi %mul3A_15, %add3A_16 : i32
    "tpu.region"() ({
      %run_scoped3A = tpu.sem_alloc : memref<!tpu.dma_semaphore, #tpu.memory_space<semaphore_mem>>
      %dma_start3A = arith.constant 0 : i32
      %dma_start3A_193 = tpu.memref_slice %arg17[%add3A_17, %dma_start3A] : memref<10240x128xf32, #tpu.memory_space<vmem_shared>> -> memref<16x128xf32, #tpu.memory_space<vmem_shared>>
      %dma_start3A_194 = arith.constant 0 : i32
      %dma_start3A_195 = tpu.memref_slice %arg17[%add3A_17, %dma_start3A_194] : memref<10240x128xf32, #tpu.memory_space<vmem_shared>> -> memref<16x128xf32, #tpu.memory_space<vmem_shared>>
      tpu.enqueue_dma source(%arg16 : memref<16x128xf32, #tpu.memory_space<vmem>>) target(%dma_start3A_195 : memref<16x128xf32, #tpu.memory_space<vmem_shared>>) target_semaphore(%run_scoped3A : memref<!tpu.dma_semaphore, #tpu.memory_space<semaphore_mem>>)
      %dma_wait3A = arith.constant 0 : i32
      %dma_wait3A_196 = tpu.memref_slice %arg17[%add3A_17, %dma_wait3A] : memref<10240x128xf32, #tpu.memory_space<vmem_shared>> -> memref<16x128xf32, #tpu.memory_space<vmem_shared>>
      %dma_wait3A_197 = arith.constant 0 : i32
      %dma_wait3A_198 = tpu.memref_slice %arg17[%add3A_17, %dma_wait3A_197] : memref<10240x128xf32, #tpu.memory_space<vmem_shared>> -> memref<16x128xf32, #tpu.memory_space<vmem_shared>>
      tpu.wait_dma2 semaphore(%run_scoped3A : memref<!tpu.dma_semaphore, #tpu.memory_space<semaphore_mem>>) src(%arg16 : memref<16x128xf32, #tpu.memory_space<vmem>>) dst(%dma_wait3A_198 : memref<16x128xf32, #tpu.memory_space<vmem_shared>>)
      tpu.yield
    }) : () -> ()
    %mul3A_18 = arith.constant 640 : i32
    %mul3A_19 = arith.muli %arg1, %mul3A_18 : i32
    %add3A_20 = arith.constant 16 : i32
    %add3A_21 = arith.addi %mul3A_19, %add3A_20 : i32
    "tpu.region"() ({
      %run_scoped3A = tpu.sem_alloc : memref<!tpu.dma_semaphore, #tpu.memory_space<semaphore_mem>>
      %dma_start3A = arith.constant 0 : i32
      %dma_start3A_193 = tpu.memref_slice %arg17[%add3A_21, %dma_start3A] : memref<10240x128xf32, #tpu.memory_space<vmem_shared>> -> memref<16x128xf32, #tpu.memory_space<vmem_shared>>
      %dma_start3A_194 = arith.constant 0 : i32
      %dma_start3A_195 = tpu.memref_slice %arg17[%add3A_21, %dma_start3A_194] : memref<10240x128xf32, #tpu.memory_space<vmem_shared>> -> memref<16x128xf32, #tpu.memory_space<vmem_shared>>
      tpu.enqueue_dma source(%arg16 : memref<16x128xf32, #tpu.memory_space<vmem>>) target(%dma_start3A_195 : memref<16x128xf32, #tpu.memory_space<vmem_shared>>) target_semaphore(%run_scoped3A : memref<!tpu.dma_semaphore, #tpu.memory_space<semaphore_mem>>)
      %dma_wait3A = arith.constant 0 : i32
      %dma_wait3A_196 = tpu.memref_slice %arg17[%add3A_21, %dma_wait3A] : memref<10240x128xf32, #tpu.memory_space<vmem_shared>> -> memref<16x128xf32, #tpu.memory_space<vmem_shared>>
      %dma_wait3A_197 = arith.constant 0 : i32
      %dma_wait3A_198 = tpu.memref_slice %arg17[%add3A_21, %dma_wait3A_197] : memref<10240x128xf32, #tpu.memory_space<vmem_shared>> -> memref<16x128xf32, #tpu.memory_space<vmem_shared>>
      tpu.wait_dma2 semaphore(%run_scoped3A : memref<!tpu.dma_semaphore, #tpu.memory_space<semaphore_mem>>) src(%arg16 : memref<16x128xf32, #tpu.memory_space<vmem>>) dst(%dma_wait3A_198 : memref<16x128xf32, #tpu.memory_space<vmem_shared>>)
      tpu.yield
    }) : () -> ()
    %mul3A_22 = arith.constant 640 : i32
    %mul3A_23 = arith.muli %arg1, %mul3A_22 : i32
    %add3A_24 = arith.constant 32 : i32
    %add3A_25 = arith.addi %mul3A_23, %add3A_24 : i32
    "tpu.region"() ({
      %run_scoped3A = tpu.sem_alloc : memref<!tpu.dma_semaphore, #tpu.memory_space<semaphore_mem>>
      %dma_start3A = arith.constant 0 : i32
      %dma_start3A_193 = tpu.memref_slice %arg17[%add3A_25, %dma_start3A] : memref<10240x128xf32, #tpu.memory_space<vmem_shared>> -> memref<16x128xf32, #tpu.memory_space<vmem_shared>>
      %dma_start3A_194 = arith.constant 0 : i32
      %dma_start3A_195 = tpu.memref_slice %arg17[%add3A_25, %dma_start3A_194] : memref<10240x128xf32, #tpu.memory_space<vmem_shared>> -> memref<16x128xf32, #tpu.memory_space<vmem_shared>>
      tpu.enqueue_dma source(%arg16 : memref<16x128xf32, #tpu.memory_space<vmem>>) target(%dma_start3A_195 : memref<16x128xf32, #tpu.memory_space<vmem_shared>>) target_semaphore(%run_scoped3A : memref<!tpu.dma_semaphore, #tpu.memory_space<semaphore_mem>>)
      %dma_wait3A = arith.constant 0 : i32
      %dma_wait3A_196 = tpu.memref_slice %arg17[%add3A_25, %dma_wait3A] : memref<10240x128xf32, #tpu.memory_space<vmem_shared>> -> memref<16x128xf32, #tpu.memory_space<vmem_shared>>
      %dma_wait3A_197 = arith.constant 0 : i32
      %dma_wait3A_198 = tpu.memref_slice %arg17[%add3A_25, %dma_wait3A_197] : memref<10240x128xf32, #tpu.memory_space<vmem_shared>> -> memref<16x128xf32, #tpu.memory_space<vmem_shared>>
      tpu.wait_dma2 semaphore(%run_scoped3A : memref<!tpu.dma_semaphore, #tpu.memory_space<semaphore_mem>>) src(%arg16 : memref<16x128xf32, #tpu.memory_space<vmem>>) dst(%dma_wait3A_198 : memref<16x128xf32, #tpu.memory_space<vmem_shared>>)
      tpu.yield
    }) : () -> ()
    %mul3A_26 = arith.constant 640 : i32
    %mul3A_27 = arith.muli %arg1, %mul3A_26 : i32
    %add3A_28 = arith.constant 48 : i32
    %add3A_29 = arith.addi %mul3A_27, %add3A_28 : i32
    "tpu.region"() ({
      %run_scoped3A = tpu.sem_alloc : memref<!tpu.dma_semaphore, #tpu.memory_space<semaphore_mem>>
      %dma_start3A = arith.constant 0 : i32
      %dma_start3A_193 = tpu.memref_slice %arg17[%add3A_29, %dma_start3A] : memref<10240x128xf32, #tpu.memory_space<vmem_shared>> -> memref<16x128xf32, #tpu.memory_space<vmem_shared>>
      %dma_start3A_194 = arith.constant 0 : i32
      %dma_start3A_195 = tpu.memref_slice %arg17[%add3A_29, %dma_start3A_194] : memref<10240x128xf32, #tpu.memory_space<vmem_shared>> -> memref<16x128xf32, #tpu.memory_space<vmem_shared>>
      tpu.enqueue_dma source(%arg16 : memref<16x128xf32, #tpu.memory_space<vmem>>) target(%dma_start3A_195 : memref<16x128xf32, #tpu.memory_space<vmem_shared>>) target_semaphore(%run_scoped3A : memref<!tpu.dma_semaphore, #tpu.memory_space<semaphore_mem>>)
      %dma_wait3A = arith.constant 0 : i32
      %dma_wait3A_196 = tpu.memref_slice %arg17[%add3A_29, %dma_wait3A] : memref<10240x128xf32, #tpu.memory_space<vmem_shared>> -> memref<16x128xf32, #tpu.memory_space<vmem_shared>>
      %dma_wait3A_197 = arith.constant 0 : i32
      %dma_wait3A_198 = tpu.memref_slice %arg17[%add3A_29, %dma_wait3A_197] : memref<10240x128xf32, #tpu.memory_space<vmem_shared>> -> memref<16x128xf32, #tpu.memory_space<vmem_shared>>
      tpu.wait_dma2 semaphore(%run_scoped3A : memref<!tpu.dma_semaphore, #tpu.memory_space<semaphore_mem>>) src(%arg16 : memref<16x128xf32, #tpu.memory_space<vmem>>) dst(%dma_wait3A_198 : memref<16x128xf32, #tpu.memory_space<vmem_shared>>)
      tpu.yield
    }) : () -> ()
    %mul3A_30 = arith.constant 640 : i32
    %mul3A_31 = arith.muli %arg1, %mul3A_30 : i32
    %add3A_32 = arith.constant 64 : i32
    %add3A_33 = arith.addi %mul3A_31, %add3A_32 : i32
    "tpu.region"() ({
      %run_scoped3A = tpu.sem_alloc : memref<!tpu.dma_semaphore, #tpu.memory_space<semaphore_mem>>
      %dma_start3A = arith.constant 0 : i32
      %dma_start3A_193 = tpu.memref_slice %arg17[%add3A_33, %dma_start3A] : memref<10240x128xf32, #tpu.memory_space<vmem_shared>> -> memref<16x128xf32, #tpu.memory_space<vmem_shared>>
      %dma_start3A_194 = arith.constant 0 : i32
      %dma_start3A_195 = tpu.memref_slice %arg17[%add3A_33, %dma_start3A_194] : memref<10240x128xf32, #tpu.memory_space<vmem_shared>> -> memref<16x128xf32, #tpu.memory_space<vmem_shared>>
      tpu.enqueue_dma source(%arg16 : memref<16x128xf32, #tpu.memory_space<vmem>>) target(%dma_start3A_195 : memref<16x128xf32, #tpu.memory_space<vmem_shared>>) target_semaphore(%run_scoped3A : memref<!tpu.dma_semaphore, #tpu.memory_space<semaphore_mem>>)
      %dma_wait3A = arith.constant 0 : i32
      %dma_wait3A_196 = tpu.memref_slice %arg17[%add3A_33, %dma_wait3A] : memref<10240x128xf32, #tpu.memory_space<vmem_shared>> -> memref<16x128xf32, #tpu.memory_space<vmem_shared>>
      %dma_wait3A_197 = arith.constant 0 : i32
      %dma_wait3A_198 = tpu.memref_slice %arg17[%add3A_33, %dma_wait3A_197] : memref<10240x128xf32, #tpu.memory_space<vmem_shared>> -> memref<16x128xf32, #tpu.memory_space<vmem_shared>>
      tpu.wait_dma2 semaphore(%run_scoped3A : memref<!tpu.dma_semaphore, #tpu.memory_space<semaphore_mem>>) src(%arg16 : memref<16x128xf32, #tpu.memory_space<vmem>>) dst(%dma_wait3A_198 : memref<16x128xf32, #tpu.memory_space<vmem_shared>>)
      tpu.yield
    }) : () -> ()
    %mul3A_34 = arith.constant 640 : i32
    %mul3A_35 = arith.muli %arg1, %mul3A_34 : i32
    %add3A_36 = arith.constant 80 : i32
    %add3A_37 = arith.addi %mul3A_35, %add3A_36 : i32
    "tpu.region"() ({
      %run_scoped3A = tpu.sem_alloc : memref<!tpu.dma_semaphore, #tpu.memory_space<semaphore_mem>>
      %dma_start3A = arith.constant 0 : i32
      %dma_start3A_193 = tpu.memref_slice %arg17[%add3A_37, %dma_start3A] : memref<10240x128xf32, #tpu.memory_space<vmem_shared>> -> memref<16x128xf32, #tpu.memory_space<vmem_shared>>
      %dma_start3A_194 = arith.constant 0 : i32
      %dma_start3A_195 = tpu.memref_slice %arg17[%add3A_37, %dma_start3A_194] : memref<10240x128xf32, #tpu.memory_space<vmem_shared>> -> memref<16x128xf32, #tpu.memory_space<vmem_shared>>
      tpu.enqueue_dma source(%arg16 : memref<16x128xf32, #tpu.memory_space<vmem>>) target(%dma_start3A_195 : memref<16x128xf32, #tpu.memory_space<vmem_shared>>) target_semaphore(%run_scoped3A : memref<!tpu.dma_semaphore, #tpu.memory_space<semaphore_mem>>)
      %dma_wait3A = arith.constant 0 : i32
      %dma_wait3A_196 = tpu.memref_slice %arg17[%add3A_37, %dma_wait3A] : memref<10240x128xf32, #tpu.memory_space<vmem_shared>> -> memref<16x128xf32, #tpu.memory_space<vmem_shared>>
      %dma_wait3A_197 = arith.constant 0 : i32
      %dma_wait3A_198 = tpu.memref_slice %arg17[%add3A_37, %dma_wait3A_197] : memref<10240x128xf32, #tpu.memory_space<vmem_shared>> -> memref<16x128xf32, #tpu.memory_space<vmem_shared>>
      tpu.wait_dma2 semaphore(%run_scoped3A : memref<!tpu.dma_semaphore, #tpu.memory_space<semaphore_mem>>) src(%arg16 : memref<16x128xf32, #tpu.memory_space<vmem>>) dst(%dma_wait3A_198 : memref<16x128xf32, #tpu.memory_space<vmem_shared>>)
      tpu.yield
    }) : () -> ()
    %mul3A_38 = arith.constant 640 : i32
    %mul3A_39 = arith.muli %arg1, %mul3A_38 : i32
    %add3A_40 = arith.constant 96 : i32
    %add3A_41 = arith.addi %mul3A_39, %add3A_40 : i32
    "tpu.region"() ({
      %run_scoped3A = tpu.sem_alloc : memref<!tpu.dma_semaphore, #tpu.memory_space<semaphore_mem>>
      %dma_start3A = arith.constant 0 : i32
      %dma_start3A_193 = tpu.memref_slice %arg17[%add3A_41, %dma_start3A] : memref<10240x128xf32, #tpu.memory_space<vmem_shared>> -> memref<16x128xf32, #tpu.memory_space<vmem_shared>>
      %dma_start3A_194 = arith.constant 0 : i32
      %dma_start3A_195 = tpu.memref_slice %arg17[%add3A_41, %dma_start3A_194] : memref<10240x128xf32, #tpu.memory_space<vmem_shared>> -> memref<16x128xf32, #tpu.memory_space<vmem_shared>>
      tpu.enqueue_dma source(%arg16 : memref<16x128xf32, #tpu.memory_space<vmem>>) target(%dma_start3A_195 : memref<16x128xf32, #tpu.memory_space<vmem_shared>>) target_semaphore(%run_scoped3A : memref<!tpu.dma_semaphore, #tpu.memory_space<semaphore_mem>>)
      %dma_wait3A = arith.constant 0 : i32
      %dma_wait3A_196 = tpu.memref_slice %arg17[%add3A_41, %dma_wait3A] : memref<10240x128xf32, #tpu.memory_space<vmem_shared>> -> memref<16x128xf32, #tpu.memory_space<vmem_shared>>
      %dma_wait3A_197 = arith.constant 0 : i32
      %dma_wait3A_198 = tpu.memref_slice %arg17[%add3A_41, %dma_wait3A_197] : memref<10240x128xf32, #tpu.memory_space<vmem_shared>> -> memref<16x128xf32, #tpu.memory_space<vmem_shared>>
      tpu.wait_dma2 semaphore(%run_scoped3A : memref<!tpu.dma_semaphore, #tpu.memory_space<semaphore_mem>>) src(%arg16 : memref<16x128xf32, #tpu.memory_space<vmem>>) dst(%dma_wait3A_198 : memref<16x128xf32, #tpu.memory_space<vmem_shared>>)
      tpu.yield
    }) : () -> ()
    %mul3A_42 = arith.constant 640 : i32
    %mul3A_43 = arith.muli %arg1, %mul3A_42 : i32
    %add3A_44 = arith.constant 112 : i32
    %add3A_45 = arith.addi %mul3A_43, %add3A_44 : i32
    "tpu.region"() ({
      %run_scoped3A = tpu.sem_alloc : memref<!tpu.dma_semaphore, #tpu.memory_space<semaphore_mem>>
      %dma_start3A = arith.constant 0 : i32
      %dma_start3A_193 = tpu.memref_slice %arg17[%add3A_45, %dma_start3A] : memref<10240x128xf32, #tpu.memory_space<vmem_shared>> -> memref<16x128xf32, #tpu.memory_space<vmem_shared>>
      %dma_start3A_194 = arith.constant 0 : i32
      %dma_start3A_195 = tpu.memref_slice %arg17[%add3A_45, %dma_start3A_194] : memref<10240x128xf32, #tpu.memory_space<vmem_shared>> -> memref<16x128xf32, #tpu.memory_space<vmem_shared>>
      tpu.enqueue_dma source(%arg16 : memref<16x128xf32, #tpu.memory_space<vmem>>) target(%dma_start3A_195 : memref<16x128xf32, #tpu.memory_space<vmem_shared>>) target_semaphore(%run_scoped3A : memref<!tpu.dma_semaphore, #tpu.memory_space<semaphore_mem>>)
      %dma_wait3A = arith.constant 0 : i32
      %dma_wait3A_196 = tpu.memref_slice %arg17[%add3A_45, %dma_wait3A] : memref<10240x128xf32, #tpu.memory_space<vmem_shared>> -> memref<16x128xf32, #tpu.memory_space<vmem_shared>>
      %dma_wait3A_197 = arith.constant 0 : i32
      %dma_wait3A_198 = tpu.memref_slice %arg17[%add3A_45, %dma_wait3A_197] : memref<10240x128xf32, #tpu.memory_space<vmem_shared>> -> memref<16x128xf32, #tpu.memory_space<vmem_shared>>
      tpu.wait_dma2 semaphore(%run_scoped3A : memref<!tpu.dma_semaphore, #tpu.memory_space<semaphore_mem>>) src(%arg16 : memref<16x128xf32, #tpu.memory_space<vmem>>) dst(%dma_wait3A_198 : memref<16x128xf32, #tpu.memory_space<vmem_shared>>)
      tpu.yield
    }) : () -> ()
    %mul3A_46 = arith.constant 640 : i32
    %mul3A_47 = arith.muli %arg1, %mul3A_46 : i32
    %add3A_48 = arith.constant 128 : i32
    %add3A_49 = arith.addi %mul3A_47, %add3A_48 : i32
    "tpu.region"() ({
      %run_scoped3A = tpu.sem_alloc : memref<!tpu.dma_semaphore, #tpu.memory_space<semaphore_mem>>
      %dma_start3A = arith.constant 0 : i32
      %dma_start3A_193 = tpu.memref_slice %arg17[%add3A_49, %dma_start3A] : memref<10240x128xf32, #tpu.memory_space<vmem_shared>> -> memref<16x128xf32, #tpu.memory_space<vmem_shared>>
      %dma_start3A_194 = arith.constant 0 : i32
      %dma_start3A_195 = tpu.memref_slice %arg17[%add3A_49, %dma_start3A_194] : memref<10240x128xf32, #tpu.memory_space<vmem_shared>> -> memref<16x128xf32, #tpu.memory_space<vmem_shared>>
      tpu.enqueue_dma source(%arg16 : memref<16x128xf32, #tpu.memory_space<vmem>>) target(%dma_start3A_195 : memref<16x128xf32, #tpu.memory_space<vmem_shared>>) target_semaphore(%run_scoped3A : memref<!tpu.dma_semaphore, #tpu.memory_space<semaphore_mem>>)
      %dma_wait3A = arith.constant 0 : i32
      %dma_wait3A_196 = tpu.memref_slice %arg17[%add3A_49, %dma_wait3A] : memref<10240x128xf32, #tpu.memory_space<vmem_shared>> -> memref<16x128xf32, #tpu.memory_space<vmem_shared>>
      %dma_wait3A_197 = arith.constant 0 : i32
      %dma_wait3A_198 = tpu.memref_slice %arg17[%add3A_49, %dma_wait3A_197] : memref<10240x128xf32, #tpu.memory_space<vmem_shared>> -> memref<16x128xf32, #tpu.memory_space<vmem_shared>>
      tpu.wait_dma2 semaphore(%run_scoped3A : memref<!tpu.dma_semaphore, #tpu.memory_space<semaphore_mem>>) src(%arg16 : memref<16x128xf32, #tpu.memory_space<vmem>>) dst(%dma_wait3A_198 : memref<16x128xf32, #tpu.memory_space<vmem_shared>>)
      tpu.yield
    }) : () -> ()
    %mul3A_50 = arith.constant 640 : i32
    %mul3A_51 = arith.muli %arg1, %mul3A_50 : i32
    %add3A_52 = arith.constant 144 : i32
    %add3A_53 = arith.addi %mul3A_51, %add3A_52 : i32
    "tpu.region"() ({
      %run_scoped3A = tpu.sem_alloc : memref<!tpu.dma_semaphore, #tpu.memory_space<semaphore_mem>>
      %dma_start3A = arith.constant 0 : i32
      %dma_start3A_193 = tpu.memref_slice %arg17[%add3A_53, %dma_start3A] : memref<10240x128xf32, #tpu.memory_space<vmem_shared>> -> memref<16x128xf32, #tpu.memory_space<vmem_shared>>
      %dma_start3A_194 = arith.constant 0 : i32
      %dma_start3A_195 = tpu.memref_slice %arg17[%add3A_53, %dma_start3A_194] : memref<10240x128xf32, #tpu.memory_space<vmem_shared>> -> memref<16x128xf32, #tpu.memory_space<vmem_shared>>
      tpu.enqueue_dma source(%arg16 : memref<16x128xf32, #tpu.memory_space<vmem>>) target(%dma_start3A_195 : memref<16x128xf32, #tpu.memory_space<vmem_shared>>) target_semaphore(%run_scoped3A : memref<!tpu.dma_semaphore, #tpu.memory_space<semaphore_mem>>)
      %dma_wait3A = arith.constant 0 : i32
      %dma_wait3A_196 = tpu.memref_slice %arg17[%add3A_53, %dma_wait3A] : memref<10240x128xf32, #tpu.memory_space<vmem_shared>> -> memref<16x128xf32, #tpu.memory_space<vmem_shared>>
      %dma_wait3A_197 = arith.constant 0 : i32
      %dma_wait3A_198 = tpu.memref_slice %arg17[%add3A_53, %dma_wait3A_197] : memref<10240x128xf32, #tpu.memory_space<vmem_shared>> -> memref<16x128xf32, #tpu.memory_space<vmem_shared>>
      tpu.wait_dma2 semaphore(%run_scoped3A : memref<!tpu.dma_semaphore, #tpu.memory_space<semaphore_mem>>) src(%arg16 : memref<16x128xf32, #tpu.memory_space<vmem>>) dst(%dma_wait3A_198 : memref<16x128xf32, #tpu.memory_space<vmem_shared>>)
      tpu.yield
    }) : () -> ()
    %mul3A_54 = arith.constant 640 : i32
    %mul3A_55 = arith.muli %arg1, %mul3A_54 : i32
    %add3A_56 = arith.constant 160 : i32
    %add3A_57 = arith.addi %mul3A_55, %add3A_56 : i32
    "tpu.region"() ({
      %run_scoped3A = tpu.sem_alloc : memref<!tpu.dma_semaphore, #tpu.memory_space<semaphore_mem>>
      %dma_start3A = arith.constant 0 : i32
      %dma_start3A_193 = tpu.memref_slice %arg17[%add3A_57, %dma_start3A] : memref<10240x128xf32, #tpu.memory_space<vmem_shared>> -> memref<16x128xf32, #tpu.memory_space<vmem_shared>>
      %dma_start3A_194 = arith.constant 0 : i32
      %dma_start3A_195 = tpu.memref_slice %arg17[%add3A_57, %dma_start3A_194] : memref<10240x128xf32, #tpu.memory_space<vmem_shared>> -> memref<16x128xf32, #tpu.memory_space<vmem_shared>>
      tpu.enqueue_dma source(%arg16 : memref<16x128xf32, #tpu.memory_space<vmem>>) target(%dma_start3A_195 : memref<16x128xf32, #tpu.memory_space<vmem_shared>>) target_semaphore(%run_scoped3A : memref<!tpu.dma_semaphore, #tpu.memory_space<semaphore_mem>>)
      %dma_wait3A = arith.constant 0 : i32
      %dma_wait3A_196 = tpu.memref_slice %arg17[%add3A_57, %dma_wait3A] : memref<10240x128xf32, #tpu.memory_space<vmem_shared>> -> memref<16x128xf32, #tpu.memory_space<vmem_shared>>
      %dma_wait3A_197 = arith.constant 0 : i32
      %dma_wait3A_198 = tpu.memref_slice %arg17[%add3A_57, %dma_wait3A_197] : memref<10240x128xf32, #tpu.memory_space<vmem_shared>> -> memref<16x128xf32, #tpu.memory_space<vmem_shared>>
      tpu.wait_dma2 semaphore(%run_scoped3A : memref<!tpu.dma_semaphore, #tpu.memory_space<semaphore_mem>>) src(%arg16 : memref<16x128xf32, #tpu.memory_space<vmem>>) dst(%dma_wait3A_198 : memref<16x128xf32, #tpu.memory_space<vmem_shared>>)
      tpu.yield
    }) : () -> ()
    %mul3A_58 = arith.constant 640 : i32
    %mul3A_59 = arith.muli %arg1, %mul3A_58 : i32
    %add3A_60 = arith.constant 176 : i32
    %add3A_61 = arith.addi %mul3A_59, %add3A_60 : i32
    "tpu.region"() ({
      %run_scoped3A = tpu.sem_alloc : memref<!tpu.dma_semaphore, #tpu.memory_space<semaphore_mem>>
      %dma_start3A = arith.constant 0 : i32
      %dma_start3A_193 = tpu.memref_slice %arg17[%add3A_61, %dma_start3A] : memref<10240x128xf32, #tpu.memory_space<vmem_shared>> -> memref<16x128xf32, #tpu.memory_space<vmem_shared>>
      %dma_start3A_194 = arith.constant 0 : i32
      %dma_start3A_195 = tpu.memref_slice %arg17[%add3A_61, %dma_start3A_194] : memref<10240x128xf32, #tpu.memory_space<vmem_shared>> -> memref<16x128xf32, #tpu.memory_space<vmem_shared>>
      tpu.enqueue_dma source(%arg16 : memref<16x128xf32, #tpu.memory_space<vmem>>) target(%dma_start3A_195 : memref<16x128xf32, #tpu.memory_space<vmem_shared>>) target_semaphore(%run_scoped3A : memref<!tpu.dma_semaphore, #tpu.memory_space<semaphore_mem>>)
      %dma_wait3A = arith.constant 0 : i32
      %dma_wait3A_196 = tpu.memref_slice %arg17[%add3A_61, %dma_wait3A] : memref<10240x128xf32, #tpu.memory_space<vmem_shared>> -> memref<16x128xf32, #tpu.memory_space<vmem_shared>>
      %dma_wait3A_197 = arith.constant 0 : i32
      %dma_wait3A_198 = tpu.memref_slice %arg17[%add3A_61, %dma_wait3A_197] : memref<10240x128xf32, #tpu.memory_space<vmem_shared>> -> memref<16x128xf32, #tpu.memory_space<vmem_shared>>
      tpu.wait_dma2 semaphore(%run_scoped3A : memref<!tpu.dma_semaphore, #tpu.memory_space<semaphore_mem>>) src(%arg16 : memref<16x128xf32, #tpu.memory_space<vmem>>) dst(%dma_wait3A_198 : memref<16x128xf32, #tpu.memory_space<vmem_shared>>)
      tpu.yield
    }) : () -> ()
    %mul3A_62 = arith.constant 640 : i32
    %mul3A_63 = arith.muli %arg1, %mul3A_62 : i32
    %add3A_64 = arith.constant 192 : i32
    %add3A_65 = arith.addi %mul3A_63, %add3A_64 : i32
    "tpu.region"() ({
      %run_scoped3A = tpu.sem_alloc : memref<!tpu.dma_semaphore, #tpu.memory_space<semaphore_mem>>
      %dma_start3A = arith.constant 0 : i32
      %dma_start3A_193 = tpu.memref_slice %arg17[%add3A_65, %dma_start3A] : memref<10240x128xf32, #tpu.memory_space<vmem_shared>> -> memref<16x128xf32, #tpu.memory_space<vmem_shared>>
      %dma_start3A_194 = arith.constant 0 : i32
      %dma_start3A_195 = tpu.memref_slice %arg17[%add3A_65, %dma_start3A_194] : memref<10240x128xf32, #tpu.memory_space<vmem_shared>> -> memref<16x128xf32, #tpu.memory_space<vmem_shared>>
      tpu.enqueue_dma source(%arg16 : memref<16x128xf32, #tpu.memory_space<vmem>>) target(%dma_start3A_195 : memref<16x128xf32, #tpu.memory_space<vmem_shared>>) target_semaphore(%run_scoped3A : memref<!tpu.dma_semaphore, #tpu.memory_space<semaphore_mem>>)
      %dma_wait3A = arith.constant 0 : i32
      %dma_wait3A_196 = tpu.memref_slice %arg17[%add3A_65, %dma_wait3A] : memref<10240x128xf32, #tpu.memory_space<vmem_shared>> -> memref<16x128xf32, #tpu.memory_space<vmem_shared>>
      %dma_wait3A_197 = arith.constant 0 : i32
      %dma_wait3A_198 = tpu.memref_slice %arg17[%add3A_65, %dma_wait3A_197] : memref<10240x128xf32, #tpu.memory_space<vmem_shared>> -> memref<16x128xf32, #tpu.memory_space<vmem_shared>>
      tpu.wait_dma2 semaphore(%run_scoped3A : memref<!tpu.dma_semaphore, #tpu.memory_space<semaphore_mem>>) src(%arg16 : memref<16x128xf32, #tpu.memory_space<vmem>>) dst(%dma_wait3A_198 : memref<16x128xf32, #tpu.memory_space<vmem_shared>>)
      tpu.yield
    }) : () -> ()
    %mul3A_66 = arith.constant 640 : i32
    %mul3A_67 = arith.muli %arg1, %mul3A_66 : i32
    %add3A_68 = arith.constant 208 : i32
    %add3A_69 = arith.addi %mul3A_67, %add3A_68 : i32
    "tpu.region"() ({
      %run_scoped3A = tpu.sem_alloc : memref<!tpu.dma_semaphore, #tpu.memory_space<semaphore_mem>>
      %dma_start3A = arith.constant 0 : i32
      %dma_start3A_193 = tpu.memref_slice %arg17[%add3A_69, %dma_start3A] : memref<10240x128xf32, #tpu.memory_space<vmem_shared>> -> memref<16x128xf32, #tpu.memory_space<vmem_shared>>
      %dma_start3A_194 = arith.constant 0 : i32
      %dma_start3A_195 = tpu.memref_slice %arg17[%add3A_69, %dma_start3A_194] : memref<10240x128xf32, #tpu.memory_space<vmem_shared>> -> memref<16x128xf32, #tpu.memory_space<vmem_shared>>
      tpu.enqueue_dma source(%arg16 : memref<16x128xf32, #tpu.memory_space<vmem>>) target(%dma_start3A_195 : memref<16x128xf32, #tpu.memory_space<vmem_shared>>) target_semaphore(%run_scoped3A : memref<!tpu.dma_semaphore, #tpu.memory_space<semaphore_mem>>)
      %dma_wait3A = arith.constant 0 : i32
      %dma_wait3A_196 = tpu.memref_slice %arg17[%add3A_69, %dma_wait3A] : memref<10240x128xf32, #tpu.memory_space<vmem_shared>> -> memref<16x128xf32, #tpu.memory_space<vmem_shared>>
      %dma_wait3A_197 = arith.constant 0 : i32
      %dma_wait3A_198 = tpu.memref_slice %arg17[%add3A_69, %dma_wait3A_197] : memref<10240x128xf32, #tpu.memory_space<vmem_shared>> -> memref<16x128xf32, #tpu.memory_space<vmem_shared>>
      tpu.wait_dma2 semaphore(%run_scoped3A : memref<!tpu.dma_semaphore, #tpu.memory_space<semaphore_mem>>) src(%arg16 : memref<16x128xf32, #tpu.memory_space<vmem>>) dst(%dma_wait3A_198 : memref<16x128xf32, #tpu.memory_space<vmem_shared>>)
      tpu.yield
    }) : () -> ()
    %mul3A_70 = arith.constant 640 : i32
    %mul3A_71 = arith.muli %arg1, %mul3A_70 : i32
    %add3A_72 = arith.constant 224 : i32
    %add3A_73 = arith.addi %mul3A_71, %add3A_72 : i32
    "tpu.region"() ({
      %run_scoped3A = tpu.sem_alloc : memref<!tpu.dma_semaphore, #tpu.memory_space<semaphore_mem>>
      %dma_start3A = arith.constant 0 : i32
      %dma_start3A_193 = tpu.memref_slice %arg17[%add3A_73, %dma_start3A] : memref<10240x128xf32, #tpu.memory_space<vmem_shared>> -> memref<16x128xf32, #tpu.memory_space<vmem_shared>>
      %dma_start3A_194 = arith.constant 0 : i32
      %dma_start3A_195 = tpu.memref_slice %arg17[%add3A_73, %dma_start3A_194] : memref<10240x128xf32, #tpu.memory_space<vmem_shared>> -> memref<16x128xf32, #tpu.memory_space<vmem_shared>>
      tpu.enqueue_dma source(%arg16 : memref<16x128xf32, #tpu.memory_space<vmem>>) target(%dma_start3A_195 : memref<16x128xf32, #tpu.memory_space<vmem_shared>>) target_semaphore(%run_scoped3A : memref<!tpu.dma_semaphore, #tpu.memory_space<semaphore_mem>>)
      %dma_wait3A = arith.constant 0 : i32
      %dma_wait3A_196 = tpu.memref_slice %arg17[%add3A_73, %dma_wait3A] : memref<10240x128xf32, #tpu.memory_space<vmem_shared>> -> memref<16x128xf32, #tpu.memory_space<vmem_shared>>
      %dma_wait3A_197 = arith.constant 0 : i32
      %dma_wait3A_198 = tpu.memref_slice %arg17[%add3A_73, %dma_wait3A_197] : memref<10240x128xf32, #tpu.memory_space<vmem_shared>> -> memref<16x128xf32, #tpu.memory_space<vmem_shared>>
      tpu.wait_dma2 semaphore(%run_scoped3A : memref<!tpu.dma_semaphore, #tpu.memory_space<semaphore_mem>>) src(%arg16 : memref<16x128xf32, #tpu.memory_space<vmem>>) dst(%dma_wait3A_198 : memref<16x128xf32, #tpu.memory_space<vmem_shared>>)
      tpu.yield
    }) : () -> ()
    %mul3A_74 = arith.constant 640 : i32
    %mul3A_75 = arith.muli %arg1, %mul3A_74 : i32
    %add3A_76 = arith.constant 240 : i32
    %add3A_77 = arith.addi %mul3A_75, %add3A_76 : i32
    "tpu.region"() ({
      %run_scoped3A = tpu.sem_alloc : memref<!tpu.dma_semaphore, #tpu.memory_space<semaphore_mem>>
      %dma_start3A = arith.constant 0 : i32
      %dma_start3A_193 = tpu.memref_slice %arg17[%add3A_77, %dma_start3A] : memref<10240x128xf32, #tpu.memory_space<vmem_shared>> -> memref<16x128xf32, #tpu.memory_space<vmem_shared>>
      %dma_start3A_194 = arith.constant 0 : i32
      %dma_start3A_195 = tpu.memref_slice %arg17[%add3A_77, %dma_start3A_194] : memref<10240x128xf32, #tpu.memory_space<vmem_shared>> -> memref<16x128xf32, #tpu.memory_space<vmem_shared>>
      tpu.enqueue_dma source(%arg16 : memref<16x128xf32, #tpu.memory_space<vmem>>) target(%dma_start3A_195 : memref<16x128xf32, #tpu.memory_space<vmem_shared>>) target_semaphore(%run_scoped3A : memref<!tpu.dma_semaphore, #tpu.memory_space<semaphore_mem>>)
      %dma_wait3A = arith.constant 0 : i32
      %dma_wait3A_196 = tpu.memref_slice %arg17[%add3A_77, %dma_wait3A] : memref<10240x128xf32, #tpu.memory_space<vmem_shared>> -> memref<16x128xf32, #tpu.memory_space<vmem_shared>>
      %dma_wait3A_197 = arith.constant 0 : i32
      %dma_wait3A_198 = tpu.memref_slice %arg17[%add3A_77, %dma_wait3A_197] : memref<10240x128xf32, #tpu.memory_space<vmem_shared>> -> memref<16x128xf32, #tpu.memory_space<vmem_shared>>
      tpu.wait_dma2 semaphore(%run_scoped3A : memref<!tpu.dma_semaphore, #tpu.memory_space<semaphore_mem>>) src(%arg16 : memref<16x128xf32, #tpu.memory_space<vmem>>) dst(%dma_wait3A_198 : memref<16x128xf32, #tpu.memory_space<vmem_shared>>)
      tpu.yield
    }) : () -> ()
    %mul3A_78 = arith.constant 640 : i32
    %mul3A_79 = arith.muli %arg1, %mul3A_78 : i32
    %add3A_80 = arith.constant 256 : i32
    %add3A_81 = arith.addi %mul3A_79, %add3A_80 : i32
    "tpu.region"() ({
      %run_scoped3A = tpu.sem_alloc : memref<!tpu.dma_semaphore, #tpu.memory_space<semaphore_mem>>
      %dma_start3A = arith.constant 0 : i32
      %dma_start3A_193 = tpu.memref_slice %arg17[%add3A_81, %dma_start3A] : memref<10240x128xf32, #tpu.memory_space<vmem_shared>> -> memref<16x128xf32, #tpu.memory_space<vmem_shared>>
      %dma_start3A_194 = arith.constant 0 : i32
      %dma_start3A_195 = tpu.memref_slice %arg17[%add3A_81, %dma_start3A_194] : memref<10240x128xf32, #tpu.memory_space<vmem_shared>> -> memref<16x128xf32, #tpu.memory_space<vmem_shared>>
      tpu.enqueue_dma source(%arg16 : memref<16x128xf32, #tpu.memory_space<vmem>>) target(%dma_start3A_195 : memref<16x128xf32, #tpu.memory_space<vmem_shared>>) target_semaphore(%run_scoped3A : memref<!tpu.dma_semaphore, #tpu.memory_space<semaphore_mem>>)
      %dma_wait3A = arith.constant 0 : i32
      %dma_wait3A_196 = tpu.memref_slice %arg17[%add3A_81, %dma_wait3A] : memref<10240x128xf32, #tpu.memory_space<vmem_shared>> -> memref<16x128xf32, #tpu.memory_space<vmem_shared>>
      %dma_wait3A_197 = arith.constant 0 : i32
      %dma_wait3A_198 = tpu.memref_slice %arg17[%add3A_81, %dma_wait3A_197] : memref<10240x128xf32, #tpu.memory_space<vmem_shared>> -> memref<16x128xf32, #tpu.memory_space<vmem_shared>>
      tpu.wait_dma2 semaphore(%run_scoped3A : memref<!tpu.dma_semaphore, #tpu.memory_space<semaphore_mem>>) src(%arg16 : memref<16x128xf32, #tpu.memory_space<vmem>>) dst(%dma_wait3A_198 : memref<16x128xf32, #tpu.memory_space<vmem_shared>>)
      tpu.yield
    }) : () -> ()
    %mul3A_82 = arith.constant 640 : i32
    %mul3A_83 = arith.muli %arg1, %mul3A_82 : i32
    %add3A_84 = arith.constant 272 : i32
    %add3A_85 = arith.addi %mul3A_83, %add3A_84 : i32
    "tpu.region"() ({
      %run_scoped3A = tpu.sem_alloc : memref<!tpu.dma_semaphore, #tpu.memory_space<semaphore_mem>>
      %dma_start3A = arith.constant 0 : i32
      %dma_start3A_193 = tpu.memref_slice %arg17[%add3A_85, %dma_start3A] : memref<10240x128xf32, #tpu.memory_space<vmem_shared>> -> memref<16x128xf32, #tpu.memory_space<vmem_shared>>
      %dma_start3A_194 = arith.constant 0 : i32
      %dma_start3A_195 = tpu.memref_slice %arg17[%add3A_85, %dma_start3A_194] : memref<10240x128xf32, #tpu.memory_space<vmem_shared>> -> memref<16x128xf32, #tpu.memory_space<vmem_shared>>
      tpu.enqueue_dma source(%arg16 : memref<16x128xf32, #tpu.memory_space<vmem>>) target(%dma_start3A_195 : memref<16x128xf32, #tpu.memory_space<vmem_shared>>) target_semaphore(%run_scoped3A : memref<!tpu.dma_semaphore, #tpu.memory_space<semaphore_mem>>)
      %dma_wait3A = arith.constant 0 : i32
      %dma_wait3A_196 = tpu.memref_slice %arg17[%add3A_85, %dma_wait3A] : memref<10240x128xf32, #tpu.memory_space<vmem_shared>> -> memref<16x128xf32, #tpu.memory_space<vmem_shared>>
      %dma_wait3A_197 = arith.constant 0 : i32
      %dma_wait3A_198 = tpu.memref_slice %arg17[%add3A_85, %dma_wait3A_197] : memref<10240x128xf32, #tpu.memory_space<vmem_shared>> -> memref<16x128xf32, #tpu.memory_space<vmem_shared>>
      tpu.wait_dma2 semaphore(%run_scoped3A : memref<!tpu.dma_semaphore, #tpu.memory_space<semaphore_mem>>) src(%arg16 : memref<16x128xf32, #tpu.memory_space<vmem>>) dst(%dma_wait3A_198 : memref<16x128xf32, #tpu.memory_space<vmem_shared>>)
      tpu.yield
    }) : () -> ()
    %mul3A_86 = arith.constant 640 : i32
    %mul3A_87 = arith.muli %arg1, %mul3A_86 : i32
    %add3A_88 = arith.constant 288 : i32
    %add3A_89 = arith.addi %mul3A_87, %add3A_88 : i32
    "tpu.region"() ({
      %run_scoped3A = tpu.sem_alloc : memref<!tpu.dma_semaphore, #tpu.memory_space<semaphore_mem>>
      %dma_start3A = arith.constant 0 : i32
      %dma_start3A_193 = tpu.memref_slice %arg17[%add3A_89, %dma_start3A] : memref<10240x128xf32, #tpu.memory_space<vmem_shared>> -> memref<16x128xf32, #tpu.memory_space<vmem_shared>>
      %dma_start3A_194 = arith.constant 0 : i32
      %dma_start3A_195 = tpu.memref_slice %arg17[%add3A_89, %dma_start3A_194] : memref<10240x128xf32, #tpu.memory_space<vmem_shared>> -> memref<16x128xf32, #tpu.memory_space<vmem_shared>>
      tpu.enqueue_dma source(%arg16 : memref<16x128xf32, #tpu.memory_space<vmem>>) target(%dma_start3A_195 : memref<16x128xf32, #tpu.memory_space<vmem_shared>>) target_semaphore(%run_scoped3A : memref<!tpu.dma_semaphore, #tpu.memory_space<semaphore_mem>>)
      %dma_wait3A = arith.constant 0 : i32
      %dma_wait3A_196 = tpu.memref_slice %arg17[%add3A_89, %dma_wait3A] : memref<10240x128xf32, #tpu.memory_space<vmem_shared>> -> memref<16x128xf32, #tpu.memory_space<vmem_shared>>
      %dma_wait3A_197 = arith.constant 0 : i32
      %dma_wait3A_198 = tpu.memref_slice %arg17[%add3A_89, %dma_wait3A_197] : memref<10240x128xf32, #tpu.memory_space<vmem_shared>> -> memref<16x128xf32, #tpu.memory_space<vmem_shared>>
      tpu.wait_dma2 semaphore(%run_scoped3A : memref<!tpu.dma_semaphore, #tpu.memory_space<semaphore_mem>>) src(%arg16 : memref<16x128xf32, #tpu.memory_space<vmem>>) dst(%dma_wait3A_198 : memref<16x128xf32, #tpu.memory_space<vmem_shared>>)
      tpu.yield
    }) : () -> ()
    %mul3A_90 = arith.constant 640 : i32
    %mul3A_91 = arith.muli %arg1, %mul3A_90 : i32
    %add3A_92 = arith.constant 304 : i32
    %add3A_93 = arith.addi %mul3A_91, %add3A_92 : i32
    "tpu.region"() ({
      %run_scoped3A = tpu.sem_alloc : memref<!tpu.dma_semaphore, #tpu.memory_space<semaphore_mem>>
      %dma_start3A = arith.constant 0 : i32
      %dma_start3A_193 = tpu.memref_slice %arg17[%add3A_93, %dma_start3A] : memref<10240x128xf32, #tpu.memory_space<vmem_shared>> -> memref<16x128xf32, #tpu.memory_space<vmem_shared>>
      %dma_start3A_194 = arith.constant 0 : i32
      %dma_start3A_195 = tpu.memref_slice %arg17[%add3A_93, %dma_start3A_194] : memref<10240x128xf32, #tpu.memory_space<vmem_shared>> -> memref<16x128xf32, #tpu.memory_space<vmem_shared>>
      tpu.enqueue_dma source(%arg16 : memref<16x128xf32, #tpu.memory_space<vmem>>) target(%dma_start3A_195 : memref<16x128xf32, #tpu.memory_space<vmem_shared>>) target_semaphore(%run_scoped3A : memref<!tpu.dma_semaphore, #tpu.memory_space<semaphore_mem>>)
      %dma_wait3A = arith.constant 0 : i32
      %dma_wait3A_196 = tpu.memref_slice %arg17[%add3A_93, %dma_wait3A] : memref<10240x128xf32, #tpu.memory_space<vmem_shared>> -> memref<16x128xf32, #tpu.memory_space<vmem_shared>>
      %dma_wait3A_197 = arith.constant 0 : i32
      %dma_wait3A_198 = tpu.memref_slice %arg17[%add3A_93, %dma_wait3A_197] : memref<10240x128xf32, #tpu.memory_space<vmem_shared>> -> memref<16x128xf32, #tpu.memory_space<vmem_shared>>
      tpu.wait_dma2 semaphore(%run_scoped3A : memref<!tpu.dma_semaphore, #tpu.memory_space<semaphore_mem>>) src(%arg16 : memref<16x128xf32, #tpu.memory_space<vmem>>) dst(%dma_wait3A_198 : memref<16x128xf32, #tpu.memory_space<vmem_shared>>)
      tpu.yield
    }) : () -> ()
    %mul3A_94 = arith.constant 640 : i32
    %mul3A_95 = arith.muli %arg1, %mul3A_94 : i32
    %add3A_96 = arith.constant 320 : i32
    %add3A_97 = arith.addi %mul3A_95, %add3A_96 : i32
    "tpu.region"() ({
      %run_scoped3A = tpu.sem_alloc : memref<!tpu.dma_semaphore, #tpu.memory_space<semaphore_mem>>
      %dma_start3A = arith.constant 0 : i32
      %dma_start3A_193 = tpu.memref_slice %arg17[%add3A_97, %dma_start3A] : memref<10240x128xf32, #tpu.memory_space<vmem_shared>> -> memref<16x128xf32, #tpu.memory_space<vmem_shared>>
      %dma_start3A_194 = arith.constant 0 : i32
      %dma_start3A_195 = tpu.memref_slice %arg17[%add3A_97, %dma_start3A_194] : memref<10240x128xf32, #tpu.memory_space<vmem_shared>> -> memref<16x128xf32, #tpu.memory_space<vmem_shared>>
      tpu.enqueue_dma source(%arg16 : memref<16x128xf32, #tpu.memory_space<vmem>>) target(%dma_start3A_195 : memref<16x128xf32, #tpu.memory_space<vmem_shared>>) target_semaphore(%run_scoped3A : memref<!tpu.dma_semaphore, #tpu.memory_space<semaphore_mem>>)
      %dma_wait3A = arith.constant 0 : i32
      %dma_wait3A_196 = tpu.memref_slice %arg17[%add3A_97, %dma_wait3A] : memref<10240x128xf32, #tpu.memory_space<vmem_shared>> -> memref<16x128xf32, #tpu.memory_space<vmem_shared>>
      %dma_wait3A_197 = arith.constant 0 : i32
      %dma_wait3A_198 = tpu.memref_slice %arg17[%add3A_97, %dma_wait3A_197] : memref<10240x128xf32, #tpu.memory_space<vmem_shared>> -> memref<16x128xf32, #tpu.memory_space<vmem_shared>>
      tpu.wait_dma2 semaphore(%run_scoped3A : memref<!tpu.dma_semaphore, #tpu.memory_space<semaphore_mem>>) src(%arg16 : memref<16x128xf32, #tpu.memory_space<vmem>>) dst(%dma_wait3A_198 : memref<16x128xf32, #tpu.memory_space<vmem_shared>>)
      tpu.yield
    }) : () -> ()
    %mul3A_98 = arith.constant 640 : i32
    %mul3A_99 = arith.muli %arg1, %mul3A_98 : i32
    %add3A_100 = arith.constant 336 : i32
    %add3A_101 = arith.addi %mul3A_99, %add3A_100 : i32
    "tpu.region"() ({
      %run_scoped3A = tpu.sem_alloc : memref<!tpu.dma_semaphore, #tpu.memory_space<semaphore_mem>>
      %dma_start3A = arith.constant 0 : i32
      %dma_start3A_193 = tpu.memref_slice %arg17[%add3A_101, %dma_start3A] : memref<10240x128xf32, #tpu.memory_space<vmem_shared>> -> memref<16x128xf32, #tpu.memory_space<vmem_shared>>
      %dma_start3A_194 = arith.constant 0 : i32
      %dma_start3A_195 = tpu.memref_slice %arg17[%add3A_101, %dma_start3A_194] : memref<10240x128xf32, #tpu.memory_space<vmem_shared>> -> memref<16x128xf32, #tpu.memory_space<vmem_shared>>
      tpu.enqueue_dma source(%arg16 : memref<16x128xf32, #tpu.memory_space<vmem>>) target(%dma_start3A_195 : memref<16x128xf32, #tpu.memory_space<vmem_shared>>) target_semaphore(%run_scoped3A : memref<!tpu.dma_semaphore, #tpu.memory_space<semaphore_mem>>)
      %dma_wait3A = arith.constant 0 : i32
      %dma_wait3A_196 = tpu.memref_slice %arg17[%add3A_101, %dma_wait3A] : memref<10240x128xf32, #tpu.memory_space<vmem_shared>> -> memref<16x128xf32, #tpu.memory_space<vmem_shared>>
      %dma_wait3A_197 = arith.constant 0 : i32
      %dma_wait3A_198 = tpu.memref_slice %arg17[%add3A_101, %dma_wait3A_197] : memref<10240x128xf32, #tpu.memory_space<vmem_shared>> -> memref<16x128xf32, #tpu.memory_space<vmem_shared>>
      tpu.wait_dma2 semaphore(%run_scoped3A : memref<!tpu.dma_semaphore, #tpu.memory_space<semaphore_mem>>) src(%arg16 : memref<16x128xf32, #tpu.memory_space<vmem>>) dst(%dma_wait3A_198 : memref<16x128xf32, #tpu.memory_space<vmem_shared>>)
      tpu.yield
    }) : () -> ()
    %mul3A_102 = arith.constant 640 : i32
    %mul3A_103 = arith.muli %arg1, %mul3A_102 : i32
    %add3A_104 = arith.constant 352 : i32
    %add3A_105 = arith.addi %mul3A_103, %add3A_104 : i32
    "tpu.region"() ({
      %run_scoped3A = tpu.sem_alloc : memref<!tpu.dma_semaphore, #tpu.memory_space<semaphore_mem>>
      %dma_start3A = arith.constant 0 : i32
      %dma_start3A_193 = tpu.memref_slice %arg17[%add3A_105, %dma_start3A] : memref<10240x128xf32, #tpu.memory_space<vmem_shared>> -> memref<16x128xf32, #tpu.memory_space<vmem_shared>>
      %dma_start3A_194 = arith.constant 0 : i32
      %dma_start3A_195 = tpu.memref_slice %arg17[%add3A_105, %dma_start3A_194] : memref<10240x128xf32, #tpu.memory_space<vmem_shared>> -> memref<16x128xf32, #tpu.memory_space<vmem_shared>>
      tpu.enqueue_dma source(%arg16 : memref<16x128xf32, #tpu.memory_space<vmem>>) target(%dma_start3A_195 : memref<16x128xf32, #tpu.memory_space<vmem_shared>>) target_semaphore(%run_scoped3A : memref<!tpu.dma_semaphore, #tpu.memory_space<semaphore_mem>>)
      %dma_wait3A = arith.constant 0 : i32
      %dma_wait3A_196 = tpu.memref_slice %arg17[%add3A_105, %dma_wait3A] : memref<10240x128xf32, #tpu.memory_space<vmem_shared>> -> memref<16x128xf32, #tpu.memory_space<vmem_shared>>
      %dma_wait3A_197 = arith.constant 0 : i32
      %dma_wait3A_198 = tpu.memref_slice %arg17[%add3A_105, %dma_wait3A_197] : memref<10240x128xf32, #tpu.memory_space<vmem_shared>> -> memref<16x128xf32, #tpu.memory_space<vmem_shared>>
      tpu.wait_dma2 semaphore(%run_scoped3A : memref<!tpu.dma_semaphore, #tpu.memory_space<semaphore_mem>>) src(%arg16 : memref<16x128xf32, #tpu.memory_space<vmem>>) dst(%dma_wait3A_198 : memref<16x128xf32, #tpu.memory_space<vmem_shared>>)
      tpu.yield
    }) : () -> ()
    %mul3A_106 = arith.constant 640 : i32
    %mul3A_107 = arith.muli %arg1, %mul3A_106 : i32
    %add3A_108 = arith.constant 368 : i32
    %add3A_109 = arith.addi %mul3A_107, %add3A_108 : i32
    "tpu.region"() ({
      %run_scoped3A = tpu.sem_alloc : memref<!tpu.dma_semaphore, #tpu.memory_space<semaphore_mem>>
      %dma_start3A = arith.constant 0 : i32
      %dma_start3A_193 = tpu.memref_slice %arg17[%add3A_109, %dma_start3A] : memref<10240x128xf32, #tpu.memory_space<vmem_shared>> -> memref<16x128xf32, #tpu.memory_space<vmem_shared>>
      %dma_start3A_194 = arith.constant 0 : i32
      %dma_start3A_195 = tpu.memref_slice %arg17[%add3A_109, %dma_start3A_194] : memref<10240x128xf32, #tpu.memory_space<vmem_shared>> -> memref<16x128xf32, #tpu.memory_space<vmem_shared>>
      tpu.enqueue_dma source(%arg16 : memref<16x128xf32, #tpu.memory_space<vmem>>) target(%dma_start3A_195 : memref<16x128xf32, #tpu.memory_space<vmem_shared>>) target_semaphore(%run_scoped3A : memref<!tpu.dma_semaphore, #tpu.memory_space<semaphore_mem>>)
      %dma_wait3A = arith.constant 0 : i32
      %dma_wait3A_196 = tpu.memref_slice %arg17[%add3A_109, %dma_wait3A] : memref<10240x128xf32, #tpu.memory_space<vmem_shared>> -> memref<16x128xf32, #tpu.memory_space<vmem_shared>>
      %dma_wait3A_197 = arith.constant 0 : i32
      %dma_wait3A_198 = tpu.memref_slice %arg17[%add3A_109, %dma_wait3A_197] : memref<10240x128xf32, #tpu.memory_space<vmem_shared>> -> memref<16x128xf32, #tpu.memory_space<vmem_shared>>
      tpu.wait_dma2 semaphore(%run_scoped3A : memref<!tpu.dma_semaphore, #tpu.memory_space<semaphore_mem>>) src(%arg16 : memref<16x128xf32, #tpu.memory_space<vmem>>) dst(%dma_wait3A_198 : memref<16x128xf32, #tpu.memory_space<vmem_shared>>)
      tpu.yield
    }) : () -> ()
    %mul3A_110 = arith.constant 640 : i32
    %mul3A_111 = arith.muli %arg1, %mul3A_110 : i32
    %add3A_112 = arith.constant 384 : i32
    %add3A_113 = arith.addi %mul3A_111, %add3A_112 : i32
    "tpu.region"() ({
      %run_scoped3A = tpu.sem_alloc : memref<!tpu.dma_semaphore, #tpu.memory_space<semaphore_mem>>
      %dma_start3A = arith.constant 0 : i32
      %dma_start3A_193 = tpu.memref_slice %arg17[%add3A_113, %dma_start3A] : memref<10240x128xf32, #tpu.memory_space<vmem_shared>> -> memref<16x128xf32, #tpu.memory_space<vmem_shared>>
      %dma_start3A_194 = arith.constant 0 : i32
      %dma_start3A_195 = tpu.memref_slice %arg17[%add3A_113, %dma_start3A_194] : memref<10240x128xf32, #tpu.memory_space<vmem_shared>> -> memref<16x128xf32, #tpu.memory_space<vmem_shared>>
      tpu.enqueue_dma source(%arg16 : memref<16x128xf32, #tpu.memory_space<vmem>>) target(%dma_start3A_195 : memref<16x128xf32, #tpu.memory_space<vmem_shared>>) target_semaphore(%run_scoped3A : memref<!tpu.dma_semaphore, #tpu.memory_space<semaphore_mem>>)
      %dma_wait3A = arith.constant 0 : i32
      %dma_wait3A_196 = tpu.memref_slice %arg17[%add3A_113, %dma_wait3A] : memref<10240x128xf32, #tpu.memory_space<vmem_shared>> -> memref<16x128xf32, #tpu.memory_space<vmem_shared>>
      %dma_wait3A_197 = arith.constant 0 : i32
      %dma_wait3A_198 = tpu.memref_slice %arg17[%add3A_113, %dma_wait3A_197] : memref<10240x128xf32, #tpu.memory_space<vmem_shared>> -> memref<16x128xf32, #tpu.memory_space<vmem_shared>>
      tpu.wait_dma2 semaphore(%run_scoped3A : memref<!tpu.dma_semaphore, #tpu.memory_space<semaphore_mem>>) src(%arg16 : memref<16x128xf32, #tpu.memory_space<vmem>>) dst(%dma_wait3A_198 : memref<16x128xf32, #tpu.memory_space<vmem_shared>>)
      tpu.yield
    }) : () -> ()
    %mul3A_114 = arith.constant 640 : i32
    %mul3A_115 = arith.muli %arg1, %mul3A_114 : i32
    %add3A_116 = arith.constant 400 : i32
    %add3A_117 = arith.addi %mul3A_115, %add3A_116 : i32
    "tpu.region"() ({
      %run_scoped3A = tpu.sem_alloc : memref<!tpu.dma_semaphore, #tpu.memory_space<semaphore_mem>>
      %dma_start3A = arith.constant 0 : i32
      %dma_start3A_193 = tpu.memref_slice %arg17[%add3A_117, %dma_start3A] : memref<10240x128xf32, #tpu.memory_space<vmem_shared>> -> memref<16x128xf32, #tpu.memory_space<vmem_shared>>
      %dma_start3A_194 = arith.constant 0 : i32
      %dma_start3A_195 = tpu.memref_slice %arg17[%add3A_117, %dma_start3A_194] : memref<10240x128xf32, #tpu.memory_space<vmem_shared>> -> memref<16x128xf32, #tpu.memory_space<vmem_shared>>
      tpu.enqueue_dma source(%arg16 : memref<16x128xf32, #tpu.memory_space<vmem>>) target(%dma_start3A_195 : memref<16x128xf32, #tpu.memory_space<vmem_shared>>) target_semaphore(%run_scoped3A : memref<!tpu.dma_semaphore, #tpu.memory_space<semaphore_mem>>)
      %dma_wait3A = arith.constant 0 : i32
      %dma_wait3A_196 = tpu.memref_slice %arg17[%add3A_117, %dma_wait3A] : memref<10240x128xf32, #tpu.memory_space<vmem_shared>> -> memref<16x128xf32, #tpu.memory_space<vmem_shared>>
      %dma_wait3A_197 = arith.constant 0 : i32
      %dma_wait3A_198 = tpu.memref_slice %arg17[%add3A_117, %dma_wait3A_197] : memref<10240x128xf32, #tpu.memory_space<vmem_shared>> -> memref<16x128xf32, #tpu.memory_space<vmem_shared>>
      tpu.wait_dma2 semaphore(%run_scoped3A : memref<!tpu.dma_semaphore, #tpu.memory_space<semaphore_mem>>) src(%arg16 : memref<16x128xf32, #tpu.memory_space<vmem>>) dst(%dma_wait3A_198 : memref<16x128xf32, #tpu.memory_space<vmem_shared>>)
      tpu.yield
    }) : () -> ()
    %mul3A_118 = arith.constant 640 : i32
    %mul3A_119 = arith.muli %arg1, %mul3A_118 : i32
    %add3A_120 = arith.constant 416 : i32
    %add3A_121 = arith.addi %mul3A_119, %add3A_120 : i32
    "tpu.region"() ({
      %run_scoped3A = tpu.sem_alloc : memref<!tpu.dma_semaphore, #tpu.memory_space<semaphore_mem>>
      %dma_start3A = arith.constant 0 : i32
      %dma_start3A_193 = tpu.memref_slice %arg17[%add3A_121, %dma_start3A] : memref<10240x128xf32, #tpu.memory_space<vmem_shared>> -> memref<16x128xf32, #tpu.memory_space<vmem_shared>>
      %dma_start3A_194 = arith.constant 0 : i32
      %dma_start3A_195 = tpu.memref_slice %arg17[%add3A_121, %dma_start3A_194] : memref<10240x128xf32, #tpu.memory_space<vmem_shared>> -> memref<16x128xf32, #tpu.memory_space<vmem_shared>>
      tpu.enqueue_dma source(%arg16 : memref<16x128xf32, #tpu.memory_space<vmem>>) target(%dma_start3A_195 : memref<16x128xf32, #tpu.memory_space<vmem_shared>>) target_semaphore(%run_scoped3A : memref<!tpu.dma_semaphore, #tpu.memory_space<semaphore_mem>>)
      %dma_wait3A = arith.constant 0 : i32
      %dma_wait3A_196 = tpu.memref_slice %arg17[%add3A_121, %dma_wait3A] : memref<10240x128xf32, #tpu.memory_space<vmem_shared>> -> memref<16x128xf32, #tpu.memory_space<vmem_shared>>
      %dma_wait3A_197 = arith.constant 0 : i32
      %dma_wait3A_198 = tpu.memref_slice %arg17[%add3A_121, %dma_wait3A_197] : memref<10240x128xf32, #tpu.memory_space<vmem_shared>> -> memref<16x128xf32, #tpu.memory_space<vmem_shared>>
      tpu.wait_dma2 semaphore(%run_scoped3A : memref<!tpu.dma_semaphore, #tpu.memory_space<semaphore_mem>>) src(%arg16 : memref<16x128xf32, #tpu.memory_space<vmem>>) dst(%dma_wait3A_198 : memref<16x128xf32, #tpu.memory_space<vmem_shared>>)
      tpu.yield
    }) : () -> ()
    %mul3A_122 = arith.constant 640 : i32
    %mul3A_123 = arith.muli %arg1, %mul3A_122 : i32
    %add3A_124 = arith.constant 432 : i32
    %add3A_125 = arith.addi %mul3A_123, %add3A_124 : i32
    "tpu.region"() ({
      %run_scoped3A = tpu.sem_alloc : memref<!tpu.dma_semaphore, #tpu.memory_space<semaphore_mem>>
      %dma_start3A = arith.constant 0 : i32
      %dma_start3A_193 = tpu.memref_slice %arg17[%add3A_125, %dma_start3A] : memref<10240x128xf32, #tpu.memory_space<vmem_shared>> -> memref<16x128xf32, #tpu.memory_space<vmem_shared>>
      %dma_start3A_194 = arith.constant 0 : i32
      %dma_start3A_195 = tpu.memref_slice %arg17[%add3A_125, %dma_start3A_194] : memref<10240x128xf32, #tpu.memory_space<vmem_shared>> -> memref<16x128xf32, #tpu.memory_space<vmem_shared>>
      tpu.enqueue_dma source(%arg16 : memref<16x128xf32, #tpu.memory_space<vmem>>) target(%dma_start3A_195 : memref<16x128xf32, #tpu.memory_space<vmem_shared>>) target_semaphore(%run_scoped3A : memref<!tpu.dma_semaphore, #tpu.memory_space<semaphore_mem>>)
      %dma_wait3A = arith.constant 0 : i32
      %dma_wait3A_196 = tpu.memref_slice %arg17[%add3A_125, %dma_wait3A] : memref<10240x128xf32, #tpu.memory_space<vmem_shared>> -> memref<16x128xf32, #tpu.memory_space<vmem_shared>>
      %dma_wait3A_197 = arith.constant 0 : i32
      %dma_wait3A_198 = tpu.memref_slice %arg17[%add3A_125, %dma_wait3A_197] : memref<10240x128xf32, #tpu.memory_space<vmem_shared>> -> memref<16x128xf32, #tpu.memory_space<vmem_shared>>
      tpu.wait_dma2 semaphore(%run_scoped3A : memref<!tpu.dma_semaphore, #tpu.memory_space<semaphore_mem>>) src(%arg16 : memref<16x128xf32, #tpu.memory_space<vmem>>) dst(%dma_wait3A_198 : memref<16x128xf32, #tpu.memory_space<vmem_shared>>)
      tpu.yield
    }) : () -> ()
    %mul3A_126 = arith.constant 640 : i32
    %mul3A_127 = arith.muli %arg1, %mul3A_126 : i32
    %add3A_128 = arith.constant 448 : i32
    %add3A_129 = arith.addi %mul3A_127, %add3A_128 : i32
    "tpu.region"() ({
      %run_scoped3A = tpu.sem_alloc : memref<!tpu.dma_semaphore, #tpu.memory_space<semaphore_mem>>
      %dma_start3A = arith.constant 0 : i32
      %dma_start3A_193 = tpu.memref_slice %arg17[%add3A_129, %dma_start3A] : memref<10240x128xf32, #tpu.memory_space<vmem_shared>> -> memref<16x128xf32, #tpu.memory_space<vmem_shared>>
      %dma_start3A_194 = arith.constant 0 : i32
      %dma_start3A_195 = tpu.memref_slice %arg17[%add3A_129, %dma_start3A_194] : memref<10240x128xf32, #tpu.memory_space<vmem_shared>> -> memref<16x128xf32, #tpu.memory_space<vmem_shared>>
      tpu.enqueue_dma source(%arg16 : memref<16x128xf32, #tpu.memory_space<vmem>>) target(%dma_start3A_195 : memref<16x128xf32, #tpu.memory_space<vmem_shared>>) target_semaphore(%run_scoped3A : memref<!tpu.dma_semaphore, #tpu.memory_space<semaphore_mem>>)
      %dma_wait3A = arith.constant 0 : i32
      %dma_wait3A_196 = tpu.memref_slice %arg17[%add3A_129, %dma_wait3A] : memref<10240x128xf32, #tpu.memory_space<vmem_shared>> -> memref<16x128xf32, #tpu.memory_space<vmem_shared>>
      %dma_wait3A_197 = arith.constant 0 : i32
      %dma_wait3A_198 = tpu.memref_slice %arg17[%add3A_129, %dma_wait3A_197] : memref<10240x128xf32, #tpu.memory_space<vmem_shared>> -> memref<16x128xf32, #tpu.memory_space<vmem_shared>>
      tpu.wait_dma2 semaphore(%run_scoped3A : memref<!tpu.dma_semaphore, #tpu.memory_space<semaphore_mem>>) src(%arg16 : memref<16x128xf32, #tpu.memory_space<vmem>>) dst(%dma_wait3A_198 : memref<16x128xf32, #tpu.memory_space<vmem_shared>>)
      tpu.yield
    }) : () -> ()
    %mul3A_130 = arith.constant 640 : i32
    %mul3A_131 = arith.muli %arg1, %mul3A_130 : i32
    %add3A_132 = arith.constant 464 : i32
    %add3A_133 = arith.addi %mul3A_131, %add3A_132 : i32
    "tpu.region"() ({
      %run_scoped3A = tpu.sem_alloc : memref<!tpu.dma_semaphore, #tpu.memory_space<semaphore_mem>>
      %dma_start3A = arith.constant 0 : i32
      %dma_start3A_193 = tpu.memref_slice %arg17[%add3A_133, %dma_start3A] : memref<10240x128xf32, #tpu.memory_space<vmem_shared>> -> memref<16x128xf32, #tpu.memory_space<vmem_shared>>
      %dma_start3A_194 = arith.constant 0 : i32
      %dma_start3A_195 = tpu.memref_slice %arg17[%add3A_133, %dma_start3A_194] : memref<10240x128xf32, #tpu.memory_space<vmem_shared>> -> memref<16x128xf32, #tpu.memory_space<vmem_shared>>
      tpu.enqueue_dma source(%arg16 : memref<16x128xf32, #tpu.memory_space<vmem>>) target(%dma_start3A_195 : memref<16x128xf32, #tpu.memory_space<vmem_shared>>) target_semaphore(%run_scoped3A : memref<!tpu.dma_semaphore, #tpu.memory_space<semaphore_mem>>)
      %dma_wait3A = arith.constant 0 : i32
      %dma_wait3A_196 = tpu.memref_slice %arg17[%add3A_133, %dma_wait3A] : memref<10240x128xf32, #tpu.memory_space<vmem_shared>> -> memref<16x128xf32, #tpu.memory_space<vmem_shared>>
      %dma_wait3A_197 = arith.constant 0 : i32
      %dma_wait3A_198 = tpu.memref_slice %arg17[%add3A_133, %dma_wait3A_197] : memref<10240x128xf32, #tpu.memory_space<vmem_shared>> -> memref<16x128xf32, #tpu.memory_space<vmem_shared>>
      tpu.wait_dma2 semaphore(%run_scoped3A : memref<!tpu.dma_semaphore, #tpu.memory_space<semaphore_mem>>) src(%arg16 : memref<16x128xf32, #tpu.memory_space<vmem>>) dst(%dma_wait3A_198 : memref<16x128xf32, #tpu.memory_space<vmem_shared>>)
      tpu.yield
    }) : () -> ()
    %mul3A_134 = arith.constant 640 : i32
    %mul3A_135 = arith.muli %arg1, %mul3A_134 : i32
    %add3A_136 = arith.constant 480 : i32
    %add3A_137 = arith.addi %mul3A_135, %add3A_136 : i32
    "tpu.region"() ({
      %run_scoped3A = tpu.sem_alloc : memref<!tpu.dma_semaphore, #tpu.memory_space<semaphore_mem>>
      %dma_start3A = arith.constant 0 : i32
      %dma_start3A_193 = tpu.memref_slice %arg17[%add3A_137, %dma_start3A] : memref<10240x128xf32, #tpu.memory_space<vmem_shared>> -> memref<16x128xf32, #tpu.memory_space<vmem_shared>>
      %dma_start3A_194 = arith.constant 0 : i32
      %dma_start3A_195 = tpu.memref_slice %arg17[%add3A_137, %dma_start3A_194] : memref<10240x128xf32, #tpu.memory_space<vmem_shared>> -> memref<16x128xf32, #tpu.memory_space<vmem_shared>>
      tpu.enqueue_dma source(%arg16 : memref<16x128xf32, #tpu.memory_space<vmem>>) target(%dma_start3A_195 : memref<16x128xf32, #tpu.memory_space<vmem_shared>>) target_semaphore(%run_scoped3A : memref<!tpu.dma_semaphore, #tpu.memory_space<semaphore_mem>>)
      %dma_wait3A = arith.constant 0 : i32
      %dma_wait3A_196 = tpu.memref_slice %arg17[%add3A_137, %dma_wait3A] : memref<10240x128xf32, #tpu.memory_space<vmem_shared>> -> memref<16x128xf32, #tpu.memory_space<vmem_shared>>
      %dma_wait3A_197 = arith.constant 0 : i32
      %dma_wait3A_198 = tpu.memref_slice %arg17[%add3A_137, %dma_wait3A_197] : memref<10240x128xf32, #tpu.memory_space<vmem_shared>> -> memref<16x128xf32, #tpu.memory_space<vmem_shared>>
      tpu.wait_dma2 semaphore(%run_scoped3A : memref<!tpu.dma_semaphore, #tpu.memory_space<semaphore_mem>>) src(%arg16 : memref<16x128xf32, #tpu.memory_space<vmem>>) dst(%dma_wait3A_198 : memref<16x128xf32, #tpu.memory_space<vmem_shared>>)
      tpu.yield
    }) : () -> ()
    %mul3A_138 = arith.constant 640 : i32
    %mul3A_139 = arith.muli %arg1, %mul3A_138 : i32
    %add3A_140 = arith.constant 496 : i32
    %add3A_141 = arith.addi %mul3A_139, %add3A_140 : i32
    "tpu.region"() ({
      %run_scoped3A = tpu.sem_alloc : memref<!tpu.dma_semaphore, #tpu.memory_space<semaphore_mem>>
      %dma_start3A = arith.constant 0 : i32
      %dma_start3A_193 = tpu.memref_slice %arg17[%add3A_141, %dma_start3A] : memref<10240x128xf32, #tpu.memory_space<vmem_shared>> -> memref<16x128xf32, #tpu.memory_space<vmem_shared>>
      %dma_start3A_194 = arith.constant 0 : i32
      %dma_start3A_195 = tpu.memref_slice %arg17[%add3A_141, %dma_start3A_194] : memref<10240x128xf32, #tpu.memory_space<vmem_shared>> -> memref<16x128xf32, #tpu.memory_space<vmem_shared>>
      tpu.enqueue_dma source(%arg16 : memref<16x128xf32, #tpu.memory_space<vmem>>) target(%dma_start3A_195 : memref<16x128xf32, #tpu.memory_space<vmem_shared>>) target_semaphore(%run_scoped3A : memref<!tpu.dma_semaphore, #tpu.memory_space<semaphore_mem>>)
      %dma_wait3A = arith.constant 0 : i32
      %dma_wait3A_196 = tpu.memref_slice %arg17[%add3A_141, %dma_wait3A] : memref<10240x128xf32, #tpu.memory_space<vmem_shared>> -> memref<16x128xf32, #tpu.memory_space<vmem_shared>>
      %dma_wait3A_197 = arith.constant 0 : i32
      %dma_wait3A_198 = tpu.memref_slice %arg17[%add3A_141, %dma_wait3A_197] : memref<10240x128xf32, #tpu.memory_space<vmem_shared>> -> memref<16x128xf32, #tpu.memory_space<vmem_shared>>
      tpu.wait_dma2 semaphore(%run_scoped3A : memref<!tpu.dma_semaphore, #tpu.memory_space<semaphore_mem>>) src(%arg16 : memref<16x128xf32, #tpu.memory_space<vmem>>) dst(%dma_wait3A_198 : memref<16x128xf32, #tpu.memory_space<vmem_shared>>)
      tpu.yield
    }) : () -> ()
    %mul3A_142 = arith.constant 640 : i32
    %mul3A_143 = arith.muli %arg1, %mul3A_142 : i32
    %add3A_144 = arith.constant 512 : i32
    %add3A_145 = arith.addi %mul3A_143, %add3A_144 : i32
    "tpu.region"() ({
      %run_scoped3A = tpu.sem_alloc : memref<!tpu.dma_semaphore, #tpu.memory_space<semaphore_mem>>
      %dma_start3A = arith.constant 0 : i32
      %dma_start3A_193 = tpu.memref_slice %arg17[%add3A_145, %dma_start3A] : memref<10240x128xf32, #tpu.memory_space<vmem_shared>> -> memref<16x128xf32, #tpu.memory_space<vmem_shared>>
      %dma_start3A_194 = arith.constant 0 : i32
      %dma_start3A_195 = tpu.memref_slice %arg17[%add3A_145, %dma_start3A_194] : memref<10240x128xf32, #tpu.memory_space<vmem_shared>> -> memref<16x128xf32, #tpu.memory_space<vmem_shared>>
      tpu.enqueue_dma source(%arg16 : memref<16x128xf32, #tpu.memory_space<vmem>>) target(%dma_start3A_195 : memref<16x128xf32, #tpu.memory_space<vmem_shared>>) target_semaphore(%run_scoped3A : memref<!tpu.dma_semaphore, #tpu.memory_space<semaphore_mem>>)
      %dma_wait3A = arith.constant 0 : i32
      %dma_wait3A_196 = tpu.memref_slice %arg17[%add3A_145, %dma_wait3A] : memref<10240x128xf32, #tpu.memory_space<vmem_shared>> -> memref<16x128xf32, #tpu.memory_space<vmem_shared>>
      %dma_wait3A_197 = arith.constant 0 : i32
      %dma_wait3A_198 = tpu.memref_slice %arg17[%add3A_145, %dma_wait3A_197] : memref<10240x128xf32, #tpu.memory_space<vmem_shared>> -> memref<16x128xf32, #tpu.memory_space<vmem_shared>>
      tpu.wait_dma2 semaphore(%run_scoped3A : memref<!tpu.dma_semaphore, #tpu.memory_space<semaphore_mem>>) src(%arg16 : memref<16x128xf32, #tpu.memory_space<vmem>>) dst(%dma_wait3A_198 : memref<16x128xf32, #tpu.memory_space<vmem_shared>>)
      tpu.yield
    }) : () -> ()
    %mul3A_146 = arith.constant 640 : i32
    %mul3A_147 = arith.muli %arg1, %mul3A_146 : i32
    %add3A_148 = arith.constant 528 : i32
    %add3A_149 = arith.addi %mul3A_147, %add3A_148 : i32
    "tpu.region"() ({
      %run_scoped3A = tpu.sem_alloc : memref<!tpu.dma_semaphore, #tpu.memory_space<semaphore_mem>>
      %dma_start3A = arith.constant 0 : i32
      %dma_start3A_193 = tpu.memref_slice %arg17[%add3A_149, %dma_start3A] : memref<10240x128xf32, #tpu.memory_space<vmem_shared>> -> memref<16x128xf32, #tpu.memory_space<vmem_shared>>
      %dma_start3A_194 = arith.constant 0 : i32
      %dma_start3A_195 = tpu.memref_slice %arg17[%add3A_149, %dma_start3A_194] : memref<10240x128xf32, #tpu.memory_space<vmem_shared>> -> memref<16x128xf32, #tpu.memory_space<vmem_shared>>
      tpu.enqueue_dma source(%arg16 : memref<16x128xf32, #tpu.memory_space<vmem>>) target(%dma_start3A_195 : memref<16x128xf32, #tpu.memory_space<vmem_shared>>) target_semaphore(%run_scoped3A : memref<!tpu.dma_semaphore, #tpu.memory_space<semaphore_mem>>)
      %dma_wait3A = arith.constant 0 : i32
      %dma_wait3A_196 = tpu.memref_slice %arg17[%add3A_149, %dma_wait3A] : memref<10240x128xf32, #tpu.memory_space<vmem_shared>> -> memref<16x128xf32, #tpu.memory_space<vmem_shared>>
      %dma_wait3A_197 = arith.constant 0 : i32
      %dma_wait3A_198 = tpu.memref_slice %arg17[%add3A_149, %dma_wait3A_197] : memref<10240x128xf32, #tpu.memory_space<vmem_shared>> -> memref<16x128xf32, #tpu.memory_space<vmem_shared>>
      tpu.wait_dma2 semaphore(%run_scoped3A : memref<!tpu.dma_semaphore, #tpu.memory_space<semaphore_mem>>) src(%arg16 : memref<16x128xf32, #tpu.memory_space<vmem>>) dst(%dma_wait3A_198 : memref<16x128xf32, #tpu.memory_space<vmem_shared>>)
      tpu.yield
    }) : () -> ()
    %mul3A_150 = arith.constant 640 : i32
    %mul3A_151 = arith.muli %arg1, %mul3A_150 : i32
    %add3A_152 = arith.constant 544 : i32
    %add3A_153 = arith.addi %mul3A_151, %add3A_152 : i32
    "tpu.region"() ({
      %run_scoped3A = tpu.sem_alloc : memref<!tpu.dma_semaphore, #tpu.memory_space<semaphore_mem>>
      %dma_start3A = arith.constant 0 : i32
      %dma_start3A_193 = tpu.memref_slice %arg17[%add3A_153, %dma_start3A] : memref<10240x128xf32, #tpu.memory_space<vmem_shared>> -> memref<16x128xf32, #tpu.memory_space<vmem_shared>>
      %dma_start3A_194 = arith.constant 0 : i32
      %dma_start3A_195 = tpu.memref_slice %arg17[%add3A_153, %dma_start3A_194] : memref<10240x128xf32, #tpu.memory_space<vmem_shared>> -> memref<16x128xf32, #tpu.memory_space<vmem_shared>>
      tpu.enqueue_dma source(%arg16 : memref<16x128xf32, #tpu.memory_space<vmem>>) target(%dma_start3A_195 : memref<16x128xf32, #tpu.memory_space<vmem_shared>>) target_semaphore(%run_scoped3A : memref<!tpu.dma_semaphore, #tpu.memory_space<semaphore_mem>>)
      %dma_wait3A = arith.constant 0 : i32
      %dma_wait3A_196 = tpu.memref_slice %arg17[%add3A_153, %dma_wait3A] : memref<10240x128xf32, #tpu.memory_space<vmem_shared>> -> memref<16x128xf32, #tpu.memory_space<vmem_shared>>
      %dma_wait3A_197 = arith.constant 0 : i32
      %dma_wait3A_198 = tpu.memref_slice %arg17[%add3A_153, %dma_wait3A_197] : memref<10240x128xf32, #tpu.memory_space<vmem_shared>> -> memref<16x128xf32, #tpu.memory_space<vmem_shared>>
      tpu.wait_dma2 semaphore(%run_scoped3A : memref<!tpu.dma_semaphore, #tpu.memory_space<semaphore_mem>>) src(%arg16 : memref<16x128xf32, #tpu.memory_space<vmem>>) dst(%dma_wait3A_198 : memref<16x128xf32, #tpu.memory_space<vmem_shared>>)
      tpu.yield
    }) : () -> ()
    %mul3A_154 = arith.constant 640 : i32
    %mul3A_155 = arith.muli %arg1, %mul3A_154 : i32
    %add3A_156 = arith.constant 560 : i32
    %add3A_157 = arith.addi %mul3A_155, %add3A_156 : i32
    "tpu.region"() ({
      %run_scoped3A = tpu.sem_alloc : memref<!tpu.dma_semaphore, #tpu.memory_space<semaphore_mem>>
      %dma_start3A = arith.constant 0 : i32
      %dma_start3A_193 = tpu.memref_slice %arg17[%add3A_157, %dma_start3A] : memref<10240x128xf32, #tpu.memory_space<vmem_shared>> -> memref<16x128xf32, #tpu.memory_space<vmem_shared>>
      %dma_start3A_194 = arith.constant 0 : i32
      %dma_start3A_195 = tpu.memref_slice %arg17[%add3A_157, %dma_start3A_194] : memref<10240x128xf32, #tpu.memory_space<vmem_shared>> -> memref<16x128xf32, #tpu.memory_space<vmem_shared>>
      tpu.enqueue_dma source(%arg16 : memref<16x128xf32, #tpu.memory_space<vmem>>) target(%dma_start3A_195 : memref<16x128xf32, #tpu.memory_space<vmem_shared>>) target_semaphore(%run_scoped3A : memref<!tpu.dma_semaphore, #tpu.memory_space<semaphore_mem>>)
      %dma_wait3A = arith.constant 0 : i32
      %dma_wait3A_196 = tpu.memref_slice %arg17[%add3A_157, %dma_wait3A] : memref<10240x128xf32, #tpu.memory_space<vmem_shared>> -> memref<16x128xf32, #tpu.memory_space<vmem_shared>>
      %dma_wait3A_197 = arith.constant 0 : i32
      %dma_wait3A_198 = tpu.memref_slice %arg17[%add3A_157, %dma_wait3A_197] : memref<10240x128xf32, #tpu.memory_space<vmem_shared>> -> memref<16x128xf32, #tpu.memory_space<vmem_shared>>
      tpu.wait_dma2 semaphore(%run_scoped3A : memref<!tpu.dma_semaphore, #tpu.memory_space<semaphore_mem>>) src(%arg16 : memref<16x128xf32, #tpu.memory_space<vmem>>) dst(%dma_wait3A_198 : memref<16x128xf32, #tpu.memory_space<vmem_shared>>)
      tpu.yield
    }) : () -> ()
    %mul3A_158 = arith.constant 640 : i32
    %mul3A_159 = arith.muli %arg1, %mul3A_158 : i32
    %add3A_160 = arith.constant 576 : i32
    %add3A_161 = arith.addi %mul3A_159, %add3A_160 : i32
    "tpu.region"() ({
      %run_scoped3A = tpu.sem_alloc : memref<!tpu.dma_semaphore, #tpu.memory_space<semaphore_mem>>
      %dma_start3A = arith.constant 0 : i32
      %dma_start3A_193 = tpu.memref_slice %arg17[%add3A_161, %dma_start3A] : memref<10240x128xf32, #tpu.memory_space<vmem_shared>> -> memref<16x128xf32, #tpu.memory_space<vmem_shared>>
      %dma_start3A_194 = arith.constant 0 : i32
      %dma_start3A_195 = tpu.memref_slice %arg17[%add3A_161, %dma_start3A_194] : memref<10240x128xf32, #tpu.memory_space<vmem_shared>> -> memref<16x128xf32, #tpu.memory_space<vmem_shared>>
      tpu.enqueue_dma source(%arg16 : memref<16x128xf32, #tpu.memory_space<vmem>>) target(%dma_start3A_195 : memref<16x128xf32, #tpu.memory_space<vmem_shared>>) target_semaphore(%run_scoped3A : memref<!tpu.dma_semaphore, #tpu.memory_space<semaphore_mem>>)
      %dma_wait3A = arith.constant 0 : i32
      %dma_wait3A_196 = tpu.memref_slice %arg17[%add3A_161, %dma_wait3A] : memref<10240x128xf32, #tpu.memory_space<vmem_shared>> -> memref<16x128xf32, #tpu.memory_space<vmem_shared>>
      %dma_wait3A_197 = arith.constant 0 : i32
      %dma_wait3A_198 = tpu.memref_slice %arg17[%add3A_161, %dma_wait3A_197] : memref<10240x128xf32, #tpu.memory_space<vmem_shared>> -> memref<16x128xf32, #tpu.memory_space<vmem_shared>>
      tpu.wait_dma2 semaphore(%run_scoped3A : memref<!tpu.dma_semaphore, #tpu.memory_space<semaphore_mem>>) src(%arg16 : memref<16x128xf32, #tpu.memory_space<vmem>>) dst(%dma_wait3A_198 : memref<16x128xf32, #tpu.memory_space<vmem_shared>>)
      tpu.yield
    }) : () -> ()
    %mul3A_162 = arith.constant 640 : i32
    %mul3A_163 = arith.muli %arg1, %mul3A_162 : i32
    %add3A_164 = arith.constant 592 : i32
    %add3A_165 = arith.addi %mul3A_163, %add3A_164 : i32
    "tpu.region"() ({
      %run_scoped3A = tpu.sem_alloc : memref<!tpu.dma_semaphore, #tpu.memory_space<semaphore_mem>>
      %dma_start3A = arith.constant 0 : i32
      %dma_start3A_193 = tpu.memref_slice %arg17[%add3A_165, %dma_start3A] : memref<10240x128xf32, #tpu.memory_space<vmem_shared>> -> memref<16x128xf32, #tpu.memory_space<vmem_shared>>
      %dma_start3A_194 = arith.constant 0 : i32
      %dma_start3A_195 = tpu.memref_slice %arg17[%add3A_165, %dma_start3A_194] : memref<10240x128xf32, #tpu.memory_space<vmem_shared>> -> memref<16x128xf32, #tpu.memory_space<vmem_shared>>
      tpu.enqueue_dma source(%arg16 : memref<16x128xf32, #tpu.memory_space<vmem>>) target(%dma_start3A_195 : memref<16x128xf32, #tpu.memory_space<vmem_shared>>) target_semaphore(%run_scoped3A : memref<!tpu.dma_semaphore, #tpu.memory_space<semaphore_mem>>)
      %dma_wait3A = arith.constant 0 : i32
      %dma_wait3A_196 = tpu.memref_slice %arg17[%add3A_165, %dma_wait3A] : memref<10240x128xf32, #tpu.memory_space<vmem_shared>> -> memref<16x128xf32, #tpu.memory_space<vmem_shared>>
      %dma_wait3A_197 = arith.constant 0 : i32
      %dma_wait3A_198 = tpu.memref_slice %arg17[%add3A_165, %dma_wait3A_197] : memref<10240x128xf32, #tpu.memory_space<vmem_shared>> -> memref<16x128xf32, #tpu.memory_space<vmem_shared>>
      tpu.wait_dma2 semaphore(%run_scoped3A : memref<!tpu.dma_semaphore, #tpu.memory_space<semaphore_mem>>) src(%arg16 : memref<16x128xf32, #tpu.memory_space<vmem>>) dst(%dma_wait3A_198 : memref<16x128xf32, #tpu.memory_space<vmem_shared>>)
      tpu.yield
    }) : () -> ()
    %mul3A_166 = arith.constant 640 : i32
    %mul3A_167 = arith.muli %arg1, %mul3A_166 : i32
    %add3A_168 = arith.constant 608 : i32
    %add3A_169 = arith.addi %mul3A_167, %add3A_168 : i32
    "tpu.region"() ({
      %run_scoped3A = tpu.sem_alloc : memref<!tpu.dma_semaphore, #tpu.memory_space<semaphore_mem>>
      %dma_start3A = arith.constant 0 : i32
      %dma_start3A_193 = tpu.memref_slice %arg17[%add3A_169, %dma_start3A] : memref<10240x128xf32, #tpu.memory_space<vmem_shared>> -> memref<16x128xf32, #tpu.memory_space<vmem_shared>>
      %dma_start3A_194 = arith.constant 0 : i32
      %dma_start3A_195 = tpu.memref_slice %arg17[%add3A_169, %dma_start3A_194] : memref<10240x128xf32, #tpu.memory_space<vmem_shared>> -> memref<16x128xf32, #tpu.memory_space<vmem_shared>>
      tpu.enqueue_dma source(%arg16 : memref<16x128xf32, #tpu.memory_space<vmem>>) target(%dma_start3A_195 : memref<16x128xf32, #tpu.memory_space<vmem_shared>>) target_semaphore(%run_scoped3A : memref<!tpu.dma_semaphore, #tpu.memory_space<semaphore_mem>>)
      %dma_wait3A = arith.constant 0 : i32
      %dma_wait3A_196 = tpu.memref_slice %arg17[%add3A_169, %dma_wait3A] : memref<10240x128xf32, #tpu.memory_space<vmem_shared>> -> memref<16x128xf32, #tpu.memory_space<vmem_shared>>
      %dma_wait3A_197 = arith.constant 0 : i32
      %dma_wait3A_198 = tpu.memref_slice %arg17[%add3A_169, %dma_wait3A_197] : memref<10240x128xf32, #tpu.memory_space<vmem_shared>> -> memref<16x128xf32, #tpu.memory_space<vmem_shared>>
      tpu.wait_dma2 semaphore(%run_scoped3A : memref<!tpu.dma_semaphore, #tpu.memory_space<semaphore_mem>>) src(%arg16 : memref<16x128xf32, #tpu.memory_space<vmem>>) dst(%dma_wait3A_198 : memref<16x128xf32, #tpu.memory_space<vmem_shared>>)
      tpu.yield
    }) : () -> ()
    %mul3A_170 = arith.constant 640 : i32
    %mul3A_171 = arith.muli %arg1, %mul3A_170 : i32
    %add3A_172 = arith.constant 624 : i32
    %add3A_173 = arith.addi %mul3A_171, %add3A_172 : i32
    "tpu.region"() ({
      %run_scoped3A = tpu.sem_alloc : memref<!tpu.dma_semaphore, #tpu.memory_space<semaphore_mem>>
      %dma_start3A = arith.constant 0 : i32
      %dma_start3A_193 = tpu.memref_slice %arg17[%add3A_173, %dma_start3A] : memref<10240x128xf32, #tpu.memory_space<vmem_shared>> -> memref<16x128xf32, #tpu.memory_space<vmem_shared>>
      %dma_start3A_194 = arith.constant 0 : i32
      %dma_start3A_195 = tpu.memref_slice %arg17[%add3A_173, %dma_start3A_194] : memref<10240x128xf32, #tpu.memory_space<vmem_shared>> -> memref<16x128xf32, #tpu.memory_space<vmem_shared>>
      tpu.enqueue_dma source(%arg16 : memref<16x128xf32, #tpu.memory_space<vmem>>) target(%dma_start3A_195 : memref<16x128xf32, #tpu.memory_space<vmem_shared>>) target_semaphore(%run_scoped3A : memref<!tpu.dma_semaphore, #tpu.memory_space<semaphore_mem>>)
      %dma_wait3A = arith.constant 0 : i32
      %dma_wait3A_196 = tpu.memref_slice %arg17[%add3A_173, %dma_wait3A] : memref<10240x128xf32, #tpu.memory_space<vmem_shared>> -> memref<16x128xf32, #tpu.memory_space<vmem_shared>>
      %dma_wait3A_197 = arith.constant 0 : i32
      %dma_wait3A_198 = tpu.memref_slice %arg17[%add3A_173, %dma_wait3A_197] : memref<10240x128xf32, #tpu.memory_space<vmem_shared>> -> memref<16x128xf32, #tpu.memory_space<vmem_shared>>
      tpu.wait_dma2 semaphore(%run_scoped3A : memref<!tpu.dma_semaphore, #tpu.memory_space<semaphore_mem>>) src(%arg16 : memref<16x128xf32, #tpu.memory_space<vmem>>) dst(%dma_wait3A_198 : memref<16x128xf32, #tpu.memory_space<vmem_shared>>)
      tpu.yield
    }) : () -> ()
    %barrier3A = arith.constant 0 : index
    tpu.barrier barrier_id(%barrier3A)
    %mul3A_174 = arith.constant 10368 : i32
    %mul3A_175 = arith.muli %add3A, %mul3A_174 : i32
    %scan3A_176 = arith.constant 0 : i32
    %scan3A_177 = arith.constant 0 : i32
    %scan3A_178 = arith.constant 9 : i32
    %scan3A_179 = arith.addi %scan3A_177, %scan3A_178 : i32
    %scan3A_180 = arith.constant 1 : i32
    %scan3A_181 = scf.for %scan3A_193 = %scan3A_177 to %scan3A_179 step %scan3A_180 iter_args(%scan3A_194 = %scan3A_176) -> (i32)  : i32 {
      %mul3A_195 = arith.constant 648 : i32
      %mul3A_196 = arith.muli %add3A, %mul3A_195 : i32
      %mul3A_197 = arith.constant 72 : i32
      %mul3A_198 = arith.muli %scan3A_193, %mul3A_197 : i32
      %add3A_199 = arith.addi %mul3A_196, %mul3A_198 : i32
      "tpu.region"() ({
        %run_scoped3A = tpu.sem_alloc : memref<!tpu.dma_semaphore, #tpu.memory_space<semaphore_mem>>
        %dma_start3A = arith.constant 0 : i32
        %dma_start3A_220 = tpu.memref_slice %arg2[%add3A_199, %dma_start3A] : memref<20736x16xi32, #tpu.memory_space<hbm>> -> memref<72x16xi32, #tpu.memory_space<hbm>>
        %dma_start3A_221 = arith.constant 0 : i32
        %dma_start3A_222 = tpu.memref_slice %arg2[%add3A_199, %dma_start3A_221] : memref<20736x16xi32, #tpu.memory_space<hbm>> -> memref<72x16xi32, #tpu.memory_space<hbm>>
        tpu.enqueue_dma source(%dma_start3A_222 : memref<72x16xi32, #tpu.memory_space<hbm>>) target(%arg11 : memref<72x16xi32, #tpu.memory_space<vmem>>) target_semaphore(%run_scoped3A : memref<!tpu.dma_semaphore, #tpu.memory_space<semaphore_mem>>)
        %dma_wait3A = arith.constant 0 : i32
        %dma_wait3A_223 = tpu.memref_slice %arg2[%add3A_199, %dma_wait3A] : memref<20736x16xi32, #tpu.memory_space<hbm>> -> memref<72x16xi32, #tpu.memory_space<hbm>>
        %dma_wait3A_224 = arith.constant 0 : i32
        %dma_wait3A_225 = tpu.memref_slice %arg2[%add3A_199, %dma_wait3A_224] : memref<20736x16xi32, #tpu.memory_space<hbm>> -> memref<72x16xi32, #tpu.memory_space<hbm>>
        tpu.wait_dma2 semaphore(%run_scoped3A : memref<!tpu.dma_semaphore, #tpu.memory_space<semaphore_mem>>) src(%dma_wait3A_225 : memref<72x16xi32, #tpu.memory_space<hbm>>) dst(%arg11 : memref<72x16xi32, #tpu.memory_space<vmem>>)
        tpu.yield
      }) : () -> ()
      %mul3A_200 = arith.constant 648 : i32
      %mul3A_201 = arith.muli %add3A, %mul3A_200 : i32
      %mul3A_202 = arith.constant 72 : i32
      %mul3A_203 = arith.muli %scan3A_193, %mul3A_202 : i32
      %add3A_204 = arith.addi %mul3A_201, %mul3A_203 : i32
      "tpu.region"() ({
        %run_scoped3A = tpu.sem_alloc : memref<!tpu.dma_semaphore, #tpu.memory_space<semaphore_mem>>
        %dma_start3A = arith.constant 0 : i32
        %dma_start3A_220 = tpu.memref_slice %arg3[%add3A_204, %dma_start3A] : memref<20736x16xi32, #tpu.memory_space<hbm>> -> memref<72x16xi32, #tpu.memory_space<hbm>>
        %dma_start3A_221 = arith.constant 0 : i32
        %dma_start3A_222 = tpu.memref_slice %arg3[%add3A_204, %dma_start3A_221] : memref<20736x16xi32, #tpu.memory_space<hbm>> -> memref<72x16xi32, #tpu.memory_space<hbm>>
        tpu.enqueue_dma source(%dma_start3A_222 : memref<72x16xi32, #tpu.memory_space<hbm>>) target(%arg12 : memref<72x16xi32, #tpu.memory_space<vmem>>) target_semaphore(%run_scoped3A : memref<!tpu.dma_semaphore, #tpu.memory_space<semaphore_mem>>)
        %dma_wait3A = arith.constant 0 : i32
        %dma_wait3A_223 = tpu.memref_slice %arg3[%add3A_204, %dma_wait3A] : memref<20736x16xi32, #tpu.memory_space<hbm>> -> memref<72x16xi32, #tpu.memory_space<hbm>>
        %dma_wait3A_224 = arith.constant 0 : i32
        %dma_wait3A_225 = tpu.memref_slice %arg3[%add3A_204, %dma_wait3A_224] : memref<20736x16xi32, #tpu.memory_space<hbm>> -> memref<72x16xi32, #tpu.memory_space<hbm>>
        tpu.wait_dma2 semaphore(%run_scoped3A : memref<!tpu.dma_semaphore, #tpu.memory_space<semaphore_mem>>) src(%dma_wait3A_225 : memref<72x16xi32, #tpu.memory_space<hbm>>) dst(%arg12 : memref<72x16xi32, #tpu.memory_space<vmem>>)
        tpu.yield
      }) : () -> ()
      %scan3A_205 = arith.constant 0 : i32
      %scan3A_206 = arith.constant 0 : i32
      %scan3A_207 = arith.constant 72 : i32
      %scan3A_208 = arith.addi %scan3A_206, %scan3A_207 : i32
      %scan3A_209 = arith.constant 1 : i32
      %scan3A_210 = scf.for %scan3A_220 = %scan3A_206 to %scan3A_208 step %scan3A_209 iter_args(%scan3A_221 = %scan3A_205) -> (i32)  : i32 {
        %get3A = arith.index_cast %scan3A_220 : i32 to index
        %get3A_222 = arith.constant 0 : index
        %get3A_223 = tpu.vector_load %arg11[%get3A, %get3A_222] {strides = array<i32>} : memref<72x16xi32, #tpu.memory_space<vmem>>, vector<16xi32>,
        %get3A_224 = arith.index_cast %scan3A_220 : i32 to index
        %get3A_225 = arith.constant 0 : index
        %get3A_226 = tpu.vector_load %arg12[%get3A_224, %get3A_225] {strides = array<i32>} : memref<72x16xi32, #tpu.memory_space<vmem>>, vector<16xi32>,
        %gather3A = tpu.vector_load_idx %arg9[%get3A_223] : memref<10000xf32, #tpu.memory_space<vmem>>[vector<16xi32>], vector<16xf32>,
        %gather3A_227 = tpu.vector_load_idx %arg10[%get3A_226] : memref<10000xf32, #tpu.memory_space<vmem>>[vector<16xi32>], vector<16xf32>,
        %add3A_228 = arith.addf %gather3A, %gather3A_227 : vector<16xf32>
        %ge3A = arith.constant 0.000000e+00 : f32
        %ge3A_229 = vector.broadcast %ge3A : f32 to vector<16xf32>
        %ge3A_230 = arith.cmpf oge, %add3A_228, %ge3A_229 : vector<16xf32>
        %mul3A_231 = arith.constant 2.000000e-01 : f32
        %mul3A_232 = vector.broadcast %mul3A_231 : f32 to vector<16xf32>
        %mul3A_233 = arith.mulf %mul3A_232, %add3A_228 : vector<16xf32>
        %select_n3A = arith.select %ge3A_230, %add3A_228, %mul3A_233 : vector<16xi1>, vector<16xf32>
        %exp3A = math.exp %select_n3A : vector<16xf32>
        %mul3A_234 = arith.constant 72 : i32
        %mul3A_235 = arith.muli %scan3A_193, %mul3A_234 : i32
        %add3A_236 = arith.addi %mul3A_235, %scan3A_220 : i32
        %mul3A_237 = arith.constant 16 : i32
        %mul3A_238 = arith.muli %add3A_236, %mul3A_237 : i32
        %add3A_239 = arith.addi %mul3A_175, %mul3A_238 : i32
        %iota3A = tpu.iota {dimensions = array<i32: 0>} : vector<16xi32>
        %add3A_240 = vector.broadcast %add3A_239 : i32 to vector<16xi32>
        %add3A_241 = arith.addi %add3A_240, %iota3A : vector<16xi32>
        %lt3A = arith.constant 330000 : i32
        %lt3A_242 = vector.broadcast %lt3A : i32 to vector<16xi32>
        %lt3A_243 = arith.cmpi slt, %add3A_241, %lt3A_242 : vector<16xi32>
        %jit3A = arith.constant 0.000000e+00 : f32
        %broadcast_in_dim3A = vector.broadcast %jit3A : f32 to vector<16xf32>
        %select_n3A_244 = arith.select %lt3A_243, %exp3A, %broadcast_in_dim3A : vector<16xi1>, vector<16xf32>
        %mul3A_245 = arith.constant 16 : i32
        %mul3A_246 = arith.muli %scan3A_220, %mul3A_245 : i32
        %swap3A = arith.index_cast %mul3A_246 : i32 to index
        %swap3A_247 = tpu.vector_load %arg13[%swap3A] {strides = array<i32>} : memref<1152xf32, #tpu.memory_space<vmem>>, vector<16xf32>,
        tpu.vector_store %arg13[%swap3A], %select_n3A_244 {strides = array<i32>} : memref<1152xf32, #tpu.memory_space<vmem>>, vector<16xf32>,
        tpu.vector_store_idx %arg14[%get3A_226], %select_n3A_244 {add = true} : memref<10000xf32, #tpu.memory_space<vmem>>[vector<16xi32>], vector<16xf32>,
        %scan3A_248 = arith.constant 0 : i32
        scf.yield %scan3A_248 : i32
      }
      %scan3A_211 = arith.constant 72 : i32
      %scan3A_212 = arith.constant 0 : i32
      %scan3A_213 = arith.constant 0 : i32
      %scan3A_214 = arith.constant 72 : i32
      %scan3A_215 = arith.addi %scan3A_213, %scan3A_214 : i32
      %scan3A_216 = arith.constant 1 : i32
      %scan3A_217 = scf.for %scan3A_220 = %scan3A_213 to %scan3A_215 step %scan3A_216 iter_args(%scan3A_221 = %scan3A_212) -> (i32)  : i32 {
        %dma_start3A = arith.constant 0 : i32
        %dma_start3A_222 = tpu.memref_slice %arg11[%scan3A_220, %dma_start3A] : memref<72x16xi32, #tpu.memory_space<vmem>> -> memref<1x16xi32, #tpu.memory_space<vmem>>
        %dma_start3A_223 = tpu.memref_squeeze %dma_start3A_222 : memref<1x16xi32, #tpu.memory_space<vmem>> -> memref<16xi32, #tpu.memory_space<vmem>>
        %dma_start3A_224 = arith.constant 0 : i32
        %dma_start3A_225 = arith.constant 0 : i32
        %dma_start3A_226 = tpu.memref_slice %arg6[%dma_start3A_224, %dma_start3A_225] : memref<10000x128xf32, #tpu.memory_space<hbm>> -> memref<10000x128xf32, #tpu.memory_space<hbm>>
        tpu.enqueue_indirect_dma source(%dma_start3A_226 : memref<10000x128xf32, #tpu.memory_space<hbm>>) target(%arg15 : memref<16x128xf32, #tpu.memory_space<vmem>>) offsets(%dma_start3A_223 : memref<16xi32, #tpu.memory_space<vmem>>) semaphore(%arg18 : memref<!tpu.dma_semaphore, #tpu.memory_space<semaphore_mem>>)
        %dma_wait3A = arith.constant 0 : i32
        %dma_wait3A_227 = tpu.memref_slice %arg11[%scan3A_220, %dma_wait3A] : memref<72x16xi32, #tpu.memory_space<vmem>> -> memref<1x16xi32, #tpu.memory_space<vmem>>
        %dma_wait3A_228 = tpu.memref_squeeze %dma_wait3A_227 : memref<1x16xi32, #tpu.memory_space<vmem>> -> memref<16xi32, #tpu.memory_space<vmem>>
        %dma_wait3A_229 = arith.constant 0 : i32
        %dma_wait3A_230 = arith.constant 0 : i32
        %dma_wait3A_231 = tpu.memref_slice %arg6[%dma_wait3A_229, %dma_wait3A_230] : memref<10000x128xf32, #tpu.memory_space<hbm>> -> memref<10000x128xf32, #tpu.memory_space<hbm>>
        tpu.wait_indirect_dma semaphore(%arg18 : memref<!tpu.dma_semaphore, #tpu.memory_space<semaphore_mem>>) src(%dma_wait3A_231 : memref<10000x128xf32, #tpu.memory_space<hbm>>) dst(%arg15 : memref<16x128xf32, #tpu.memory_space<vmem>>)
        %mul3A_232 = arith.constant 16 : i32
        %mul3A_233 = arith.muli %scan3A_220, %mul3A_232 : i32
        %add3A_234 = arith.constant 0 : i32
        %add3A_235 = arith.addi %mul3A_233, %add3A_234 : i32
        %broadcast_in_dim3A = arith.constant 0 : i32
        %broadcast_in_dim3A_236 = vector.broadcast %broadcast_in_dim3A : i32 to vector<16xi32>
        %add3A_237 = vector.broadcast %add3A_235 : i32 to vector<16xi32>
        %add3A_238 = arith.addi %add3A_237, %broadcast_in_dim3A_236 : vector<16xi32>
        %gather3A = tpu.vector_load_idx %arg13[%add3A_238] : memref<1152xf32, #tpu.memory_space<vmem>>[vector<16xi32>], vector<16xf32>,
        %get3A = arith.constant 0 : i32
        %get3A_239 = arith.index_cast %get3A : i32 to index
        %get3A_240 = arith.constant 0 : index
        %get3A_241 = tpu.vector_load %arg15[%get3A_239, %get3A_240] {strides = array<i32>} : memref<16x128xf32, #tpu.memory_space<vmem>>, vector<16xf32>,
        %mul3A_242 = arith.mulf %get3A_241, %gather3A : vector<16xf32>
        %swap3A = arith.constant 0 : i32
        %swap3A_243 = arith.index_cast %swap3A : i32 to index
        %swap3A_244 = arith.constant 0 : index
        %swap3A_245 = tpu.vector_load %arg15[%swap3A_243, %swap3A_244] {strides = array<i32>} : memref<16x128xf32, #tpu.memory_space<vmem>>, vector<16xf32>,
        tpu.vector_store %arg15[%swap3A_243, %swap3A_244], %mul3A_242 {strides = array<i32>} : memref<16x128xf32, #tpu.memory_space<vmem>>, vector<16xf32>,
        %get3A_246 = arith.constant 0 : i32
        %get3A_247 = arith.index_cast %get3A_246 : i32 to index
        %get3A_248 = arith.constant 16 : index
        %get3A_249 = tpu.vector_load %arg15[%get3A_247, %get3A_248] {strides = array<i32>} : memref<16x128xf32, #tpu.memory_space<vmem>>, vector<16xf32>,
        %mul3A_250 = arith.mulf %get3A_249, %gather3A : vector<16xf32>
        %swap3A_251 = arith.constant 0 : i32
        %swap3A_252 = arith.index_cast %swap3A_251 : i32 to index
        %swap3A_253 = arith.constant 16 : index
        %swap3A_254 = tpu.vector_load %arg15[%swap3A_252, %swap3A_253] {strides = array<i32>} : memref<16x128xf32, #tpu.memory_space<vmem>>, vector<16xf32>,
        tpu.vector_store %arg15[%swap3A_252, %swap3A_253], %mul3A_250 {strides = array<i32>} : memref<16x128xf32, #tpu.memory_space<vmem>>, vector<16xf32>,
        %get3A_255 = arith.constant 0 : i32
        %get3A_256 = arith.index_cast %get3A_255 : i32 to index
        %get3A_257 = arith.constant 32 : index
        %get3A_258 = tpu.vector_load %arg15[%get3A_256, %get3A_257] {strides = array<i32>} : memref<16x128xf32, #tpu.memory_space<vmem>>, vector<16xf32>,
        %mul3A_259 = arith.mulf %get3A_258, %gather3A : vector<16xf32>
        %swap3A_260 = arith.constant 0 : i32
        %swap3A_261 = arith.index_cast %swap3A_260 : i32 to index
        %swap3A_262 = arith.constant 32 : index
        %swap3A_263 = tpu.vector_load %arg15[%swap3A_261, %swap3A_262] {strides = array<i32>} : memref<16x128xf32, #tpu.memory_space<vmem>>, vector<16xf32>,
        tpu.vector_store %arg15[%swap3A_261, %swap3A_262], %mul3A_259 {strides = array<i32>} : memref<16x128xf32, #tpu.memory_space<vmem>>, vector<16xf32>,
        %get3A_264 = arith.constant 0 : i32
        %get3A_265 = arith.index_cast %get3A_264 : i32 to index
        %get3A_266 = arith.constant 48 : index
        %get3A_267 = tpu.vector_load %arg15[%get3A_265, %get3A_266] {strides = array<i32>} : memref<16x128xf32, #tpu.memory_space<vmem>>, vector<16xf32>,
        %mul3A_268 = arith.mulf %get3A_267, %gather3A : vector<16xf32>
        %swap3A_269 = arith.constant 0 : i32
        %swap3A_270 = arith.index_cast %swap3A_269 : i32 to index
        %swap3A_271 = arith.constant 48 : index
        %swap3A_272 = tpu.vector_load %arg15[%swap3A_270, %swap3A_271] {strides = array<i32>} : memref<16x128xf32, #tpu.memory_space<vmem>>, vector<16xf32>,
        tpu.vector_store %arg15[%swap3A_270, %swap3A_271], %mul3A_268 {strides = array<i32>} : memref<16x128xf32, #tpu.memory_space<vmem>>, vector<16xf32>,
        %get3A_273 = arith.constant 0 : i32
        %get3A_274 = arith.index_cast %get3A_273 : i32 to index
        %get3A_275 = arith.constant 64 : index
        %get3A_276 = tpu.vector_load %arg15[%get3A_274, %get3A_275] {strides = array<i32>} : memref<16x128xf32, #tpu.memory_space<vmem>>, vector<16xf32>,
        %mul3A_277 = arith.mulf %get3A_276, %gather3A : vector<16xf32>
        %swap3A_278 = arith.constant 0 : i32
        %swap3A_279 = arith.index_cast %swap3A_278 : i32 to index
        %swap3A_280 = arith.constant 64 : index
        %swap3A_281 = tpu.vector_load %arg15[%swap3A_279, %swap3A_280] {strides = array<i32>} : memref<16x128xf32, #tpu.memory_space<vmem>>, vector<16xf32>,
        tpu.vector_store %arg15[%swap3A_279, %swap3A_280], %mul3A_277 {strides = array<i32>} : memref<16x128xf32, #tpu.memory_space<vmem>>, vector<16xf32>,
        %get3A_282 = arith.constant 0 : i32
        %get3A_283 = arith.index_cast %get3A_282 : i32 to index
        %get3A_284 = arith.constant 80 : index
        %get3A_285 = tpu.vector_load %arg15[%get3A_283, %get3A_284] {strides = array<i32>} : memref<16x128xf32, #tpu.memory_space<vmem>>, vector<16xf32>,
        %mul3A_286 = arith.mulf %get3A_285, %gather3A : vector<16xf32>
        %swap3A_287 = arith.constant 0 : i32
        %swap3A_288 = arith.index_cast %swap3A_287 : i32 to index
        %swap3A_289 = arith.constant 80 : index
        %swap3A_290 = tpu.vector_load %arg15[%swap3A_288, %swap3A_289] {strides = array<i32>} : memref<16x128xf32, #tpu.memory_space<vmem>>, vector<16xf32>,
        tpu.vector_store %arg15[%swap3A_288, %swap3A_289], %mul3A_286 {strides = array<i32>} : memref<16x128xf32, #tpu.memory_space<vmem>>, vector<16xf32>,
        %get3A_291 = arith.constant 0 : i32
        %get3A_292 = arith.index_cast %get3A_291 : i32 to index
        %get3A_293 = arith.constant 96 : index
        %get3A_294 = tpu.vector_load %arg15[%get3A_292, %get3A_293] {strides = array<i32>} : memref<16x128xf32, #tpu.memory_space<vmem>>, vector<16xf32>,
        %mul3A_295 = arith.mulf %get3A_294, %gather3A : vector<16xf32>
        %swap3A_296 = arith.constant 0 : i32
        %swap3A_297 = arith.index_cast %swap3A_296 : i32 to index
        %swap3A_298 = arith.constant 96 : index
        %swap3A_299 = tpu.vector_load %arg15[%swap3A_297, %swap3A_298] {strides = array<i32>} : memref<16x128xf32, #tpu.memory_space<vmem>>, vector<16xf32>,
        tpu.vector_store %arg15[%swap3A_297, %swap3A_298], %mul3A_295 {strides = array<i32>} : memref<16x128xf32, #tpu.memory_space<vmem>>, vector<16xf32>,
        %get3A_300 = arith.constant 0 : i32
        %get3A_301 = arith.index_cast %get3A_300 : i32 to index
        %get3A_302 = arith.constant 112 : index
        %get3A_303 = tpu.vector_load %arg15[%get3A_301, %get3A_302] {strides = array<i32>} : memref<16x128xf32, #tpu.memory_space<vmem>>, vector<16xf32>,
        %mul3A_304 = arith.mulf %get3A_303, %gather3A : vector<16xf32>
        %swap3A_305 = arith.constant 0 : i32
        %swap3A_306 = arith.index_cast %swap3A_305 : i32 to index
        %swap3A_307 = arith.constant 112 : index
        %swap3A_308 = tpu.vector_load %arg15[%swap3A_306, %swap3A_307] {strides = array<i32>} : memref<16x128xf32, #tpu.memory_space<vmem>>, vector<16xf32>,
        tpu.vector_store %arg15[%swap3A_306, %swap3A_307], %mul3A_304 {strides = array<i32>} : memref<16x128xf32, #tpu.memory_space<vmem>>, vector<16xf32>,
        %mul3A_309 = arith.constant 16 : i32
        %mul3A_310 = arith.muli %scan3A_220, %mul3A_309 : i32
        %add3A_311 = arith.constant 1 : i32
        %add3A_312 = arith.addi %mul3A_310, %add3A_311 : i32
        %broadcast_in_dim3A_313 = arith.constant 0 : i32
        %broadcast_in_dim3A_314 = vector.broadcast %broadcast_in_dim3A_313 : i32 to vector<16xi32>
        %add3A_315 = vector.broadcast %add3A_312 : i32 to vector<16xi32>
        %add3A_316 = arith.addi %add3A_315, %broadcast_in_dim3A_314 : vector<16xi32>
        %gather3A_317 = tpu.vector_load_idx %arg13[%add3A_316] : memref<1152xf32, #tpu.memory_space<vmem>>[vector<16xi32>], vector<16xf32>,
        %get3A_318 = arith.constant 1 : i32
        %get3A_319 = arith.index_cast %get3A_318 : i32 to index
        %get3A_320 = arith.constant 0 : index
        %get3A_321 = tpu.vector_load %arg15[%get3A_319, %get3A_320] {strides = array<i32>} : memref<16x128xf32, #tpu.memory_space<vmem>>, vector<16xf32>,
        %mul3A_322 = arith.mulf %get3A_321, %gather3A_317 : vector<16xf32>
        %swap3A_323 = arith.constant 1 : i32
        %swap3A_324 = arith.index_cast %swap3A_323 : i32 to index
        %swap3A_325 = arith.constant 0 : index
        %swap3A_326 = tpu.vector_load %arg15[%swap3A_324, %swap3A_325] {strides = array<i32>} : memref<16x128xf32, #tpu.memory_space<vmem>>, vector<16xf32>,
        tpu.vector_store %arg15[%swap3A_324, %swap3A_325], %mul3A_322 {strides = array<i32>} : memref<16x128xf32, #tpu.memory_space<vmem>>, vector<16xf32>,
        %get3A_327 = arith.constant 1 : i32
        %get3A_328 = arith.index_cast %get3A_327 : i32 to index
        %get3A_329 = arith.constant 16 : index
        %get3A_330 = tpu.vector_load %arg15[%get3A_328, %get3A_329] {strides = array<i32>} : memref<16x128xf32, #tpu.memory_space<vmem>>, vector<16xf32>,
        %mul3A_331 = arith.mulf %get3A_330, %gather3A_317 : vector<16xf32>
        %swap3A_332 = arith.constant 1 : i32
        %swap3A_333 = arith.index_cast %swap3A_332 : i32 to index
        %swap3A_334 = arith.constant 16 : index
        %swap3A_335 = tpu.vector_load %arg15[%swap3A_333, %swap3A_334] {strides = array<i32>} : memref<16x128xf32, #tpu.memory_space<vmem>>, vector<16xf32>,
        tpu.vector_store %arg15[%swap3A_333, %swap3A_334], %mul3A_331 {strides = array<i32>} : memref<16x128xf32, #tpu.memory_space<vmem>>, vector<16xf32>,
        %get3A_336 = arith.constant 1 : i32
        %get3A_337 = arith.index_cast %get3A_336 : i32 to index
        %get3A_338 = arith.constant 32 : index
        %get3A_339 = tpu.vector_load %arg15[%get3A_337, %get3A_338] {strides = array<i32>} : memref<16x128xf32, #tpu.memory_space<vmem>>, vector<16xf32>,
        %mul3A_340 = arith.mulf %get3A_339, %gather3A_317 : vector<16xf32>
        %swap3A_341 = arith.constant 1 : i32
        %swap3A_342 = arith.index_cast %swap3A_341 : i32 to index
        %swap3A_343 = arith.constant 32 : index
        %swap3A_344 = tpu.vector_load %arg15[%swap3A_342, %swap3A_343] {strides = array<i32>} : memref<16x128xf32, #tpu.memory_space<vmem>>, vector<16xf32>,
        tpu.vector_store %arg15[%swap3A_342, %swap3A_343], %mul3A_340 {strides = array<i32>} : memref<16x128xf32, #tpu.memory_space<vmem>>, vector<16xf32>,
        %get3A_345 = arith.constant 1 : i32
        %get3A_346 = arith.index_cast %get3A_345 : i32 to index
        %get3A_347 = arith.constant 48 : index
        %get3A_348 = tpu.vector_load %arg15[%get3A_346, %get3A_347] {strides = array<i32>} : memref<16x128xf32, #tpu.memory_space<vmem>>, vector<16xf32>,
        %mul3A_349 = arith.mulf %get3A_348, %gather3A_317 : vector<16xf32>
        %swap3A_350 = arith.constant 1 : i32
        %swap3A_351 = arith.index_cast %swap3A_350 : i32 to index
        %swap3A_352 = arith.constant 48 : index
        %swap3A_353 = tpu.vector_load %arg15[%swap3A_351, %swap3A_352] {strides = array<i32>} : memref<16x128xf32, #tpu.memory_space<vmem>>, vector<16xf32>,
        tpu.vector_store %arg15[%swap3A_351, %swap3A_352], %mul3A_349 {strides = array<i32>} : memref<16x128xf32, #tpu.memory_space<vmem>>, vector<16xf32>,
        %get3A_354 = arith.constant 1 : i32
        %get3A_355 = arith.index_cast %get3A_354 : i32 to index
        %get3A_356 = arith.constant 64 : index
        %get3A_357 = tpu.vector_load %arg15[%get3A_355, %get3A_356] {strides = array<i32>} : memref<16x128xf32, #tpu.memory_space<vmem>>, vector<16xf32>,
        %mul3A_358 = arith.mulf %get3A_357, %gather3A_317 : vector<16xf32>
        %swap3A_359 = arith.constant 1 : i32
        %swap3A_360 = arith.index_cast %swap3A_359 : i32 to index
        %swap3A_361 = arith.constant 64 : index
        %swap3A_362 = tpu.vector_load %arg15[%swap3A_360, %swap3A_361] {strides = array<i32>} : memref<16x128xf32, #tpu.memory_space<vmem>>, vector<16xf32>,
        tpu.vector_store %arg15[%swap3A_360, %swap3A_361], %mul3A_358 {strides = array<i32>} : memref<16x128xf32, #tpu.memory_space<vmem>>, vector<16xf32>,
        %get3A_363 = arith.constant 1 : i32
        %get3A_364 = arith.index_cast %get3A_363 : i32 to index
        %get3A_365 = arith.constant 80 : index
        %get3A_366 = tpu.vector_load %arg15[%get3A_364, %get3A_365] {strides = array<i32>} : memref<16x128xf32, #tpu.memory_space<vmem>>, vector<16xf32>,
        %mul3A_367 = arith.mulf %get3A_366, %gather3A_317 : vector<16xf32>
        %swap3A_368 = arith.constant 1 : i32
        %swap3A_369 = arith.index_cast %swap3A_368 : i32 to index
        %swap3A_370 = arith.constant 80 : index
        %swap3A_371 = tpu.vector_load %arg15[%swap3A_369, %swap3A_370] {strides = array<i32>} : memref<16x128xf32, #tpu.memory_space<vmem>>, vector<16xf32>,
        tpu.vector_store %arg15[%swap3A_369, %swap3A_370], %mul3A_367 {strides = array<i32>} : memref<16x128xf32, #tpu.memory_space<vmem>>, vector<16xf32>,
        %get3A_372 = arith.constant 1 : i32
        %get3A_373 = arith.index_cast %get3A_372 : i32 to index
        %get3A_374 = arith.constant 96 : index
        %get3A_375 = tpu.vector_load %arg15[%get3A_373, %get3A_374] {strides = array<i32>} : memref<16x128xf32, #tpu.memory_space<vmem>>, vector<16xf32>,
        %mul3A_376 = arith.mulf %get3A_375, %gather3A_317 : vector<16xf32>
        %swap3A_377 = arith.constant 1 : i32
        %swap3A_378 = arith.index_cast %swap3A_377 : i32 to index
        %swap3A_379 = arith.constant 96 : index
        %swap3A_380 = tpu.vector_load %arg15[%swap3A_378, %swap3A_379] {strides = array<i32>} : memref<16x128xf32, #tpu.memory_space<vmem>>, vector<16xf32>,
        tpu.vector_store %arg15[%swap3A_378, %swap3A_379], %mul3A_376 {strides = array<i32>} : memref<16x128xf32, #tpu.memory_space<vmem>>, vector<16xf32>,
        %get3A_381 = arith.constant 1 : i32
        %get3A_382 = arith.index_cast %get3A_381 : i32 to index
        %get3A_383 = arith.constant 112 : index
        %get3A_384 = tpu.vector_load %arg15[%get3A_382, %get3A_383] {strides = array<i32>} : memref<16x128xf32, #tpu.memory_space<vmem>>, vector<16xf32>,
        %mul3A_385 = arith.mulf %get3A_384, %gather3A_317 : vector<16xf32>
        %swap3A_386 = arith.constant 1 : i32
        %swap3A_387 = arith.index_cast %swap3A_386 : i32 to index
        %swap3A_388 = arith.constant 112 : index
        %swap3A_389 = tpu.vector_load %arg15[%swap3A_387, %swap3A_388] {strides = array<i32>} : memref<16x128xf32, #tpu.memory_space<vmem>>, vector<16xf32>,
        tpu.vector_store %arg15[%swap3A_387, %swap3A_388], %mul3A_385 {strides = array<i32>} : memref<16x128xf32, #tpu.memory_space<vmem>>, vector<16xf32>,
        %mul3A_390 = arith.constant 16 : i32
        %mul3A_391 = arith.muli %scan3A_220, %mul3A_390 : i32
        %add3A_392 = arith.constant 2 : i32
        %add3A_393 = arith.addi %mul3A_391, %add3A_392 : i32
        %broadcast_in_dim3A_394 = arith.constant 0 : i32
        %broadcast_in_dim3A_395 = vector.broadcast %broadcast_in_dim3A_394 : i32 to vector<16xi32>
        %add3A_396 = vector.broadcast %add3A_393 : i32 to vector<16xi32>
        %add3A_397 = arith.addi %add3A_396, %broadcast_in_dim3A_395 : vector<16xi32>
        %gather3A_398 = tpu.vector_load_idx %arg13[%add3A_397] : memref<1152xf32, #tpu.memory_space<vmem>>[vector<16xi32>], vector<16xf32>,
        %get3A_399 = arith.constant 2 : i32
        %get3A_400 = arith.index_cast %get3A_399 : i32 to index
        %get3A_401 = arith.constant 0 : index
        %get3A_402 = tpu.vector_load %arg15[%get3A_400, %get3A_401] {strides = array<i32>} : memref<16x128xf32, #tpu.memory_space<vmem>>, vector<16xf32>,
        %mul3A_403 = arith.mulf %get3A_402, %gather3A_398 : vector<16xf32>
        %swap3A_404 = arith.constant 2 : i32
        %swap3A_405 = arith.index_cast %swap3A_404 : i32 to index
        %swap3A_406 = arith.constant 0 : index
        %swap3A_407 = tpu.vector_load %arg15[%swap3A_405, %swap3A_406] {strides = array<i32>} : memref<16x128xf32, #tpu.memory_space<vmem>>, vector<16xf32>,
        tpu.vector_store %arg15[%swap3A_405, %swap3A_406], %mul3A_403 {strides = array<i32>} : memref<16x128xf32, #tpu.memory_space<vmem>>, vector<16xf32>,
        %get3A_408 = arith.constant 2 : i32
        %get3A_409 = arith.index_cast %get3A_408 : i32 to index
        %get3A_410 = arith.constant 16 : index
        %get3A_411 = tpu.vector_load %arg15[%get3A_409, %get3A_410] {strides = array<i32>} : memref<16x128xf32, #tpu.memory_space<vmem>>, vector<16xf32>,
        %mul3A_412 = arith.mulf %get3A_411, %gather3A_398 : vector<16xf32>
        %swap3A_413 = arith.constant 2 : i32
        %swap3A_414 = arith.index_cast %swap3A_413 : i32 to index
        %swap3A_415 = arith.constant 16 : index
        %swap3A_416 = tpu.vector_load %arg15[%swap3A_414, %swap3A_415] {strides = array<i32>} : memref<16x128xf32, #tpu.memory_space<vmem>>, vector<16xf32>,
        tpu.vector_store %arg15[%swap3A_414, %swap3A_415], %mul3A_412 {strides = array<i32>} : memref<16x128xf32, #tpu.memory_space<vmem>>, vector<16xf32>,
        %get3A_417 = arith.constant 2 : i32
        %get3A_418 = arith.index_cast %get3A_417 : i32 to index
        %get3A_419 = arith.constant 32 : index
        %get3A_420 = tpu.vector_load %arg15[%get3A_418, %get3A_419] {strides = array<i32>} : memref<16x128xf32, #tpu.memory_space<vmem>>, vector<16xf32>,
        %mul3A_421 = arith.mulf %get3A_420, %gather3A_398 : vector<16xf32>
        %swap3A_422 = arith.constant 2 : i32
        %swap3A_423 = arith.index_cast %swap3A_422 : i32 to index
        %swap3A_424 = arith.constant 32 : index
        %swap3A_425 = tpu.vector_load %arg15[%swap3A_423, %swap3A_424] {strides = array<i32>} : memref<16x128xf32, #tpu.memory_space<vmem>>, vector<16xf32>,
        tpu.vector_store %arg15[%swap3A_423, %swap3A_424], %mul3A_421 {strides = array<i32>} : memref<16x128xf32, #tpu.memory_space<vmem>>, vector<16xf32>,
        %get3A_426 = arith.constant 2 : i32
        %get3A_427 = arith.index_cast %get3A_426 : i32 to index
        %get3A_428 = arith.constant 48 : index
        %get3A_429 = tpu.vector_load %arg15[%get3A_427, %get3A_428] {strides = array<i32>} : memref<16x128xf32, #tpu.memory_space<vmem>>, vector<16xf32>,
        %mul3A_430 = arith.mulf %get3A_429, %gather3A_398 : vector<16xf32>
        %swap3A_431 = arith.constant 2 : i32
        %swap3A_432 = arith.index_cast %swap3A_431 : i32 to index
        %swap3A_433 = arith.constant 48 : index
        %swap3A_434 = tpu.vector_load %arg15[%swap3A_432, %swap3A_433] {strides = array<i32>} : memref<16x128xf32, #tpu.memory_space<vmem>>, vector<16xf32>,
        tpu.vector_store %arg15[%swap3A_432, %swap3A_433], %mul3A_430 {strides = array<i32>} : memref<16x128xf32, #tpu.memory_space<vmem>>, vector<16xf32>,
        %get3A_435 = arith.constant 2 : i32
        %get3A_436 = arith.index_cast %get3A_435 : i32 to index
        %get3A_437 = arith.constant 64 : index
        %get3A_438 = tpu.vector_load %arg15[%get3A_436, %get3A_437] {strides = array<i32>} : memref<16x128xf32, #tpu.memory_space<vmem>>, vector<16xf32>,
        %mul3A_439 = arith.mulf %get3A_438, %gather3A_398 : vector<16xf32>
        %swap3A_440 = arith.constant 2 : i32
        %swap3A_441 = arith.index_cast %swap3A_440 : i32 to index
        %swap3A_442 = arith.constant 64 : index
        %swap3A_443 = tpu.vector_load %arg15[%swap3A_441, %swap3A_442] {strides = array<i32>} : memref<16x128xf32, #tpu.memory_space<vmem>>, vector<16xf32>,
        tpu.vector_store %arg15[%swap3A_441, %swap3A_442], %mul3A_439 {strides = array<i32>} : memref<16x128xf32, #tpu.memory_space<vmem>>, vector<16xf32>,
        %get3A_444 = arith.constant 2 : i32
        %get3A_445 = arith.index_cast %get3A_444 : i32 to index
        %get3A_446 = arith.constant 80 : index
        %get3A_447 = tpu.vector_load %arg15[%get3A_445, %get3A_446] {strides = array<i32>} : memref<16x128xf32, #tpu.memory_space<vmem>>, vector<16xf32>,
        %mul3A_448 = arith.mulf %get3A_447, %gather3A_398 : vector<16xf32>
        %swap3A_449 = arith.constant 2 : i32
        %swap3A_450 = arith.index_cast %swap3A_449 : i32 to index
        %swap3A_451 = arith.constant 80 : index
        %swap3A_452 = tpu.vector_load %arg15[%swap3A_450, %swap3A_451] {strides = array<i32>} : memref<16x128xf32, #tpu.memory_space<vmem>>, vector<16xf32>,
        tpu.vector_store %arg15[%swap3A_450, %swap3A_451], %mul3A_448 {strides = array<i32>} : memref<16x128xf32, #tpu.memory_space<vmem>>, vector<16xf32>,
        %get3A_453 = arith.constant 2 : i32
        %get3A_454 = arith.index_cast %get3A_453 : i32 to index
        %get3A_455 = arith.constant 96 : index
        %get3A_456 = tpu.vector_load %arg15[%get3A_454, %get3A_455] {strides = array<i32>} : memref<16x128xf32, #tpu.memory_space<vmem>>, vector<16xf32>,
        %mul3A_457 = arith.mulf %get3A_456, %gather3A_398 : vector<16xf32>
        %swap3A_458 = arith.constant 2 : i32
        %swap3A_459 = arith.index_cast %swap3A_458 : i32 to index
        %swap3A_460 = arith.constant 96 : index
        %swap3A_461 = tpu.vector_load %arg15[%swap3A_459, %swap3A_460] {strides = array<i32>} : memref<16x128xf32, #tpu.memory_space<vmem>>, vector<16xf32>,
        tpu.vector_store %arg15[%swap3A_459, %swap3A_460], %mul3A_457 {strides = array<i32>} : memref<16x128xf32, #tpu.memory_space<vmem>>, vector<16xf32>,
        %get3A_462 = arith.constant 2 : i32
        %get3A_463 = arith.index_cast %get3A_462 : i32 to index
        %get3A_464 = arith.constant 112 : index
        %get3A_465 = tpu.vector_load %arg15[%get3A_463, %get3A_464] {strides = array<i32>} : memref<16x128xf32, #tpu.memory_space<vmem>>, vector<16xf32>,
        %mul3A_466 = arith.mulf %get3A_465, %gather3A_398 : vector<16xf32>
        %swap3A_467 = arith.constant 2 : i32
        %swap3A_468 = arith.index_cast %swap3A_467 : i32 to index
        %swap3A_469 = arith.constant 112 : index
        %swap3A_470 = tpu.vector_load %arg15[%swap3A_468, %swap3A_469] {strides = array<i32>} : memref<16x128xf32, #tpu.memory_space<vmem>>, vector<16xf32>,
        tpu.vector_store %arg15[%swap3A_468, %swap3A_469], %mul3A_466 {strides = array<i32>} : memref<16x128xf32, #tpu.memory_space<vmem>>, vector<16xf32>,
        %mul3A_471 = arith.constant 16 : i32
        %mul3A_472 = arith.muli %scan3A_220, %mul3A_471 : i32
        %add3A_473 = arith.constant 3 : i32
        %add3A_474 = arith.addi %mul3A_472, %add3A_473 : i32
        %broadcast_in_dim3A_475 = arith.constant 0 : i32
        %broadcast_in_dim3A_476 = vector.broadcast %broadcast_in_dim3A_475 : i32 to vector<16xi32>
        %add3A_477 = vector.broadcast %add3A_474 : i32 to vector<16xi32>
        %add3A_478 = arith.addi %add3A_477, %broadcast_in_dim3A_476 : vector<16xi32>
        %gather3A_479 = tpu.vector_load_idx %arg13[%add3A_478] : memref<1152xf32, #tpu.memory_space<vmem>>[vector<16xi32>], vector<16xf32>,
        %get3A_480 = arith.constant 3 : i32
        %get3A_481 = arith.index_cast %get3A_480 : i32 to index
        %get3A_482 = arith.constant 0 : index
        %get3A_483 = tpu.vector_load %arg15[%get3A_481, %get3A_482] {strides = array<i32>} : memref<16x128xf32, #tpu.memory_space<vmem>>, vector<16xf32>,
        %mul3A_484 = arith.mulf %get3A_483, %gather3A_479 : vector<16xf32>
        %swap3A_485 = arith.constant 3 : i32
        %swap3A_486 = arith.index_cast %swap3A_485 : i32 to index
        %swap3A_487 = arith.constant 0 : index
        %swap3A_488 = tpu.vector_load %arg15[%swap3A_486, %swap3A_487] {strides = array<i32>} : memref<16x128xf32, #tpu.memory_space<vmem>>, vector<16xf32>,
        tpu.vector_store %arg15[%swap3A_486, %swap3A_487], %mul3A_484 {strides = array<i32>} : memref<16x128xf32, #tpu.memory_space<vmem>>, vector<16xf32>,
        %get3A_489 = arith.constant 3 : i32
        %get3A_490 = arith.index_cast %get3A_489 : i32 to index
        %get3A_491 = arith.constant 16 : index
        %get3A_492 = tpu.vector_load %arg15[%get3A_490, %get3A_491] {strides = array<i32>} : memref<16x128xf32, #tpu.memory_space<vmem>>, vector<16xf32>,
        %mul3A_493 = arith.mulf %get3A_492, %gather3A_479 : vector<16xf32>
        %swap3A_494 = arith.constant 3 : i32
        %swap3A_495 = arith.index_cast %swap3A_494 : i32 to index
        %swap3A_496 = arith.constant 16 : index
        %swap3A_497 = tpu.vector_load %arg15[%swap3A_495, %swap3A_496] {strides = array<i32>} : memref<16x128xf32, #tpu.memory_space<vmem>>, vector<16xf32>,
        tpu.vector_store %arg15[%swap3A_495, %swap3A_496], %mul3A_493 {strides = array<i32>} : memref<16x128xf32, #tpu.memory_space<vmem>>, vector<16xf32>,
        %get3A_498 = arith.constant 3 : i32
        %get3A_499 = arith.index_cast %get3A_498 : i32 to index
        %get3A_500 = arith.constant 32 : index
        %get3A_501 = tpu.vector_load %arg15[%get3A_499, %get3A_500] {strides = array<i32>} : memref<16x128xf32, #tpu.memory_space<vmem>>, vector<16xf32>,
        %mul3A_502 = arith.mulf %get3A_501, %gather3A_479 : vector<16xf32>
        %swap3A_503 = arith.constant 3 : i32
        %swap3A_504 = arith.index_cast %swap3A_503 : i32 to index
        %swap3A_505 = arith.constant 32 : index
        %swap3A_506 = tpu.vector_load %arg15[%swap3A_504, %swap3A_505] {strides = array<i32>} : memref<16x128xf32, #tpu.memory_space<vmem>>, vector<16xf32>,
        tpu.vector_store %arg15[%swap3A_504, %swap3A_505], %mul3A_502 {strides = array<i32>} : memref<16x128xf32, #tpu.memory_space<vmem>>, vector<16xf32>,
        %get3A_507 = arith.constant 3 : i32
        %get3A_508 = arith.index_cast %get3A_507 : i32 to index
        %get3A_509 = arith.constant 48 : index
        %get3A_510 = tpu.vector_load %arg15[%get3A_508, %get3A_509] {strides = array<i32>} : memref<16x128xf32, #tpu.memory_space<vmem>>, vector<16xf32>,
        %mul3A_511 = arith.mulf %get3A_510, %gather3A_479 : vector<16xf32>
        %swap3A_512 = arith.constant 3 : i32
        %swap3A_513 = arith.index_cast %swap3A_512 : i32 to index
        %swap3A_514 = arith.constant 48 : index
        %swap3A_515 = tpu.vector_load %arg15[%swap3A_513, %swap3A_514] {strides = array<i32>} : memref<16x128xf32, #tpu.memory_space<vmem>>, vector<16xf32>,
        tpu.vector_store %arg15[%swap3A_513, %swap3A_514], %mul3A_511 {strides = array<i32>} : memref<16x128xf32, #tpu.memory_space<vmem>>, vector<16xf32>,
        %get3A_516 = arith.constant 3 : i32
        %get3A_517 = arith.index_cast %get3A_516 : i32 to index
        %get3A_518 = arith.constant 64 : index
        %get3A_519 = tpu.vector_load %arg15[%get3A_517, %get3A_518] {strides = array<i32>} : memref<16x128xf32, #tpu.memory_space<vmem>>, vector<16xf32>,
        %mul3A_520 = arith.mulf %get3A_519, %gather3A_479 : vector<16xf32>
        %swap3A_521 = arith.constant 3 : i32
        %swap3A_522 = arith.index_cast %swap3A_521 : i32 to index
        %swap3A_523 = arith.constant 64 : index
        %swap3A_524 = tpu.vector_load %arg15[%swap3A_522, %swap3A_523] {strides = array<i32>} : memref<16x128xf32, #tpu.memory_space<vmem>>, vector<16xf32>,
        tpu.vector_store %arg15[%swap3A_522, %swap3A_523], %mul3A_520 {strides = array<i32>} : memref<16x128xf32, #tpu.memory_space<vmem>>, vector<16xf32>,
        %get3A_525 = arith.constant 3 : i32
        %get3A_526 = arith.index_cast %get3A_525 : i32 to index
        %get3A_527 = arith.constant 80 : index
        %get3A_528 = tpu.vector_load %arg15[%get3A_526, %get3A_527] {strides = array<i32>} : memref<16x128xf32, #tpu.memory_space<vmem>>, vector<16xf32>,
        %mul3A_529 = arith.mulf %get3A_528, %gather3A_479 : vector<16xf32>
        %swap3A_530 = arith.constant 3 : i32
        %swap3A_531 = arith.index_cast %swap3A_530 : i32 to index
        %swap3A_532 = arith.constant 80 : index
        %swap3A_533 = tpu.vector_load %arg15[%swap3A_531, %swap3A_532] {strides = array<i32>} : memref<16x128xf32, #tpu.memory_space<vmem>>, vector<16xf32>,
        tpu.vector_store %arg15[%swap3A_531, %swap3A_532], %mul3A_529 {strides = array<i32>} : memref<16x128xf32, #tpu.memory_space<vmem>>, vector<16xf32>,
        %get3A_534 = arith.constant 3 : i32
        %get3A_535 = arith.index_cast %get3A_534 : i32 to index
        %get3A_536 = arith.constant 96 : index
        %get3A_537 = tpu.vector_load %arg15[%get3A_535, %get3A_536] {strides = array<i32>} : memref<16x128xf32, #tpu.memory_space<vmem>>, vector<16xf32>,
        %mul3A_538 = arith.mulf %get3A_537, %gather3A_479 : vector<16xf32>
        %swap3A_539 = arith.constant 3 : i32
        %swap3A_540 = arith.index_cast %swap3A_539 : i32 to index
        %swap3A_541 = arith.constant 96 : index
        %swap3A_542 = tpu.vector_load %arg15[%swap3A_540, %swap3A_541] {strides = array<i32>} : memref<16x128xf32, #tpu.memory_space<vmem>>, vector<16xf32>,
        tpu.vector_store %arg15[%swap3A_540, %swap3A_541], %mul3A_538 {strides = array<i32>} : memref<16x128xf32, #tpu.memory_space<vmem>>, vector<16xf32>,
        %get3A_543 = arith.constant 3 : i32
        %get3A_544 = arith.index_cast %get3A_543 : i32 to index
        %get3A_545 = arith.constant 112 : index
        %get3A_546 = tpu.vector_load %arg15[%get3A_544, %get3A_545] {strides = array<i32>} : memref<16x128xf32, #tpu.memory_space<vmem>>, vector<16xf32>,
        %mul3A_547 = arith.mulf %get3A_546, %gather3A_479 : vector<16xf32>
        %swap3A_548 = arith.constant 3 : i32
        %swap3A_549 = arith.index_cast %swap3A_548 : i32 to index
        %swap3A_550 = arith.constant 112 : index
        %swap3A_551 = tpu.vector_load %arg15[%swap3A_549, %swap3A_550] {strides = array<i32>} : memref<16x128xf32, #tpu.memory_space<vmem>>, vector<16xf32>,
        tpu.vector_store %arg15[%swap3A_549, %swap3A_550], %mul3A_547 {strides = array<i32>} : memref<16x128xf32, #tpu.memory_space<vmem>>, vector<16xf32>,
        %mul3A_552 = arith.constant 16 : i32
        %mul3A_553 = arith.muli %scan3A_220, %mul3A_552 : i32
        %add3A_554 = arith.constant 4 : i32
        %add3A_555 = arith.addi %mul3A_553, %add3A_554 : i32
        %broadcast_in_dim3A_556 = arith.constant 0 : i32
        %broadcast_in_dim3A_557 = vector.broadcast %broadcast_in_dim3A_556 : i32 to vector<16xi32>
        %add3A_558 = vector.broadcast %add3A_555 : i32 to vector<16xi32>
        %add3A_559 = arith.addi %add3A_558, %broadcast_in_dim3A_557 : vector<16xi32>
        %gather3A_560 = tpu.vector_load_idx %arg13[%add3A_559] : memref<1152xf32, #tpu.memory_space<vmem>>[vector<16xi32>], vector<16xf32>,
        %get3A_561 = arith.constant 4 : i32
        %get3A_562 = arith.index_cast %get3A_561 : i32 to index
        %get3A_563 = arith.constant 0 : index
        %get3A_564 = tpu.vector_load %arg15[%get3A_562, %get3A_563] {strides = array<i32>} : memref<16x128xf32, #tpu.memory_space<vmem>>, vector<16xf32>,
        %mul3A_565 = arith.mulf %get3A_564, %gather3A_560 : vector<16xf32>
        %swap3A_566 = arith.constant 4 : i32
        %swap3A_567 = arith.index_cast %swap3A_566 : i32 to index
        %swap3A_568 = arith.constant 0 : index
        %swap3A_569 = tpu.vector_load %arg15[%swap3A_567, %swap3A_568] {strides = array<i32>} : memref<16x128xf32, #tpu.memory_space<vmem>>, vector<16xf32>,
        tpu.vector_store %arg15[%swap3A_567, %swap3A_568], %mul3A_565 {strides = array<i32>} : memref<16x128xf32, #tpu.memory_space<vmem>>, vector<16xf32>,
        %get3A_570 = arith.constant 4 : i32
        %get3A_571 = arith.index_cast %get3A_570 : i32 to index
        %get3A_572 = arith.constant 16 : index
        %get3A_573 = tpu.vector_load %arg15[%get3A_571, %get3A_572] {strides = array<i32>} : memref<16x128xf32, #tpu.memory_space<vmem>>, vector<16xf32>,
        %mul3A_574 = arith.mulf %get3A_573, %gather3A_560 : vector<16xf32>
        %swap3A_575 = arith.constant 4 : i32
        %swap3A_576 = arith.index_cast %swap3A_575 : i32 to index
        %swap3A_577 = arith.constant 16 : index
        %swap3A_578 = tpu.vector_load %arg15[%swap3A_576, %swap3A_577] {strides = array<i32>} : memref<16x128xf32, #tpu.memory_space<vmem>>, vector<16xf32>,
        tpu.vector_store %arg15[%swap3A_576, %swap3A_577], %mul3A_574 {strides = array<i32>} : memref<16x128xf32, #tpu.memory_space<vmem>>, vector<16xf32>,
        %get3A_579 = arith.constant 4 : i32
        %get3A_580 = arith.index_cast %get3A_579 : i32 to index
        %get3A_581 = arith.constant 32 : index
        %get3A_582 = tpu.vector_load %arg15[%get3A_580, %get3A_581] {strides = array<i32>} : memref<16x128xf32, #tpu.memory_space<vmem>>, vector<16xf32>,
        %mul3A_583 = arith.mulf %get3A_582, %gather3A_560 : vector<16xf32>
        %swap3A_584 = arith.constant 4 : i32
        %swap3A_585 = arith.index_cast %swap3A_584 : i32 to index
        %swap3A_586 = arith.constant 32 : index
        %swap3A_587 = tpu.vector_load %arg15[%swap3A_585, %swap3A_586] {strides = array<i32>} : memref<16x128xf32, #tpu.memory_space<vmem>>, vector<16xf32>,
        tpu.vector_store %arg15[%swap3A_585, %swap3A_586], %mul3A_583 {strides = array<i32>} : memref<16x128xf32, #tpu.memory_space<vmem>>, vector<16xf32>,
        %get3A_588 = arith.constant 4 : i32
        %get3A_589 = arith.index_cast %get3A_588 : i32 to index
        %get3A_590 = arith.constant 48 : index
        %get3A_591 = tpu.vector_load %arg15[%get3A_589, %get3A_590] {strides = array<i32>} : memref<16x128xf32, #tpu.memory_space<vmem>>, vector<16xf32>,
        %mul3A_592 = arith.mulf %get3A_591, %gather3A_560 : vector<16xf32>
        %swap3A_593 = arith.constant 4 : i32
        %swap3A_594 = arith.index_cast %swap3A_593 : i32 to index
        %swap3A_595 = arith.constant 48 : index
        %swap3A_596 = tpu.vector_load %arg15[%swap3A_594, %swap3A_595] {strides = array<i32>} : memref<16x128xf32, #tpu.memory_space<vmem>>, vector<16xf32>,
        tpu.vector_store %arg15[%swap3A_594, %swap3A_595], %mul3A_592 {strides = array<i32>} : memref<16x128xf32, #tpu.memory_space<vmem>>, vector<16xf32>,
        %get3A_597 = arith.constant 4 : i32
        %get3A_598 = arith.index_cast %get3A_597 : i32 to index
        %get3A_599 = arith.constant 64 : index
        %get3A_600 = tpu.vector_load %arg15[%get3A_598, %get3A_599] {strides = array<i32>} : memref<16x128xf32, #tpu.memory_space<vmem>>, vector<16xf32>,
        %mul3A_601 = arith.mulf %get3A_600, %gather3A_560 : vector<16xf32>
        %swap3A_602 = arith.constant 4 : i32
        %swap3A_603 = arith.index_cast %swap3A_602 : i32 to index
        %swap3A_604 = arith.constant 64 : index
        %swap3A_605 = tpu.vector_load %arg15[%swap3A_603, %swap3A_604] {strides = array<i32>} : memref<16x128xf32, #tpu.memory_space<vmem>>, vector<16xf32>,
        tpu.vector_store %arg15[%swap3A_603, %swap3A_604], %mul3A_601 {strides = array<i32>} : memref<16x128xf32, #tpu.memory_space<vmem>>, vector<16xf32>,
        %get3A_606 = arith.constant 4 : i32
        %get3A_607 = arith.index_cast %get3A_606 : i32 to index
        %get3A_608 = arith.constant 80 : index
        %get3A_609 = tpu.vector_load %arg15[%get3A_607, %get3A_608] {strides = array<i32>} : memref<16x128xf32, #tpu.memory_space<vmem>>, vector<16xf32>,
        %mul3A_610 = arith.mulf %get3A_609, %gather3A_560 : vector<16xf32>
        %swap3A_611 = arith.constant 4 : i32
        %swap3A_612 = arith.index_cast %swap3A_611 : i32 to index
        %swap3A_613 = arith.constant 80 : index
        %swap3A_614 = tpu.vector_load %arg15[%swap3A_612, %swap3A_613] {strides = array<i32>} : memref<16x128xf32, #tpu.memory_space<vmem>>, vector<16xf32>,
        tpu.vector_store %arg15[%swap3A_612, %swap3A_613], %mul3A_610 {strides = array<i32>} : memref<16x128xf32, #tpu.memory_space<vmem>>, vector<16xf32>,
        %get3A_615 = arith.constant 4 : i32
        %get3A_616 = arith.index_cast %get3A_615 : i32 to index
        %get3A_617 = arith.constant 96 : index
        %get3A_618 = tpu.vector_load %arg15[%get3A_616, %get3A_617] {strides = array<i32>} : memref<16x128xf32, #tpu.memory_space<vmem>>, vector<16xf32>,
        %mul3A_619 = arith.mulf %get3A_618, %gather3A_560 : vector<16xf32>
        %swap3A_620 = arith.constant 4 : i32
        %swap3A_621 = arith.index_cast %swap3A_620 : i32 to index
        %swap3A_622 = arith.constant 96 : index
        %swap3A_623 = tpu.vector_load %arg15[%swap3A_621, %swap3A_622] {strides = array<i32>} : memref<16x128xf32, #tpu.memory_space<vmem>>, vector<16xf32>,
        tpu.vector_store %arg15[%swap3A_621, %swap3A_622], %mul3A_619 {strides = array<i32>} : memref<16x128xf32, #tpu.memory_space<vmem>>, vector<16xf32>,
        %get3A_624 = arith.constant 4 : i32
        %get3A_625 = arith.index_cast %get3A_624 : i32 to index
        %get3A_626 = arith.constant 112 : index
        %get3A_627 = tpu.vector_load %arg15[%get3A_625, %get3A_626] {strides = array<i32>} : memref<16x128xf32, #tpu.memory_space<vmem>>, vector<16xf32>,
        %mul3A_628 = arith.mulf %get3A_627, %gather3A_560 : vector<16xf32>
        %swap3A_629 = arith.constant 4 : i32
        %swap3A_630 = arith.index_cast %swap3A_629 : i32 to index
        %swap3A_631 = arith.constant 112 : index
        %swap3A_632 = tpu.vector_load %arg15[%swap3A_630, %swap3A_631] {strides = array<i32>} : memref<16x128xf32, #tpu.memory_space<vmem>>, vector<16xf32>,
        tpu.vector_store %arg15[%swap3A_630, %swap3A_631], %mul3A_628 {strides = array<i32>} : memref<16x128xf32, #tpu.memory_space<vmem>>, vector<16xf32>,
        %mul3A_633 = arith.constant 16 : i32
        %mul3A_634 = arith.muli %scan3A_220, %mul3A_633 : i32
        %add3A_635 = arith.constant 5 : i32
        %add3A_636 = arith.addi %mul3A_634, %add3A_635 : i32
        %broadcast_in_dim3A_637 = arith.constant 0 : i32
        %broadcast_in_dim3A_638 = vector.broadcast %broadcast_in_dim3A_637 : i32 to vector<16xi32>
        %add3A_639 = vector.broadcast %add3A_636 : i32 to vector<16xi32>
        %add3A_640 = arith.addi %add3A_639, %broadcast_in_dim3A_638 : vector<16xi32>
        %gather3A_641 = tpu.vector_load_idx %arg13[%add3A_640] : memref<1152xf32, #tpu.memory_space<vmem>>[vector<16xi32>], vector<16xf32>,
        %get3A_642 = arith.constant 5 : i32
        %get3A_643 = arith.index_cast %get3A_642 : i32 to index
        %get3A_644 = arith.constant 0 : index
        %get3A_645 = tpu.vector_load %arg15[%get3A_643, %get3A_644] {strides = array<i32>} : memref<16x128xf32, #tpu.memory_space<vmem>>, vector<16xf32>,
        %mul3A_646 = arith.mulf %get3A_645, %gather3A_641 : vector<16xf32>
        %swap3A_647 = arith.constant 5 : i32
        %swap3A_648 = arith.index_cast %swap3A_647 : i32 to index
        %swap3A_649 = arith.constant 0 : index
        %swap3A_650 = tpu.vector_load %arg15[%swap3A_648, %swap3A_649] {strides = array<i32>} : memref<16x128xf32, #tpu.memory_space<vmem>>, vector<16xf32>,
        tpu.vector_store %arg15[%swap3A_648, %swap3A_649], %mul3A_646 {strides = array<i32>} : memref<16x128xf32, #tpu.memory_space<vmem>>, vector<16xf32>,
        %get3A_651 = arith.constant 5 : i32
        %get3A_652 = arith.index_cast %get3A_651 : i32 to index
        %get3A_653 = arith.constant 16 : index
        %get3A_654 = tpu.vector_load %arg15[%get3A_652, %get3A_653] {strides = array<i32>} : memref<16x128xf32, #tpu.memory_space<vmem>>, vector<16xf32>,
        %mul3A_655 = arith.mulf %get3A_654, %gather3A_641 : vector<16xf32>
        %swap3A_656 = arith.constant 5 : i32
        %swap3A_657 = arith.index_cast %swap3A_656 : i32 to index
        %swap3A_658 = arith.constant 16 : index
        %swap3A_659 = tpu.vector_load %arg15[%swap3A_657, %swap3A_658] {strides = array<i32>} : memref<16x128xf32, #tpu.memory_space<vmem>>, vector<16xf32>,
        tpu.vector_store %arg15[%swap3A_657, %swap3A_658], %mul3A_655 {strides = array<i32>} : memref<16x128xf32, #tpu.memory_space<vmem>>, vector<16xf32>,
        %get3A_660 = arith.constant 5 : i32
        %get3A_661 = arith.index_cast %get3A_660 : i32 to index
        %get3A_662 = arith.constant 32 : index
        %get3A_663 = tpu.vector_load %arg15[%get3A_661, %get3A_662] {strides = array<i32>} : memref<16x128xf32, #tpu.memory_space<vmem>>, vector<16xf32>,
        %mul3A_664 = arith.mulf %get3A_663, %gather3A_641 : vector<16xf32>
        %swap3A_665 = arith.constant 5 : i32
        %swap3A_666 = arith.index_cast %swap3A_665 : i32 to index
        %swap3A_667 = arith.constant 32 : index
        %swap3A_668 = tpu.vector_load %arg15[%swap3A_666, %swap3A_667] {strides = array<i32>} : memref<16x128xf32, #tpu.memory_space<vmem>>, vector<16xf32>,
        tpu.vector_store %arg15[%swap3A_666, %swap3A_667], %mul3A_664 {strides = array<i32>} : memref<16x128xf32, #tpu.memory_space<vmem>>, vector<16xf32>,
        %get3A_669 = arith.constant 5 : i32
        %get3A_670 = arith.index_cast %get3A_669 : i32 to index
        %get3A_671 = arith.constant 48 : index
        %get3A_672 = tpu.vector_load %arg15[%get3A_670, %get3A_671] {strides = array<i32>} : memref<16x128xf32, #tpu.memory_space<vmem>>, vector<16xf32>,
        %mul3A_673 = arith.mulf %get3A_672, %gather3A_641 : vector<16xf32>
        %swap3A_674 = arith.constant 5 : i32
        %swap3A_675 = arith.index_cast %swap3A_674 : i32 to index
        %swap3A_676 = arith.constant 48 : index
        %swap3A_677 = tpu.vector_load %arg15[%swap3A_675, %swap3A_676] {strides = array<i32>} : memref<16x128xf32, #tpu.memory_space<vmem>>, vector<16xf32>,
        tpu.vector_store %arg15[%swap3A_675, %swap3A_676], %mul3A_673 {strides = array<i32>} : memref<16x128xf32, #tpu.memory_space<vmem>>, vector<16xf32>,
        %get3A_678 = arith.constant 5 : i32
        %get3A_679 = arith.index_cast %get3A_678 : i32 to index
        %get3A_680 = arith.constant 64 : index
        %get3A_681 = tpu.vector_load %arg15[%get3A_679, %get3A_680] {strides = array<i32>} : memref<16x128xf32, #tpu.memory_space<vmem>>, vector<16xf32>,
        %mul3A_682 = arith.mulf %get3A_681, %gather3A_641 : vector<16xf32>
        %swap3A_683 = arith.constant 5 : i32
        %swap3A_684 = arith.index_cast %swap3A_683 : i32 to index
        %swap3A_685 = arith.constant 64 : index
        %swap3A_686 = tpu.vector_load %arg15[%swap3A_684, %swap3A_685] {strides = array<i32>} : memref<16x128xf32, #tpu.memory_space<vmem>>, vector<16xf32>,
        tpu.vector_store %arg15[%swap3A_684, %swap3A_685], %mul3A_682 {strides = array<i32>} : memref<16x128xf32, #tpu.memory_space<vmem>>, vector<16xf32>,
        %get3A_687 = arith.constant 5 : i32
        %get3A_688 = arith.index_cast %get3A_687 : i32 to index
        %get3A_689 = arith.constant 80 : index
        %get3A_690 = tpu.vector_load %arg15[%get3A_688, %get3A_689] {strides = array<i32>} : memref<16x128xf32, #tpu.memory_space<vmem>>, vector<16xf32>,
        %mul3A_691 = arith.mulf %get3A_690, %gather3A_641 : vector<16xf32>
        %swap3A_692 = arith.constant 5 : i32
        %swap3A_693 = arith.index_cast %swap3A_692 : i32 to index
        %swap3A_694 = arith.constant 80 : index
        %swap3A_695 = tpu.vector_load %arg15[%swap3A_693, %swap3A_694] {strides = array<i32>} : memref<16x128xf32, #tpu.memory_space<vmem>>, vector<16xf32>,
        tpu.vector_store %arg15[%swap3A_693, %swap3A_694], %mul3A_691 {strides = array<i32>} : memref<16x128xf32, #tpu.memory_space<vmem>>, vector<16xf32>,
        %get3A_696 = arith.constant 5 : i32
        %get3A_697 = arith.index_cast %get3A_696 : i32 to index
        %get3A_698 = arith.constant 96 : index
        %get3A_699 = tpu.vector_load %arg15[%get3A_697, %get3A_698] {strides = array<i32>} : memref<16x128xf32, #tpu.memory_space<vmem>>, vector<16xf32>,
        %mul3A_700 = arith.mulf %get3A_699, %gather3A_641 : vector<16xf32>
        %swap3A_701 = arith.constant 5 : i32
        %swap3A_702 = arith.index_cast %swap3A_701 : i32 to index
        %swap3A_703 = arith.constant 96 : index
        %swap3A_704 = tpu.vector_load %arg15[%swap3A_702, %swap3A_703] {strides = array<i32>} : memref<16x128xf32, #tpu.memory_space<vmem>>, vector<16xf32>,
        tpu.vector_store %arg15[%swap3A_702, %swap3A_703], %mul3A_700 {strides = array<i32>} : memref<16x128xf32, #tpu.memory_space<vmem>>, vector<16xf32>,
        %get3A_705 = arith.constant 5 : i32
        %get3A_706 = arith.index_cast %get3A_705 : i32 to index
        %get3A_707 = arith.constant 112 : index
        %get3A_708 = tpu.vector_load %arg15[%get3A_706, %get3A_707] {strides = array<i32>} : memref<16x128xf32, #tpu.memory_space<vmem>>, vector<16xf32>,
        %mul3A_709 = arith.mulf %get3A_708, %gather3A_641 : vector<16xf32>
        %swap3A_710 = arith.constant 5 : i32
        %swap3A_711 = arith.index_cast %swap3A_710 : i32 to index
        %swap3A_712 = arith.constant 112 : index
        %swap3A_713 = tpu.vector_load %arg15[%swap3A_711, %swap3A_712] {strides = array<i32>} : memref<16x128xf32, #tpu.memory_space<vmem>>, vector<16xf32>,
        tpu.vector_store %arg15[%swap3A_711, %swap3A_712], %mul3A_709 {strides = array<i32>} : memref<16x128xf32, #tpu.memory_space<vmem>>, vector<16xf32>,
        %mul3A_714 = arith.constant 16 : i32
        %mul3A_715 = arith.muli %scan3A_220, %mul3A_714 : i32
        %add3A_716 = arith.constant 6 : i32
        %add3A_717 = arith.addi %mul3A_715, %add3A_716 : i32
        %broadcast_in_dim3A_718 = arith.constant 0 : i32
        %broadcast_in_dim3A_719 = vector.broadcast %broadcast_in_dim3A_718 : i32 to vector<16xi32>
        %add3A_720 = vector.broadcast %add3A_717 : i32 to vector<16xi32>
        %add3A_721 = arith.addi %add3A_720, %broadcast_in_dim3A_719 : vector<16xi32>
        %gather3A_722 = tpu.vector_load_idx %arg13[%add3A_721] : memref<1152xf32, #tpu.memory_space<vmem>>[vector<16xi32>], vector<16xf32>,
        %get3A_723 = arith.constant 6 : i32
        %get3A_724 = arith.index_cast %get3A_723 : i32 to index
        %get3A_725 = arith.constant 0 : index
        %get3A_726 = tpu.vector_load %arg15[%get3A_724, %get3A_725] {strides = array<i32>} : memref<16x128xf32, #tpu.memory_space<vmem>>, vector<16xf32>,
        %mul3A_727 = arith.mulf %get3A_726, %gather3A_722 : vector<16xf32>
        %swap3A_728 = arith.constant 6 : i32
        %swap3A_729 = arith.index_cast %swap3A_728 : i32 to index
        %swap3A_730 = arith.constant 0 : index
        %swap3A_731 = tpu.vector_load %arg15[%swap3A_729, %swap3A_730] {strides = array<i32>} : memref<16x128xf32, #tpu.memory_space<vmem>>, vector<16xf32>,
        tpu.vector_store %arg15[%swap3A_729, %swap3A_730], %mul3A_727 {strides = array<i32>} : memref<16x128xf32, #tpu.memory_space<vmem>>, vector<16xf32>,
        %get3A_732 = arith.constant 6 : i32
        %get3A_733 = arith.index_cast %get3A_732 : i32 to index
        %get3A_734 = arith.constant 16 : index
        %get3A_735 = tpu.vector_load %arg15[%get3A_733, %get3A_734] {strides = array<i32>} : memref<16x128xf32, #tpu.memory_space<vmem>>, vector<16xf32>,
        %mul3A_736 = arith.mulf %get3A_735, %gather3A_722 : vector<16xf32>
        %swap3A_737 = arith.constant 6 : i32
        %swap3A_738 = arith.index_cast %swap3A_737 : i32 to index
        %swap3A_739 = arith.constant 16 : index
        %swap3A_740 = tpu.vector_load %arg15[%swap3A_738, %swap3A_739] {strides = array<i32>} : memref<16x128xf32, #tpu.memory_space<vmem>>, vector<16xf32>,
        tpu.vector_store %arg15[%swap3A_738, %swap3A_739], %mul3A_736 {strides = array<i32>} : memref<16x128xf32, #tpu.memory_space<vmem>>, vector<16xf32>,
        %get3A_741 = arith.constant 6 : i32
        %get3A_742 = arith.index_cast %get3A_741 : i32 to index
        %get3A_743 = arith.constant 32 : index
        %get3A_744 = tpu.vector_load %arg15[%get3A_742, %get3A_743] {strides = array<i32>} : memref<16x128xf32, #tpu.memory_space<vmem>>, vector<16xf32>,
        %mul3A_745 = arith.mulf %get3A_744, %gather3A_722 : vector<16xf32>
        %swap3A_746 = arith.constant 6 : i32
        %swap3A_747 = arith.index_cast %swap3A_746 : i32 to index
        %swap3A_748 = arith.constant 32 : index
        %swap3A_749 = tpu.vector_load %arg15[%swap3A_747, %swap3A_748] {strides = array<i32>} : memref<16x128xf32, #tpu.memory_space<vmem>>, vector<16xf32>,
        tpu.vector_store %arg15[%swap3A_747, %swap3A_748], %mul3A_745 {strides = array<i32>} : memref<16x128xf32, #tpu.memory_space<vmem>>, vector<16xf32>,
        %get3A_750 = arith.constant 6 : i32
        %get3A_751 = arith.index_cast %get3A_750 : i32 to index
        %get3A_752 = arith.constant 48 : index
        %get3A_753 = tpu.vector_load %arg15[%get3A_751, %get3A_752] {strides = array<i32>} : memref<16x128xf32, #tpu.memory_space<vmem>>, vector<16xf32>,
        %mul3A_754 = arith.mulf %get3A_753, %gather3A_722 : vector<16xf32>
        %swap3A_755 = arith.constant 6 : i32
        %swap3A_756 = arith.index_cast %swap3A_755 : i32 to index
        %swap3A_757 = arith.constant 48 : index
        %swap3A_758 = tpu.vector_load %arg15[%swap3A_756, %swap3A_757] {strides = array<i32>} : memref<16x128xf32, #tpu.memory_space<vmem>>, vector<16xf32>,
        tpu.vector_store %arg15[%swap3A_756, %swap3A_757], %mul3A_754 {strides = array<i32>} : memref<16x128xf32, #tpu.memory_space<vmem>>, vector<16xf32>,
        %get3A_759 = arith.constant 6 : i32
        %get3A_760 = arith.index_cast %get3A_759 : i32 to index
        %get3A_761 = arith.constant 64 : index
        %get3A_762 = tpu.vector_load %arg15[%get3A_760, %get3A_761] {strides = array<i32>} : memref<16x128xf32, #tpu.memory_space<vmem>>, vector<16xf32>,
        %mul3A_763 = arith.mulf %get3A_762, %gather3A_722 : vector<16xf32>
        %swap3A_764 = arith.constant 6 : i32
        %swap3A_765 = arith.index_cast %swap3A_764 : i32 to index
        %swap3A_766 = arith.constant 64 : index
        %swap3A_767 = tpu.vector_load %arg15[%swap3A_765, %swap3A_766] {strides = array<i32>} : memref<16x128xf32, #tpu.memory_space<vmem>>, vector<16xf32>,
        tpu.vector_store %arg15[%swap3A_765, %swap3A_766], %mul3A_763 {strides = array<i32>} : memref<16x128xf32, #tpu.memory_space<vmem>>, vector<16xf32>,
        %get3A_768 = arith.constant 6 : i32
        %get3A_769 = arith.index_cast %get3A_768 : i32 to index
        %get3A_770 = arith.constant 80 : index
        %get3A_771 = tpu.vector_load %arg15[%get3A_769, %get3A_770] {strides = array<i32>} : memref<16x128xf32, #tpu.memory_space<vmem>>, vector<16xf32>,
        %mul3A_772 = arith.mulf %get3A_771, %gather3A_722 : vector<16xf32>
        %swap3A_773 = arith.constant 6 : i32
        %swap3A_774 = arith.index_cast %swap3A_773 : i32 to index
        %swap3A_775 = arith.constant 80 : index
        %swap3A_776 = tpu.vector_load %arg15[%swap3A_774, %swap3A_775] {strides = array<i32>} : memref<16x128xf32, #tpu.memory_space<vmem>>, vector<16xf32>,
        tpu.vector_store %arg15[%swap3A_774, %swap3A_775], %mul3A_772 {strides = array<i32>} : memref<16x128xf32, #tpu.memory_space<vmem>>, vector<16xf32>,
        %get3A_777 = arith.constant 6 : i32
        %get3A_778 = arith.index_cast %get3A_777 : i32 to index
        %get3A_779 = arith.constant 96 : index
        %get3A_780 = tpu.vector_load %arg15[%get3A_778, %get3A_779] {strides = array<i32>} : memref<16x128xf32, #tpu.memory_space<vmem>>, vector<16xf32>,
        %mul3A_781 = arith.mulf %get3A_780, %gather3A_722 : vector<16xf32>
        %swap3A_782 = arith.constant 6 : i32
        %swap3A_783 = arith.index_cast %swap3A_782 : i32 to index
        %swap3A_784 = arith.constant 96 : index
        %swap3A_785 = tpu.vector_load %arg15[%swap3A_783, %swap3A_784] {strides = array<i32>} : memref<16x128xf32, #tpu.memory_space<vmem>>, vector<16xf32>,
        tpu.vector_store %arg15[%swap3A_783, %swap3A_784], %mul3A_781 {strides = array<i32>} : memref<16x128xf32, #tpu.memory_space<vmem>>, vector<16xf32>,
        %get3A_786 = arith.constant 6 : i32
        %get3A_787 = arith.index_cast %get3A_786 : i32 to index
        %get3A_788 = arith.constant 112 : index
        %get3A_789 = tpu.vector_load %arg15[%get3A_787, %get3A_788] {strides = array<i32>} : memref<16x128xf32, #tpu.memory_space<vmem>>, vector<16xf32>,
        %mul3A_790 = arith.mulf %get3A_789, %gather3A_722 : vector<16xf32>
        %swap3A_791 = arith.constant 6 : i32
        %swap3A_792 = arith.index_cast %swap3A_791 : i32 to index
        %swap3A_793 = arith.constant 112 : index
        %swap3A_794 = tpu.vector_load %arg15[%swap3A_792, %swap3A_793] {strides = array<i32>} : memref<16x128xf32, #tpu.memory_space<vmem>>, vector<16xf32>,
        tpu.vector_store %arg15[%swap3A_792, %swap3A_793], %mul3A_790 {strides = array<i32>} : memref<16x128xf32, #tpu.memory_space<vmem>>, vector<16xf32>,
        %mul3A_795 = arith.constant 16 : i32
        %mul3A_796 = arith.muli %scan3A_220, %mul3A_795 : i32
        %add3A_797 = arith.constant 7 : i32
        %add3A_798 = arith.addi %mul3A_796, %add3A_797 : i32
        %broadcast_in_dim3A_799 = arith.constant 0 : i32
        %broadcast_in_dim3A_800 = vector.broadcast %broadcast_in_dim3A_799 : i32 to vector<16xi32>
        %add3A_801 = vector.broadcast %add3A_798 : i32 to vector<16xi32>
        %add3A_802 = arith.addi %add3A_801, %broadcast_in_dim3A_800 : vector<16xi32>
        %gather3A_803 = tpu.vector_load_idx %arg13[%add3A_802] : memref<1152xf32, #tpu.memory_space<vmem>>[vector<16xi32>], vector<16xf32>,
        %get3A_804 = arith.constant 7 : i32
        %get3A_805 = arith.index_cast %get3A_804 : i32 to index
        %get3A_806 = arith.constant 0 : index
        %get3A_807 = tpu.vector_load %arg15[%get3A_805, %get3A_806] {strides = array<i32>} : memref<16x128xf32, #tpu.memory_space<vmem>>, vector<16xf32>,
        %mul3A_808 = arith.mulf %get3A_807, %gather3A_803 : vector<16xf32>
        %swap3A_809 = arith.constant 7 : i32
        %swap3A_810 = arith.index_cast %swap3A_809 : i32 to index
        %swap3A_811 = arith.constant 0 : index
        %swap3A_812 = tpu.vector_load %arg15[%swap3A_810, %swap3A_811] {strides = array<i32>} : memref<16x128xf32, #tpu.memory_space<vmem>>, vector<16xf32>,
        tpu.vector_store %arg15[%swap3A_810, %swap3A_811], %mul3A_808 {strides = array<i32>} : memref<16x128xf32, #tpu.memory_space<vmem>>, vector<16xf32>,
        %get3A_813 = arith.constant 7 : i32
        %get3A_814 = arith.index_cast %get3A_813 : i32 to index
        %get3A_815 = arith.constant 16 : index
        %get3A_816 = tpu.vector_load %arg15[%get3A_814, %get3A_815] {strides = array<i32>} : memref<16x128xf32, #tpu.memory_space<vmem>>, vector<16xf32>,
        %mul3A_817 = arith.mulf %get3A_816, %gather3A_803 : vector<16xf32>
        %swap3A_818 = arith.constant 7 : i32
        %swap3A_819 = arith.index_cast %swap3A_818 : i32 to index
        %swap3A_820 = arith.constant 16 : index
        %swap3A_821 = tpu.vector_load %arg15[%swap3A_819, %swap3A_820] {strides = array<i32>} : memref<16x128xf32, #tpu.memory_space<vmem>>, vector<16xf32>,
        tpu.vector_store %arg15[%swap3A_819, %swap3A_820], %mul3A_817 {strides = array<i32>} : memref<16x128xf32, #tpu.memory_space<vmem>>, vector<16xf32>,
        %get3A_822 = arith.constant 7 : i32
        %get3A_823 = arith.index_cast %get3A_822 : i32 to index
        %get3A_824 = arith.constant 32 : index
        %get3A_825 = tpu.vector_load %arg15[%get3A_823, %get3A_824] {strides = array<i32>} : memref<16x128xf32, #tpu.memory_space<vmem>>, vector<16xf32>,
        %mul3A_826 = arith.mulf %get3A_825, %gather3A_803 : vector<16xf32>
        %swap3A_827 = arith.constant 7 : i32
        %swap3A_828 = arith.index_cast %swap3A_827 : i32 to index
        %swap3A_829 = arith.constant 32 : index
        %swap3A_830 = tpu.vector_load %arg15[%swap3A_828, %swap3A_829] {strides = array<i32>} : memref<16x128xf32, #tpu.memory_space<vmem>>, vector<16xf32>,
        tpu.vector_store %arg15[%swap3A_828, %swap3A_829], %mul3A_826 {strides = array<i32>} : memref<16x128xf32, #tpu.memory_space<vmem>>, vector<16xf32>,
        %get3A_831 = arith.constant 7 : i32
        %get3A_832 = arith.index_cast %get3A_831 : i32 to index
        %get3A_833 = arith.constant 48 : index
        %get3A_834 = tpu.vector_load %arg15[%get3A_832, %get3A_833] {strides = array<i32>} : memref<16x128xf32, #tpu.memory_space<vmem>>, vector<16xf32>,
        %mul3A_835 = arith.mulf %get3A_834, %gather3A_803 : vector<16xf32>
        %swap3A_836 = arith.constant 7 : i32
        %swap3A_837 = arith.index_cast %swap3A_836 : i32 to index
        %swap3A_838 = arith.constant 48 : index
        %swap3A_839 = tpu.vector_load %arg15[%swap3A_837, %swap3A_838] {strides = array<i32>} : memref<16x128xf32, #tpu.memory_space<vmem>>, vector<16xf32>,
        tpu.vector_store %arg15[%swap3A_837, %swap3A_838], %mul3A_835 {strides = array<i32>} : memref<16x128xf32, #tpu.memory_space<vmem>>, vector<16xf32>,
        %get3A_840 = arith.constant 7 : i32
        %get3A_841 = arith.index_cast %get3A_840 : i32 to index
        %get3A_842 = arith.constant 64 : index
        %get3A_843 = tpu.vector_load %arg15[%get3A_841, %get3A_842] {strides = array<i32>} : memref<16x128xf32, #tpu.memory_space<vmem>>, vector<16xf32>,
        %mul3A_844 = arith.mulf %get3A_843, %gather3A_803 : vector<16xf32>
        %swap3A_845 = arith.constant 7 : i32
        %swap3A_846 = arith.index_cast %swap3A_845 : i32 to index
        %swap3A_847 = arith.constant 64 : index
        %swap3A_848 = tpu.vector_load %arg15[%swap3A_846, %swap3A_847] {strides = array<i32>} : memref<16x128xf32, #tpu.memory_space<vmem>>, vector<16xf32>,
        tpu.vector_store %arg15[%swap3A_846, %swap3A_847], %mul3A_844 {strides = array<i32>} : memref<16x128xf32, #tpu.memory_space<vmem>>, vector<16xf32>,
        %get3A_849 = arith.constant 7 : i32
        %get3A_850 = arith.index_cast %get3A_849 : i32 to index
        %get3A_851 = arith.constant 80 : index
        %get3A_852 = tpu.vector_load %arg15[%get3A_850, %get3A_851] {strides = array<i32>} : memref<16x128xf32, #tpu.memory_space<vmem>>, vector<16xf32>,
        %mul3A_853 = arith.mulf %get3A_852, %gather3A_803 : vector<16xf32>
        %swap3A_854 = arith.constant 7 : i32
        %swap3A_855 = arith.index_cast %swap3A_854 : i32 to index
        %swap3A_856 = arith.constant 80 : index
        %swap3A_857 = tpu.vector_load %arg15[%swap3A_855, %swap3A_856] {strides = array<i32>} : memref<16x128xf32, #tpu.memory_space<vmem>>, vector<16xf32>,
        tpu.vector_store %arg15[%swap3A_855, %swap3A_856], %mul3A_853 {strides = array<i32>} : memref<16x128xf32, #tpu.memory_space<vmem>>, vector<16xf32>,
        %get3A_858 = arith.constant 7 : i32
        %get3A_859 = arith.index_cast %get3A_858 : i32 to index
        %get3A_860 = arith.constant 96 : index
        %get3A_861 = tpu.vector_load %arg15[%get3A_859, %get3A_860] {strides = array<i32>} : memref<16x128xf32, #tpu.memory_space<vmem>>, vector<16xf32>,
        %mul3A_862 = arith.mulf %get3A_861, %gather3A_803 : vector<16xf32>
        %swap3A_863 = arith.constant 7 : i32
        %swap3A_864 = arith.index_cast %swap3A_863 : i32 to index
        %swap3A_865 = arith.constant 96 : index
        %swap3A_866 = tpu.vector_load %arg15[%swap3A_864, %swap3A_865] {strides = array<i32>} : memref<16x128xf32, #tpu.memory_space<vmem>>, vector<16xf32>,
        tpu.vector_store %arg15[%swap3A_864, %swap3A_865], %mul3A_862 {strides = array<i32>} : memref<16x128xf32, #tpu.memory_space<vmem>>, vector<16xf32>,
        %get3A_867 = arith.constant 7 : i32
        %get3A_868 = arith.index_cast %get3A_867 : i32 to index
        %get3A_869 = arith.constant 112 : index
        %get3A_870 = tpu.vector_load %arg15[%get3A_868, %get3A_869] {strides = array<i32>} : memref<16x128xf32, #tpu.memory_space<vmem>>, vector<16xf32>,
        %mul3A_871 = arith.mulf %get3A_870, %gather3A_803 : vector<16xf32>
        %swap3A_872 = arith.constant 7 : i32
        %swap3A_873 = arith.index_cast %swap3A_872 : i32 to index
        %swap3A_874 = arith.constant 112 : index
        %swap3A_875 = tpu.vector_load %arg15[%swap3A_873, %swap3A_874] {strides = array<i32>} : memref<16x128xf32, #tpu.memory_space<vmem>>, vector<16xf32>,
        tpu.vector_store %arg15[%swap3A_873, %swap3A_874], %mul3A_871 {strides = array<i32>} : memref<16x128xf32, #tpu.memory_space<vmem>>, vector<16xf32>,
        %mul3A_876 = arith.constant 16 : i32
        %mul3A_877 = arith.muli %scan3A_220, %mul3A_876 : i32
        %add3A_878 = arith.constant 8 : i32
        %add3A_879 = arith.addi %mul3A_877, %add3A_878 : i32
        %broadcast_in_dim3A_880 = arith.constant 0 : i32
        %broadcast_in_dim3A_881 = vector.broadcast %broadcast_in_dim3A_880 : i32 to vector<16xi32>
        %add3A_882 = vector.broadcast %add3A_879 : i32 to vector<16xi32>
        %add3A_883 = arith.addi %add3A_882, %broadcast_in_dim3A_881 : vector<16xi32>
        %gather3A_884 = tpu.vector_load_idx %arg13[%add3A_883] : memref<1152xf32, #tpu.memory_space<vmem>>[vector<16xi32>], vector<16xf32>,
        %get3A_885 = arith.constant 8 : i32
        %get3A_886 = arith.index_cast %get3A_885 : i32 to index
        %get3A_887 = arith.constant 0 : index
        %get3A_888 = tpu.vector_load %arg15[%get3A_886, %get3A_887] {strides = array<i32>} : memref<16x128xf32, #tpu.memory_space<vmem>>, vector<16xf32>,
        %mul3A_889 = arith.mulf %get3A_888, %gather3A_884 : vector<16xf32>
        %swap3A_890 = arith.constant 8 : i32
        %swap3A_891 = arith.index_cast %swap3A_890 : i32 to index
        %swap3A_892 = arith.constant 0 : index
        %swap3A_893 = tpu.vector_load %arg15[%swap3A_891, %swap3A_892] {strides = array<i32>} : memref<16x128xf32, #tpu.memory_space<vmem>>, vector<16xf32>,
        tpu.vector_store %arg15[%swap3A_891, %swap3A_892], %mul3A_889 {strides = array<i32>} : memref<16x128xf32, #tpu.memory_space<vmem>>, vector<16xf32>,
        %get3A_894 = arith.constant 8 : i32
        %get3A_895 = arith.index_cast %get3A_894 : i32 to index
        %get3A_896 = arith.constant 16 : index
        %get3A_897 = tpu.vector_load %arg15[%get3A_895, %get3A_896] {strides = array<i32>} : memref<16x128xf32, #tpu.memory_space<vmem>>, vector<16xf32>,
        %mul3A_898 = arith.mulf %get3A_897, %gather3A_884 : vector<16xf32>
        %swap3A_899 = arith.constant 8 : i32
        %swap3A_900 = arith.index_cast %swap3A_899 : i32 to index
        %swap3A_901 = arith.constant 16 : index
        %swap3A_902 = tpu.vector_load %arg15[%swap3A_900, %swap3A_901] {strides = array<i32>} : memref<16x128xf32, #tpu.memory_space<vmem>>, vector<16xf32>,
        tpu.vector_store %arg15[%swap3A_900, %swap3A_901], %mul3A_898 {strides = array<i32>} : memref<16x128xf32, #tpu.memory_space<vmem>>, vector<16xf32>,
        %get3A_903 = arith.constant 8 : i32
        %get3A_904 = arith.index_cast %get3A_903 : i32 to index
        %get3A_905 = arith.constant 32 : index
        %get3A_906 = tpu.vector_load %arg15[%get3A_904, %get3A_905] {strides = array<i32>} : memref<16x128xf32, #tpu.memory_space<vmem>>, vector<16xf32>,
        %mul3A_907 = arith.mulf %get3A_906, %gather3A_884 : vector<16xf32>
        %swap3A_908 = arith.constant 8 : i32
        %swap3A_909 = arith.index_cast %swap3A_908 : i32 to index
        %swap3A_910 = arith.constant 32 : index
        %swap3A_911 = tpu.vector_load %arg15[%swap3A_909, %swap3A_910] {strides = array<i32>} : memref<16x128xf32, #tpu.memory_space<vmem>>, vector<16xf32>,
        tpu.vector_store %arg15[%swap3A_909, %swap3A_910], %mul3A_907 {strides = array<i32>} : memref<16x128xf32, #tpu.memory_space<vmem>>, vector<16xf32>,
        %get3A_912 = arith.constant 8 : i32
        %get3A_913 = arith.index_cast %get3A_912 : i32 to index
        %get3A_914 = arith.constant 48 : index
        %get3A_915 = tpu.vector_load %arg15[%get3A_913, %get3A_914] {strides = array<i32>} : memref<16x128xf32, #tpu.memory_space<vmem>>, vector<16xf32>,
        %mul3A_916 = arith.mulf %get3A_915, %gather3A_884 : vector<16xf32>
        %swap3A_917 = arith.constant 8 : i32
        %swap3A_918 = arith.index_cast %swap3A_917 : i32 to index
        %swap3A_919 = arith.constant 48 : index
        %swap3A_920 = tpu.vector_load %arg15[%swap3A_918, %swap3A_919] {strides = array<i32>} : memref<16x128xf32, #tpu.memory_space<vmem>>, vector<16xf32>,
        tpu.vector_store %arg15[%swap3A_918, %swap3A_919], %mul3A_916 {strides = array<i32>} : memref<16x128xf32, #tpu.memory_space<vmem>>, vector<16xf32>,
        %get3A_921 = arith.constant 8 : i32
        %get3A_922 = arith.index_cast %get3A_921 : i32 to index
        %get3A_923 = arith.constant 64 : index
        %get3A_924 = tpu.vector_load %arg15[%get3A_922, %get3A_923] {strides = array<i32>} : memref<16x128xf32, #tpu.memory_space<vmem>>, vector<16xf32>,
        %mul3A_925 = arith.mulf %get3A_924, %gather3A_884 : vector<16xf32>
        %swap3A_926 = arith.constant 8 : i32
        %swap3A_927 = arith.index_cast %swap3A_926 : i32 to index
        %swap3A_928 = arith.constant 64 : index
        %swap3A_929 = tpu.vector_load %arg15[%swap3A_927, %swap3A_928] {strides = array<i32>} : memref<16x128xf32, #tpu.memory_space<vmem>>, vector<16xf32>,
        tpu.vector_store %arg15[%swap3A_927, %swap3A_928], %mul3A_925 {strides = array<i32>} : memref<16x128xf32, #tpu.memory_space<vmem>>, vector<16xf32>,
        %get3A_930 = arith.constant 8 : i32
        %get3A_931 = arith.index_cast %get3A_930 : i32 to index
        %get3A_932 = arith.constant 80 : index
        %get3A_933 = tpu.vector_load %arg15[%get3A_931, %get3A_932] {strides = array<i32>} : memref<16x128xf32, #tpu.memory_space<vmem>>, vector<16xf32>,
        %mul3A_934 = arith.mulf %get3A_933, %gather3A_884 : vector<16xf32>
        %swap3A_935 = arith.constant 8 : i32
        %swap3A_936 = arith.index_cast %swap3A_935 : i32 to index
        %swap3A_937 = arith.constant 80 : index
        %swap3A_938 = tpu.vector_load %arg15[%swap3A_936, %swap3A_937] {strides = array<i32>} : memref<16x128xf32, #tpu.memory_space<vmem>>, vector<16xf32>,
        tpu.vector_store %arg15[%swap3A_936, %swap3A_937], %mul3A_934 {strides = array<i32>} : memref<16x128xf32, #tpu.memory_space<vmem>>, vector<16xf32>,
        %get3A_939 = arith.constant 8 : i32
        %get3A_940 = arith.index_cast %get3A_939 : i32 to index
        %get3A_941 = arith.constant 96 : index
        %get3A_942 = tpu.vector_load %arg15[%get3A_940, %get3A_941] {strides = array<i32>} : memref<16x128xf32, #tpu.memory_space<vmem>>, vector<16xf32>,
        %mul3A_943 = arith.mulf %get3A_942, %gather3A_884 : vector<16xf32>
        %swap3A_944 = arith.constant 8 : i32
        %swap3A_945 = arith.index_cast %swap3A_944 : i32 to index
        %swap3A_946 = arith.constant 96 : index
        %swap3A_947 = tpu.vector_load %arg15[%swap3A_945, %swap3A_946] {strides = array<i32>} : memref<16x128xf32, #tpu.memory_space<vmem>>, vector<16xf32>,
        tpu.vector_store %arg15[%swap3A_945, %swap3A_946], %mul3A_943 {strides = array<i32>} : memref<16x128xf32, #tpu.memory_space<vmem>>, vector<16xf32>,
        %get3A_948 = arith.constant 8 : i32
        %get3A_949 = arith.index_cast %get3A_948 : i32 to index
        %get3A_950 = arith.constant 112 : index
        %get3A_951 = tpu.vector_load %arg15[%get3A_949, %get3A_950] {strides = array<i32>} : memref<16x128xf32, #tpu.memory_space<vmem>>, vector<16xf32>,
        %mul3A_952 = arith.mulf %get3A_951, %gather3A_884 : vector<16xf32>
        %swap3A_953 = arith.constant 8 : i32
        %swap3A_954 = arith.index_cast %swap3A_953 : i32 to index
        %swap3A_955 = arith.constant 112 : index
        %swap3A_956 = tpu.vector_load %arg15[%swap3A_954, %swap3A_955] {strides = array<i32>} : memref<16x128xf32, #tpu.memory_space<vmem>>, vector<16xf32>,
        tpu.vector_store %arg15[%swap3A_954, %swap3A_955], %mul3A_952 {strides = array<i32>} : memref<16x128xf32, #tpu.memory_space<vmem>>, vector<16xf32>,
        %mul3A_957 = arith.constant 16 : i32
        %mul3A_958 = arith.muli %scan3A_220, %mul3A_957 : i32
        %add3A_959 = arith.constant 9 : i32
        %add3A_960 = arith.addi %mul3A_958, %add3A_959 : i32
        %broadcast_in_dim3A_961 = arith.constant 0 : i32
        %broadcast_in_dim3A_962 = vector.broadcast %broadcast_in_dim3A_961 : i32 to vector<16xi32>
        %add3A_963 = vector.broadcast %add3A_960 : i32 to vector<16xi32>
        %add3A_964 = arith.addi %add3A_963, %broadcast_in_dim3A_962 : vector<16xi32>
        %gather3A_965 = tpu.vector_load_idx %arg13[%add3A_964] : memref<1152xf32, #tpu.memory_space<vmem>>[vector<16xi32>], vector<16xf32>,
        %get3A_966 = arith.constant 9 : i32
        %get3A_967 = arith.index_cast %get3A_966 : i32 to index
        %get3A_968 = arith.constant 0 : index
        %get3A_969 = tpu.vector_load %arg15[%get3A_967, %get3A_968] {strides = array<i32>} : memref<16x128xf32, #tpu.memory_space<vmem>>, vector<16xf32>,
        %mul3A_970 = arith.mulf %get3A_969, %gather3A_965 : vector<16xf32>
        %swap3A_971 = arith.constant 9 : i32
        %swap3A_972 = arith.index_cast %swap3A_971 : i32 to index
        %swap3A_973 = arith.constant 0 : index
        %swap3A_974 = tpu.vector_load %arg15[%swap3A_972, %swap3A_973] {strides = array<i32>} : memref<16x128xf32, #tpu.memory_space<vmem>>, vector<16xf32>,
        tpu.vector_store %arg15[%swap3A_972, %swap3A_973], %mul3A_970 {strides = array<i32>} : memref<16x128xf32, #tpu.memory_space<vmem>>, vector<16xf32>,
        %get3A_975 = arith.constant 9 : i32
        %get3A_976 = arith.index_cast %get3A_975 : i32 to index
        %get3A_977 = arith.constant 16 : index
        %get3A_978 = tpu.vector_load %arg15[%get3A_976, %get3A_977] {strides = array<i32>} : memref<16x128xf32, #tpu.memory_space<vmem>>, vector<16xf32>,
        %mul3A_979 = arith.mulf %get3A_978, %gather3A_965 : vector<16xf32>
        %swap3A_980 = arith.constant 9 : i32
        %swap3A_981 = arith.index_cast %swap3A_980 : i32 to index
        %swap3A_982 = arith.constant 16 : index
        %swap3A_983 = tpu.vector_load %arg15[%swap3A_981, %swap3A_982] {strides = array<i32>} : memref<16x128xf32, #tpu.memory_space<vmem>>, vector<16xf32>,
        tpu.vector_store %arg15[%swap3A_981, %swap3A_982], %mul3A_979 {strides = array<i32>} : memref<16x128xf32, #tpu.memory_space<vmem>>, vector<16xf32>,
        %get3A_984 = arith.constant 9 : i32
        %get3A_985 = arith.index_cast %get3A_984 : i32 to index
        %get3A_986 = arith.constant 32 : index
        %get3A_987 = tpu.vector_load %arg15[%get3A_985, %get3A_986] {strides = array<i32>} : memref<16x128xf32, #tpu.memory_space<vmem>>, vector<16xf32>,
        %mul3A_988 = arith.mulf %get3A_987, %gather3A_965 : vector<16xf32>
        %swap3A_989 = arith.constant 9 : i32
        %swap3A_990 = arith.index_cast %swap3A_989 : i32 to index
        %swap3A_991 = arith.constant 32 : index
        %swap3A_992 = tpu.vector_load %arg15[%swap3A_990, %swap3A_991] {strides = array<i32>} : memref<16x128xf32, #tpu.memory_space<vmem>>, vector<16xf32>,
        tpu.vector_store %arg15[%swap3A_990, %swap3A_991], %mul3A_988 {strides = array<i32>} : memref<16x128xf32, #tpu.memory_space<vmem>>, vector<16xf32>,
        %get3A_993 = arith.constant 9 : i32
        %get3A_994 = arith.index_cast %get3A_993 : i32 to index
        %get3A_995 = arith.constant 48 : index
        %get3A_996 = tpu.vector_load %arg15[%get3A_994, %get3A_995] {strides = array<i32>} : memref<16x128xf32, #tpu.memory_space<vmem>>, vector<16xf32>,
        %mul3A_997 = arith.mulf %get3A_996, %gather3A_965 : vector<16xf32>
        %swap3A_998 = arith.constant 9 : i32
        %swap3A_999 = arith.index_cast %swap3A_998 : i32 to index
        %swap3A_1000 = arith.constant 48 : index
        %swap3A_1001 = tpu.vector_load %arg15[%swap3A_999, %swap3A_1000] {strides = array<i32>} : memref<16x128xf32, #tpu.memory_space<vmem>>, vector<16xf32>,
        tpu.vector_store %arg15[%swap3A_999, %swap3A_1000], %mul3A_997 {strides = array<i32>} : memref<16x128xf32, #tpu.memory_space<vmem>>, vector<16xf32>,
        %get3A_1002 = arith.constant 9 : i32
        %get3A_1003 = arith.index_cast %get3A_1002 : i32 to index
        %get3A_1004 = arith.constant 64 : index
        %get3A_1005 = tpu.vector_load %arg15[%get3A_1003, %get3A_1004] {strides = array<i32>} : memref<16x128xf32, #tpu.memory_space<vmem>>, vector<16xf32>,
        %mul3A_1006 = arith.mulf %get3A_1005, %gather3A_965 : vector<16xf32>
        %swap3A_1007 = arith.constant 9 : i32
        %swap3A_1008 = arith.index_cast %swap3A_1007 : i32 to index
        %swap3A_1009 = arith.constant 64 : index
        %swap3A_1010 = tpu.vector_load %arg15[%swap3A_1008, %swap3A_1009] {strides = array<i32>} : memref<16x128xf32, #tpu.memory_space<vmem>>, vector<16xf32>,
        tpu.vector_store %arg15[%swap3A_1008, %swap3A_1009], %mul3A_1006 {strides = array<i32>} : memref<16x128xf32, #tpu.memory_space<vmem>>, vector<16xf32>,
        %get3A_1011 = arith.constant 9 : i32
        %get3A_1012 = arith.index_cast %get3A_1011 : i32 to index
        %get3A_1013 = arith.constant 80 : index
        %get3A_1014 = tpu.vector_load %arg15[%get3A_1012, %get3A_1013] {strides = array<i32>} : memref<16x128xf32, #tpu.memory_space<vmem>>, vector<16xf32>,
        %mul3A_1015 = arith.mulf %get3A_1014, %gather3A_965 : vector<16xf32>
        %swap3A_1016 = arith.constant 9 : i32
        %swap3A_1017 = arith.index_cast %swap3A_1016 : i32 to index
        %swap3A_1018 = arith.constant 80 : index
        %swap3A_1019 = tpu.vector_load %arg15[%swap3A_1017, %swap3A_1018] {strides = array<i32>} : memref<16x128xf32, #tpu.memory_space<vmem>>, vector<16xf32>,
        tpu.vector_store %arg15[%swap3A_1017, %swap3A_1018], %mul3A_1015 {strides = array<i32>} : memref<16x128xf32, #tpu.memory_space<vmem>>, vector<16xf32>,
        %get3A_1020 = arith.constant 9 : i32
        %get3A_1021 = arith.index_cast %get3A_1020 : i32 to index
        %get3A_1022 = arith.constant 96 : index
        %get3A_1023 = tpu.vector_load %arg15[%get3A_1021, %get3A_1022] {strides = array<i32>} : memref<16x128xf32, #tpu.memory_space<vmem>>, vector<16xf32>,
        %mul3A_1024 = arith.mulf %get3A_1023, %gather3A_965 : vector<16xf32>
        %swap3A_1025 = arith.constant 9 : i32
        %swap3A_1026 = arith.index_cast %swap3A_1025 : i32 to index
        %swap3A_1027 = arith.constant 96 : index
        %swap3A_1028 = tpu.vector_load %arg15[%swap3A_1026, %swap3A_1027] {strides = array<i32>} : memref<16x128xf32, #tpu.memory_space<vmem>>, vector<16xf32>,
        tpu.vector_store %arg15[%swap3A_1026, %swap3A_1027], %mul3A_1024 {strides = array<i32>} : memref<16x128xf32, #tpu.memory_space<vmem>>, vector<16xf32>,
        %get3A_1029 = arith.constant 9 : i32
        %get3A_1030 = arith.index_cast %get3A_1029 : i32 to index
        %get3A_1031 = arith.constant 112 : index
        %get3A_1032 = tpu.vector_load %arg15[%get3A_1030, %get3A_1031] {strides = array<i32>} : memref<16x128xf32, #tpu.memory_space<vmem>>, vector<16xf32>,
        %mul3A_1033 = arith.mulf %get3A_1032, %gather3A_965 : vector<16xf32>
        %swap3A_1034 = arith.constant 9 : i32
        %swap3A_1035 = arith.index_cast %swap3A_1034 : i32 to index
        %swap3A_1036 = arith.constant 112 : index
        %swap3A_1037 = tpu.vector_load %arg15[%swap3A_1035, %swap3A_1036] {strides = array<i32>} : memref<16x128xf32, #tpu.memory_space<vmem>>, vector<16xf32>,
        tpu.vector_store %arg15[%swap3A_1035, %swap3A_1036], %mul3A_1033 {strides = array<i32>} : memref<16x128xf32, #tpu.memory_space<vmem>>, vector<16xf32>,
        %mul3A_1038 = arith.constant 16 : i32
        %mul3A_1039 = arith.muli %scan3A_220, %mul3A_1038 : i32
        %add3A_1040 = arith.constant 10 : i32
        %add3A_1041 = arith.addi %mul3A_1039, %add3A_1040 : i32
        %broadcast_in_dim3A_1042 = arith.constant 0 : i32
        %broadcast_in_dim3A_1043 = vector.broadcast %broadcast_in_dim3A_1042 : i32 to vector<16xi32>
        %add3A_1044 = vector.broadcast %add3A_1041 : i32 to vector<16xi32>
        %add3A_1045 = arith.addi %add3A_1044, %broadcast_in_dim3A_1043 : vector<16xi32>
        %gather3A_1046 = tpu.vector_load_idx %arg13[%add3A_1045] : memref<1152xf32, #tpu.memory_space<vmem>>[vector<16xi32>], vector<16xf32>,
        %get3A_1047 = arith.constant 10 : i32
        %get3A_1048 = arith.index_cast %get3A_1047 : i32 to index
        %get3A_1049 = arith.constant 0 : index
        %get3A_1050 = tpu.vector_load %arg15[%get3A_1048, %get3A_1049] {strides = array<i32>} : memref<16x128xf32, #tpu.memory_space<vmem>>, vector<16xf32>,
        %mul3A_1051 = arith.mulf %get3A_1050, %gather3A_1046 : vector<16xf32>
        %swap3A_1052 = arith.constant 10 : i32
        %swap3A_1053 = arith.index_cast %swap3A_1052 : i32 to index
        %swap3A_1054 = arith.constant 0 : index
        %swap3A_1055 = tpu.vector_load %arg15[%swap3A_1053, %swap3A_1054] {strides = array<i32>} : memref<16x128xf32, #tpu.memory_space<vmem>>, vector<16xf32>,
        tpu.vector_store %arg15[%swap3A_1053, %swap3A_1054], %mul3A_1051 {strides = array<i32>} : memref<16x128xf32, #tpu.memory_space<vmem>>, vector<16xf32>,
        %get3A_1056 = arith.constant 10 : i32
        %get3A_1057 = arith.index_cast %get3A_1056 : i32 to index
        %get3A_1058 = arith.constant 16 : index
        %get3A_1059 = tpu.vector_load %arg15[%get3A_1057, %get3A_1058] {strides = array<i32>} : memref<16x128xf32, #tpu.memory_space<vmem>>, vector<16xf32>,
        %mul3A_1060 = arith.mulf %get3A_1059, %gather3A_1046 : vector<16xf32>
        %swap3A_1061 = arith.constant 10 : i32
        %swap3A_1062 = arith.index_cast %swap3A_1061 : i32 to index
        %swap3A_1063 = arith.constant 16 : index
        %swap3A_1064 = tpu.vector_load %arg15[%swap3A_1062, %swap3A_1063] {strides = array<i32>} : memref<16x128xf32, #tpu.memory_space<vmem>>, vector<16xf32>,
        tpu.vector_store %arg15[%swap3A_1062, %swap3A_1063], %mul3A_1060 {strides = array<i32>} : memref<16x128xf32, #tpu.memory_space<vmem>>, vector<16xf32>,
        %get3A_1065 = arith.constant 10 : i32
        %get3A_1066 = arith.index_cast %get3A_1065 : i32 to index
        %get3A_1067 = arith.constant 32 : index
        %get3A_1068 = tpu.vector_load %arg15[%get3A_1066, %get3A_1067] {strides = array<i32>} : memref<16x128xf32, #tpu.memory_space<vmem>>, vector<16xf32>,
        %mul3A_1069 = arith.mulf %get3A_1068, %gather3A_1046 : vector<16xf32>
        %swap3A_1070 = arith.constant 10 : i32
        %swap3A_1071 = arith.index_cast %swap3A_1070 : i32 to index
        %swap3A_1072 = arith.constant 32 : index
        %swap3A_1073 = tpu.vector_load %arg15[%swap3A_1071, %swap3A_1072] {strides = array<i32>} : memref<16x128xf32, #tpu.memory_space<vmem>>, vector<16xf32>,
        tpu.vector_store %arg15[%swap3A_1071, %swap3A_1072], %mul3A_1069 {strides = array<i32>} : memref<16x128xf32, #tpu.memory_space<vmem>>, vector<16xf32>,
        %get3A_1074 = arith.constant 10 : i32
        %get3A_1075 = arith.index_cast %get3A_1074 : i32 to index
        %get3A_1076 = arith.constant 48 : index
        %get3A_1077 = tpu.vector_load %arg15[%get3A_1075, %get3A_1076] {strides = array<i32>} : memref<16x128xf32, #tpu.memory_space<vmem>>, vector<16xf32>,
        %mul3A_1078 = arith.mulf %get3A_1077, %gather3A_1046 : vector<16xf32>
        %swap3A_1079 = arith.constant 10 : i32
        %swap3A_1080 = arith.index_cast %swap3A_1079 : i32 to index
        %swap3A_1081 = arith.constant 48 : index
        %swap3A_1082 = tpu.vector_load %arg15[%swap3A_1080, %swap3A_1081] {strides = array<i32>} : memref<16x128xf32, #tpu.memory_space<vmem>>, vector<16xf32>,
        tpu.vector_store %arg15[%swap3A_1080, %swap3A_1081], %mul3A_1078 {strides = array<i32>} : memref<16x128xf32, #tpu.memory_space<vmem>>, vector<16xf32>,
        %get3A_1083 = arith.constant 10 : i32
        %get3A_1084 = arith.index_cast %get3A_1083 : i32 to index
        %get3A_1085 = arith.constant 64 : index
        %get3A_1086 = tpu.vector_load %arg15[%get3A_1084, %get3A_1085] {strides = array<i32>} : memref<16x128xf32, #tpu.memory_space<vmem>>, vector<16xf32>,
        %mul3A_1087 = arith.mulf %get3A_1086, %gather3A_1046 : vector<16xf32>
        %swap3A_1088 = arith.constant 10 : i32
        %swap3A_1089 = arith.index_cast %swap3A_1088 : i32 to index
        %swap3A_1090 = arith.constant 64 : index
        %swap3A_1091 = tpu.vector_load %arg15[%swap3A_1089, %swap3A_1090] {strides = array<i32>} : memref<16x128xf32, #tpu.memory_space<vmem>>, vector<16xf32>,
        tpu.vector_store %arg15[%swap3A_1089, %swap3A_1090], %mul3A_1087 {strides = array<i32>} : memref<16x128xf32, #tpu.memory_space<vmem>>, vector<16xf32>,
        %get3A_1092 = arith.constant 10 : i32
        %get3A_1093 = arith.index_cast %get3A_1092 : i32 to index
        %get3A_1094 = arith.constant 80 : index
        %get3A_1095 = tpu.vector_load %arg15[%get3A_1093, %get3A_1094] {strides = array<i32>} : memref<16x128xf32, #tpu.memory_space<vmem>>, vector<16xf32>,
        %mul3A_1096 = arith.mulf %get3A_1095, %gather3A_1046 : vector<16xf32>
        %swap3A_1097 = arith.constant 10 : i32
        %swap3A_1098 = arith.index_cast %swap3A_1097 : i32 to index
        %swap3A_1099 = arith.constant 80 : index
        %swap3A_1100 = tpu.vector_load %arg15[%swap3A_1098, %swap3A_1099] {strides = array<i32>} : memref<16x128xf32, #tpu.memory_space<vmem>>, vector<16xf32>,
        tpu.vector_store %arg15[%swap3A_1098, %swap3A_1099], %mul3A_1096 {strides = array<i32>} : memref<16x128xf32, #tpu.memory_space<vmem>>, vector<16xf32>,
        %get3A_1101 = arith.constant 10 : i32
        %get3A_1102 = arith.index_cast %get3A_1101 : i32 to index
        %get3A_1103 = arith.constant 96 : index
        %get3A_1104 = tpu.vector_load %arg15[%get3A_1102, %get3A_1103] {strides = array<i32>} : memref<16x128xf32, #tpu.memory_space<vmem>>, vector<16xf32>,
        %mul3A_1105 = arith.mulf %get3A_1104, %gather3A_1046 : vector<16xf32>
        %swap3A_1106 = arith.constant 10 : i32
        %swap3A_1107 = arith.index_cast %swap3A_1106 : i32 to index
        %swap3A_1108 = arith.constant 96 : index
        %swap3A_1109 = tpu.vector_load %arg15[%swap3A_1107, %swap3A_1108] {strides = array<i32>} : memref<16x128xf32, #tpu.memory_space<vmem>>, vector<16xf32>,
        tpu.vector_store %arg15[%swap3A_1107, %swap3A_1108], %mul3A_1105 {strides = array<i32>} : memref<16x128xf32, #tpu.memory_space<vmem>>, vector<16xf32>,
        %get3A_1110 = arith.constant 10 : i32
        %get3A_1111 = arith.index_cast %get3A_1110 : i32 to index
        %get3A_1112 = arith.constant 112 : index
        %get3A_1113 = tpu.vector_load %arg15[%get3A_1111, %get3A_1112] {strides = array<i32>} : memref<16x128xf32, #tpu.memory_space<vmem>>, vector<16xf32>,
        %mul3A_1114 = arith.mulf %get3A_1113, %gather3A_1046 : vector<16xf32>
        %swap3A_1115 = arith.constant 10 : i32
        %swap3A_1116 = arith.index_cast %swap3A_1115 : i32 to index
        %swap3A_1117 = arith.constant 112 : index
        %swap3A_1118 = tpu.vector_load %arg15[%swap3A_1116, %swap3A_1117] {strides = array<i32>} : memref<16x128xf32, #tpu.memory_space<vmem>>, vector<16xf32>,
        tpu.vector_store %arg15[%swap3A_1116, %swap3A_1117], %mul3A_1114 {strides = array<i32>} : memref<16x128xf32, #tpu.memory_space<vmem>>, vector<16xf32>,
        %mul3A_1119 = arith.constant 16 : i32
        %mul3A_1120 = arith.muli %scan3A_220, %mul3A_1119 : i32
        %add3A_1121 = arith.constant 11 : i32
        %add3A_1122 = arith.addi %mul3A_1120, %add3A_1121 : i32
        %broadcast_in_dim3A_1123 = arith.constant 0 : i32
        %broadcast_in_dim3A_1124 = vector.broadcast %broadcast_in_dim3A_1123 : i32 to vector<16xi32>
        %add3A_1125 = vector.broadcast %add3A_1122 : i32 to vector<16xi32>
        %add3A_1126 = arith.addi %add3A_1125, %broadcast_in_dim3A_1124 : vector<16xi32>
        %gather3A_1127 = tpu.vector_load_idx %arg13[%add3A_1126] : memref<1152xf32, #tpu.memory_space<vmem>>[vector<16xi32>], vector<16xf32>,
        %get3A_1128 = arith.constant 11 : i32
        %get3A_1129 = arith.index_cast %get3A_1128 : i32 to index
        %get3A_1130 = arith.constant 0 : index
        %get3A_1131 = tpu.vector_load %arg15[%get3A_1129, %get3A_1130] {strides = array<i32>} : memref<16x128xf32, #tpu.memory_space<vmem>>, vector<16xf32>,
        %mul3A_1132 = arith.mulf %get3A_1131, %gather3A_1127 : vector<16xf32>
        %swap3A_1133 = arith.constant 11 : i32
        %swap3A_1134 = arith.index_cast %swap3A_1133 : i32 to index
        %swap3A_1135 = arith.constant 0 : index
        %swap3A_1136 = tpu.vector_load %arg15[%swap3A_1134, %swap3A_1135] {strides = array<i32>} : memref<16x128xf32, #tpu.memory_space<vmem>>, vector<16xf32>,
        tpu.vector_store %arg15[%swap3A_1134, %swap3A_1135], %mul3A_1132 {strides = array<i32>} : memref<16x128xf32, #tpu.memory_space<vmem>>, vector<16xf32>,
        %get3A_1137 = arith.constant 11 : i32
        %get3A_1138 = arith.index_cast %get3A_1137 : i32 to index
        %get3A_1139 = arith.constant 16 : index
        %get3A_1140 = tpu.vector_load %arg15[%get3A_1138, %get3A_1139] {strides = array<i32>} : memref<16x128xf32, #tpu.memory_space<vmem>>, vector<16xf32>,
        %mul3A_1141 = arith.mulf %get3A_1140, %gather3A_1127 : vector<16xf32>
        %swap3A_1142 = arith.constant 11 : i32
        %swap3A_1143 = arith.index_cast %swap3A_1142 : i32 to index
        %swap3A_1144 = arith.constant 16 : index
        %swap3A_1145 = tpu.vector_load %arg15[%swap3A_1143, %swap3A_1144] {strides = array<i32>} : memref<16x128xf32, #tpu.memory_space<vmem>>, vector<16xf32>,
        tpu.vector_store %arg15[%swap3A_1143, %swap3A_1144], %mul3A_1141 {strides = array<i32>} : memref<16x128xf32, #tpu.memory_space<vmem>>, vector<16xf32>,
        %get3A_1146 = arith.constant 11 : i32
        %get3A_1147 = arith.index_cast %get3A_1146 : i32 to index
        %get3A_1148 = arith.constant 32 : index
        %get3A_1149 = tpu.vector_load %arg15[%get3A_1147, %get3A_1148] {strides = array<i32>} : memref<16x128xf32, #tpu.memory_space<vmem>>, vector<16xf32>,
        %mul3A_1150 = arith.mulf %get3A_1149, %gather3A_1127 : vector<16xf32>
        %swap3A_1151 = arith.constant 11 : i32
        %swap3A_1152 = arith.index_cast %swap3A_1151 : i32 to index
        %swap3A_1153 = arith.constant 32 : index
        %swap3A_1154 = tpu.vector_load %arg15[%swap3A_1152, %swap3A_1153] {strides = array<i32>} : memref<16x128xf32, #tpu.memory_space<vmem>>, vector<16xf32>,
        tpu.vector_store %arg15[%swap3A_1152, %swap3A_1153], %mul3A_1150 {strides = array<i32>} : memref<16x128xf32, #tpu.memory_space<vmem>>, vector<16xf32>,
        %get3A_1155 = arith.constant 11 : i32
        %get3A_1156 = arith.index_cast %get3A_1155 : i32 to index
        %get3A_1157 = arith.constant 48 : index
        %get3A_1158 = tpu.vector_load %arg15[%get3A_1156, %get3A_1157] {strides = array<i32>} : memref<16x128xf32, #tpu.memory_space<vmem>>, vector<16xf32>,
        %mul3A_1159 = arith.mulf %get3A_1158, %gather3A_1127 : vector<16xf32>
        %swap3A_1160 = arith.constant 11 : i32
        %swap3A_1161 = arith.index_cast %swap3A_1160 : i32 to index
        %swap3A_1162 = arith.constant 48 : index
        %swap3A_1163 = tpu.vector_load %arg15[%swap3A_1161, %swap3A_1162] {strides = array<i32>} : memref<16x128xf32, #tpu.memory_space<vmem>>, vector<16xf32>,
        tpu.vector_store %arg15[%swap3A_1161, %swap3A_1162], %mul3A_1159 {strides = array<i32>} : memref<16x128xf32, #tpu.memory_space<vmem>>, vector<16xf32>,
        %get3A_1164 = arith.constant 11 : i32
        %get3A_1165 = arith.index_cast %get3A_1164 : i32 to index
        %get3A_1166 = arith.constant 64 : index
        %get3A_1167 = tpu.vector_load %arg15[%get3A_1165, %get3A_1166] {strides = array<i32>} : memref<16x128xf32, #tpu.memory_space<vmem>>, vector<16xf32>,
        %mul3A_1168 = arith.mulf %get3A_1167, %gather3A_1127 : vector<16xf32>
        %swap3A_1169 = arith.constant 11 : i32
        %swap3A_1170 = arith.index_cast %swap3A_1169 : i32 to index
        %swap3A_1171 = arith.constant 64 : index
        %swap3A_1172 = tpu.vector_load %arg15[%swap3A_1170, %swap3A_1171] {strides = array<i32>} : memref<16x128xf32, #tpu.memory_space<vmem>>, vector<16xf32>,
        tpu.vector_store %arg15[%swap3A_1170, %swap3A_1171], %mul3A_1168 {strides = array<i32>} : memref<16x128xf32, #tpu.memory_space<vmem>>, vector<16xf32>,
        %get3A_1173 = arith.constant 11 : i32
        %get3A_1174 = arith.index_cast %get3A_1173 : i32 to index
        %get3A_1175 = arith.constant 80 : index
        %get3A_1176 = tpu.vector_load %arg15[%get3A_1174, %get3A_1175] {strides = array<i32>} : memref<16x128xf32, #tpu.memory_space<vmem>>, vector<16xf32>,
        %mul3A_1177 = arith.mulf %get3A_1176, %gather3A_1127 : vector<16xf32>
        %swap3A_1178 = arith.constant 11 : i32
        %swap3A_1179 = arith.index_cast %swap3A_1178 : i32 to index
        %swap3A_1180 = arith.constant 80 : index
        %swap3A_1181 = tpu.vector_load %arg15[%swap3A_1179, %swap3A_1180] {strides = array<i32>} : memref<16x128xf32, #tpu.memory_space<vmem>>, vector<16xf32>,
        tpu.vector_store %arg15[%swap3A_1179, %swap3A_1180], %mul3A_1177 {strides = array<i32>} : memref<16x128xf32, #tpu.memory_space<vmem>>, vector<16xf32>,
        %get3A_1182 = arith.constant 11 : i32
        %get3A_1183 = arith.index_cast %get3A_1182 : i32 to index
        %get3A_1184 = arith.constant 96 : index
        %get3A_1185 = tpu.vector_load %arg15[%get3A_1183, %get3A_1184] {strides = array<i32>} : memref<16x128xf32, #tpu.memory_space<vmem>>, vector<16xf32>,
        %mul3A_1186 = arith.mulf %get3A_1185, %gather3A_1127 : vector<16xf32>
        %swap3A_1187 = arith.constant 11 : i32
        %swap3A_1188 = arith.index_cast %swap3A_1187 : i32 to index
        %swap3A_1189 = arith.constant 96 : index
        %swap3A_1190 = tpu.vector_load %arg15[%swap3A_1188, %swap3A_1189] {strides = array<i32>} : memref<16x128xf32, #tpu.memory_space<vmem>>, vector<16xf32>,
        tpu.vector_store %arg15[%swap3A_1188, %swap3A_1189], %mul3A_1186 {strides = array<i32>} : memref<16x128xf32, #tpu.memory_space<vmem>>, vector<16xf32>,
        %get3A_1191 = arith.constant 11 : i32
        %get3A_1192 = arith.index_cast %get3A_1191 : i32 to index
        %get3A_1193 = arith.constant 112 : index
        %get3A_1194 = tpu.vector_load %arg15[%get3A_1192, %get3A_1193] {strides = array<i32>} : memref<16x128xf32, #tpu.memory_space<vmem>>, vector<16xf32>,
        %mul3A_1195 = arith.mulf %get3A_1194, %gather3A_1127 : vector<16xf32>
        %swap3A_1196 = arith.constant 11 : i32
        %swap3A_1197 = arith.index_cast %swap3A_1196 : i32 to index
        %swap3A_1198 = arith.constant 112 : index
        %swap3A_1199 = tpu.vector_load %arg15[%swap3A_1197, %swap3A_1198] {strides = array<i32>} : memref<16x128xf32, #tpu.memory_space<vmem>>, vector<16xf32>,
        tpu.vector_store %arg15[%swap3A_1197, %swap3A_1198], %mul3A_1195 {strides = array<i32>} : memref<16x128xf32, #tpu.memory_space<vmem>>, vector<16xf32>,
        %mul3A_1200 = arith.constant 16 : i32
        %mul3A_1201 = arith.muli %scan3A_220, %mul3A_1200 : i32
        %add3A_1202 = arith.constant 12 : i32
        %add3A_1203 = arith.addi %mul3A_1201, %add3A_1202 : i32
        %broadcast_in_dim3A_1204 = arith.constant 0 : i32
        %broadcast_in_dim3A_1205 = vector.broadcast %broadcast_in_dim3A_1204 : i32 to vector<16xi32>
        %add3A_1206 = vector.broadcast %add3A_1203 : i32 to vector<16xi32>
        %add3A_1207 = arith.addi %add3A_1206, %broadcast_in_dim3A_1205 : vector<16xi32>
        %gather3A_1208 = tpu.vector_load_idx %arg13[%add3A_1207] : memref<1152xf32, #tpu.memory_space<vmem>>[vector<16xi32>], vector<16xf32>,
        %get3A_1209 = arith.constant 12 : i32
        %get3A_1210 = arith.index_cast %get3A_1209 : i32 to index
        %get3A_1211 = arith.constant 0 : index
        %get3A_1212 = tpu.vector_load %arg15[%get3A_1210, %get3A_1211] {strides = array<i32>} : memref<16x128xf32, #tpu.memory_space<vmem>>, vector<16xf32>,
        %mul3A_1213 = arith.mulf %get3A_1212, %gather3A_1208 : vector<16xf32>
        %swap3A_1214 = arith.constant 12 : i32
        %swap3A_1215 = arith.index_cast %swap3A_1214 : i32 to index
        %swap3A_1216 = arith.constant 0 : index
        %swap3A_1217 = tpu.vector_load %arg15[%swap3A_1215, %swap3A_1216] {strides = array<i32>} : memref<16x128xf32, #tpu.memory_space<vmem>>, vector<16xf32>,
        tpu.vector_store %arg15[%swap3A_1215, %swap3A_1216], %mul3A_1213 {strides = array<i32>} : memref<16x128xf32, #tpu.memory_space<vmem>>, vector<16xf32>,
        %get3A_1218 = arith.constant 12 : i32
        %get3A_1219 = arith.index_cast %get3A_1218 : i32 to index
        %get3A_1220 = arith.constant 16 : index
        %get3A_1221 = tpu.vector_load %arg15[%get3A_1219, %get3A_1220] {strides = array<i32>} : memref<16x128xf32, #tpu.memory_space<vmem>>, vector<16xf32>,
        %mul3A_1222 = arith.mulf %get3A_1221, %gather3A_1208 : vector<16xf32>
        %swap3A_1223 = arith.constant 12 : i32
        %swap3A_1224 = arith.index_cast %swap3A_1223 : i32 to index
        %swap3A_1225 = arith.constant 16 : index
        %swap3A_1226 = tpu.vector_load %arg15[%swap3A_1224, %swap3A_1225] {strides = array<i32>} : memref<16x128xf32, #tpu.memory_space<vmem>>, vector<16xf32>,
        tpu.vector_store %arg15[%swap3A_1224, %swap3A_1225], %mul3A_1222 {strides = array<i32>} : memref<16x128xf32, #tpu.memory_space<vmem>>, vector<16xf32>,
        %get3A_1227 = arith.constant 12 : i32
        %get3A_1228 = arith.index_cast %get3A_1227 : i32 to index
        %get3A_1229 = arith.constant 32 : index
        %get3A_1230 = tpu.vector_load %arg15[%get3A_1228, %get3A_1229] {strides = array<i32>} : memref<16x128xf32, #tpu.memory_space<vmem>>, vector<16xf32>,
        %mul3A_1231 = arith.mulf %get3A_1230, %gather3A_1208 : vector<16xf32>
        %swap3A_1232 = arith.constant 12 : i32
        %swap3A_1233 = arith.index_cast %swap3A_1232 : i32 to index
        %swap3A_1234 = arith.constant 32 : index
        %swap3A_1235 = tpu.vector_load %arg15[%swap3A_1233, %swap3A_1234] {strides = array<i32>} : memref<16x128xf32, #tpu.memory_space<vmem>>, vector<16xf32>,
        tpu.vector_store %arg15[%swap3A_1233, %swap3A_1234], %mul3A_1231 {strides = array<i32>} : memref<16x128xf32, #tpu.memory_space<vmem>>, vector<16xf32>,
        %get3A_1236 = arith.constant 12 : i32
        %get3A_1237 = arith.index_cast %get3A_1236 : i32 to index
        %get3A_1238 = arith.constant 48 : index
        %get3A_1239 = tpu.vector_load %arg15[%get3A_1237, %get3A_1238] {strides = array<i32>} : memref<16x128xf32, #tpu.memory_space<vmem>>, vector<16xf32>,
        %mul3A_1240 = arith.mulf %get3A_1239, %gather3A_1208 : vector<16xf32>
        %swap3A_1241 = arith.constant 12 : i32
        %swap3A_1242 = arith.index_cast %swap3A_1241 : i32 to index
        %swap3A_1243 = arith.constant 48 : index
        %swap3A_1244 = tpu.vector_load %arg15[%swap3A_1242, %swap3A_1243] {strides = array<i32>} : memref<16x128xf32, #tpu.memory_space<vmem>>, vector<16xf32>,
        tpu.vector_store %arg15[%swap3A_1242, %swap3A_1243], %mul3A_1240 {strides = array<i32>} : memref<16x128xf32, #tpu.memory_space<vmem>>, vector<16xf32>,
        %get3A_1245 = arith.constant 12 : i32
        %get3A_1246 = arith.index_cast %get3A_1245 : i32 to index
        %get3A_1247 = arith.constant 64 : index
        %get3A_1248 = tpu.vector_load %arg15[%get3A_1246, %get3A_1247] {strides = array<i32>} : memref<16x128xf32, #tpu.memory_space<vmem>>, vector<16xf32>,
        %mul3A_1249 = arith.mulf %get3A_1248, %gather3A_1208 : vector<16xf32>
        %swap3A_1250 = arith.constant 12 : i32
        %swap3A_1251 = arith.index_cast %swap3A_1250 : i32 to index
        %swap3A_1252 = arith.constant 64 : index
        %swap3A_1253 = tpu.vector_load %arg15[%swap3A_1251, %swap3A_1252] {strides = array<i32>} : memref<16x128xf32, #tpu.memory_space<vmem>>, vector<16xf32>,
        tpu.vector_store %arg15[%swap3A_1251, %swap3A_1252], %mul3A_1249 {strides = array<i32>} : memref<16x128xf32, #tpu.memory_space<vmem>>, vector<16xf32>,
        %get3A_1254 = arith.constant 12 : i32
        %get3A_1255 = arith.index_cast %get3A_1254 : i32 to index
        %get3A_1256 = arith.constant 80 : index
        %get3A_1257 = tpu.vector_load %arg15[%get3A_1255, %get3A_1256] {strides = array<i32>} : memref<16x128xf32, #tpu.memory_space<vmem>>, vector<16xf32>,
        %mul3A_1258 = arith.mulf %get3A_1257, %gather3A_1208 : vector<16xf32>
        %swap3A_1259 = arith.constant 12 : i32
        %swap3A_1260 = arith.index_cast %swap3A_1259 : i32 to index
        %swap3A_1261 = arith.constant 80 : index
        %swap3A_1262 = tpu.vector_load %arg15[%swap3A_1260, %swap3A_1261] {strides = array<i32>} : memref<16x128xf32, #tpu.memory_space<vmem>>, vector<16xf32>,
        tpu.vector_store %arg15[%swap3A_1260, %swap3A_1261], %mul3A_1258 {strides = array<i32>} : memref<16x128xf32, #tpu.memory_space<vmem>>, vector<16xf32>,
        %get3A_1263 = arith.constant 12 : i32
        %get3A_1264 = arith.index_cast %get3A_1263 : i32 to index
        %get3A_1265 = arith.constant 96 : index
        %get3A_1266 = tpu.vector_load %arg15[%get3A_1264, %get3A_1265] {strides = array<i32>} : memref<16x128xf32, #tpu.memory_space<vmem>>, vector<16xf32>,
        %mul3A_1267 = arith.mulf %get3A_1266, %gather3A_1208 : vector<16xf32>
        %swap3A_1268 = arith.constant 12 : i32
        %swap3A_1269 = arith.index_cast %swap3A_1268 : i32 to index
        %swap3A_1270 = arith.constant 96 : index
        %swap3A_1271 = tpu.vector_load %arg15[%swap3A_1269, %swap3A_1270] {strides = array<i32>} : memref<16x128xf32, #tpu.memory_space<vmem>>, vector<16xf32>,
        tpu.vector_store %arg15[%swap3A_1269, %swap3A_1270], %mul3A_1267 {strides = array<i32>} : memref<16x128xf32, #tpu.memory_space<vmem>>, vector<16xf32>,
        %get3A_1272 = arith.constant 12 : i32
        %get3A_1273 = arith.index_cast %get3A_1272 : i32 to index
        %get3A_1274 = arith.constant 112 : index
        %get3A_1275 = tpu.vector_load %arg15[%get3A_1273, %get3A_1274] {strides = array<i32>} : memref<16x128xf32, #tpu.memory_space<vmem>>, vector<16xf32>,
        %mul3A_1276 = arith.mulf %get3A_1275, %gather3A_1208 : vector<16xf32>
        %swap3A_1277 = arith.constant 12 : i32
        %swap3A_1278 = arith.index_cast %swap3A_1277 : i32 to index
        %swap3A_1279 = arith.constant 112 : index
        %swap3A_1280 = tpu.vector_load %arg15[%swap3A_1278, %swap3A_1279] {strides = array<i32>} : memref<16x128xf32, #tpu.memory_space<vmem>>, vector<16xf32>,
        tpu.vector_store %arg15[%swap3A_1278, %swap3A_1279], %mul3A_1276 {strides = array<i32>} : memref<16x128xf32, #tpu.memory_space<vmem>>, vector<16xf32>,
        %mul3A_1281 = arith.constant 16 : i32
        %mul3A_1282 = arith.muli %scan3A_220, %mul3A_1281 : i32
        %add3A_1283 = arith.constant 13 : i32
        %add3A_1284 = arith.addi %mul3A_1282, %add3A_1283 : i32
        %broadcast_in_dim3A_1285 = arith.constant 0 : i32
        %broadcast_in_dim3A_1286 = vector.broadcast %broadcast_in_dim3A_1285 : i32 to vector<16xi32>
        %add3A_1287 = vector.broadcast %add3A_1284 : i32 to vector<16xi32>
        %add3A_1288 = arith.addi %add3A_1287, %broadcast_in_dim3A_1286 : vector<16xi32>
        %gather3A_1289 = tpu.vector_load_idx %arg13[%add3A_1288] : memref<1152xf32, #tpu.memory_space<vmem>>[vector<16xi32>], vector<16xf32>,
        %get3A_1290 = arith.constant 13 : i32
        %get3A_1291 = arith.index_cast %get3A_1290 : i32 to index
        %get3A_1292 = arith.constant 0 : index
        %get3A_1293 = tpu.vector_load %arg15[%get3A_1291, %get3A_1292] {strides = array<i32>} : memref<16x128xf32, #tpu.memory_space<vmem>>, vector<16xf32>,
        %mul3A_1294 = arith.mulf %get3A_1293, %gather3A_1289 : vector<16xf32>
        %swap3A_1295 = arith.constant 13 : i32
        %swap3A_1296 = arith.index_cast %swap3A_1295 : i32 to index
        %swap3A_1297 = arith.constant 0 : index
        %swap3A_1298 = tpu.vector_load %arg15[%swap3A_1296, %swap3A_1297] {strides = array<i32>} : memref<16x128xf32, #tpu.memory_space<vmem>>, vector<16xf32>,
        tpu.vector_store %arg15[%swap3A_1296, %swap3A_1297], %mul3A_1294 {strides = array<i32>} : memref<16x128xf32, #tpu.memory_space<vmem>>, vector<16xf32>,
        %get3A_1299 = arith.constant 13 : i32
        %get3A_1300 = arith.index_cast %get3A_1299 : i32 to index
        %get3A_1301 = arith.constant 16 : index
        %get3A_1302 = tpu.vector_load %arg15[%get3A_1300, %get3A_1301] {strides = array<i32>} : memref<16x128xf32, #tpu.memory_space<vmem>>, vector<16xf32>,
        %mul3A_1303 = arith.mulf %get3A_1302, %gather3A_1289 : vector<16xf32>
        %swap3A_1304 = arith.constant 13 : i32
        %swap3A_1305 = arith.index_cast %swap3A_1304 : i32 to index
        %swap3A_1306 = arith.constant 16 : index
        %swap3A_1307 = tpu.vector_load %arg15[%swap3A_1305, %swap3A_1306] {strides = array<i32>} : memref<16x128xf32, #tpu.memory_space<vmem>>, vector<16xf32>,
        tpu.vector_store %arg15[%swap3A_1305, %swap3A_1306], %mul3A_1303 {strides = array<i32>} : memref<16x128xf32, #tpu.memory_space<vmem>>, vector<16xf32>,
        %get3A_1308 = arith.constant 13 : i32
        %get3A_1309 = arith.index_cast %get3A_1308 : i32 to index
        %get3A_1310 = arith.constant 32 : index
        %get3A_1311 = tpu.vector_load %arg15[%get3A_1309, %get3A_1310] {strides = array<i32>} : memref<16x128xf32, #tpu.memory_space<vmem>>, vector<16xf32>,
        %mul3A_1312 = arith.mulf %get3A_1311, %gather3A_1289 : vector<16xf32>
        %swap3A_1313 = arith.constant 13 : i32
        %swap3A_1314 = arith.index_cast %swap3A_1313 : i32 to index
        %swap3A_1315 = arith.constant 32 : index
        %swap3A_1316 = tpu.vector_load %arg15[%swap3A_1314, %swap3A_1315] {strides = array<i32>} : memref<16x128xf32, #tpu.memory_space<vmem>>, vector<16xf32>,
        tpu.vector_store %arg15[%swap3A_1314, %swap3A_1315], %mul3A_1312 {strides = array<i32>} : memref<16x128xf32, #tpu.memory_space<vmem>>, vector<16xf32>,
        %get3A_1317 = arith.constant 13 : i32
        %get3A_1318 = arith.index_cast %get3A_1317 : i32 to index
        %get3A_1319 = arith.constant 48 : index
        %get3A_1320 = tpu.vector_load %arg15[%get3A_1318, %get3A_1319] {strides = array<i32>} : memref<16x128xf32, #tpu.memory_space<vmem>>, vector<16xf32>,
        %mul3A_1321 = arith.mulf %get3A_1320, %gather3A_1289 : vector<16xf32>
        %swap3A_1322 = arith.constant 13 : i32
        %swap3A_1323 = arith.index_cast %swap3A_1322 : i32 to index
        %swap3A_1324 = arith.constant 48 : index
        %swap3A_1325 = tpu.vector_load %arg15[%swap3A_1323, %swap3A_1324] {strides = array<i32>} : memref<16x128xf32, #tpu.memory_space<vmem>>, vector<16xf32>,
        tpu.vector_store %arg15[%swap3A_1323, %swap3A_1324], %mul3A_1321 {strides = array<i32>} : memref<16x128xf32, #tpu.memory_space<vmem>>, vector<16xf32>,
        %get3A_1326 = arith.constant 13 : i32
        %get3A_1327 = arith.index_cast %get3A_1326 : i32 to index
        %get3A_1328 = arith.constant 64 : index
        %get3A_1329 = tpu.vector_load %arg15[%get3A_1327, %get3A_1328] {strides = array<i32>} : memref<16x128xf32, #tpu.memory_space<vmem>>, vector<16xf32>,
        %mul3A_1330 = arith.mulf %get3A_1329, %gather3A_1289 : vector<16xf32>
        %swap3A_1331 = arith.constant 13 : i32
        %swap3A_1332 = arith.index_cast %swap3A_1331 : i32 to index
        %swap3A_1333 = arith.constant 64 : index
        %swap3A_1334 = tpu.vector_load %arg15[%swap3A_1332, %swap3A_1333] {strides = array<i32>} : memref<16x128xf32, #tpu.memory_space<vmem>>, vector<16xf32>,
        tpu.vector_store %arg15[%swap3A_1332, %swap3A_1333], %mul3A_1330 {strides = array<i32>} : memref<16x128xf32, #tpu.memory_space<vmem>>, vector<16xf32>,
        %get3A_1335 = arith.constant 13 : i32
        %get3A_1336 = arith.index_cast %get3A_1335 : i32 to index
        %get3A_1337 = arith.constant 80 : index
        %get3A_1338 = tpu.vector_load %arg15[%get3A_1336, %get3A_1337] {strides = array<i32>} : memref<16x128xf32, #tpu.memory_space<vmem>>, vector<16xf32>,
        %mul3A_1339 = arith.mulf %get3A_1338, %gather3A_1289 : vector<16xf32>
        %swap3A_1340 = arith.constant 13 : i32
        %swap3A_1341 = arith.index_cast %swap3A_1340 : i32 to index
        %swap3A_1342 = arith.constant 80 : index
        %swap3A_1343 = tpu.vector_load %arg15[%swap3A_1341, %swap3A_1342] {strides = array<i32>} : memref<16x128xf32, #tpu.memory_space<vmem>>, vector<16xf32>,
        tpu.vector_store %arg15[%swap3A_1341, %swap3A_1342], %mul3A_1339 {strides = array<i32>} : memref<16x128xf32, #tpu.memory_space<vmem>>, vector<16xf32>,
        %get3A_1344 = arith.constant 13 : i32
        %get3A_1345 = arith.index_cast %get3A_1344 : i32 to index
        %get3A_1346 = arith.constant 96 : index
        %get3A_1347 = tpu.vector_load %arg15[%get3A_1345, %get3A_1346] {strides = array<i32>} : memref<16x128xf32, #tpu.memory_space<vmem>>, vector<16xf32>,
        %mul3A_1348 = arith.mulf %get3A_1347, %gather3A_1289 : vector<16xf32>
        %swap3A_1349 = arith.constant 13 : i32
        %swap3A_1350 = arith.index_cast %swap3A_1349 : i32 to index
        %swap3A_1351 = arith.constant 96 : index
        %swap3A_1352 = tpu.vector_load %arg15[%swap3A_1350, %swap3A_1351] {strides = array<i32>} : memref<16x128xf32, #tpu.memory_space<vmem>>, vector<16xf32>,
        tpu.vector_store %arg15[%swap3A_1350, %swap3A_1351], %mul3A_1348 {strides = array<i32>} : memref<16x128xf32, #tpu.memory_space<vmem>>, vector<16xf32>,
        %get3A_1353 = arith.constant 13 : i32
        %get3A_1354 = arith.index_cast %get3A_1353 : i32 to index
        %get3A_1355 = arith.constant 112 : index
        %get3A_1356 = tpu.vector_load %arg15[%get3A_1354, %get3A_1355] {strides = array<i32>} : memref<16x128xf32, #tpu.memory_space<vmem>>, vector<16xf32>,
        %mul3A_1357 = arith.mulf %get3A_1356, %gather3A_1289 : vector<16xf32>
        %swap3A_1358 = arith.constant 13 : i32
        %swap3A_1359 = arith.index_cast %swap3A_1358 : i32 to index
        %swap3A_1360 = arith.constant 112 : index
        %swap3A_1361 = tpu.vector_load %arg15[%swap3A_1359, %swap3A_1360] {strides = array<i32>} : memref<16x128xf32, #tpu.memory_space<vmem>>, vector<16xf32>,
        tpu.vector_store %arg15[%swap3A_1359, %swap3A_1360], %mul3A_1357 {strides = array<i32>} : memref<16x128xf32, #tpu.memory_space<vmem>>, vector<16xf32>,
        %mul3A_1362 = arith.constant 16 : i32
        %mul3A_1363 = arith.muli %scan3A_220, %mul3A_1362 : i32
        %add3A_1364 = arith.constant 14 : i32
        %add3A_1365 = arith.addi %mul3A_1363, %add3A_1364 : i32
        %broadcast_in_dim3A_1366 = arith.constant 0 : i32
        %broadcast_in_dim3A_1367 = vector.broadcast %broadcast_in_dim3A_1366 : i32 to vector<16xi32>
        %add3A_1368 = vector.broadcast %add3A_1365 : i32 to vector<16xi32>
        %add3A_1369 = arith.addi %add3A_1368, %broadcast_in_dim3A_1367 : vector<16xi32>
        %gather3A_1370 = tpu.vector_load_idx %arg13[%add3A_1369] : memref<1152xf32, #tpu.memory_space<vmem>>[vector<16xi32>], vector<16xf32>,
        %get3A_1371 = arith.constant 14 : i32
        %get3A_1372 = arith.index_cast %get3A_1371 : i32 to index
        %get3A_1373 = arith.constant 0 : index
        %get3A_1374 = tpu.vector_load %arg15[%get3A_1372, %get3A_1373] {strides = array<i32>} : memref<16x128xf32, #tpu.memory_space<vmem>>, vector<16xf32>,
        %mul3A_1375 = arith.mulf %get3A_1374, %gather3A_1370 : vector<16xf32>
        %swap3A_1376 = arith.constant 14 : i32
        %swap3A_1377 = arith.index_cast %swap3A_1376 : i32 to index
        %swap3A_1378 = arith.constant 0 : index
        %swap3A_1379 = tpu.vector_load %arg15[%swap3A_1377, %swap3A_1378] {strides = array<i32>} : memref<16x128xf32, #tpu.memory_space<vmem>>, vector<16xf32>,
        tpu.vector_store %arg15[%swap3A_1377, %swap3A_1378], %mul3A_1375 {strides = array<i32>} : memref<16x128xf32, #tpu.memory_space<vmem>>, vector<16xf32>,
        %get3A_1380 = arith.constant 14 : i32
        %get3A_1381 = arith.index_cast %get3A_1380 : i32 to index
        %get3A_1382 = arith.constant 16 : index
        %get3A_1383 = tpu.vector_load %arg15[%get3A_1381, %get3A_1382] {strides = array<i32>} : memref<16x128xf32, #tpu.memory_space<vmem>>, vector<16xf32>,
        %mul3A_1384 = arith.mulf %get3A_1383, %gather3A_1370 : vector<16xf32>
        %swap3A_1385 = arith.constant 14 : i32
        %swap3A_1386 = arith.index_cast %swap3A_1385 : i32 to index
        %swap3A_1387 = arith.constant 16 : index
        %swap3A_1388 = tpu.vector_load %arg15[%swap3A_1386, %swap3A_1387] {strides = array<i32>} : memref<16x128xf32, #tpu.memory_space<vmem>>, vector<16xf32>,
        tpu.vector_store %arg15[%swap3A_1386, %swap3A_1387], %mul3A_1384 {strides = array<i32>} : memref<16x128xf32, #tpu.memory_space<vmem>>, vector<16xf32>,
        %get3A_1389 = arith.constant 14 : i32
        %get3A_1390 = arith.index_cast %get3A_1389 : i32 to index
        %get3A_1391 = arith.constant 32 : index
        %get3A_1392 = tpu.vector_load %arg15[%get3A_1390, %get3A_1391] {strides = array<i32>} : memref<16x128xf32, #tpu.memory_space<vmem>>, vector<16xf32>,
        %mul3A_1393 = arith.mulf %get3A_1392, %gather3A_1370 : vector<16xf32>
        %swap3A_1394 = arith.constant 14 : i32
        %swap3A_1395 = arith.index_cast %swap3A_1394 : i32 to index
        %swap3A_1396 = arith.constant 32 : index
        %swap3A_1397 = tpu.vector_load %arg15[%swap3A_1395, %swap3A_1396] {strides = array<i32>} : memref<16x128xf32, #tpu.memory_space<vmem>>, vector<16xf32>,
        tpu.vector_store %arg15[%swap3A_1395, %swap3A_1396], %mul3A_1393 {strides = array<i32>} : memref<16x128xf32, #tpu.memory_space<vmem>>, vector<16xf32>,
        %get3A_1398 = arith.constant 14 : i32
        %get3A_1399 = arith.index_cast %get3A_1398 : i32 to index
        %get3A_1400 = arith.constant 48 : index
        %get3A_1401 = tpu.vector_load %arg15[%get3A_1399, %get3A_1400] {strides = array<i32>} : memref<16x128xf32, #tpu.memory_space<vmem>>, vector<16xf32>,
        %mul3A_1402 = arith.mulf %get3A_1401, %gather3A_1370 : vector<16xf32>
        %swap3A_1403 = arith.constant 14 : i32
        %swap3A_1404 = arith.index_cast %swap3A_1403 : i32 to index
        %swap3A_1405 = arith.constant 48 : index
        %swap3A_1406 = tpu.vector_load %arg15[%swap3A_1404, %swap3A_1405] {strides = array<i32>} : memref<16x128xf32, #tpu.memory_space<vmem>>, vector<16xf32>,
        tpu.vector_store %arg15[%swap3A_1404, %swap3A_1405], %mul3A_1402 {strides = array<i32>} : memref<16x128xf32, #tpu.memory_space<vmem>>, vector<16xf32>,
        %get3A_1407 = arith.constant 14 : i32
        %get3A_1408 = arith.index_cast %get3A_1407 : i32 to index
        %get3A_1409 = arith.constant 64 : index
        %get3A_1410 = tpu.vector_load %arg15[%get3A_1408, %get3A_1409] {strides = array<i32>} : memref<16x128xf32, #tpu.memory_space<vmem>>, vector<16xf32>,
        %mul3A_1411 = arith.mulf %get3A_1410, %gather3A_1370 : vector<16xf32>
        %swap3A_1412 = arith.constant 14 : i32
        %swap3A_1413 = arith.index_cast %swap3A_1412 : i32 to index
        %swap3A_1414 = arith.constant 64 : index
        %swap3A_1415 = tpu.vector_load %arg15[%swap3A_1413, %swap3A_1414] {strides = array<i32>} : memref<16x128xf32, #tpu.memory_space<vmem>>, vector<16xf32>,
        tpu.vector_store %arg15[%swap3A_1413, %swap3A_1414], %mul3A_1411 {strides = array<i32>} : memref<16x128xf32, #tpu.memory_space<vmem>>, vector<16xf32>,
        %get3A_1416 = arith.constant 14 : i32
        %get3A_1417 = arith.index_cast %get3A_1416 : i32 to index
        %get3A_1418 = arith.constant 80 : index
        %get3A_1419 = tpu.vector_load %arg15[%get3A_1417, %get3A_1418] {strides = array<i32>} : memref<16x128xf32, #tpu.memory_space<vmem>>, vector<16xf32>,
        %mul3A_1420 = arith.mulf %get3A_1419, %gather3A_1370 : vector<16xf32>
        %swap3A_1421 = arith.constant 14 : i32
        %swap3A_1422 = arith.index_cast %swap3A_1421 : i32 to index
        %swap3A_1423 = arith.constant 80 : index
        %swap3A_1424 = tpu.vector_load %arg15[%swap3A_1422, %swap3A_1423] {strides = array<i32>} : memref<16x128xf32, #tpu.memory_space<vmem>>, vector<16xf32>,
        tpu.vector_store %arg15[%swap3A_1422, %swap3A_1423], %mul3A_1420 {strides = array<i32>} : memref<16x128xf32, #tpu.memory_space<vmem>>, vector<16xf32>,
        %get3A_1425 = arith.constant 14 : i32
        %get3A_1426 = arith.index_cast %get3A_1425 : i32 to index
        %get3A_1427 = arith.constant 96 : index
        %get3A_1428 = tpu.vector_load %arg15[%get3A_1426, %get3A_1427] {strides = array<i32>} : memref<16x128xf32, #tpu.memory_space<vmem>>, vector<16xf32>,
        %mul3A_1429 = arith.mulf %get3A_1428, %gather3A_1370 : vector<16xf32>
        %swap3A_1430 = arith.constant 14 : i32
        %swap3A_1431 = arith.index_cast %swap3A_1430 : i32 to index
        %swap3A_1432 = arith.constant 96 : index
        %swap3A_1433 = tpu.vector_load %arg15[%swap3A_1431, %swap3A_1432] {strides = array<i32>} : memref<16x128xf32, #tpu.memory_space<vmem>>, vector<16xf32>,
        tpu.vector_store %arg15[%swap3A_1431, %swap3A_1432], %mul3A_1429 {strides = array<i32>} : memref<16x128xf32, #tpu.memory_space<vmem>>, vector<16xf32>,
        %get3A_1434 = arith.constant 14 : i32
        %get3A_1435 = arith.index_cast %get3A_1434 : i32 to index
        %get3A_1436 = arith.constant 112 : index
        %get3A_1437 = tpu.vector_load %arg15[%get3A_1435, %get3A_1436] {strides = array<i32>} : memref<16x128xf32, #tpu.memory_space<vmem>>, vector<16xf32>,
        %mul3A_1438 = arith.mulf %get3A_1437, %gather3A_1370 : vector<16xf32>
        %swap3A_1439 = arith.constant 14 : i32
        %swap3A_1440 = arith.index_cast %swap3A_1439 : i32 to index
        %swap3A_1441 = arith.constant 112 : index
        %swap3A_1442 = tpu.vector_load %arg15[%swap3A_1440, %swap3A_1441] {strides = array<i32>} : memref<16x128xf32, #tpu.memory_space<vmem>>, vector<16xf32>,
        tpu.vector_store %arg15[%swap3A_1440, %swap3A_1441], %mul3A_1438 {strides = array<i32>} : memref<16x128xf32, #tpu.memory_space<vmem>>, vector<16xf32>,
        %mul3A_1443 = arith.constant 16 : i32
        %mul3A_1444 = arith.muli %scan3A_220, %mul3A_1443 : i32
        %add3A_1445 = arith.constant 15 : i32
        %add3A_1446 = arith.addi %mul3A_1444, %add3A_1445 : i32
        %broadcast_in_dim3A_1447 = arith.constant 0 : i32
        %broadcast_in_dim3A_1448 = vector.broadcast %broadcast_in_dim3A_1447 : i32 to vector<16xi32>
        %add3A_1449 = vector.broadcast %add3A_1446 : i32 to vector<16xi32>
        %add3A_1450 = arith.addi %add3A_1449, %broadcast_in_dim3A_1448 : vector<16xi32>
        %gather3A_1451 = tpu.vector_load_idx %arg13[%add3A_1450] : memref<1152xf32, #tpu.memory_space<vmem>>[vector<16xi32>], vector<16xf32>,
        %get3A_1452 = arith.constant 15 : i32
        %get3A_1453 = arith.index_cast %get3A_1452 : i32 to index
        %get3A_1454 = arith.constant 0 : index
        %get3A_1455 = tpu.vector_load %arg15[%get3A_1453, %get3A_1454] {strides = array<i32>} : memref<16x128xf32, #tpu.memory_space<vmem>>, vector<16xf32>,
        %mul3A_1456 = arith.mulf %get3A_1455, %gather3A_1451 : vector<16xf32>
        %swap3A_1457 = arith.constant 15 : i32
        %swap3A_1458 = arith.index_cast %swap3A_1457 : i32 to index
        %swap3A_1459 = arith.constant 0 : index
        %swap3A_1460 = tpu.vector_load %arg15[%swap3A_1458, %swap3A_1459] {strides = array<i32>} : memref<16x128xf32, #tpu.memory_space<vmem>>, vector<16xf32>,
        tpu.vector_store %arg15[%swap3A_1458, %swap3A_1459], %mul3A_1456 {strides = array<i32>} : memref<16x128xf32, #tpu.memory_space<vmem>>, vector<16xf32>,
        %get3A_1461 = arith.constant 15 : i32
        %get3A_1462 = arith.index_cast %get3A_1461 : i32 to index
        %get3A_1463 = arith.constant 16 : index
        %get3A_1464 = tpu.vector_load %arg15[%get3A_1462, %get3A_1463] {strides = array<i32>} : memref<16x128xf32, #tpu.memory_space<vmem>>, vector<16xf32>,
        %mul3A_1465 = arith.mulf %get3A_1464, %gather3A_1451 : vector<16xf32>
        %swap3A_1466 = arith.constant 15 : i32
        %swap3A_1467 = arith.index_cast %swap3A_1466 : i32 to index
        %swap3A_1468 = arith.constant 16 : index
        %swap3A_1469 = tpu.vector_load %arg15[%swap3A_1467, %swap3A_1468] {strides = array<i32>} : memref<16x128xf32, #tpu.memory_space<vmem>>, vector<16xf32>,
        tpu.vector_store %arg15[%swap3A_1467, %swap3A_1468], %mul3A_1465 {strides = array<i32>} : memref<16x128xf32, #tpu.memory_space<vmem>>, vector<16xf32>,
        %get3A_1470 = arith.constant 15 : i32
        %get3A_1471 = arith.index_cast %get3A_1470 : i32 to index
        %get3A_1472 = arith.constant 32 : index
        %get3A_1473 = tpu.vector_load %arg15[%get3A_1471, %get3A_1472] {strides = array<i32>} : memref<16x128xf32, #tpu.memory_space<vmem>>, vector<16xf32>,
        %mul3A_1474 = arith.mulf %get3A_1473, %gather3A_1451 : vector<16xf32>
        %swap3A_1475 = arith.constant 15 : i32
        %swap3A_1476 = arith.index_cast %swap3A_1475 : i32 to index
        %swap3A_1477 = arith.constant 32 : index
        %swap3A_1478 = tpu.vector_load %arg15[%swap3A_1476, %swap3A_1477] {strides = array<i32>} : memref<16x128xf32, #tpu.memory_space<vmem>>, vector<16xf32>,
        tpu.vector_store %arg15[%swap3A_1476, %swap3A_1477], %mul3A_1474 {strides = array<i32>} : memref<16x128xf32, #tpu.memory_space<vmem>>, vector<16xf32>,
        %get3A_1479 = arith.constant 15 : i32
        %get3A_1480 = arith.index_cast %get3A_1479 : i32 to index
        %get3A_1481 = arith.constant 48 : index
        %get3A_1482 = tpu.vector_load %arg15[%get3A_1480, %get3A_1481] {strides = array<i32>} : memref<16x128xf32, #tpu.memory_space<vmem>>, vector<16xf32>,
        %mul3A_1483 = arith.mulf %get3A_1482, %gather3A_1451 : vector<16xf32>
        %swap3A_1484 = arith.constant 15 : i32
        %swap3A_1485 = arith.index_cast %swap3A_1484 : i32 to index
        %swap3A_1486 = arith.constant 48 : index
        %swap3A_1487 = tpu.vector_load %arg15[%swap3A_1485, %swap3A_1486] {strides = array<i32>} : memref<16x128xf32, #tpu.memory_space<vmem>>, vector<16xf32>,
        tpu.vector_store %arg15[%swap3A_1485, %swap3A_1486], %mul3A_1483 {strides = array<i32>} : memref<16x128xf32, #tpu.memory_space<vmem>>, vector<16xf32>,
        %get3A_1488 = arith.constant 15 : i32
        %get3A_1489 = arith.index_cast %get3A_1488 : i32 to index
        %get3A_1490 = arith.constant 64 : index
        %get3A_1491 = tpu.vector_load %arg15[%get3A_1489, %get3A_1490] {strides = array<i32>} : memref<16x128xf32, #tpu.memory_space<vmem>>, vector<16xf32>,
        %mul3A_1492 = arith.mulf %get3A_1491, %gather3A_1451 : vector<16xf32>
        %swap3A_1493 = arith.constant 15 : i32
        %swap3A_1494 = arith.index_cast %swap3A_1493 : i32 to index
        %swap3A_1495 = arith.constant 64 : index
        %swap3A_1496 = tpu.vector_load %arg15[%swap3A_1494, %swap3A_1495] {strides = array<i32>} : memref<16x128xf32, #tpu.memory_space<vmem>>, vector<16xf32>,
        tpu.vector_store %arg15[%swap3A_1494, %swap3A_1495], %mul3A_1492 {strides = array<i32>} : memref<16x128xf32, #tpu.memory_space<vmem>>, vector<16xf32>,
        %get3A_1497 = arith.constant 15 : i32
        %get3A_1498 = arith.index_cast %get3A_1497 : i32 to index
        %get3A_1499 = arith.constant 80 : index
        %get3A_1500 = tpu.vector_load %arg15[%get3A_1498, %get3A_1499] {strides = array<i32>} : memref<16x128xf32, #tpu.memory_space<vmem>>, vector<16xf32>,
        %mul3A_1501 = arith.mulf %get3A_1500, %gather3A_1451 : vector<16xf32>
        %swap3A_1502 = arith.constant 15 : i32
        %swap3A_1503 = arith.index_cast %swap3A_1502 : i32 to index
        %swap3A_1504 = arith.constant 80 : index
        %swap3A_1505 = tpu.vector_load %arg15[%swap3A_1503, %swap3A_1504] {strides = array<i32>} : memref<16x128xf32, #tpu.memory_space<vmem>>, vector<16xf32>,
        tpu.vector_store %arg15[%swap3A_1503, %swap3A_1504], %mul3A_1501 {strides = array<i32>} : memref<16x128xf32, #tpu.memory_space<vmem>>, vector<16xf32>,
        %get3A_1506 = arith.constant 15 : i32
        %get3A_1507 = arith.index_cast %get3A_1506 : i32 to index
        %get3A_1508 = arith.constant 96 : index
        %get3A_1509 = tpu.vector_load %arg15[%get3A_1507, %get3A_1508] {strides = array<i32>} : memref<16x128xf32, #tpu.memory_space<vmem>>, vector<16xf32>,
        %mul3A_1510 = arith.mulf %get3A_1509, %gather3A_1451 : vector<16xf32>
        %swap3A_1511 = arith.constant 15 : i32
        %swap3A_1512 = arith.index_cast %swap3A_1511 : i32 to index
        %swap3A_1513 = arith.constant 96 : index
        %swap3A_1514 = tpu.vector_load %arg15[%swap3A_1512, %swap3A_1513] {strides = array<i32>} : memref<16x128xf32, #tpu.memory_space<vmem>>, vector<16xf32>,
        tpu.vector_store %arg15[%swap3A_1512, %swap3A_1513], %mul3A_1510 {strides = array<i32>} : memref<16x128xf32, #tpu.memory_space<vmem>>, vector<16xf32>,
        %get3A_1515 = arith.constant 15 : i32
        %get3A_1516 = arith.index_cast %get3A_1515 : i32 to index
        %get3A_1517 = arith.constant 112 : index
        %get3A_1518 = tpu.vector_load %arg15[%get3A_1516, %get3A_1517] {strides = array<i32>} : memref<16x128xf32, #tpu.memory_space<vmem>>, vector<16xf32>,
        %mul3A_1519 = arith.mulf %get3A_1518, %gather3A_1451 : vector<16xf32>
        %swap3A_1520 = arith.constant 15 : i32
        %swap3A_1521 = arith.index_cast %swap3A_1520 : i32 to index
        %swap3A_1522 = arith.constant 112 : index
        %swap3A_1523 = tpu.vector_load %arg15[%swap3A_1521, %swap3A_1522] {strides = array<i32>} : memref<16x128xf32, #tpu.memory_space<vmem>>, vector<16xf32>,
        tpu.vector_store %arg15[%swap3A_1521, %swap3A_1522], %mul3A_1519 {strides = array<i32>} : memref<16x128xf32, #tpu.memory_space<vmem>>, vector<16xf32>,
        "tpu.region"() ({
          %run_scoped3A = tpu.sem_alloc : memref<!tpu.dma_semaphore, #tpu.memory_space<semaphore_mem>>
          %dma_start3A_1525 = arith.constant 0 : i32
          %dma_start3A_1526 = tpu.memref_slice %arg12[%scan3A_220, %dma_start3A_1525] : memref<72x16xi32, #tpu.memory_space<vmem>> -> memref<1x16xi32, #tpu.memory_space<vmem>>
          %dma_start3A_1527 = tpu.memref_squeeze %dma_start3A_1526 : memref<1x16xi32, #tpu.memory_space<vmem>> -> memref<16xi32, #tpu.memory_space<vmem>>
          %dma_start3A_1528 = arith.constant 0 : i32
          %dma_start3A_1529 = arith.constant 0 : i32
          %dma_start3A_1530 = tpu.memref_slice %arg17[%dma_start3A_1528, %dma_start3A_1529] : memref<10240x128xf32, #tpu.memory_space<vmem_shared>> -> memref<10240x128xf32, #tpu.memory_space<vmem_shared>>
          tpu.enqueue_indirect_dma source(%arg15 : memref<16x128xf32, #tpu.memory_space<vmem>>) target(%dma_start3A_1530 : memref<10240x128xf32, #tpu.memory_space<vmem_shared>>) offsets(%dma_start3A_1527 : memref<16xi32, #tpu.memory_space<vmem>>) semaphore(%run_scoped3A : memref<!tpu.dma_semaphore, #tpu.memory_space<semaphore_mem>>) {add = true}
          %dma_wait3A_1531 = arith.constant 0 : i32
          %dma_wait3A_1532 = tpu.memref_slice %arg12[%scan3A_220, %dma_wait3A_1531] : memref<72x16xi32, #tpu.memory_space<vmem>> -> memref<1x16xi32, #tpu.memory_space<vmem>>
          %dma_wait3A_1533 = tpu.memref_squeeze %dma_wait3A_1532 : memref<1x16xi32, #tpu.memory_space<vmem>> -> memref<16xi32, #tpu.memory_space<vmem>>
          %dma_wait3A_1534 = arith.constant 0 : i32
          %dma_wait3A_1535 = arith.constant 0 : i32
          %dma_wait3A_1536 = tpu.memref_slice %arg17[%dma_wait3A_1534, %dma_wait3A_1535] : memref<10240x128xf32, #tpu.memory_space<vmem_shared>> -> memref<10240x128xf32, #tpu.memory_space<vmem_shared>>
          tpu.wait_indirect_dma semaphore(%run_scoped3A : memref<!tpu.dma_semaphore, #tpu.memory_space<semaphore_mem>>) src(%arg15 : memref<16x128xf32, #tpu.memory_space<vmem>>) dst(%dma_wait3A_1536 : memref<10240x128xf32, #tpu.memory_space<vmem_shared>>)
          tpu.yield
        }) : () -> ()
        %scan3A_1524 = arith.constant 0 : i32
        scf.yield %scan3A_1524 : i32
      }
      %scan3A_218 = arith.constant 72 : i32
      %scan3A_219 = arith.constant 0 : i32
      scf.yield %scan3A_219 : i32
    }
    %scan3A_182 = arith.constant 9 : i32
    %barrier3A_183 = arith.constant 0 : index
    tpu.barrier barrier_id(%barrier3A_183)
    %mul3A_184 = arith.constant 640 : i32
    %mul3A_185 = arith.muli %arg1, %mul3A_184 : i32
    %mul3A_186 = arith.constant 10240 : i32
    %mul3A_187 = arith.muli %arg0, %mul3A_186 : i32
    %mul3A_188 = arith.constant 640 : i32
    %mul3A_189 = arith.muli %arg1, %mul3A_188 : i32
    %add3A_190 = arith.addi %mul3A_187, %mul3A_189 : i32
    "tpu.region"() ({
      %run_scoped3A = tpu.sem_alloc : memref<!tpu.dma_semaphore, #tpu.memory_space<semaphore_mem>>
      %dma_start3A = arith.constant 0 : i32
      %dma_start3A_193 = tpu.memref_slice %arg7[%add3A_190, %dma_start3A] : memref<20480x128xf32, #tpu.memory_space<hbm>> -> memref<640x128xf32, #tpu.memory_space<hbm>>
      %dma_start3A_194 = arith.constant 0 : i32
      %dma_start3A_195 = tpu.memref_slice %arg17[%mul3A_185, %dma_start3A_194] : memref<10240x128xf32, #tpu.memory_space<vmem_shared>> -> memref<640x128xf32, #tpu.memory_space<vmem_shared>>
      tpu.enqueue_dma source(%dma_start3A_195 : memref<640x128xf32, #tpu.memory_space<vmem_shared>>) target(%dma_start3A_193 : memref<640x128xf32, #tpu.memory_space<hbm>>) target_semaphore(%run_scoped3A : memref<!tpu.dma_semaphore, #tpu.memory_space<semaphore_mem>>)
      %dma_wait3A = arith.constant 0 : i32
      %dma_wait3A_196 = tpu.memref_slice %arg7[%add3A_190, %dma_wait3A] : memref<20480x128xf32, #tpu.memory_space<hbm>> -> memref<640x128xf32, #tpu.memory_space<hbm>>
      %dma_wait3A_197 = arith.constant 0 : i32
      %dma_wait3A_198 = tpu.memref_slice %arg17[%mul3A_185, %dma_wait3A_197] : memref<10240x128xf32, #tpu.memory_space<vmem_shared>> -> memref<640x128xf32, #tpu.memory_space<vmem_shared>>
      tpu.wait_dma2 semaphore(%run_scoped3A : memref<!tpu.dma_semaphore, #tpu.memory_space<semaphore_mem>>) src(%dma_wait3A_198 : memref<640x128xf32, #tpu.memory_space<vmem_shared>>) dst(%dma_wait3A_196 : memref<640x128xf32, #tpu.memory_space<hbm>>)
      tpu.yield
    }) : () -> ()
    %mul3A_191 = arith.constant 10000 : i32
    %mul3A_192 = arith.muli %add3A, %mul3A_191 : i32
    "tpu.region"() ({
      %run_scoped3A = tpu.sem_alloc : memref<!tpu.dma_semaphore, #tpu.memory_space<semaphore_mem>>
      %dma_start3A = tpu.memref_slice %arg8[%mul3A_192] : memref<320000xf32, #tpu.memory_space<hbm>> -> memref<10000xf32, #tpu.memory_space<hbm>>
      %dma_start3A_193 = tpu.memref_slice %arg8[%mul3A_192] : memref<320000xf32, #tpu.memory_space<hbm>> -> memref<10000xf32, #tpu.memory_space<hbm>>
      tpu.enqueue_dma source(%arg14 : memref<10000xf32, #tpu.memory_space<vmem>>) target(%dma_start3A_193 : memref<10000xf32, #tpu.memory_space<hbm>>) target_semaphore(%run_scoped3A : memref<!tpu.dma_semaphore, #tpu.memory_space<semaphore_mem>>)
      %dma_wait3A = tpu.memref_slice %arg8[%mul3A_192] : memref<320000xf32, #tpu.memory_space<hbm>> -> memref<10000xf32, #tpu.memory_space<hbm>>
      %dma_wait3A_194 = tpu.memref_slice %arg8[%mul3A_192] : memref<320000xf32, #tpu.memory_space<hbm>> -> memref<10000xf32, #tpu.memory_space<hbm>>
      tpu.wait_dma2 semaphore(%run_scoped3A : memref<!tpu.dma_semaphore, #tpu.memory_space<semaphore_mem>>) src(%arg14 : memref<10000xf32, #tpu.memory_space<vmem>>) dst(%dma_wait3A_194 : memref<10000xf32, #tpu.memory_space<hbm>>)
      tpu.yield
    }) : () -> ()
    return
  }
}

module attributes {stable_mosaic.version = 14 : i64} {
  func.func @body(%arg0: i32, %arg1: memref<400x128xf32, #tpu.memory_space<vmem>>, %arg2: memref<128x64xf32, #tpu.memory_space<vmem>>, %arg3: memref<64x2xf32, #tpu.memory_space<vmem>>, %arg4: memref<400x64xf32, #tpu.memory_space<vmem>>, %arg5: memref<400x2xf32, #tpu.memory_space<vmem>>) attributes {dimension_semantics = [#tpu.dimension_semantics<arbitrary>], iteration_bounds = array<i64: 25>, scalar_prefetch = 0 : i64, scratch_operands = 0 : i64, tpu.core_type = #tpu.core_type<tc>, window_params = [{transform_indices = @transform_0, window_bounds = array<i64: 400, 128>}, {pipeline_mode = #tpu.pipeline_mode<synchronous>, transform_indices = @transform_1, window_bounds = array<i64: 128, 64>}, {pipeline_mode = #tpu.pipeline_mode<synchronous>, transform_indices = @transform_2, window_bounds = array<i64: 64, 2>}, {transform_indices = @transform_3, window_bounds = array<i64: 400, 64>}, {transform_indices = @transform_4, window_bounds = array<i64: 400, 2>}]} {
    %get3A = arith.constant 0 : index
    %get3A_0 = arith.constant 0 : index
    %get3A_1 = vector.load %arg1[%get3A, %get3A_0] : memref<400x128xf32, #tpu.memory_space<vmem>>, vector<400x128xf32>
    %get3A_2 = arith.constant 0 : index
    %get3A_3 = arith.constant 0 : index
    %get3A_4 = vector.load %arg2[%get3A_2, %get3A_3] : memref<128x64xf32, #tpu.memory_space<vmem>>, vector<128x64xf32>
    %dot_general3A = arith.constant dense<0.000000e+00> : vector<400x64xf32>
    %dot_general3A_5 = tpu.matmul %get3A_1, %get3A_4, %dot_general3A {dimension_numbers = #tpu.dot_dimension_numbers<[1], [0], [0], [1], [0, 0, 1, 1], [], []>, transpose_lhs_hint = false} : vector<400x128xf32>, vector<128x64xf32>, vector<400x64xf32> -> vector<400x64xf32>
    %swap3A = arith.constant 0 : index
    %swap3A_6 = arith.constant 0 : index
    %swap3A_7 = vector.load %arg4[%swap3A, %swap3A_6] : memref<400x64xf32, #tpu.memory_space<vmem>>, vector<400x64xf32>
    tpu.vector_store %arg4[%swap3A, %swap3A_6], %dot_general3A_5 {strides = array<i32>} : memref<400x64xf32, #tpu.memory_space<vmem>>, vector<400x64xf32>,
    %get3A_8 = arith.constant 0 : index
    %get3A_9 = arith.constant 0 : index
    %get3A_10 = vector.load %arg3[%get3A_8, %get3A_9] : memref<64x2xf32, #tpu.memory_space<vmem>>, vector<64x2xf32>
    %dot_general3A_11 = arith.constant dense<0.000000e+00> : vector<400x2xf32>
    %dot_general3A_12 = tpu.matmul %dot_general3A_5, %get3A_10, %dot_general3A_11 {dimension_numbers = #tpu.dot_dimension_numbers<[1], [0], [0], [1], [0, 0, 1, 1], [], []>, transpose_lhs_hint = false} : vector<400x64xf32>, vector<64x2xf32>, vector<400x2xf32> -> vector<400x2xf32>
    %swap3A_13 = arith.constant 0 : index
    %swap3A_14 = arith.constant 0 : index
    %swap3A_15 = vector.load %arg5[%swap3A_13, %swap3A_14] : memref<400x2xf32, #tpu.memory_space<vmem>>, vector<400x2xf32>
    tpu.vector_store %arg5[%swap3A_13, %swap3A_14], %dot_general3A_12 {strides = array<i32>} : memref<400x2xf32, #tpu.memory_space<vmem>>, vector<400x2xf32>,
    return
  }
  func.func @transform_0(%arg0: i32) -> (i32, i32) {
    %c0_i32 = arith.constant 0 : i32
    %c0_i32_0 = arith.constant 0 : i32
    return %arg0, %c0_i32 : i32, i32
  }
  func.func @transform_1(%arg0: i32) -> (i32, i32) {
    %c0_i32 = arith.constant 0 : i32
    %c0_i32_0 = arith.constant 0 : i32
    %c0_i32_1 = arith.constant 0 : i32
    return %c0_i32, %c0_i32_0 : i32, i32
  }
  func.func @transform_2(%arg0: i32) -> (i32, i32) {
    %c0_i32 = arith.constant 0 : i32
    %c0_i32_0 = arith.constant 0 : i32
    %c0_i32_1 = arith.constant 0 : i32
    return %c0_i32, %c0_i32_0 : i32, i32
  }
  func.func @transform_3(%arg0: i32) -> (i32, i32) {
    %c0_i32 = arith.constant 0 : i32
    %c0_i32_0 = arith.constant 0 : i32
    return %arg0, %c0_i32 : i32, i32
  }
  func.func @transform_4(%arg0: i32) -> (i32, i32) {
    %c0_i32 = arith.constant 0 : i32
    %c0_i32_0 = arith.constant 0 : i32
    return %arg0, %c0_i32 : i32, i32
  }
}

module attributes {stable_mosaic.version = 14 : i64} {
  func.func @_mid_body(%arg0: i32, %arg1: memref<400x64xf32, #tpu.memory_space<vmem>>, %arg2: memref<400x64xf32, #tpu.memory_space<vmem>>, %arg3: memref<400x32xf32, #tpu.memory_space<vmem>>, %arg4: memref<1x64xf32, #tpu.memory_space<vmem>>, %arg5: memref<64x128xf32, #tpu.memory_space<vmem>>, %arg6: memref<128x2xf32, #tpu.memory_space<vmem>>, %arg7: memref<400x128xf32, #tpu.memory_space<vmem>>, %arg8: memref<400x2xf32, #tpu.memory_space<vmem>>) attributes {dimension_semantics = [#tpu.dimension_semantics<arbitrary>], iteration_bounds = array<i64: 25>, scalar_prefetch = 0 : i64, scratch_operands = 0 : i64, tpu.core_type = #tpu.core_type<tc>, window_params = [{transform_indices = @transform_0, window_bounds = array<i64: 400, 64>}, {transform_indices = @transform_1, window_bounds = array<i64: 400, 64>}, {transform_indices = @transform_2, window_bounds = array<i64: 400, 32>}, {pipeline_mode = #tpu.pipeline_mode<synchronous>, transform_indices = @transform_3, window_bounds = array<i64: 1, 64>}, {pipeline_mode = #tpu.pipeline_mode<synchronous>, transform_indices = @transform_4, window_bounds = array<i64: 64, 128>}, {pipeline_mode = #tpu.pipeline_mode<synchronous>, transform_indices = @transform_5, window_bounds = array<i64: 128, 2>}, {transform_indices = @transform_6, window_bounds = array<i64: 400, 128>}, {transform_indices = @transform_7, window_bounds = array<i64: 400, 2>}]} {
    %get3A = arith.constant 0 : index
    %get3A_0 = arith.constant 0 : index
    %get3A_1 = vector.load %arg3[%get3A, %get3A_0] : memref<400x32xf32, #tpu.memory_space<vmem>>, vector<400x32xf32>
    %reduce_sum3A = arith.constant dense<0.000000e+00> : vector<400xf32>
    %reduce_sum3A_2 = vector.multi_reduction <add>, %get3A_1, %reduce_sum3A [1] : vector<400x32xf32> to vector<400xf32>
    %get3A_3 = arith.constant 0 : index
    %get3A_4 = arith.constant 0 : index
    %get3A_5 = vector.load %arg1[%get3A_3, %get3A_4] : memref<400x64xf32, #tpu.memory_space<vmem>>, vector<400x64xf32>
    %get3A_6 = arith.constant 0 : index
    %get3A_7 = arith.constant 0 : index
    %get3A_8 = vector.load %arg2[%get3A_6, %get3A_7] : memref<400x64xf32, #tpu.memory_space<vmem>>, vector<400x64xf32>
    %add3A = arith.addf %get3A_5, %get3A_8 : vector<400x64xf32>
    %broadcast_in_dim3A = vector.shape_cast %reduce_sum3A_2 : vector<400xf32> to vector<400x1xf32>
    %add3A_9 = arith.constant 1.000000e-16 : f32
    %add3A_10 = vector.broadcast %add3A_9 : f32 to vector<400x1xf32>
    %add3A_11 = arith.addf %broadcast_in_dim3A, %add3A_10 : vector<400x1xf32>
    %div3A = vector.broadcast %add3A_11 : vector<400x1xf32> to vector<400x64xf32>
    %div3A_12 = arith.divf %add3A, %div3A : vector<400x64xf32>
    %get3A_13 = arith.constant 0 : index
    %get3A_14 = arith.constant 0 : index
    %get3A_15 = vector.load %arg4[%get3A_13, %get3A_14] : memref<1x64xf32, #tpu.memory_space<vmem>>, vector<1x64xf32>
    %add3A_16 = vector.broadcast %get3A_15 : vector<1x64xf32> to vector<400x64xf32>
    %add3A_17 = arith.addf %div3A_12, %add3A_16 : vector<400x64xf32>
    %gt3A = arith.constant 0.000000e+00 : f32
    %gt3A_18 = vector.broadcast %gt3A : f32 to vector<400x64xf32>
    %gt3A_19 = arith.cmpf ogt, %add3A_17, %gt3A_18 : vector<400x64xf32>
    %min3A = arith.constant 0.000000e+00 : f32
    %min3A_20 = vector.broadcast %min3A : f32 to vector<400x64xf32>
    %min3A_21 = arith.minimumf %add3A_17, %min3A_20 : vector<400x64xf32>
    %exp3A = math.exp %min3A_21 : vector<400x64xf32>
    %sub3A = arith.constant 1.000000e+00 : f32
    %sub3A_22 = vector.broadcast %sub3A : f32 to vector<400x64xf32>
    %sub3A_23 = arith.subf %exp3A, %sub3A_22 : vector<400x64xf32>
    %select_n3A = arith.select %gt3A_19, %add3A_17, %sub3A_23 : vector<400x64xi1>, vector<400x64xf32>
    %get3A_24 = arith.constant 0 : index
    %get3A_25 = arith.constant 0 : index
    %get3A_26 = vector.load %arg5[%get3A_24, %get3A_25] : memref<64x128xf32, #tpu.memory_space<vmem>>, vector<64x128xf32>
    %dot_general3A = arith.constant dense<0.000000e+00> : vector<400x128xf32>
    %dot_general3A_27 = tpu.matmul %select_n3A, %get3A_26, %dot_general3A {dimension_numbers = #tpu.dot_dimension_numbers<[1], [0], [0], [1], [0, 0, 1, 1], [], []>, transpose_lhs_hint = false} : vector<400x64xf32>, vector<64x128xf32>, vector<400x128xf32> -> vector<400x128xf32>
    %swap3A = arith.constant 0 : index
    %swap3A_28 = arith.constant 0 : index
    %swap3A_29 = vector.load %arg7[%swap3A, %swap3A_28] : memref<400x128xf32, #tpu.memory_space<vmem>>, vector<400x128xf32>
    tpu.vector_store %arg7[%swap3A, %swap3A_28], %dot_general3A_27 {strides = array<i32>} : memref<400x128xf32, #tpu.memory_space<vmem>>, vector<400x128xf32>,
    %get3A_30 = arith.constant 0 : index
    %get3A_31 = arith.constant 0 : index
    %get3A_32 = vector.load %arg6[%get3A_30, %get3A_31] : memref<128x2xf32, #tpu.memory_space<vmem>>, vector<128x2xf32>
    %dot_general3A_33 = arith.constant dense<0.000000e+00> : vector<400x2xf32>
    %dot_general3A_34 = tpu.matmul %dot_general3A_27, %get3A_32, %dot_general3A_33 {dimension_numbers = #tpu.dot_dimension_numbers<[1], [0], [0], [1], [0, 0, 1, 1], [], []>, transpose_lhs_hint = false} : vector<400x128xf32>, vector<128x2xf32>, vector<400x2xf32> -> vector<400x2xf32>
    %swap3A_35 = arith.constant 0 : index
    %swap3A_36 = arith.constant 0 : index
    %swap3A_37 = vector.load %arg8[%swap3A_35, %swap3A_36] : memref<400x2xf32, #tpu.memory_space<vmem>>, vector<400x2xf32>
    tpu.vector_store %arg8[%swap3A_35, %swap3A_36], %dot_general3A_34 {strides = array<i32>} : memref<400x2xf32, #tpu.memory_space<vmem>>, vector<400x2xf32>,
    return
  }
  func.func @transform_0(%arg0: i32) -> (i32, i32) {
    %c0_i32 = arith.constant 0 : i32
    %c0_i32_0 = arith.constant 0 : i32
    return %arg0, %c0_i32 : i32, i32
  }
  func.func @transform_1(%arg0: i32) -> (i32, i32) {
    %c0_i32 = arith.constant 0 : i32
    %c0_i32_0 = arith.constant 0 : i32
    return %arg0, %c0_i32 : i32, i32
  }
  func.func @transform_2(%arg0: i32) -> (i32, i32) {
    %c0_i32 = arith.constant 0 : i32
    %c0_i32_0 = arith.constant 0 : i32
    return %arg0, %c0_i32 : i32, i32
  }
  func.func @transform_3(%arg0: i32) -> (i32, i32) {
    %c0_i32 = arith.constant 0 : i32
    %c0_i32_0 = arith.constant 0 : i32
    %c0_i32_1 = arith.constant 0 : i32
    return %c0_i32, %c0_i32_0 : i32, i32
  }
  func.func @transform_4(%arg0: i32) -> (i32, i32) {
    %c0_i32 = arith.constant 0 : i32
    %c0_i32_0 = arith.constant 0 : i32
    %c0_i32_1 = arith.constant 0 : i32
    return %c0_i32, %c0_i32_0 : i32, i32
  }
  func.func @transform_5(%arg0: i32) -> (i32, i32) {
    %c0_i32 = arith.constant 0 : i32
    %c0_i32_0 = arith.constant 0 : i32
    %c0_i32_1 = arith.constant 0 : i32
    return %c0_i32, %c0_i32_0 : i32, i32
  }
  func.func @transform_6(%arg0: i32) -> (i32, i32) {
    %c0_i32 = arith.constant 0 : i32
    %c0_i32_0 = arith.constant 0 : i32
    return %arg0, %c0_i32 : i32, i32
  }
  func.func @transform_7(%arg0: i32) -> (i32, i32) {
    %c0_i32 = arith.constant 0 : i32
    %c0_i32_0 = arith.constant 0 : i32
    return %arg0, %c0_i32 : i32, i32
  }
}

module attributes {stable_mosaic.version = 14 : i64} {
  func.func @_fin_body(%arg0: i32, %arg1: memref<400x128xf32, #tpu.memory_space<vmem>>, %arg2: memref<400x128xf32, #tpu.memory_space<vmem>>, %arg3: memref<400x32xf32, #tpu.memory_space<vmem>>, %arg4: memref<1x128xf32, #tpu.memory_space<vmem>>, %arg5: memref<400x128xf32, #tpu.memory_space<vmem>>) attributes {dimension_semantics = [#tpu.dimension_semantics<arbitrary>], iteration_bounds = array<i64: 25>, scalar_prefetch = 0 : i64, scratch_operands = 0 : i64, tpu.core_type = #tpu.core_type<tc>, window_params = [{transform_indices = @transform_0, window_bounds = array<i64: 400, 128>}, {transform_indices = @transform_1, window_bounds = array<i64: 400, 128>}, {transform_indices = @transform_2, window_bounds = array<i64: 400, 32>}, {pipeline_mode = #tpu.pipeline_mode<synchronous>, transform_indices = @transform_3, window_bounds = array<i64: 1, 128>}, {transform_indices = @transform_4, window_bounds = array<i64: 400, 128>}]} {
    %get3A = arith.constant 0 : index
    %get3A_0 = arith.constant 0 : index
    %get3A_1 = vector.load %arg3[%get3A, %get3A_0] : memref<400x32xf32, #tpu.memory_space<vmem>>, vector<400x32xf32>
    %reduce_sum3A = arith.constant dense<0.000000e+00> : vector<400xf32>
    %reduce_sum3A_2 = vector.multi_reduction <add>, %get3A_1, %reduce_sum3A [1] : vector<400x32xf32> to vector<400xf32>
    %get3A_3 = arith.constant 0 : index
    %get3A_4 = arith.constant 0 : index
    %get3A_5 = vector.load %arg1[%get3A_3, %get3A_4] : memref<400x128xf32, #tpu.memory_space<vmem>>, vector<400x128xf32>
    %get3A_6 = arith.constant 0 : index
    %get3A_7 = arith.constant 0 : index
    %get3A_8 = vector.load %arg2[%get3A_6, %get3A_7] : memref<400x128xf32, #tpu.memory_space<vmem>>, vector<400x128xf32>
    %add3A = arith.addf %get3A_5, %get3A_8 : vector<400x128xf32>
    %broadcast_in_dim3A = vector.shape_cast %reduce_sum3A_2 : vector<400xf32> to vector<400x1xf32>
    %add3A_9 = arith.constant 1.000000e-16 : f32
    %add3A_10 = vector.broadcast %add3A_9 : f32 to vector<400x1xf32>
    %add3A_11 = arith.addf %broadcast_in_dim3A, %add3A_10 : vector<400x1xf32>
    %div3A = vector.broadcast %add3A_11 : vector<400x1xf32> to vector<400x128xf32>
    %div3A_12 = arith.divf %add3A, %div3A : vector<400x128xf32>
    %get3A_13 = arith.constant 0 : index
    %get3A_14 = arith.constant 0 : index
    %get3A_15 = vector.load %arg4[%get3A_13, %get3A_14] : memref<1x128xf32, #tpu.memory_space<vmem>>, vector<1x128xf32>
    %add3A_16 = vector.broadcast %get3A_15 : vector<1x128xf32> to vector<400x128xf32>
    %add3A_17 = arith.addf %div3A_12, %add3A_16 : vector<400x128xf32>
    %swap3A = arith.constant 0 : index
    %swap3A_18 = arith.constant 0 : index
    %swap3A_19 = vector.load %arg5[%swap3A, %swap3A_18] : memref<400x128xf32, #tpu.memory_space<vmem>>, vector<400x128xf32>
    tpu.vector_store %arg5[%swap3A, %swap3A_18], %add3A_17 {strides = array<i32>} : memref<400x128xf32, #tpu.memory_space<vmem>>, vector<400x128xf32>,
    return
  }
  func.func @transform_0(%arg0: i32) -> (i32, i32) {
    %c0_i32 = arith.constant 0 : i32
    %c0_i32_0 = arith.constant 0 : i32
    return %arg0, %c0_i32 : i32, i32
  }
  func.func @transform_1(%arg0: i32) -> (i32, i32) {
    %c0_i32 = arith.constant 0 : i32
    %c0_i32_0 = arith.constant 0 : i32
    return %arg0, %c0_i32 : i32, i32
  }
  func.func @transform_2(%arg0: i32) -> (i32, i32) {
    %c0_i32 = arith.constant 0 : i32
    %c0_i32_0 = arith.constant 0 : i32
    return %arg0, %c0_i32 : i32, i32
  }
  func.func @transform_3(%arg0: i32) -> (i32, i32) {
    %c0_i32 = arith.constant 0 : i32
    %c0_i32_0 = arith.constant 0 : i32
    %c0_i32_1 = arith.constant 0 : i32
    return %c0_i32, %c0_i32_0 : i32, i32
  }
  func.func @transform_4(%arg0: i32) -> (i32, i32) {
    %c0_i32 = arith.constant 0 : i32
    %c0_i32_0 = arith.constant 0 : i32
    return %arg0, %c0_i32 : i32, i32
  }
}

</mosaic_0001>

<sc_bundles>
// kernel: kernel.10.cloned.1.call-start
scs
__scs_entry_jumppad:
0x0: {  	(pc) =	sbr.rel $0x88, $3  }
0x1: {  	(tag) =	ssettag $0x0;
	lr =	simm.s32 $0x1  }
0x2: {  	[smem:$0x3F97] =	sst lr;
	_ =	strace $0xD0000000  }
0x3: {  	_ = 	snop  }
0x4: {  	_ = 	snop  }
0x5: {  	_ = 	snop  }
0x6: {  	_ = 	snop  }
0x7: {  	_ = 	snop  }
__scs_overlays_trampoline_lowered:
0x8: {  	[smem:$0x3FA6] =	sst s0  }
0x9: {  	[smem:$0x3FA7] =	sst s1  }
0xa: {  	[smem:$0x3FA8] =	sst s2  }
0xb: {  	[smem:$0x3FA9] =	sst s3  }
0xc: {  	[smem:$0x3FAA] =	sst s4  }
0xd: {  	[smem:$0x3FAB] =	sst s5  }
0xe: {  	[smem:$0x3FAC] =	sst s6  }
0xf: {  	[smem:$0x3FAD] =	sst s7  }
0x10: {  	[smem:$0x3FAE] =	sst s8  }
0x11: {  	[smem:$0x3FAF] =	sst s9;
	s0 =	simm.s32 @!p0 $0x0  }
0x12: {  	s1 =	sld [smem:$0x3F95];
	s0 =	simm.s32 @p0 $0x1  }
0x13: {  	[smem:$0x3FB0] =	sst s0;
	s0 =	simm.s32 @!p1 $0x0  }
0x14: {  	s2 =	sld [smem:$0x3F94];
	s0 =	simm.s32 @p1 $0x1  }
0x15: {  	[smem:$0x3FB1] =	sst s0;
	s0 =	simm.s32 @!p2 $0x0  }
0x16: {  	s3 =	sld [smem:$0x3FDB];
	s0 =	simm.s32 @p2 $0x1  }
0x17: {  	s4 =	simm.s32 $0x1BF5;
	[smem:$0x3FB3] =	sst s0  }
0x18: {  	s0 =	sld [smem:$0x3F96];
	_ =	swait.ge [sflag:s4], $0x0  }
0x19: {  	s7 =	sld [smem:$0x3F97]  }
0x1a: {  	s8 =	sadd.s32 $0xFFFFE003, lr  }
0x1b: {  	s9 =	sadd.s32 $0xFFFFFEF7, lr;
	s5 =	simm.s32 $0xFFFFFFFF;
	p2 =	slt.u32 s8, $0xFFFFF086  }
0x1c: {  	p1 =	slt.u32 s9, $0xF7A;
	s5 =	simm.s32 @!p2 $0x0  }
0x1d: {  	s5 =	simm.s32 @p1 $0x1;
	p0 =	seq.s32 s7, s2  }
0x1e: {  	s7 =	smul.u32 @!p0 $0xF7A, s2;
	p2 =	seq.s32 @!p0 s5, $0x0  }
0x1f: {  	s9 =	smul.u32 $0xF7A, s1;
	s8 =	simm.s32 @!p0 $0x1BF5;
	p2 =	por !p2, p0  }
0x20: {  	[sflag:s8] =	ssyncset.s32 @!p0 $0xFFFFF086;
	s6 =	sadd.s32 @!p0 s3, s7;
	s7 =	simm.s32 @!p0 $0x108  }
0x21: {  	s3 =	sadd.s32 s3, s9;
	s6 =	sadd.s32 @!p0 $0x88, s6;
	s7 =	simm.s32 @p2 $0x1082  }
0x22: {  	[simem:s7], [sflag:s8] =	dma.local @!p0 [hbm:s6], $0xF7A  }
0x23: {  	s9 =	sor.u32 $0xD0000000, s2;
	s6 =	simm.s32 $0x108;
	_ =	swait.ge @!p0 [sflag:s8], $0x0  }
0x24: {  	s3 =	sadd.s32 $0x88, s3;
	s6 =	simm.s32 @!p1 $0x1082;
	[sflag:s4] =	ssyncset.s32 $0xFFFFF086  }
0x25: {  	[simem:s6], [sflag:s4] =	dma.local [hbm:s3], $0xF7A  }
0x26: {  	[smem:$0x3F97] =	sst s1;
	(tag) =	ssettag s2;
	_ =	strace s9  }
0x27: {  	s1 =	sld [smem:$0x3FA7]  }
0x28: {  	s2 =	sld [smem:$0x3FA8]  }
0x29: {  	s4 =	sld [smem:$0x3FAA]  }
0x2a: {  	p0 =	seq.s32 s5, $0x0;
	s5 =	sld [smem:$0x3FAB]  }
0x2b: {  	s6 =	sld [smem:$0x3FAC]  }
0x2c: {  	s7 =	sld [smem:$0x3FAD]  }
0x2d: {  	s3 =	simm.s32 $0x108;
	s8 =	sld [smem:$0x3FAE]  }
0x2e: {  	s3 =	simm.s32 @!p0 $0x1082;
	s9 =	sld [smem:$0x3FAF]  }
0x2f: {  	lr =	sadd.s32 s0, s3;
	s0 =	sld [smem:$0x3FA6]  }
0x30: {  	s3 =	sld [smem:$0x3FA9]  }
0x31: {  	[smem:$0x3FB2] =	sst s10  }
0x32: {  	s10 =	sld [smem:$0x3FB0];
	_ =	sdelay $0x3  }
0x33: {  	p0 =	seq.s32 s10, $0x1;
	s10 =	sld [smem:$0x3FB2];
	_ =	sdelay $0x3  }
0x34: {  	[smem:$0x3FB2] =	sst s10  }
0x35: {  	s10 =	sld [smem:$0x3FB1];
	_ =	sdelay $0x3  }
0x36: {  	p1 =	seq.s32 s10, $0x1;
	s10 =	sld [smem:$0x3FB2];
	_ =	sdelay $0x3  }
0x37: {  	[smem:$0x3FB2] =	sst s10  }
0x38: {  	s10 =	sld [smem:$0x3FB3]  }
0x39: {  	_ = 	snop;
	(pc) =	sbr.ind lr, $3  }
0x3a: {  	_ = 	snop  }
0x3b: {  	_ = 	snop  }
0x3c: {  	p2 =	seq.s32 s10, $0x1;
	s10 =	sld [smem:$0x3FB2]  }
0x3d: {  	_ =	shalt  }
0x3e: {  	_ =	shalt  }
0x3f: {  	_ =	shalt  }
0x40: {  	_ =	shalt  }
0x41: {  	_ =	shalt  }
0x42: {  	_ =	shalt  }
0x43: {  	_ =	shalt  }
0x44: {  	_ =	shalt  }
0x45: {  	_ =	shalt  }
0x46: {  	_ =	shalt  }
0x47: {  	_ =	shalt  }
0x48: {  	_ =	shalt  }
0x49: {  	_ =	shalt  }
0x4a: {  	_ =	shalt  }
0x4b: {  	_ =	shalt  }
0x4c: {  	_ =	shalt  }
0x4d: {  	_ =	shalt  }
0x4e: {  	_ =	shalt  }
0x4f: {  	_ =	shalt  }
0x50: {  	_ =	shalt  }
0x51: {  	_ =	shalt  }
0x52: {  	_ =	shalt  }
0x53: {  	_ =	shalt  }
0x54: {  	_ =	shalt  }
0x55: {  	_ =	shalt  }
0x56: {  	_ =	shalt  }
0x57: {  	_ =	shalt  }
0x58: {  	_ =	shalt  }
0x59: {  	_ =	shalt  }
0x5a: {  	_ =	shalt  }
0x5b: {  	_ =	shalt  }
0x5c: {  	_ =	shalt  }
0x5d: {  	_ =	shalt  }
0x5e: {  	_ =	shalt  }
0x5f: {  	_ =	shalt  }
0x60: {  	_ =	shalt  }
0x61: {  	_ =	shalt  }
0x62: {  	_ =	shalt  }
0x63: {  	_ =	shalt  }
0x64: {  	_ =	shalt  }
0x65: {  	_ =	shalt  }
0x66: {  	_ =	shalt  }
0x67: {  	_ =	shalt  }
0x68: {  	_ =	shalt  }
0x69: {  	_ =	shalt  }
0x6a: {  	_ =	shalt  }
0x6b: {  	_ =	shalt  }
0x6c: {  	_ =	shalt  }
0x6d: {  	_ =	shalt  }
0x6e: {  	_ =	shalt  }
0x6f: {  	_ =	shalt  }
0x70: {  	_ =	shalt  }
0x71: {  	_ =	shalt  }
0x72: {  	_ =	shalt  }
0x73: {  	_ =	shalt  }
0x74: {  	_ =	shalt  }
0x75: {  	_ =	shalt  }
0x76: {  	_ =	shalt  }
0x77: {  	_ =	shalt  }
0x78: {  	_ =	shalt  }
0x79: {  	_ =	shalt  }
0x7a: {  	_ =	shalt  }
0x7b: {  	_ =	shalt  }
0x7c: {  	_ =	shalt  }
0x7d: {  	_ =	shalt  }
0x7e: {  	_ =	shalt  }
0x7f: {  	_ =	shalt  }
0x80: {  	_ =	shalt  }
0x81: {  	_ =	shalt  }
0x82: {  	_ =	shalt  }
0x83: {  	_ =	shalt  }
0x84: {  	_ =	shalt  }
0x85: {  	_ =	shalt  }
0x86: {  	_ =	shalt  }
0x87: {  	_ =	shalt  }
.Lfunc_end0:
.L_simem_size_0:
called_computation.1_lowered:
.L_overlay_start_0:
0x88: {  	s2 =	sld [smem:$0x3FD9]  }
0x89: {  	s3 =	sld [smem:$0x3FFE];
	_ =	sdelay $0x1  }
0x8a: {  	s1 =	srdreg.scid  }
0x8b: {  	s0 =	sand.u32 $0x1, s1  }
0x8c: {  	s17 =	sshll.u32 s0, $0xA;
	s2 =	sadd.s32 s3, s2  }
0x8d: {  	s2 =	sadd.s32 s2, s17  }
0x8e: {  	[smem:$0x3FBE] =	sst s2  }
0x8f: {  	_ = 	snop  }
0x90: {  	s2 =	sld [smem:$0x3FD0];
	(tm) =	ssettm $0x1  }
0x91: {  	s18 =	sld [smem:$0x3FFB];
	_ =	sdelay $0x3  }
0x92: {  	_ =	strace s18  }
0x93: {  	s3 =	sld [smem:$0x3FFC];
	_ =	sdelay $0x3  }
0x94: {  	_ =	strace s3  }
0x95: {  	s3 =	sld [smem:$0x3FFD];
	_ =	sdelay $0x3  }
0x96: {  	_ =	strace s3  }
0x97: {  	_ =	strace $0x8FFFFFFF  }
0x98: {  	s19 =	sld [smem:$0x3FDB];
	_ =	sdelay $0x1  }
0x99: {  	s4 =	simm.s32 $_scs_section_size  }
0x9a: {  	s5 =	simm.s32 $_size__tile_overlayer_lowered;
	s6 =	simm.s32 $_tile_overlayer_lowered  }
0x9b: {  	s22 =	simm.s32 $0x1BFF;
	s21 =	sshll.u32 s6, $0x1;
	s3 =	sadd.s32 s4, s19  }
0x9c: {  	s7 =	simm.s32 $0x0;
	s20 =	sshll.u32 s5, $0x1;
	s5 =	sadd.s32 s21, s3  }
0x9d: {  	[timem:s7], [sflag:s22] =	dma.local [hbm:s5], s20  }
0x9e: {  	_ =	swait.ge [sflag:s22], s20  }
0x9f: {  	s4 =	ssub.s32 $0x0, s20;
	[sflag:s22] =	ssyncset.done $0x0  }
0xa0: {  	[sflag:s22] =	ssyncadd.s32 s4;
	_ =	sdelay $0x1  }
0xa1: {  	s23 =	simm.s32 $0x1B8B  }
0xa2: {  	_ =	swait.ge [sflag:s23], $0x1  }
0xa3: {  	[sflag:s23] =	ssyncset.done $0x0  }
0xa4: {  	s25 =	simm.s32 $0x1B8E;
	s24 =	sld [smem:$0x3FFE];
	[sflag:s23] =	ssyncadd.s32 $0xFFFFFFFF  }
0xa5: {  	s26 =	simm.s32 $execute0_lowered;
	[smem:$0x3FD2] =	sst s25  }
0xa6: {  	s5 =	sshll.u32 s26, $0x1;
	_ =	strace $0x80000049;
	[dreg:$0x1] =	wrdreg $0xFFFFFFFF  }
0xa7: {  	s28 =	simm.s32 $_size_execute0_lowered;
	s3 =	sadd.s32 s3, s5;
	[dreg:$0x0] =	wrdreg $0x0  }
0xa8: {  	s5 =	sshll.u32 s28, $0x1;
	[dreg:$0x2] =	wrdreg s3  }
0xa9: {  	[dreg:$0x3] =	wrdreg s5  }
0xaa: {  	[dreg:$0x4] =	wrdreg $0xC0  }
0xab: {  	_ =	task [dreg:s7], $0x5FFFF  }
0xac: {  	[dreg:$0x1] =	wrdreg $0xFFFFFFFF  }
0xad: {  	[dreg:$0x0] =	wrdreg $0x60  }
0xae: {  	[dreg:$0x2] =	wrdreg s24  }
0xaf: {  	[dreg:$0x3] =	wrdreg s2  }
0xb0: {  	[dreg:$0x4] =	wrdreg $0x92B00  }
0xb1: {  	[dreg:$0x5] =	wrdreg $0x9  }
0xb2: {  	_ =	task.clear_ibuf [dreg:s7], $0x6FFFF;
	_ =	strace $0x90000049  }
0xb3: {  	s29 =	simm.s32 $0x9;
	_ =	strace $0x8000004B  }
0xb4: {  	_ =	swait.ge [sflag:s29], $0x1  }
0xb5: {  	[sflag:s29] =	ssyncadd.s32 $0xFFFFFFFF  }
0xb6: {  	_ =	strace $0x9000004B  }
0xb7: {  	_ =	sfence  }
0xb8: {  	s30 =	sld [smem:$0x0];
	_ =	sdelay $0x2  }
0xb9: {  	s31 =	sshll.u32 s1, $0xD;
	s1 =	sshrl.u32 s1, $0x2  }
0xba: {  	s3 =	sand.u32 $0x4000, s31;
	s1 =	sadd.s32 s1, s30  }
0xbb: {  	s0 =	sor.u32 s3, s0;
	s1 =	sshll.u32 s1, $0x11  }
0xbc: {  	s0 =	sor.u32 s1, s0  }
0xbd: {  	s0 =	sadd.s32 $0x8F2B, s0  }
0xbe: {  	[sflag:s0] =	ssyncadd.remote.s32 $0x1  }
0xbf: {  	_ =	sfence.sel $0xFFFF  }
0xc0: {  	[dreg:$0x0] =	wrdreg $0xFFFFFFFF;
	(pc) =	sbr.abs _section_cstart, $3  }
0xc1: {  	[dreg:$0x1] =	wrdreg $0xFFFFFFFF  }
0xc2: {  	_ =	task.clear_ibuf [dreg:s7], $0x2FFFF;
	_ =	strace $0x9FFFFFFF  }
0xc3: {  	(tm) =	ssettm $0x7FFFFFFF  }
tec
execute0_lowered:
.L_overlay_start_1:
0x0: {  	(tag) =	ssettag $0x1  }
0x1: {  	s0 =	rddreg [dreg:$0x0]  }
0x2: {  	s1 =	rddreg [dreg:$0x1]  }
0x3: {  	s2 =	rddreg [dreg:$0x2]  }
0x4: {  	s3 =	simm.s32 $0x0;
	s4 =	srdreg.scid;
	s13 =	stileid.u32  }
0x5: {  	[smem:$0x7FF] =	sst s3;
	s4 =	sand.u32 $0x1, s4;
	s21 =	smul.u32 $0x50000, s13  }
0x6: {  	s9 =	sshll.u32 s13, $0x1;
	s10 =	sadd.s32 $0x15800, s0;
	s14 =	smul.u32 $0x5100, s13  }
0x7: {  	_ =	strace $0x8000004A;
	s20 =	smul.u32 $0x28000, s4;
	[dreg:$0x5] =	wrdreg s10  }
0x8: {  	s10 =	sor.u32 s4, s9;
	s11 =	ssub.s32 $0x2, s4;
	s4 =	smul.u32 $0x2880, s4  }
0x9: {  	s8 =	sadd.s32 $0x15E00, s0;
	s9 =	sshrl.u32 s21, $0x2  }
0xa: {  	[dreg:$0x4] =	wrdreg s8;
	s9 =	sadd.s32 s9, s2;
	s4 =	sadd.s32 s4, s14  }
0xb: {  	s23 =	sadd.s32 $0x800, s9;
	[dreg:$0x10] =	wrdreg s4  }
0xc: {  	s24 =	sadd.s32 $0x1000, s9;
	[dreg:$0x6] =	wrdreg s23  }
0xd: {  	s25 =	sadd.s32 $0x1800, s9;
	[dreg:$0x7] =	wrdreg s24  }
0xe: {  	s12 =	sshrl.u32 s11, $0x1;
	s26 =	sadd.s32 $0x2000, s9;
	[dreg:$0x8] =	wrdreg s25  }
0xf: {  	s8 =	ssub.s32 s11, s12;
	s12 =	sadd.s32 $0x2800, s9;
	[dreg:$0x9] =	wrdreg s26  }
0x10: {  	s5 =	sadd.s32 $0xB600, s0;
	s15 =	sadd.s32 $0x3000, s9;
	[dreg:$0xa] =	wrdreg s12  }
0x11: {  	s6 =	sadd.s32 $0x1400, s0;
	s16 =	sadd.s32 $0x3800, s9;
	[dreg:$0xb] =	wrdreg s15  }
0x12: {  	s7 =	smul.u32 $0x2800, s13;
	s17 =	sadd.s32 $0x4000, s9;
	[dreg:$0xc] =	wrdreg s16  }
0x13: {  	s22 =	smul.u32 $0x4E2, s10;
	s18 =	sadd.s32 $0x4800, s9;
	[dreg:$0xd] =	wrdreg s17  }
0x14: {  	s7 =	sadd.s32 s7, s20;
	s19 =	sadd.s32 $0x5000, s9;
	[dreg:$0xe] =	wrdreg s18  }
0x15: {  	s7 =	sadd.s32 s7, s0;
	s20 =	sadd.s32 $0x5800, s9;
	[dreg:$0xf] =	wrdreg s19  }
0x16: {  	s0 =	sadd.s32 s22, s0;
	s4 =	sadd.s32 $0x7800, s9;
	[dreg:$0x11] =	wrdreg s20  }
0x17: {  	s22 =	smul.u32 $0x288, s10;
	s10 =	sadd.s32 $0x9000, s9;
	[dreg:$0x18] =	wrdreg s4  }
0x18: {  	s11 =	sadd.s32 $0x9800, s9;
	[dreg:$0x1b] =	wrdreg s10  }
0x19: {  	s13 =	sadd.s32 $0xA800, s9;
	[dreg:$0x1c] =	wrdreg s11  }
0x1a: {  	s14 =	sadd.s32 $0xB000, s9;
	[dreg:$0x1e] =	wrdreg s13  }
0x1b: {  	s21 =	sadd.s32 $0x16400, s7;
	[dreg:$0x1f] =	wrdreg s14  }
0x1c: {  	s0 =	sadd.s32 $0x66400, s0;
	[dreg:$0x12] =	wrdreg s21  }
0x1d: {  	s23 =	smax.u32 s8, $0x1;
	[dreg:$0x13] =	wrdreg s0  }
0x1e: {  	s24 =	sadd.s32 $0x6000, s9;
	[dreg:$0x14] =	wrdreg s23  }
0x1f: {  	s25 =	sadd.s32 $0x6800, s9;
	[dreg:$0x15] =	wrdreg s24  }
0x20: {  	s26 =	sadd.s32 $0x7000, s9;
	[dreg:$0x16] =	wrdreg s25  }
0x21: {  	s7 =	sadd.s32 $0x8000, s9;
	[dreg:$0x17] =	wrdreg s26  }
0x22: {  	s8 =	sadd.s32 $0x8800, s9;
	[dreg:$0x19] =	wrdreg s7  }
0x23: {  	s31 =	simm.s32 $0x2;
	s12 =	sadd.s32 $0xA000, s9;
	[dreg:$0x1a] =	wrdreg s8  }
0x24: {  	s28 =	sadd.s32 $0x12000, s9;
	s15 =	sadd.s32 $0xB800, s9;
	[dreg:$0x1d] =	wrdreg s12  }
0x25: {  	s29 =	sadd.s32 $0x12800, s9;
	s16 =	sadd.s32 $0xC000, s9;
	[smem:$0x7F3] =	sst s15  }
0x26: {  	s30 =	sadd.s32 $0x13800, s9;
	s17 =	sadd.s32 $0xC800, s9;
	[smem:$0x7F4] =	sst s16  }
0x27: {  	s18 =	sadd.s32 $0xD000, s9;
	s19 =	sadd.s32 $0xD800, s9;
	[smem:$0x7F5] =	sst s17  }
0x28: {  	s20 =	sadd.s32 $0xE000, s9;
	s4 =	simm.s32 $0x8AB0;
	[smem:$0x7F6] =	sst s18  }
0x29: {  	s10 =	simm.s32 $0x5BA0;
	s11 =	simm.s32 $0x10;
	[smem:$0x7F7] =	sst s19  }
0x2a: {  	s13 =	simm.s32 $0x1;
	s14 =	simm.s32 $0x5720;
	[smem:$0x7F8] =	sst s20  }
0x2b: {  	s21 =	sadd.s32 $0xE800, s9;
	s23 =	sadd.s32 $0xF000, s9;
	s24 =	sadd.s32 $0xF800, s9  }
0x2c: {  	s25 =	sadd.s32 $0x10000, s9;
	s26 =	sadd.s32 $0x10800, s9;
	[smem:$0x7F9] =	sst s21  }
0x2d: {  	s20 =	sadd.s32 $0x13000, s9;
	s0 =	simm.s32 $0x2710;
	[smem:$0x7FA] =	sst s23  }
0x2e: {  	s7 =	simm.s32 $0x4E20;
	s8 =	simm.s32 $0x52A0;
	[smem:$0x7FB] =	sst s24  }
0x2f: {  	v1 =	vimm.s32 $0x0;
	vm0 =	vcmask $0x300;
	s12 =	simm.s32 $0x82B0;
	s15 =	simm.s32 $0x0;
	[smem:$0x7FC] =	sst s25  }
0x30: {  	v0 =	vimm.f32 $0.0e+00;
	v1 =	vsel vm0, $0x3, v1;
	[smem:$0x7FD] =	sst s26;
	s25 =	sadd.s32 $0x11000, s9;
	s26 =	sadd.s32 $0x11800, s9  }
.LBB2_1:
0x31: {  	s16 =	rddreg [dreg:$0x4]  }
0x32: {  	[tilespmem:s3], [sflag:$0x2] =	stream.linear.gather [hbm4b:s16+s3], $0x2710, $0x38;
	[tilespmem:$0x1D2B0] =	vst v63  }
0x33: {  	_ =	swait.ge [sflag:s31], $0x2710  }
0x34: {  	[sflag:s31] =	ssyncset.done $0x0  }
0x35: {  	s24 =	rddreg [dreg:$0x5];
	[sflag:s31] =	ssyncadd.s32 $0xFFFFD8F0  }
0x36: {  	[tilespmem:s0], [sflag:$0x2] =	stream.linear.gather [hbm4b:s24+s3], $0x2710, $0x38;
	[tilespmem:$0x1D2B0] =	vst v63  }
0x37: {  	_ =	swait.ge [sflag:s31], $0x2710  }
0x38: {  	[sflag:s31] =	ssyncset.done $0x0  }
0x39: {  	s17 =	simm.s32 $0x200;
	s16 =	simm.s32 $0x0;
	[sflag:s31] =	ssyncadd.s32 $0xFFFFD8F0  }
.LBB2_2:
0x3a: {  	p0 =	sne.s32 s17, $0x1E00;
	[tilespmem:s16+$0x8B20] =	vst v0  }
0x3b: {  	[tilespmem:s16+$0x8AB0] =	vst v0  }
0x3c: {  	[tilespmem:s16+$0x8AC0] =	vst v0  }
.Ltmp0:
0x3d: {  	[tilespmem:s16+$0x8AD0] =	vst v0;
	(pc) =	sbr.rel @p0 .LBB2_2-.Ltmp0, $4  }
0x3e: {  	[tilespmem:s16+$0x8AE0] =	vst v0  }
0x3f: {  	[tilespmem:s16+$0x8AF0] =	vst v0  }
0x40: {  	[tilespmem:s16+$0x8B00] =	vst v0  }
0x41: {  	[tilespmem:s16+$0x8B10] =	vst v0;
	s16 =	sshra.s32 s17, $0x2;
	s17 =	sadd.s32 $0x200, s17  }
0x42: {  	[tilespmem:s16+$0x8B20] =	vst v0  }
0x43: {  	[tilespmem:s16+$0x8AB0] =	vst v0  }
0x44: {  	[tilespmem:s16+$0x8AC0] =	vst v0  }
0x45: {  	[tilespmem:s16+$0x8AD0] =	vst v0  }
0x46: {  	[tilespmem:s16+$0x8AE0] =	vst v0  }
0x47: {  	[tilespmem:s16+$0x8AF0] =	vst v0  }
0x48: {  	[tilespmem:s16+$0x8B00] =	vst v0  }
0x49: {  	[tilespmem:s16+$0x8B10] =	vst v0;
	s16 =	simm.s32 $0x40;
	s17 =	simm.s32 $0x0  }
.LBB2_4:
0x4a: {  	p0 =	sne.s32 s16, $0x9C00;
	[tilespmem:s17+$0x5BA0] =	vst v0;
	s17 =	smov.u32 s16;
	s16 =	sadd.s32 $0x40, s16  }
.Ltmp1:
0x4b: {  	(pc) =	sbr.rel @p0 .LBB2_4-.Ltmp1, $2  }
0x4c: {  	_ =	sdelay $0x2  }
0x4d: {  	s17 =	sshra.s32 s17, $0x2  }
0x4e: {  	[tilespmem:s17+$0x5BA0] =	vst v0  }
0x4f: {  	[spmem:s9] =	stream.linear.scatter [tilespmem:s4], [sflag:$0x2], $0x800, $0x38;
	[tilespmem:$0x1D2B0] =	vst v63  }
0x50: {  	_ =	swait.ge [sflag:s31], $0x800  }
0x51: {  	[sflag:s31] =	ssyncset.done $0x0  }
0x52: {  	s16 =	rddreg [dreg:$0x6];
	[sflag:s31] =	ssyncadd.s32 $0xFFFFF800  }
0x53: {  	[spmem:s16] =	stream.linear.scatter [tilespmem:s4], [sflag:$0x2], $0x800, $0x38;
	[tilespmem:$0x1D2B0] =	vst v63  }
0x54: {  	_ =	swait.ge [sflag:s31], $0x800  }
0x55: {  	[sflag:s31] =	ssyncset.done $0x0  }
0x56: {  	s23 =	rddreg [dreg:$0x7];
	[sflag:s31] =	ssyncadd.s32 $0xFFFFF800  }
0x57: {  	[spmem:s23] =	stream.linear.scatter [tilespmem:s4], [sflag:$0x2], $0x800, $0x38;
	[tilespmem:$0x1D2B0] =	vst v63  }
0x58: {  	_ =	swait.ge [sflag:s31], $0x800  }
0x59: {  	[sflag:s31] =	ssyncset.done $0x0  }
0x5a: {  	s24 =	rddreg [dreg:$0x8];
	[sflag:s31] =	ssyncadd.s32 $0xFFFFF800  }
0x5b: {  	[spmem:s24] =	stream.linear.scatter [tilespmem:s4], [sflag:$0x2], $0x800, $0x38;
	[tilespmem:$0x1D2B0] =	vst v63  }
0x5c: {  	_ =	swait.ge [sflag:s31], $0x800  }
0x5d: {  	[sflag:s31] =	ssyncset.done $0x0  }
0x5e: {  	s17 =	rddreg [dreg:$0x9];
	[sflag:s31] =	ssyncadd.s32 $0xFFFFF800  }
0x5f: {  	[spmem:s17] =	stream.linear.scatter [tilespmem:s4], [sflag:$0x2], $0x800, $0x38;
	[tilespmem:$0x1D2B0] =	vst v63  }
0x60: {  	_ =	swait.ge [sflag:s31], $0x800  }
0x61: {  	[sflag:s31] =	ssyncset.done $0x0  }
0x62: {  	s18 =	rddreg [dreg:$0xa];
	[sflag:s31] =	ssyncadd.s32 $0xFFFFF800  }
0x63: {  	[spmem:s18] =	stream.linear.scatter [tilespmem:s4], [sflag:$0x2], $0x800, $0x38;
	[tilespmem:$0x1D2B0] =	vst v63  }
0x64: {  	_ =	swait.ge [sflag:s31], $0x800  }
0x65: {  	[sflag:s31] =	ssyncset.done $0x0  }
0x66: {  	s19 =	rddreg [dreg:$0xb];
	[sflag:s31] =	ssyncadd.s32 $0xFFFFF800  }
0x67: {  	[spmem:s19] =	stream.linear.scatter [tilespmem:s4], [sflag:$0x2], $0x800, $0x38;
	[tilespmem:$0x1D2B0] =	vst v63  }
0x68: {  	_ =	swait.ge [sflag:s31], $0x800  }
0x69: {  	[sflag:s31] =	ssyncset.done $0x0  }
0x6a: {  	s21 =	rddreg [dreg:$0xc];
	[sflag:s31] =	ssyncadd.s32 $0xFFFFF800  }
0x6b: {  	[spmem:s21] =	stream.linear.scatter [tilespmem:s4], [sflag:$0x2], $0x800, $0x38;
	[tilespmem:$0x1D2B0] =	vst v63  }
0x6c: {  	_ =	swait.ge [sflag:s31], $0x800  }
0x6d: {  	[sflag:s31] =	ssyncset.done $0x0  }
0x6e: {  	s23 =	rddreg [dreg:$0xd];
	[sflag:s31] =	ssyncadd.s32 $0xFFFFF800  }
0x6f: {  	[spmem:s23] =	stream.linear.scatter [tilespmem:s4], [sflag:$0x2], $0x800, $0x38;
	[tilespmem:$0x1D2B0] =	vst v63  }
0x70: {  	_ =	swait.ge [sflag:s31], $0x800  }
0x71: {  	[sflag:s31] =	ssyncset.done $0x0  }
0x72: {  	s24 =	rddreg [dreg:$0xe];
	[sflag:s31] =	ssyncadd.s32 $0xFFFFF800  }
0x73: {  	[spmem:s24] =	stream.linear.scatter [tilespmem:s4], [sflag:$0x2], $0x800, $0x38;
	[tilespmem:$0x1D2B0] =	vst v63  }
0x74: {  	_ =	swait.ge [sflag:s31], $0x800  }
0x75: {  	[sflag:s31] =	ssyncset.done $0x0  }
0x76: {  	s17 =	rddreg [dreg:$0xf];
	[sflag:s31] =	ssyncadd.s32 $0xFFFFF800  }
0x77: {  	[spmem:s17] =	stream.linear.scatter [tilespmem:s4], [sflag:$0x2], $0x800, $0x38;
	[tilespmem:$0x1D2B0] =	vst v63  }
0x78: {  	_ =	swait.ge [sflag:s31], $0x800  }
0x79: {  	[sflag:s31] =	ssyncset.done $0x0  }
0x7a: {  	s18 =	rddreg [dreg:$0x11];
	[sflag:s31] =	ssyncadd.s32 $0xFFFFF800  }
0x7b: {  	[spmem:s18] =	stream.linear.scatter [tilespmem:s4], [sflag:$0x2], $0x800, $0x38;
	[tilespmem:$0x1D2B0] =	vst v63  }
0x7c: {  	_ =	swait.ge [sflag:s31], $0x800  }
0x7d: {  	[sflag:s31] =	ssyncset.done $0x0  }
0x7e: {  	s19 =	rddreg [dreg:$0x15];
	[sflag:s31] =	ssyncadd.s32 $0xFFFFF800  }
0x7f: {  	[spmem:s19] =	stream.linear.scatter [tilespmem:s4], [sflag:$0x2], $0x800, $0x38;
	[tilespmem:$0x1D2B0] =	vst v63  }
0x80: {  	_ =	swait.ge [sflag:s31], $0x800  }
0x81: {  	[sflag:s31] =	ssyncset.done $0x0  }
0x82: {  	s21 =	rddreg [dreg:$0x16];
	[sflag:s31] =	ssyncadd.s32 $0xFFFFF800  }
0x83: {  	[spmem:s21] =	stream.linear.scatter [tilespmem:s4], [sflag:$0x2], $0x800, $0x38;
	[tilespmem:$0x1D2B0] =	vst v63  }
0x84: {  	_ =	swait.ge [sflag:s31], $0x800  }
0x85: {  	[sflag:s31] =	ssyncset.done $0x0  }
0x86: {  	s23 =	rddreg [dreg:$0x17];
	[sflag:s31] =	ssyncadd.s32 $0xFFFFF800  }
0x87: {  	[spmem:s23] =	stream.linear.scatter [tilespmem:s4], [sflag:$0x2], $0x800, $0x38;
	[tilespmem:$0x1D2B0] =	vst v63  }
0x88: {  	_ =	swait.ge [sflag:s31], $0x800  }
0x89: {  	[sflag:s31] =	ssyncset.done $0x0  }
0x8a: {  	s24 =	rddreg [dreg:$0x18];
	[sflag:s31] =	ssyncadd.s32 $0xFFFFF800  }
0x8b: {  	[spmem:s24] =	stream.linear.scatter [tilespmem:s4], [sflag:$0x2], $0x800, $0x38;
	[tilespmem:$0x1D2B0] =	vst v63  }
0x8c: {  	_ =	swait.ge [sflag:s31], $0x800  }
0x8d: {  	[sflag:s31] =	ssyncset.done $0x0  }
0x8e: {  	s17 =	rddreg [dreg:$0x19];
	[sflag:s31] =	ssyncadd.s32 $0xFFFFF800  }
0x8f: {  	[spmem:s17] =	stream.linear.scatter [tilespmem:s4], [sflag:$0x2], $0x800, $0x38;
	[tilespmem:$0x1D2B0] =	vst v63  }
0x90: {  	_ =	swait.ge [sflag:s31], $0x800  }
0x91: {  	[sflag:s31] =	ssyncset.done $0x0  }
0x92: {  	s18 =	rddreg [dreg:$0x1a];
	[sflag:s31] =	ssyncadd.s32 $0xFFFFF800  }
0x93: {  	[spmem:s18] =	stream.linear.scatter [tilespmem:s4], [sflag:$0x2], $0x800, $0x38;
	[tilespmem:$0x1D2B0] =	vst v63  }
0x94: {  	_ =	swait.ge [sflag:s31], $0x800  }
0x95: {  	[sflag:s31] =	ssyncset.done $0x0  }
0x96: {  	s19 =	rddreg [dreg:$0x1b];
	[sflag:s31] =	ssyncadd.s32 $0xFFFFF800  }
0x97: {  	[spmem:s19] =	stream.linear.scatter [tilespmem:s4], [sflag:$0x2], $0x800, $0x38;
	[tilespmem:$0x1D2B0] =	vst v63  }
0x98: {  	_ =	swait.ge [sflag:s31], $0x800  }
0x99: {  	[sflag:s31] =	ssyncset.done $0x0  }
0x9a: {  	s21 =	rddreg [dreg:$0x1c];
	[sflag:s31] =	ssyncadd.s32 $0xFFFFF800  }
0x9b: {  	[spmem:s21] =	stream.linear.scatter [tilespmem:s4], [sflag:$0x2], $0x800, $0x38;
	[tilespmem:$0x1D2B0] =	vst v63  }
0x9c: {  	_ =	swait.ge [sflag:s31], $0x800  }
0x9d: {  	[sflag:s31] =	ssyncset.done $0x0  }
0x9e: {  	s23 =	rddreg [dreg:$0x1d];
	[sflag:s31] =	ssyncadd.s32 $0xFFFFF800  }
0x9f: {  	[spmem:s23] =	stream.linear.scatter [tilespmem:s4], [sflag:$0x2], $0x800, $0x38;
	[tilespmem:$0x1D2B0] =	vst v63  }
0xa0: {  	_ =	swait.ge [sflag:s31], $0x800  }
0xa1: {  	[sflag:s31] =	ssyncset.done $0x0  }
0xa2: {  	s24 =	rddreg [dreg:$0x1e];
	[sflag:s31] =	ssyncadd.s32 $0xFFFFF800  }
0xa3: {  	[spmem:s24] =	stream.linear.scatter [tilespmem:s4], [sflag:$0x2], $0x800, $0x38;
	[tilespmem:$0x1D2B0] =	vst v63  }
0xa4: {  	_ =	swait.ge [sflag:s31], $0x800  }
0xa5: {  	[sflag:s31] =	ssyncset.done $0x0  }
0xa6: {  	s17 =	rddreg [dreg:$0x1f];
	[sflag:s31] =	ssyncadd.s32 $0xFFFFF800  }
0xa7: {  	[spmem:s17] =	stream.linear.scatter [tilespmem:s4], [sflag:$0x2], $0x800, $0x38;
	[tilespmem:$0x1D2B0] =	vst v63  }
0xa8: {  	_ =	swait.ge [sflag:s31], $0x800  }
0xa9: {  	s18 =	sld [smem:$0x7F3]  }
0xaa: {  	[sflag:s31] =	ssyncset.done $0x0  }
0xab: {  	[sflag:s31] =	ssyncadd.s32 $0xFFFFF800  }
0xac: {  	[spmem:s18] =	stream.linear.scatter [tilespmem:s4], [sflag:$0x2], $0x800, $0x38;
	[tilespmem:$0x1D2B0] =	vst v63  }
0xad: {  	_ =	swait.ge [sflag:s31], $0x800  }
0xae: {  	s19 =	sld [smem:$0x7F4]  }
0xaf: {  	[sflag:s31] =	ssyncset.done $0x0  }
0xb0: {  	[sflag:s31] =	ssyncadd.s32 $0xFFFFF800  }
0xb1: {  	[spmem:s19] =	stream.linear.scatter [tilespmem:s4], [sflag:$0x2], $0x800, $0x38;
	[tilespmem:$0x1D2B0] =	vst v63  }
0xb2: {  	_ =	swait.ge [sflag:s31], $0x800  }
0xb3: {  	s21 =	sld [smem:$0x7F5]  }
0xb4: {  	[sflag:s31] =	ssyncset.done $0x0  }
0xb5: {  	[sflag:s31] =	ssyncadd.s32 $0xFFFFF800  }
0xb6: {  	[spmem:s21] =	stream.linear.scatter [tilespmem:s4], [sflag:$0x2], $0x800, $0x38;
	[tilespmem:$0x1D2B0] =	vst v63  }
0xb7: {  	_ =	swait.ge [sflag:s31], $0x800  }
0xb8: {  	s23 =	sld [smem:$0x7F6]  }
0xb9: {  	[sflag:s31] =	ssyncset.done $0x0  }
0xba: {  	[sflag:s31] =	ssyncadd.s32 $0xFFFFF800  }
0xbb: {  	[spmem:s23] =	stream.linear.scatter [tilespmem:s4], [sflag:$0x2], $0x800, $0x38;
	[tilespmem:$0x1D2B0] =	vst v63  }
0xbc: {  	_ =	swait.ge [sflag:s31], $0x800  }
0xbd: {  	s24 =	sld [smem:$0x7F7]  }
0xbe: {  	[sflag:s31] =	ssyncset.done $0x0  }
0xbf: {  	[sflag:s31] =	ssyncadd.s32 $0xFFFFF800  }
0xc0: {  	[spmem:s24] =	stream.linear.scatter [tilespmem:s4], [sflag:$0x2], $0x800, $0x38;
	[tilespmem:$0x1D2B0] =	vst v63  }
0xc1: {  	_ =	swait.ge [sflag:s31], $0x800  }
0xc2: {  	s17 =	sld [smem:$0x7F8]  }
0xc3: {  	[sflag:s31] =	ssyncset.done $0x0  }
0xc4: {  	[sflag:s31] =	ssyncadd.s32 $0xFFFFF800  }
0xc5: {  	[spmem:s17] =	stream.linear.scatter [tilespmem:s4], [sflag:$0x2], $0x800, $0x38;
	[tilespmem:$0x1D2B0] =	vst v63  }
0xc6: {  	_ =	swait.ge [sflag:s31], $0x800  }
0xc7: {  	s18 =	sld [smem:$0x7F9]  }
0xc8: {  	[sflag:s31] =	ssyncset.done $0x0  }
0xc9: {  	[sflag:s31] =	ssyncadd.s32 $0xFFFFF800  }
0xca: {  	[spmem:s18] =	stream.linear.scatter [tilespmem:s4], [sflag:$0x2], $0x800, $0x38;
	[tilespmem:$0x1D2B0] =	vst v63  }
0xcb: {  	_ =	swait.ge [sflag:s31], $0x800  }
0xcc: {  	s19 =	sld [smem:$0x7FA]  }
0xcd: {  	[sflag:s31] =	ssyncset.done $0x0  }
0xce: {  	[sflag:s31] =	ssyncadd.s32 $0xFFFFF800  }
0xcf: {  	[spmem:s19] =	stream.linear.scatter [tilespmem:s4], [sflag:$0x2], $0x800, $0x38;
	[tilespmem:$0x1D2B0] =	vst v63  }
0xd0: {  	_ =	swait.ge [sflag:s31], $0x800  }
0xd1: {  	s21 =	sld [smem:$0x7FB]  }
0xd2: {  	[sflag:s31] =	ssyncset.done $0x0  }
0xd3: {  	[sflag:s31] =	ssyncadd.s32 $0xFFFFF800  }
0xd4: {  	[spmem:s21] =	stream.linear.scatter [tilespmem:s4], [sflag:$0x2], $0x800, $0x38;
	[tilespmem:$0x1D2B0] =	vst v63  }
0xd5: {  	_ =	swait.ge [sflag:s31], $0x800  }
0xd6: {  	s23 =	sld [smem:$0x7FC]  }
0xd7: {  	[sflag:s31] =	ssyncset.done $0x0  }
0xd8: {  	[sflag:s31] =	ssyncadd.s32 $0xFFFFF800  }
0xd9: {  	[spmem:s23] =	stream.linear.scatter [tilespmem:s4], [sflag:$0x2], $0x800, $0x38;
	[tilespmem:$0x1D2B0] =	vst v63  }
0xda: {  	_ =	swait.ge [sflag:s31], $0x800  }
0xdb: {  	s24 =	sld [smem:$0x7FD]  }
0xdc: {  	[sflag:s31] =	ssyncset.done $0x0  }
0xdd: {  	[sflag:s31] =	ssyncadd.s32 $0xFFFFF800  }
0xde: {  	[spmem:s24] =	stream.linear.scatter [tilespmem:s4], [sflag:$0x2], $0x800, $0x38;
	[tilespmem:$0x1D2B0] =	vst v63  }
0xdf: {  	_ =	swait.ge [sflag:s31], $0x800  }
0xe0: {  	[sflag:s31] =	ssyncset.done $0x0  }
0xe1: {  	[sflag:s31] =	ssyncadd.s32 $0xFFFFF800  }
0xe2: {  	[spmem:s25] =	stream.linear.scatter [tilespmem:s4], [sflag:$0x2], $0x800, $0x38;
	[tilespmem:$0x1D2B0] =	vst v63  }
0xe3: {  	_ =	swait.ge [sflag:s31], $0x800  }
0xe4: {  	[sflag:s31] =	ssyncset.done $0x0  }
0xe5: {  	[sflag:s31] =	ssyncadd.s32 $0xFFFFF800  }
0xe6: {  	[spmem:s26] =	stream.linear.scatter [tilespmem:s4], [sflag:$0x2], $0x800, $0x38;
	[tilespmem:$0x1D2B0] =	vst v63  }
0xe7: {  	_ =	swait.ge [sflag:s31], $0x800  }
0xe8: {  	[sflag:s31] =	ssyncset.done $0x0  }
0xe9: {  	[sflag:s31] =	ssyncadd.s32 $0xFFFFF800  }
0xea: {  	[spmem:s28] =	stream.linear.scatter [tilespmem:s4], [sflag:$0x2], $0x800, $0x38;
	[tilespmem:$0x1D2B0] =	vst v63  }
0xeb: {  	_ =	swait.ge [sflag:s31], $0x800  }
0xec: {  	[sflag:s31] =	ssyncset.done $0x0  }
0xed: {  	[sflag:s31] =	ssyncadd.s32 $0xFFFFF800  }
0xee: {  	[spmem:s29] =	stream.linear.scatter [tilespmem:s4], [sflag:$0x2], $0x800, $0x38;
	[tilespmem:$0x1D2B0] =	vst v63  }
0xef: {  	_ =	swait.ge [sflag:s31], $0x800  }
0xf0: {  	[sflag:s31] =	ssyncset.done $0x0  }
0xf1: {  	[sflag:s31] =	ssyncadd.s32 $0xFFFFF800  }
0xf2: {  	[spmem:s20] =	stream.linear.scatter [tilespmem:s4], [sflag:$0x2], $0x800, $0x38;
	[tilespmem:$0x1D2B0] =	vst v63  }
0xf3: {  	_ =	swait.ge [sflag:s31], $0x800  }
0xf4: {  	[sflag:s31] =	ssyncset.done $0x0  }
0xf5: {  	[sflag:s31] =	ssyncadd.s32 $0xFFFFF800  }
0xf6: {  	[spmem:s30] =	stream.linear.scatter [tilespmem:s4], [sflag:$0x2], $0x800, $0x38;
	[tilespmem:$0x1D2B0] =	vst v63  }
0xf7: {  	_ =	swait.ge [sflag:s31], $0x800  }
0xf8: {  	[sflag:s31] =	ssyncset.done $0x0  }
0xf9: {  	[sflag:s31] =	ssyncadd.s32 $0xFFFFF800  }
0xfa: {  	[bflag:$0x0] =	sbarrier.arrive $0xFFFF  }
0xfb: {  	s16 =	simm.s32 $0x0;
	s18 =	simm.s32 $0x0;
	s17 =	rddreg [dreg:$0x10]  }
.LBB2_6:
0xfc: {  	s19 =	smul.u32 $0x48, s18;
	_ =	sdelay $0x1  }
0xfd: {  	s19 =	sadd.s32 s22, s19  }
0xfe: {  	s19 =	sshll.u32 s19, $0x1  }
0xff: {  	s21 =	sadd.s32 s5, s19  }
0x100: {  	[tilespmem:s7], [sflag:$0x2] =	stream.linear.gather [hbm4b:s21+s16], $0x480, $0x38;
	[tilespmem:$0x1D2B0] =	vst v63  }
0x101: {  	_ =	swait.ge [sflag:s31], $0x480  }
0x102: {  	[sflag:s31] =	ssyncset.done $0x0  }
0x103: {  	s19 =	sadd.s32 s6, s19;
	[sflag:s31] =	ssyncadd.s32 $0xFFFFFB80  }
0x104: {  	[tilespmem:s8], [sflag:$0x2] =	stream.linear.gather [hbm4b:s19+s16], $0x480, $0x38;
	[tilespmem:$0x1D2B0] =	vst v63  }
0x105: {  	_ =	swait.ge [sflag:s31], $0x480  }
0x106: {  	[sflag:s31] =	ssyncset.done $0x0  }
0x107: {  	s21 =	simm.s32 $0x0;
	s19 =	smov.u32 s17;
	[sflag:s31] =	ssyncadd.s32 $0xFFFFFB80  }
.LBB2_7:
0x108: {  	s23 =	sshra.s32 s21, $0x2  }
0x109: {  	v2 =	vld [tilespmem:s23+$0x4E20]  }
0x10a: {  	v3 =	vld [tilespmem:s23+$0x52A0];
	_ =	sdelay $0x6  }
0x10b: {  	v2 =	vld.idx.msk [tilespmem:v2+s3+$0x0], $0xffff  }
0x10c: {  	v4 =	vld.idx.msk [tilespmem:v3+s0+$0x0], $0xffff;
	_ =	sdelay $0x4  }
0x10d: {  	v2 =	vadd.f32 v4, v2;
	_ =	sdelay $0x1  }
0x10e: {  	v4 =	vmul.f32 $2.000000030e-01, v2  }
0x10f: {  	vm0 =	vge.f32 v2, $0.0e+00  }
0x110: {  	v2 =	vsel vm0, v2, v4  }
0x111: {  	v2 =	vmul.f32 $1.442695020e+00, v2;
	_ =	sdelay $0x1  }
0x112: {  	(erf) = vpow2.f32 v2;
	_ =	sdelay $0x8  }
0x113: {  	p0 =	slt.u32 s19, $0x50910;
	v2 =	vpop (erf)  }
0x114: {  	v2 =	vpsel !p0, $0x0, v2;
	p0 =	sne.s32 s21, $0x11C0  }
.Ltmp2:
0x115: {  	_ = 	snop;
	(pc) =	sbr.rel @p0 .LBB2_7-.Ltmp2, $3  }
0x116: {  	_ =	sdelay $0x1  }
0x117: {  	[tilespmem:s23+$0x5720] =	vst v2  }
0x118: {  	s19 =	sadd.s32 $0x10, s19;
	s21 =	sadd.s32 $0x40, s21;
	[tilespmem:v3+s10+$0x0] =	vst.idx.add.f32.msk $0xffff, v2  }
0x119: {  	s19 =	simm.s32 $0xF;
	s21 =	simm.s32 $0x4E20;
	s23 =	simm.s32 $0x52A0  }
.LBB2_9:
0x11a: {  	s24 =	sadd.s32 $0xFFFFFFF1, s19  }
0x11b: {  	v2 =	vmov s24  }
0x11c: {  	v2 =	vshrl.u32 v2, $0x3  }
0x11d: {  	v2 =	vshll.u32 v2, v1  }
0x11e: {  	v3 =	vbroadcast v2, $0x0  }
0x11f: {  	[tilespmem:s12], [sflag:$0x1] =	stream.indirect.gather [hbm4b:s1+s11], $0x80, s21, s11, $0xb8;
	[tilespmem:$0x1D2B0] =	vst v63  }
0x120: {  	_ =	swait.ge [sflag:s13], $0x800  }
0x121: {  	[sflag:s13] =	ssyncset.done $0x0  }
0x122: {  	[sflag:s13] =	ssyncadd.s32 $0xFFFFF800  }
0x123: {  	v4 =	vld [tilespmem:$0x82B0]  }
0x124: {  	v3 =	vld.idx.msk [tilespmem:v3+s14+$0x0], $0xffff  }
0x125: {  	v5 =	vld [tilespmem:$0x82C0]  }
0x126: {  	v6 =	vld [tilespmem:$0x82D0]  }
0x127: {  	v7 =	vld [tilespmem:$0x82E0]  }
0x128: {  	v8 =	vld [tilespmem:$0x82F0]  }
0x129: {  	v9 =	vld [tilespmem:$0x8300];
	v4 =	vmul.f32 v4, v3  }
0x12a: {  	v10 =	vld [tilespmem:$0x8310];
	v5 =	vmul.f32 v5, v3  }
0x12b: {  	v35 =	vld [tilespmem:$0x8320];
	v34 =	vmul.f32 v6, v3;
	[tilespmem:$0x82B0] =	vst v4  }
0x12c: {  	v37 =	vadd.s32 $0x1, v2;
	v36 =	vmul.f32 v7, v3;
	[tilespmem:$0x82C0] =	vst v5  }
0x12d: {  	v38 =	vmul.f32 v8, v3;
	v7 =	vbroadcast v37, $0x0;
	[tilespmem:$0x82D0] =	vst v34  }
0x12e: {  	v39 =	vmul.f32 v9, v3;
	[tilespmem:$0x82E0] =	vst v36  }
0x12f: {  	v40 =	vmul.f32 v10, v3;
	[tilespmem:$0x82F0] =	vst v38  }
0x130: {  	v3 =	vmul.f32 v35, v3;
	[tilespmem:$0x8300] =	vst v39  }
0x131: {  	[tilespmem:$0x8310] =	vst v40  }
0x132: {  	v41 =	vld [tilespmem:$0x8330];
	[tilespmem:$0x8320] =	vst v3  }
0x133: {  	v3 =	vld.idx.msk [tilespmem:v7+s14+$0x0], $0xffff  }
0x134: {  	v42 =	vld [tilespmem:$0x8340]  }
0x135: {  	v43 =	vld [tilespmem:$0x8350]  }
0x136: {  	v44 =	vld [tilespmem:$0x8360]  }
0x137: {  	v45 =	vld [tilespmem:$0x8370]  }
0x138: {  	v46 =	vld [tilespmem:$0x8380];
	v4 =	vmul.f32 v41, v3  }
0x139: {  	v47 =	vld [tilespmem:$0x8390];
	v5 =	vmul.f32 v42, v3  }
0x13a: {  	v49 =	vld [tilespmem:$0x83A0];
	v48 =	vmul.f32 v43, v3;
	[tilespmem:$0x8330] =	vst v4  }
0x13b: {  	v51 =	vadd.s32 $0x2, v2;
	v50 =	vmul.f32 v44, v3;
	[tilespmem:$0x8340] =	vst v5  }
0x13c: {  	v7 =	vbroadcast v51, $0x0;
	v52 =	vmul.f32 v45, v3;
	[tilespmem:$0x8350] =	vst v48  }
0x13d: {  	v53 =	vmul.f32 v46, v3;
	[tilespmem:$0x8360] =	vst v50  }
0x13e: {  	v54 =	vmul.f32 v47, v3;
	[tilespmem:$0x8370] =	vst v52  }
0x13f: {  	v3 =	vmul.f32 v49, v3;
	[tilespmem:$0x8380] =	vst v53  }
0x140: {  	[tilespmem:$0x8390] =	vst v54  }
0x141: {  	v55 =	vld [tilespmem:$0x83B0];
	[tilespmem:$0x83A0] =	vst v3  }
0x142: {  	v3 =	vld.idx.msk [tilespmem:v7+s14+$0x0], $0xffff  }
0x143: {  	v56 =	vld [tilespmem:$0x83C0]  }
0x144: {  	v57 =	vld [tilespmem:$0x83D0]  }
0x145: {  	v58 =	vld [tilespmem:$0x83E0]  }
0x146: {  	v59 =	vld [tilespmem:$0x83F0]  }
0x147: {  	v60 =	vld [tilespmem:$0x8400];
	v4 =	vmul.f32 v55, v3  }
0x148: {  	v61 =	vld [tilespmem:$0x8410];
	v5 =	vmul.f32 v56, v3  }
0x149: {  	v63 =	vld [tilespmem:$0x8420];
	v62 =	vmul.f32 v57, v3;
	[tilespmem:$0x83B0] =	vst v4  }
0x14a: {  	v12 =	vadd.s32 $0x3, v2;
	v11 =	vmul.f32 v58, v3;
	[tilespmem:$0x83C0] =	vst v5  }
0x14b: {  	v7 =	vbroadcast v12, $0x0;
	v13 =	vmul.f32 v59, v3;
	[tilespmem:$0x83D0] =	vst v62  }
0x14c: {  	v14 =	vmul.f32 v60, v3;
	[tilespmem:$0x83E0] =	vst v11  }
0x14d: {  	v15 =	vmul.f32 v61, v3;
	[tilespmem:$0x83F0] =	vst v13  }
0x14e: {  	v3 =	vmul.f32 v63, v3;
	[tilespmem:$0x8400] =	vst v14  }
0x14f: {  	[tilespmem:$0x8410] =	vst v15  }
0x150: {  	v16 =	vld [tilespmem:$0x8430];
	[tilespmem:$0x8420] =	vst v3  }
0x151: {  	v3 =	vld.idx.msk [tilespmem:v7+s14+$0x0], $0xffff  }
0x152: {  	v17 =	vld [tilespmem:$0x8440]  }
0x153: {  	v18 =	vld [tilespmem:$0x8450]  }
0x154: {  	v19 =	vld [tilespmem:$0x8460]  }
0x155: {  	v20 =	vld [tilespmem:$0x8470]  }
0x156: {  	v21 =	vld [tilespmem:$0x8480];
	v4 =	vmul.f32 v16, v3  }
0x157: {  	v22 =	vld [tilespmem:$0x8490];
	v5 =	vmul.f32 v17, v3  }
0x158: {  	v24 =	vld [tilespmem:$0x84A0];
	v23 =	vmul.f32 v18, v3;
	[tilespmem:$0x8430] =	vst v4  }
0x159: {  	v26 =	vadd.s32 $0x4, v2;
	v25 =	vmul.f32 v19, v3;
	[tilespmem:$0x8440] =	vst v5  }
0x15a: {  	v7 =	vbroadcast v26, $0x0;
	v27 =	vmul.f32 v20, v3;
	[tilespmem:$0x8450] =	vst v23  }
0x15b: {  	v28 =	vmul.f32 v21, v3;
	[tilespmem:$0x8460] =	vst v25  }
0x15c: {  	v29 =	vmul.f32 v22, v3;
	[tilespmem:$0x8470] =	vst v27  }
0x15d: {  	v3 =	vmul.f32 v24, v3;
	[tilespmem:$0x8480] =	vst v28  }
0x15e: {  	[tilespmem:$0x8490] =	vst v29  }
0x15f: {  	v30 =	vld [tilespmem:$0x84B0];
	[tilespmem:$0x84A0] =	vst v3  }
0x160: {  	v3 =	vld.idx.msk [tilespmem:v7+s14+$0x0], $0xffff  }
0x161: {  	v31 =	vld [tilespmem:$0x84C0]  }
0x162: {  	v32 =	vld [tilespmem:$0x84D0]  }
0x163: {  	v33 =	vld [tilespmem:$0x84E0]  }
0x164: {  	v34 =	vld [tilespmem:$0x84F0]  }
0x165: {  	v35 =	vld [tilespmem:$0x8500];
	v4 =	vmul.f32 v30, v3  }
0x166: {  	v36 =	vld [tilespmem:$0x8510];
	v5 =	vmul.f32 v31, v3  }
0x167: {  	v38 =	vld [tilespmem:$0x8520];
	v37 =	vmul.f32 v32, v3;
	[tilespmem:$0x84B0] =	vst v4  }
0x168: {  	v40 =	vadd.s32 $0x5, v2;
	v39 =	vmul.f32 v33, v3;
	[tilespmem:$0x84C0] =	vst v5  }
0x169: {  	v7 =	vbroadcast v40, $0x0;
	v41 =	vmul.f32 v34, v3;
	[tilespmem:$0x84D0] =	vst v37  }
0x16a: {  	v42 =	vmul.f32 v35, v3;
	[tilespmem:$0x84E0] =	vst v39  }
0x16b: {  	v43 =	vmul.f32 v36, v3;
	[tilespmem:$0x84F0] =	vst v41  }
0x16c: {  	v3 =	vmul.f32 v38, v3;
	[tilespmem:$0x8500] =	vst v42  }
0x16d: {  	[tilespmem:$0x8510] =	vst v43  }
0x16e: {  	v44 =	vld [tilespmem:$0x8530];
	[tilespmem:$0x8520] =	vst v3  }
0x16f: {  	v3 =	vld.idx.msk [tilespmem:v7+s14+$0x0], $0xffff  }
0x170: {  	v45 =	vld [tilespmem:$0x8540]  }
0x171: {  	v46 =	vld [tilespmem:$0x8550]  }
0x172: {  	v47 =	vld [tilespmem:$0x8560]  }
0x173: {  	v48 =	vld [tilespmem:$0x8570]  }
0x174: {  	v49 =	vld [tilespmem:$0x8580];
	v4 =	vmul.f32 v44, v3  }
0x175: {  	v50 =	vld [tilespmem:$0x8590];
	v5 =	vmul.f32 v45, v3  }
0x176: {  	v52 =	vld [tilespmem:$0x85A0];
	v51 =	vmul.f32 v46, v3;
	[tilespmem:$0x8530] =	vst v4  }
0x177: {  	v54 =	vadd.s32 $0x6, v2;
	v53 =	vmul.f32 v47, v3;
	[tilespmem:$0x8540] =	vst v5  }
0x178: {  	v7 =	vbroadcast v54, $0x0;
	v55 =	vmul.f32 v48, v3;
	[tilespmem:$0x8550] =	vst v51  }
0x179: {  	v56 =	vmul.f32 v49, v3;
	[tilespmem:$0x8560] =	vst v53  }
0x17a: {  	v57 =	vmul.f32 v50, v3;
	[tilespmem:$0x8570] =	vst v55  }
0x17b: {  	v3 =	vmul.f32 v52, v3;
	[tilespmem:$0x8580] =	vst v56  }
0x17c: {  	[tilespmem:$0x8590] =	vst v57  }
0x17d: {  	v58 =	vld [tilespmem:$0x85B0];
	[tilespmem:$0x85A0] =	vst v3  }
0x17e: {  	v3 =	vld.idx.msk [tilespmem:v7+s14+$0x0], $0xffff  }
0x17f: {  	v59 =	vld [tilespmem:$0x85C0]  }
0x180: {  	v60 =	vld [tilespmem:$0x85D0]  }
0x181: {  	v61 =	vld [tilespmem:$0x85E0]  }
0x182: {  	v62 =	vld [tilespmem:$0x85F0]  }
0x183: {  	v63 =	vld [tilespmem:$0x8600];
	v4 =	vmul.f32 v58, v3  }
0x184: {  	v12 =	vld [tilespmem:$0x8610];
	v5 =	vmul.f32 v59, v3  }
0x185: {  	v14 =	vld [tilespmem:$0x8620];
	v13 =	vmul.f32 v60, v3;
	[tilespmem:$0x85B0] =	vst v4  }
0x186: {  	v2 =	vadd.s32 $0x7, v2;
	v15 =	vmul.f32 v61, v3;
	[tilespmem:$0x85C0] =	vst v5  }
0x187: {  	v2 =	vbroadcast v2, $0x0;
	v16 =	vmul.f32 v62, v3;
	[tilespmem:$0x85D0] =	vst v13  }
0x188: {  	v17 =	vmul.f32 v63, v3;
	[tilespmem:$0x85E0] =	vst v15  }
0x189: {  	v18 =	vmul.f32 v12, v3;
	[tilespmem:$0x85F0] =	vst v16  }
0x18a: {  	v3 =	vmul.f32 v14, v3;
	[tilespmem:$0x8600] =	vst v17  }
0x18b: {  	[tilespmem:$0x8610] =	vst v18  }
0x18c: {  	[tilespmem:$0x8620] =	vst v3;
	v3 =	vld [tilespmem:$0x8630]  }
0x18d: {  	v2 =	vld.idx.msk [tilespmem:v2+s14+$0x0], $0xffff  }
0x18e: {  	v19 =	vld [tilespmem:$0x8640]  }
0x18f: {  	v20 =	vld [tilespmem:$0x8650]  }
0x190: {  	v21 =	vld [tilespmem:$0x8660]  }
0x191: {  	v22 =	vld [tilespmem:$0x8670]  }
0x192: {  	s24 =	sadd.s32 $0xFFFFFFF9, s19;
	v23 =	vld [tilespmem:$0x8680];
	v3 =	vmul.f32 v3, v2  }
0x193: {  	v24 =	vld [tilespmem:$0x8690];
	v25 =	vmov s24;
	v4 =	vmul.f32 v19, v2  }
0x194: {  	v26 =	vld [tilespmem:$0x86A0];
	v10 =	vshrl.u32 v25, $0x3;
	[tilespmem:$0x8630] =	vst v3;
	v3 =	vmul.f32 v20, v2  }
0x195: {  	v28 =	vshll.u32 v10, v1;
	v27 =	vmul.f32 v21, v2;
	[tilespmem:$0x8640] =	vst v4  }
0x196: {  	v6 =	vbroadcast v28, $0x0;
	[tilespmem:$0x8650] =	vst v3;
	v3 =	vmul.f32 v22, v2  }
0x197: {  	v29 =	vmul.f32 v23, v2;
	[tilespmem:$0x8660] =	vst v27  }
0x198: {  	[tilespmem:$0x8670] =	vst v3;
	v3 =	vmul.f32 v24, v2  }
0x199: {  	[tilespmem:$0x8680] =	vst v29;
	v2 =	vmul.f32 v26, v2  }
0x19a: {  	[tilespmem:$0x8690] =	vst v3  }
0x19b: {  	[tilespmem:$0x86A0] =	vst v2;
	v3 =	vld [tilespmem:$0x86B0]  }
0x19c: {  	v2 =	vld.idx.msk [tilespmem:v6+s14+$0x0], $0xffff  }
0x19d: {  	v30 =	vld [tilespmem:$0x86C0]  }
0x19e: {  	v31 =	vld [tilespmem:$0x86D0]  }
0x19f: {  	v32 =	vld [tilespmem:$0x86E0]  }
0x1a0: {  	s24 =	sadd.s32 $0xFFFFFFFA, s19;
	v33 =	vld [tilespmem:$0x86F0]  }
0x1a1: {  	v34 =	vld [tilespmem:$0x8700];
	v35 =	vmov s24;
	v3 =	vmul.f32 v3, v2  }
0x1a2: {  	v36 =	vld [tilespmem:$0x8710];
	v9 =	vshrl.u32 v35, $0x3;
	v4 =	vmul.f32 v30, v2  }
0x1a3: {  	v37 =	vld [tilespmem:$0x8720];
	v9 =	vshll.u32 v9, v1;
	[tilespmem:$0x86B0] =	vst v3;
	v3 =	vmul.f32 v31, v2  }
0x1a4: {  	v39 =	vadd.s32 $0x1, v9;
	v38 =	vmul.f32 v32, v2;
	[tilespmem:$0x86C0] =	vst v4  }
0x1a5: {  	v6 =	vbroadcast v39, $0x0;
	[tilespmem:$0x86D0] =	vst v3;
	v3 =	vmul.f32 v33, v2  }
0x1a6: {  	v40 =	vmul.f32 v34, v2;
	[tilespmem:$0x86E0] =	vst v38  }
0x1a7: {  	[tilespmem:$0x86F0] =	vst v3;
	v3 =	vmul.f32 v36, v2  }
0x1a8: {  	[tilespmem:$0x8700] =	vst v40;
	v2 =	vmul.f32 v37, v2  }
0x1a9: {  	[tilespmem:$0x8710] =	vst v3  }
0x1aa: {  	[tilespmem:$0x8720] =	vst v2;
	v3 =	vld [tilespmem:$0x8730]  }
0x1ab: {  	v2 =	vld.idx.msk [tilespmem:v6+s14+$0x0], $0xffff  }
0x1ac: {  	v41 =	vld [tilespmem:$0x8740]  }
0x1ad: {  	v42 =	vld [tilespmem:$0x8750]  }
0x1ae: {  	v43 =	vld [tilespmem:$0x8760]  }
0x1af: {  	s24 =	sadd.s32 $0xFFFFFFFB, s19;
	v44 =	vld [tilespmem:$0x8770]  }
0x1b0: {  	v45 =	vld [tilespmem:$0x8780];
	v46 =	vmov s24;
	v3 =	vmul.f32 v3, v2  }
0x1b1: {  	v47 =	vld [tilespmem:$0x8790];
	v9 =	vshrl.u32 v46, $0x3;
	v4 =	vmul.f32 v41, v2  }
0x1b2: {  	v48 =	vld [tilespmem:$0x87A0];
	v9 =	vshll.u32 v9, v1;
	[tilespmem:$0x8730] =	vst v3;
	v3 =	vmul.f32 v42, v2  }
0x1b3: {  	v50 =	vadd.s32 $0x2, v9;
	v49 =	vmul.f32 v43, v2;
	[tilespmem:$0x8740] =	vst v4  }
0x1b4: {  	v6 =	vbroadcast v50, $0x0;
	[tilespmem:$0x8750] =	vst v3;
	v3 =	vmul.f32 v44, v2  }
0x1b5: {  	v51 =	vmul.f32 v45, v2;
	[tilespmem:$0x8760] =	vst v49  }
0x1b6: {  	[tilespmem:$0x8770] =	vst v3;
	v3 =	vmul.f32 v47, v2  }
0x1b7: {  	[tilespmem:$0x8780] =	vst v51;
	v2 =	vmul.f32 v48, v2  }
0x1b8: {  	[tilespmem:$0x8790] =	vst v3  }
0x1b9: {  	[tilespmem:$0x87A0] =	vst v2;
	v3 =	vld [tilespmem:$0x87B0]  }
0x1ba: {  	v2 =	vld.idx.msk [tilespmem:v6+s14+$0x0], $0xffff  }
0x1bb: {  	v52 =	vld [tilespmem:$0x87C0]  }
0x1bc: {  	v53 =	vld [tilespmem:$0x87D0]  }
0x1bd: {  	v54 =	vld [tilespmem:$0x87E0]  }
0x1be: {  	s24 =	sadd.s32 $0xFFFFFFFC, s19;
	v55 =	vld [tilespmem:$0x87F0]  }
0x1bf: {  	v56 =	vld [tilespmem:$0x8800];
	v57 =	vmov s24;
	v3 =	vmul.f32 v3, v2  }
0x1c0: {  	v9 =	vshrl.u32 v57, $0x3;
	v58 =	vld [tilespmem:$0x8810];
	v4 =	vmul.f32 v52, v2  }
0x1c1: {  	v9 =	vshll.u32 v9, v1;
	v59 =	vld [tilespmem:$0x8820];
	[tilespmem:$0x87B0] =	vst v3;
	v3 =	vmul.f32 v53, v2  }
0x1c2: {  	v61 =	vadd.s32 $0x3, v9;
	v60 =	vmul.f32 v54, v2;
	[tilespmem:$0x87C0] =	vst v4  }
0x1c3: {  	v6 =	vbroadcast v61, $0x0;
	[tilespmem:$0x87D0] =	vst v3;
	v3 =	vmul.f32 v55, v2  }
0x1c4: {  	v62 =	vmul.f32 v56, v2;
	[tilespmem:$0x87E0] =	vst v60  }
0x1c5: {  	[tilespmem:$0x87F0] =	vst v3;
	v3 =	vmul.f32 v58, v2  }
0x1c6: {  	[tilespmem:$0x8800] =	vst v62;
	v2 =	vmul.f32 v59, v2  }
0x1c7: {  	[tilespmem:$0x8810] =	vst v3  }
0x1c8: {  	[tilespmem:$0x8820] =	vst v2;
	v3 =	vld [tilespmem:$0x8830]  }
0x1c9: {  	v2 =	vld.idx.msk [tilespmem:v6+s14+$0x0], $0xffff  }
0x1ca: {  	v63 =	vld [tilespmem:$0x8840]  }
0x1cb: {  	v12 =	vld [tilespmem:$0x8850]  }
0x1cc: {  	v13 =	vld [tilespmem:$0x8860]  }
0x1cd: {  	s24 =	sadd.s32 $0xFFFFFFFD, s19;
	v14 =	vld [tilespmem:$0x8870]  }
0x1ce: {  	v15 =	vld [tilespmem:$0x8880];
	v16 =	vmov s24;
	v3 =	vmul.f32 v3, v2  }
0x1cf: {  	v17 =	vld [tilespmem:$0x8890];
	v9 =	vshrl.u32 v16, $0x3;
	v4 =	vmul.f32 v63, v2  }
0x1d0: {  	v18 =	vld [tilespmem:$0x88A0];
	v9 =	vshll.u32 v9, v1;
	[tilespmem:$0x8830] =	vst v3;
	v3 =	vmul.f32 v12, v2  }
0x1d1: {  	v20 =	vadd.s32 $0x4, v9;
	v19 =	vmul.f32 v13, v2;
	[tilespmem:$0x8840] =	vst v4  }
0x1d2: {  	v6 =	vbroadcast v20, $0x0;
	[tilespmem:$0x8850] =	vst v3;
	v3 =	vmul.f32 v14, v2  }
0x1d3: {  	v21 =	vmul.f32 v15, v2;
	[tilespmem:$0x8860] =	vst v19  }
0x1d4: {  	[tilespmem:$0x8870] =	vst v3;
	v3 =	vmul.f32 v17, v2  }
0x1d5: {  	[tilespmem:$0x8880] =	vst v21;
	v2 =	vmul.f32 v18, v2  }
0x1d6: {  	[tilespmem:$0x8890] =	vst v3  }
0x1d7: {  	[tilespmem:$0x88A0] =	vst v2;
	v3 =	vld [tilespmem:$0x88B0]  }
0x1d8: {  	v2 =	vld.idx.msk [tilespmem:v6+s14+$0x0], $0xffff  }
0x1d9: {  	v22 =	vld [tilespmem:$0x88C0]  }
0x1da: {  	v23 =	vld [tilespmem:$0x88D0]  }
0x1db: {  	v24 =	vld [tilespmem:$0x88E0]  }
0x1dc: {  	v25 =	vld [tilespmem:$0x88F0];
	s24 =	sadd.s32 $0xFFFFFFFE, s19  }
0x1dd: {  	v27 =	vmov s24;
	v26 =	vld [tilespmem:$0x8900];
	v3 =	vmul.f32 v3, v2  }
0x1de: {  	v28 =	vld [tilespmem:$0x8910];
	v9 =	vshrl.u32 v27, $0x3;
	v4 =	vmul.f32 v22, v2  }
0x1df: {  	v29 =	vld [tilespmem:$0x8920];
	v9 =	vshll.u32 v9, v1;
	[tilespmem:$0x88B0] =	vst v3;
	v3 =	vmul.f32 v23, v2  }
0x1e0: {  	v31 =	vadd.s32 $0x5, v9;
	v30 =	vmul.f32 v24, v2;
	[tilespmem:$0x88C0] =	vst v4  }
0x1e1: {  	v6 =	vbroadcast v31, $0x0;
	[tilespmem:$0x88D0] =	vst v3;
	v3 =	vmul.f32 v25, v2  }
0x1e2: {  	v32 =	vmul.f32 v26, v2;
	[tilespmem:$0x88E0] =	vst v30  }
0x1e3: {  	[tilespmem:$0x88F0] =	vst v3;
	v3 =	vmul.f32 v28, v2  }
0x1e4: {  	[tilespmem:$0x8900] =	vst v32;
	v2 =	vmul.f32 v29, v2  }
0x1e5: {  	[tilespmem:$0x8910] =	vst v3  }
0x1e6: {  	[tilespmem:$0x8920] =	vst v2;
	v3 =	vld [tilespmem:$0x8930]  }
0x1e7: {  	v2 =	vld.idx.msk [tilespmem:v6+s14+$0x0], $0xffff  }
0x1e8: {  	v33 =	vld [tilespmem:$0x8940]  }
0x1e9: {  	v34 =	vld [tilespmem:$0x8950]  }
0x1ea: {  	v35 =	vld [tilespmem:$0x8960]  }
0x1eb: {  	s24 =	sadd.s32 $0xFFFFFFFF, s19;
	v36 =	vld [tilespmem:$0x8970]  }
0x1ec: {  	v38 =	vmov s24;
	v37 =	vld [tilespmem:$0x8980];
	v3 =	vmul.f32 v3, v2  }
0x1ed: {  	v39 =	vld [tilespmem:$0x8990];
	v9 =	vshrl.u32 v38, $0x3;
	v4 =	vmul.f32 v33, v2  }
0x1ee: {  	v40 =	vld [tilespmem:$0x89A0];
	v9 =	vshll.u32 v9, v1;
	[tilespmem:$0x8930] =	vst v3;
	v3 =	vmul.f32 v34, v2  }
0x1ef: {  	v42 =	vadd.s32 $0x6, v9;
	v41 =	vmul.f32 v35, v2;
	[tilespmem:$0x8940] =	vst v4  }
0x1f0: {  	v6 =	vbroadcast v42, $0x0;
	[tilespmem:$0x8950] =	vst v3;
	v3 =	vmul.f32 v36, v2  }
0x1f1: {  	v43 =	vmul.f32 v37, v2;
	[tilespmem:$0x8960] =	vst v41  }
0x1f2: {  	[tilespmem:$0x8970] =	vst v3;
	v3 =	vmul.f32 v39, v2  }
0x1f3: {  	[tilespmem:$0x8980] =	vst v43;
	v2 =	vmul.f32 v40, v2  }
0x1f4: {  	[tilespmem:$0x8990] =	vst v3  }
0x1f5: {  	[tilespmem:$0x89A0] =	vst v2;
	v3 =	vld [tilespmem:$0x89B0]  }
0x1f6: {  	v2 =	vld.idx.msk [tilespmem:v6+s14+$0x0], $0xffff  }
0x1f7: {  	v44 =	vld [tilespmem:$0x89C0]  }
0x1f8: {  	v45 =	vld [tilespmem:$0x89D0]  }
0x1f9: {  	v46 =	vld [tilespmem:$0x89E0]  }
0x1fa: {  	v47 =	vld [tilespmem:$0x89F0]  }
0x1fb: {  	v49 =	vmov s19;
	v48 =	vld [tilespmem:$0x8A00];
	v3 =	vmul.f32 v3, v2  }
0x1fc: {  	v50 =	vld [tilespmem:$0x8A10];
	v9 =	vshrl.u32 v49, $0x3;
	v4 =	vmul.f32 v44, v2  }
0x1fd: {  	v51 =	vld [tilespmem:$0x8A20];
	v9 =	vshll.u32 v9, v1;
	[tilespmem:$0x89B0] =	vst v3;
	v3 =	vmul.f32 v45, v2  }
0x1fe: {  	v53 =	vadd.s32 $0x7, v9;
	v52 =	vmul.f32 v46, v2;
	[tilespmem:$0x89C0] =	vst v4  }
0x1ff: {  	v6 =	vbroadcast v53, $0x0;
	[tilespmem:$0x89D0] =	vst v3;
	v3 =	vmul.f32 v47, v2  }
0x200: {  	v54 =	vmul.f32 v48, v2;
	[tilespmem:$0x89E0] =	vst v52  }
0x201: {  	[tilespmem:$0x89F0] =	vst v3;
	v3 =	vmul.f32 v50, v2  }
0x202: {  	[tilespmem:$0x8A00] =	vst v54;
	v2 =	vmul.f32 v51, v2  }
0x203: {  	[tilespmem:$0x8A10] =	vst v3  }
0x204: {  	[tilespmem:$0x8A20] =	vst v2;
	v3 =	vld [tilespmem:$0x8A30]  }
0x205: {  	v2 =	vld.idx.msk [tilespmem:v6+s14+$0x0], $0xffff  }
0x206: {  	v55 =	vld [tilespmem:$0x8A40]  }
0x207: {  	v56 =	vld [tilespmem:$0x8A50]  }
0x208: {  	v57 =	vld [tilespmem:$0x8A60]  }
0x209: {  	v58 =	vld [tilespmem:$0x8A70]  }
0x20a: {  	v59 =	vld [tilespmem:$0x8A80];
	v3 =	vmul.f32 v3, v2  }
0x20b: {  	v60 =	vld [tilespmem:$0x8A90];
	v4 =	vmul.f32 v55, v2  }
0x20c: {  	v61 =	vld [tilespmem:$0x8AA0];
	[tilespmem:$0x8A30] =	vst v3;
	v3 =	vmul.f32 v56, v2  }
0x20d: {  	v62 =	vmul.f32 v57, v2;
	[tilespmem:$0x8A40] =	vst v4  }
0x20e: {  	[tilespmem:$0x8A50] =	vst v3;
	v3 =	vmul.f32 v58, v2  }
0x20f: {  	v63 =	vmul.f32 v59, v2;
	[tilespmem:$0x8A60] =	vst v62  }
0x210: {  	[tilespmem:$0x8A70] =	vst v3;
	v3 =	vmul.f32 v60, v2  }
0x211: {  	[tilespmem:$0x8A80] =	vst v63;
	v2 =	vmul.f32 v61, v2  }
0x212: {  	p0 =	sne.s32 s19, $0x47F;
	[tilespmem:$0x8A90] =	vst v3  }
.Ltmp3:
0x213: {  	[tilespmem:$0x8AA0] =	vst v2;
	(pc) =	sbr.rel @p0 .LBB2_9-.Ltmp3, $4  }
0x214: {  	[spmem:s2] =	stream.indirect.scatter.add.f32 [tilespmem:s12], [sflag:$0x2], $0x80, s23, s11, $0xb8;
	[tilespmem:$0x1D2B0] =	vst v63  }
0x215: {  	_ =	swait.ge [sflag:s31], $0x800  }
0x216: {  	s21 =	sadd.s32 $0x10, s21;
	[sflag:s31] =	ssyncset.done $0x0  }
0x217: {  	s19 =	sadd.s32 $0x10, s19;
	s23 =	sadd.s32 $0x10, s23;
	[sflag:s31] =	ssyncadd.s32 $0xFFFFF800  }
0x218: {  	s18 =	sadd.s32 $0x1, s18  }
0x219: {  	p0 =	sne.s32 s18, $0x9  }
.Ltmp4:
0x21a: {  	_ = 	snop;
	(pc) =	sbr.rel @p0 .LBB2_6-.Ltmp4, $2  }
0x21b: {  	_ =	sdelay $0x2  }
0x21c: {  	s17 =	sadd.s32 $0x480, s17  }
0x21d: {  	s16 =	stileid.u32  }
0x21e: {  	[bflag:$0x0] =	sbarrier.arrive $0xFFFF;
	s16 =	sshll.u32 s16, $0x6  }
0x21f: {  	s17 =	sshrl.u32 s9, $0x3;
	s18 =	rddreg [dreg:$0x12];
	s16 =	sor.u32 $0x1C02, s16  }
0x220: {  	[hbm:s18], [sflag:s16] =	dma.local [spmem:s17], $0x2800  }
0x221: {  	_ =	swait.ge [sflag:s31], $0x2800  }
0x222: {  	[sflag:s31] =	ssyncset.done $0x0  }
0x223: {  	s23 =	rddreg [dreg:$0x13];
	[sflag:s31] =	ssyncadd.s32 $0xFFFFD800  }
0x224: {  	[hbm4b:s23+s3] =	stream.linear.scatter [tilespmem:s10], [sflag:$0x2], $0x2710, $0x38;
	[tilespmem:$0x1D2B0] =	vst v63  }
0x225: {  	_ =	swait.ge [sflag:s31], $0x2710  }
0x226: {  	s15 =	sadd.s32 $0x1, s15;
	s24 =	rddreg [dreg:$0x14]  }
0x227: {  	p0 =	sne.s32 s15, s24  }
.Ltmp5:
0x228: {  	_ = 	snop;
	(pc) =	sbr.rel @p0 .LBB2_1-.Ltmp5, $3  }
0x229: {  	_ =	sdelay $0x1  }
0x22a: {  	[sflag:s31] =	ssyncset.done $0x0  }
0x22b: {  	[sflag:s31] =	ssyncadd.s32 $0xFFFFD8F0  }
0x22c: {  	_ =	sfence.sel $0x180000  }
0x22d: {  	[bflag:$0x0] =	sbarrier.arrive $0xFFFF  }
0x22e: {  	_ =	strace $0x9000004A  }
0x22f: {  	s0 =	stileid.u32;
	[bflag:$0x2] =	sbarrier.arrive $0xFFFF  }
0x230: {  	p0 =	sne.s32 s0, $0x0;
	s0 =	rddreg [dreg:$0x3]  }
0x231: {  	s0 =	sadd.s32 @!p0 $0x100000, s0  }
0x232: {  	[sflag:s0] =	ssyncadd.tile.s32 @!p0 $0x1;
	_ =	shalt  }
.Lfunc_end2:
_tile_overlayer_lowered:
.L_overlay_start_2:
0x233: {  	(tag) =	ssettag $0x2  }
0x234: {  	s0 =	rddreg [dreg:$0x0];
	s2 =	stileid.u32  }
0x235: {  	s1 =	rddreg [dreg:$0x1];
	p0 =	sne.s32 s2, $0x0  }
0x236: {  	s3 =	rddreg [dreg:$0x2];
	[bflag:$0x3] =	sbarrier.arrive $0xFFFF;
	s2 =	simm.s32 @!p0 $0x1C02  }
0x237: {  	[timem:s3], [sflag:s2] =	dma.local @!p0 [hbm:s0], s1  }
0x238: {  	s0 =	simm.s32 @!p0 $0x2  }
0x239: {  	_ =	swait.ge @!p0 [sflag:s0], s1  }
0x23a: {  	s1 =	ssub.s32 @!p0 $0x0, s1;
	[sflag:s0] =	ssyncset.done @!p0 $0x0  }
0x23b: {  	[sflag:s0] =	ssyncadd.s32 @!p0 s1  }
0x23c: {  	[bflag:$0x3] =	sbarrier.arrive $0xFFFF  }
0x23d: {  	_ =	shalt  }

// kernel: kernel.7.cloned.1.call-start
scs
__scs_entry_jumppad:
0x0: {  	(pc) =	sbr.rel $0x88, $3  }
0x1: {  	(tag) =	ssettag $0x0;
	lr =	simm.s32 $0x1  }
0x2: {  	[smem:$0x3F97] =	sst lr;
	_ =	strace $0xD0000000  }
0x3: {  	_ = 	snop  }
0x4: {  	_ = 	snop  }
0x5: {  	_ = 	snop  }
0x6: {  	_ = 	snop  }
0x7: {  	_ = 	snop  }
__scs_overlays_trampoline_lowered:
0x8: {  	[smem:$0x3FA6] =	sst s0  }
0x9: {  	[smem:$0x3FA7] =	sst s1  }
0xa: {  	[smem:$0x3FA8] =	sst s2  }
0xb: {  	[smem:$0x3FA9] =	sst s3  }
0xc: {  	[smem:$0x3FAA] =	sst s4  }
0xd: {  	[smem:$0x3FAB] =	sst s5  }
0xe: {  	[smem:$0x3FAC] =	sst s6  }
0xf: {  	[smem:$0x3FAD] =	sst s7  }
0x10: {  	[smem:$0x3FAE] =	sst s8  }
0x11: {  	[smem:$0x3FAF] =	sst s9;
	s0 =	simm.s32 @!p0 $0x0  }
0x12: {  	s1 =	sld [smem:$0x3F95];
	s0 =	simm.s32 @p0 $0x1  }
0x13: {  	[smem:$0x3FB0] =	sst s0;
	s0 =	simm.s32 @!p1 $0x0  }
0x14: {  	s2 =	sld [smem:$0x3F94];
	s0 =	simm.s32 @p1 $0x1  }
0x15: {  	[smem:$0x3FB1] =	sst s0;
	s0 =	simm.s32 @!p2 $0x0  }
0x16: {  	s3 =	sld [smem:$0x3FDB];
	s0 =	simm.s32 @p2 $0x1  }
0x17: {  	s4 =	simm.s32 $0x1BF5;
	[smem:$0x3FB3] =	sst s0  }
0x18: {  	s0 =	sld [smem:$0x3F96];
	_ =	swait.ge [sflag:s4], $0x0  }
0x19: {  	s7 =	sld [smem:$0x3F97]  }
0x1a: {  	s8 =	sadd.s32 $0xFFFFE003, lr  }
0x1b: {  	s9 =	sadd.s32 $0xFFFFFEF7, lr;
	s5 =	simm.s32 $0xFFFFFFFF;
	p2 =	slt.u32 s8, $0xFFFFF086  }
0x1c: {  	p1 =	slt.u32 s9, $0xF7A;
	s5 =	simm.s32 @!p2 $0x0  }
0x1d: {  	s5 =	simm.s32 @p1 $0x1;
	p0 =	seq.s32 s7, s2  }
0x1e: {  	s7 =	smul.u32 @!p0 $0xF7A, s2;
	p2 =	seq.s32 @!p0 s5, $0x0  }
0x1f: {  	s9 =	smul.u32 $0xF7A, s1;
	s8 =	simm.s32 @!p0 $0x1BF5;
	p2 =	por !p2, p0  }
0x20: {  	[sflag:s8] =	ssyncset.s32 @!p0 $0xFFFFF086;
	s6 =	sadd.s32 @!p0 s3, s7;
	s7 =	simm.s32 @!p0 $0x108  }
0x21: {  	s3 =	sadd.s32 s3, s9;
	s6 =	sadd.s32 @!p0 $0x88, s6;
	s7 =	simm.s32 @p2 $0x1082  }
0x22: {  	[simem:s7], [sflag:s8] =	dma.local @!p0 [hbm:s6], $0xF7A  }
0x23: {  	s9 =	sor.u32 $0xD0000000, s2;
	s6 =	simm.s32 $0x108;
	_ =	swait.ge @!p0 [sflag:s8], $0x0  }
0x24: {  	s3 =	sadd.s32 $0x88, s3;
	s6 =	simm.s32 @!p1 $0x1082;
	[sflag:s4] =	ssyncset.s32 $0xFFFFF086  }
0x25: {  	[simem:s6], [sflag:s4] =	dma.local [hbm:s3], $0xF7A  }
0x26: {  	[smem:$0x3F97] =	sst s1;
	(tag) =	ssettag s2;
	_ =	strace s9  }
0x27: {  	s1 =	sld [smem:$0x3FA7]  }
0x28: {  	s2 =	sld [smem:$0x3FA8]  }
0x29: {  	s4 =	sld [smem:$0x3FAA]  }
0x2a: {  	p0 =	seq.s32 s5, $0x0;
	s5 =	sld [smem:$0x3FAB]  }
0x2b: {  	s6 =	sld [smem:$0x3FAC]  }
0x2c: {  	s7 =	sld [smem:$0x3FAD]  }
0x2d: {  	s3 =	simm.s32 $0x108;
	s8 =	sld [smem:$0x3FAE]  }
0x2e: {  	s3 =	simm.s32 @!p0 $0x1082;
	s9 =	sld [smem:$0x3FAF]  }
0x2f: {  	lr =	sadd.s32 s0, s3;
	s0 =	sld [smem:$0x3FA6]  }
0x30: {  	s3 =	sld [smem:$0x3FA9]  }
0x31: {  	[smem:$0x3FB2] =	sst s10  }
0x32: {  	s10 =	sld [smem:$0x3FB0];
	_ =	sdelay $0x3  }
0x33: {  	p0 =	seq.s32 s10, $0x1;
	s10 =	sld [smem:$0x3FB2];
	_ =	sdelay $0x3  }
0x34: {  	[smem:$0x3FB2] =	sst s10  }
0x35: {  	s10 =	sld [smem:$0x3FB1];
	_ =	sdelay $0x3  }
0x36: {  	p1 =	seq.s32 s10, $0x1;
	s10 =	sld [smem:$0x3FB2];
	_ =	sdelay $0x3  }
0x37: {  	[smem:$0x3FB2] =	sst s10  }
0x38: {  	s10 =	sld [smem:$0x3FB3]  }
0x39: {  	_ = 	snop;
	(pc) =	sbr.ind lr, $3  }
0x3a: {  	_ = 	snop  }
0x3b: {  	_ = 	snop  }
0x3c: {  	p2 =	seq.s32 s10, $0x1;
	s10 =	sld [smem:$0x3FB2]  }
0x3d: {  	_ =	shalt  }
0x3e: {  	_ =	shalt  }
0x3f: {  	_ =	shalt  }
0x40: {  	_ =	shalt  }
0x41: {  	_ =	shalt  }
0x42: {  	_ =	shalt  }
0x43: {  	_ =	shalt  }
0x44: {  	_ =	shalt  }
0x45: {  	_ =	shalt  }
0x46: {  	_ =	shalt  }
0x47: {  	_ =	shalt  }
0x48: {  	_ =	shalt  }
0x49: {  	_ =	shalt  }
0x4a: {  	_ =	shalt  }
0x4b: {  	_ =	shalt  }
0x4c: {  	_ =	shalt  }
0x4d: {  	_ =	shalt  }
0x4e: {  	_ =	shalt  }
0x4f: {  	_ =	shalt  }
0x50: {  	_ =	shalt  }
0x51: {  	_ =	shalt  }
0x52: {  	_ =	shalt  }
0x53: {  	_ =	shalt  }
0x54: {  	_ =	shalt  }
0x55: {  	_ =	shalt  }
0x56: {  	_ =	shalt  }
0x57: {  	_ =	shalt  }
0x58: {  	_ =	shalt  }
0x59: {  	_ =	shalt  }
0x5a: {  	_ =	shalt  }
0x5b: {  	_ =	shalt  }
0x5c: {  	_ =	shalt  }
0x5d: {  	_ =	shalt  }
0x5e: {  	_ =	shalt  }
0x5f: {  	_ =	shalt  }
0x60: {  	_ =	shalt  }
0x61: {  	_ =	shalt  }
0x62: {  	_ =	shalt  }
0x63: {  	_ =	shalt  }
0x64: {  	_ =	shalt  }
0x65: {  	_ =	shalt  }
0x66: {  	_ =	shalt  }
0x67: {  	_ =	shalt  }
0x68: {  	_ =	shalt  }
0x69: {  	_ =	shalt  }
0x6a: {  	_ =	shalt  }
0x6b: {  	_ =	shalt  }
0x6c: {  	_ =	shalt  }
0x6d: {  	_ =	shalt  }
0x6e: {  	_ =	shalt  }
0x6f: {  	_ =	shalt  }
0x70: {  	_ =	shalt  }
0x71: {  	_ =	shalt  }
0x72: {  	_ =	shalt  }
0x73: {  	_ =	shalt  }
0x74: {  	_ =	shalt  }
0x75: {  	_ =	shalt  }
0x76: {  	_ =	shalt  }
0x77: {  	_ =	shalt  }
0x78: {  	_ =	shalt  }
0x79: {  	_ =	shalt  }
0x7a: {  	_ =	shalt  }
0x7b: {  	_ =	shalt  }
0x7c: {  	_ =	shalt  }
0x7d: {  	_ =	shalt  }
0x7e: {  	_ =	shalt  }
0x7f: {  	_ =	shalt  }
0x80: {  	_ =	shalt  }
0x81: {  	_ =	shalt  }
0x82: {  	_ =	shalt  }
0x83: {  	_ =	shalt  }
0x84: {  	_ =	shalt  }
0x85: {  	_ =	shalt  }
0x86: {  	_ =	shalt  }
0x87: {  	_ =	shalt  }
.Lfunc_end0:
.L_simem_size_0:
called_computation_lowered:
.L_overlay_start_0:
0x88: {  	s2 =	sld [smem:$0x3FD9]  }
0x89: {  	s3 =	sld [smem:$0x3FFE];
	_ =	sdelay $0x1  }
0x8a: {  	s1 =	srdreg.scid  }
0x8b: {  	s0 =	sand.u32 $0x1, s1  }
0x8c: {  	s17 =	sshll.u32 s0, $0xA;
	s2 =	sadd.s32 s3, s2  }
0x8d: {  	s2 =	sadd.s32 s2, s17  }
0x8e: {  	[smem:$0x3FBE] =	sst s2  }
0x8f: {  	_ = 	snop  }
0x90: {  	s2 =	sld [smem:$0x3FD0];
	(tm) =	ssettm $0x1  }
0x91: {  	s18 =	sld [smem:$0x3FFB];
	_ =	sdelay $0x3  }
0x92: {  	_ =	strace s18  }
0x93: {  	s3 =	sld [smem:$0x3FFC];
	_ =	sdelay $0x3  }
0x94: {  	_ =	strace s3  }
0x95: {  	s3 =	sld [smem:$0x3FFD];
	_ =	sdelay $0x3  }
0x96: {  	_ =	strace s3  }
0x97: {  	_ =	strace $0x8FFFFFFF  }
0x98: {  	s19 =	sld [smem:$0x3FDB];
	_ =	sdelay $0x1  }
0x99: {  	s4 =	simm.s32 $_scs_section_size  }
0x9a: {  	s5 =	simm.s32 $_size__tile_overlayer_lowered;
	s6 =	simm.s32 $_tile_overlayer_lowered  }
0x9b: {  	s22 =	simm.s32 $0x1BFF;
	s21 =	sshll.u32 s6, $0x1;
	s3 =	sadd.s32 s4, s19  }
0x9c: {  	s7 =	simm.s32 $0x0;
	s20 =	sshll.u32 s5, $0x1;
	s5 =	sadd.s32 s21, s3  }
0x9d: {  	[timem:s7], [sflag:s22] =	dma.local [hbm:s5], s20  }
0x9e: {  	_ =	swait.ge [sflag:s22], s20  }
0x9f: {  	s4 =	ssub.s32 $0x0, s20;
	[sflag:s22] =	ssyncset.done $0x0  }
0xa0: {  	[sflag:s22] =	ssyncadd.s32 s4;
	_ =	sdelay $0x1  }
0xa1: {  	s23 =	simm.s32 $0x1B8B  }
0xa2: {  	_ =	swait.ge [sflag:s23], $0x1  }
0xa3: {  	[sflag:s23] =	ssyncset.done $0x0  }
0xa4: {  	s25 =	simm.s32 $0x1B8E;
	s24 =	sld [smem:$0x3FFE];
	[sflag:s23] =	ssyncadd.s32 $0xFFFFFFFF  }
0xa5: {  	s26 =	simm.s32 $execute0_lowered;
	[smem:$0x3FD2] =	sst s25  }
0xa6: {  	s5 =	sshll.u32 s26, $0x1;
	_ =	strace $0x80000046;
	[dreg:$0x1] =	wrdreg $0xFFFFFFFF  }
0xa7: {  	s28 =	simm.s32 $_size_execute0_lowered;
	s3 =	sadd.s32 s3, s5;
	[dreg:$0x0] =	wrdreg $0x0  }
0xa8: {  	s5 =	sshll.u32 s28, $0x1;
	[dreg:$0x2] =	wrdreg s3  }
0xa9: {  	[dreg:$0x3] =	wrdreg s5  }
0xaa: {  	[dreg:$0x4] =	wrdreg $0xC0  }
0xab: {  	_ =	task [dreg:s7], $0x5FFFF  }
0xac: {  	[dreg:$0x1] =	wrdreg $0xFFFFFFFF  }
0xad: {  	[dreg:$0x0] =	wrdreg $0x60  }
0xae: {  	[dreg:$0x2] =	wrdreg s24  }
0xaf: {  	[dreg:$0x3] =	wrdreg s2  }
0xb0: {  	[dreg:$0x4] =	wrdreg $0x8AB00  }
0xb1: {  	[dreg:$0x5] =	wrdreg $0x9  }
0xb2: {  	_ =	task.clear_ibuf [dreg:s7], $0x6FFFF;
	_ =	strace $0x90000046  }
0xb3: {  	s29 =	simm.s32 $0x9;
	_ =	strace $0x80000048  }
0xb4: {  	_ =	swait.ge [sflag:s29], $0x1  }
0xb5: {  	[sflag:s29] =	ssyncadd.s32 $0xFFFFFFFF  }
0xb6: {  	_ =	strace $0x90000048  }
0xb7: {  	_ =	sfence  }
0xb8: {  	s30 =	sld [smem:$0x0];
	_ =	sdelay $0x2  }
0xb9: {  	s31 =	sshll.u32 s1, $0xD;
	s1 =	sshrl.u32 s1, $0x2  }
0xba: {  	s3 =	sand.u32 $0x4000, s31;
	s1 =	sadd.s32 s1, s30  }
0xbb: {  	s0 =	sor.u32 s3, s0;
	s1 =	sshll.u32 s1, $0x11  }
0xbc: {  	s0 =	sor.u32 s1, s0  }
0xbd: {  	s0 =	sadd.s32 $0x8F2B, s0  }
0xbe: {  	[sflag:s0] =	ssyncadd.remote.s32 $0x1  }
0xbf: {  	_ =	sfence.sel $0xFFFF  }
0xc0: {  	[dreg:$0x0] =	wrdreg $0xFFFFFFFF;
	(pc) =	sbr.abs _section_cstart, $3  }
0xc1: {  	[dreg:$0x1] =	wrdreg $0xFFFFFFFF  }
0xc2: {  	_ =	task.clear_ibuf [dreg:s7], $0x2FFFF;
	_ =	strace $0x9FFFFFFF  }
0xc3: {  	(tm) =	ssettm $0x7FFFFFFF  }
tec
execute0_lowered:
.L_overlay_start_1:
0x0: {  	(tag) =	ssettag $0x1  }
0x1: {  	s0 =	rddreg [dreg:$0x0]  }
0x2: {  	s1 =	rddreg [dreg:$0x1]  }
0x3: {  	s2 =	rddreg [dreg:$0x2]  }
0x4: {  	s3 =	simm.s32 $0x0;
	s4 =	srdreg.scid;
	s13 =	stileid.u32  }
0x5: {  	[smem:$0x7FF] =	sst s3;
	s4 =	sand.u32 $0x1, s4;
	s21 =	smul.u32 $0x28000, s13  }
0x6: {  	s9 =	sshll.u32 s13, $0x1;
	s10 =	sadd.s32 $0x15800, s0;
	s14 =	smul.u32 $0x5100, s13  }
0x7: {  	_ =	strace $0x80000047;
	s20 =	smul.u32 $0x14000, s4;
	[dreg:$0x5] =	wrdreg s10  }
0x8: {  	s10 =	sor.u32 s4, s9;
	s11 =	ssub.s32 $0x2, s4;
	s4 =	smul.u32 $0x2880, s4  }
0x9: {  	s8 =	sadd.s32 $0x15E00, s0;
	s9 =	sshrl.u32 s21, $0x2  }
0xa: {  	[dreg:$0x4] =	wrdreg s8;
	s9 =	sadd.s32 s9, s2;
	s4 =	sadd.s32 s4, s14  }
0xb: {  	s23 =	sadd.s32 $0x400, s9;
	[dreg:$0x10] =	wrdreg s4  }
0xc: {  	s24 =	sadd.s32 $0x800, s9;
	[dreg:$0x6] =	wrdreg s23  }
0xd: {  	s25 =	sadd.s32 $0xC00, s9;
	[dreg:$0x7] =	wrdreg s24  }
0xe: {  	s12 =	sshrl.u32 s11, $0x1;
	s26 =	sadd.s32 $0x1000, s9;
	[dreg:$0x8] =	wrdreg s25  }
0xf: {  	s8 =	ssub.s32 s11, s12;
	s12 =	sadd.s32 $0x1400, s9;
	[dreg:$0x9] =	wrdreg s26  }
0x10: {  	s5 =	sadd.s32 $0xB600, s0;
	s15 =	sadd.s32 $0x1800, s9;
	[dreg:$0xa] =	wrdreg s12  }
0x11: {  	s6 =	sadd.s32 $0x1400, s0;
	s16 =	sadd.s32 $0x1C00, s9;
	[dreg:$0xb] =	wrdreg s15  }
0x12: {  	s7 =	smul.u32 $0x1400, s13;
	s17 =	sadd.s32 $0x2000, s9;
	[dreg:$0xc] =	wrdreg s16  }
0x13: {  	s22 =	smul.u32 $0x4E2, s10;
	s18 =	sadd.s32 $0x2400, s9;
	[dreg:$0xd] =	wrdreg s17  }
0x14: {  	s7 =	sadd.s32 s7, s20;
	s19 =	sadd.s32 $0x2800, s9;
	[dreg:$0xe] =	wrdreg s18  }
0x15: {  	s7 =	sadd.s32 s7, s0;
	s20 =	sadd.s32 $0x2C00, s9;
	[dreg:$0xf] =	wrdreg s19  }
0x16: {  	s0 =	sadd.s32 s22, s0;
	s4 =	sadd.s32 $0x3C00, s9;
	[dreg:$0x11] =	wrdreg s20  }
0x17: {  	s22 =	smul.u32 $0x288, s10;
	s10 =	sadd.s32 $0x4800, s9;
	[dreg:$0x18] =	wrdreg s4  }
0x18: {  	s11 =	sadd.s32 $0x4C00, s9;
	[dreg:$0x1b] =	wrdreg s10  }
0x19: {  	s13 =	sadd.s32 $0x5400, s9;
	[dreg:$0x1c] =	wrdreg s11  }
0x1a: {  	s14 =	sadd.s32 $0x5800, s9;
	[dreg:$0x1e] =	wrdreg s13  }
0x1b: {  	s21 =	sadd.s32 $0x16400, s7;
	[dreg:$0x1f] =	wrdreg s14  }
0x1c: {  	s0 =	sadd.s32 $0x3E400, s0;
	[dreg:$0x12] =	wrdreg s21  }
0x1d: {  	s23 =	smax.u32 s8, $0x1;
	[dreg:$0x13] =	wrdreg s0  }
0x1e: {  	s24 =	sadd.s32 $0x3000, s9;
	[dreg:$0x14] =	wrdreg s23  }
0x1f: {  	s25 =	sadd.s32 $0x3400, s9;
	[dreg:$0x15] =	wrdreg s24  }
0x20: {  	s26 =	sadd.s32 $0x3800, s9;
	[dreg:$0x16] =	wrdreg s25  }
0x21: {  	s7 =	sadd.s32 $0x4000, s9;
	[dreg:$0x17] =	wrdreg s26  }
0x22: {  	s8 =	sadd.s32 $0x4400, s9;
	[dreg:$0x19] =	wrdreg s7  }
0x23: {  	s31 =	simm.s32 $0x2;
	s12 =	sadd.s32 $0x5000, s9;
	[dreg:$0x1a] =	wrdreg s8  }
0x24: {  	s28 =	sadd.s32 $0x9400, s9;
	s15 =	sadd.s32 $0x5C00, s9;
	[dreg:$0x1d] =	wrdreg s12  }
0x25: {  	s29 =	sadd.s32 $0x9800, s9;
	s16 =	sadd.s32 $0x6000, s9;
	[smem:$0x7F3] =	sst s15  }
0x26: {  	s30 =	sadd.s32 $0x9C00, s9;
	s17 =	sadd.s32 $0x6400, s9;
	[smem:$0x7F4] =	sst s16  }
0x27: {  	s18 =	sadd.s32 $0x6800, s9;
	s19 =	sadd.s32 $0x6C00, s9;
	[smem:$0x7F5] =	sst s17  }
0x28: {  	s20 =	sadd.s32 $0x7000, s9;
	s4 =	simm.s32 $0x86B0;
	[smem:$0x7F6] =	sst s18  }
0x29: {  	s10 =	simm.s32 $0x5BA0;
	s11 =	simm.s32 $0x10;
	[smem:$0x7F7] =	sst s19  }
0x2a: {  	s13 =	simm.s32 $0x1;
	s14 =	simm.s32 $0x5720;
	[smem:$0x7F8] =	sst s20  }
0x2b: {  	s21 =	sadd.s32 $0x7400, s9;
	s23 =	sadd.s32 $0x7800, s9;
	s24 =	sadd.s32 $0x7C00, s9  }
0x2c: {  	s25 =	sadd.s32 $0x8000, s9;
	s26 =	sadd.s32 $0x8400, s9;
	[smem:$0x7F9] =	sst s21  }
0x2d: {  	s20 =	sadd.s32 $0x9000, s9;
	s0 =	simm.s32 $0x2710;
	[smem:$0x7FA] =	sst s23  }
0x2e: {  	s7 =	simm.s32 $0x4E20;
	s8 =	simm.s32 $0x52A0;
	[smem:$0x7FB] =	sst s24  }
0x2f: {  	v1 =	vimm.s32 $0x0;
	vm0 =	vcmask $0x300;
	s12 =	simm.s32 $0x82B0;
	s15 =	simm.s32 $0x0;
	[smem:$0x7FC] =	sst s25  }
0x30: {  	v0 =	vimm.f32 $0.0e+00;
	v1 =	vsel vm0, $0x3, v1;
	[smem:$0x7FD] =	sst s26;
	s25 =	sadd.s32 $0x8800, s9;
	s26 =	sadd.s32 $0x8C00, s9  }
.LBB2_1:
0x31: {  	s16 =	rddreg [dreg:$0x4]  }
0x32: {  	[tilespmem:s3], [sflag:$0x2] =	stream.linear.gather [hbm4b:s16+s3], $0x2710, $0x38;
	[tilespmem:$0x12AB0] =	vst v63  }
0x33: {  	_ =	swait.ge [sflag:s31], $0x2710  }
0x34: {  	[sflag:s31] =	ssyncset.done $0x0  }
0x35: {  	s24 =	rddreg [dreg:$0x5];
	[sflag:s31] =	ssyncadd.s32 $0xFFFFD8F0  }
0x36: {  	[tilespmem:s0], [sflag:$0x2] =	stream.linear.gather [hbm4b:s24+s3], $0x2710, $0x38;
	[tilespmem:$0x12AB0] =	vst v63  }
0x37: {  	_ =	swait.ge [sflag:s31], $0x2710  }
0x38: {  	[sflag:s31] =	ssyncset.done $0x0  }
0x39: {  	[sflag:s31] =	ssyncadd.s32 $0xFFFFD8F0  }
0x3a: {  	[tilespmem:$0x86B0] =	vst v0  }
0x3b: {  	[tilespmem:$0x86C0] =	vst v0  }
0x3c: {  	[tilespmem:$0x86D0] =	vst v0  }
0x3d: {  	[tilespmem:$0x86E0] =	vst v0  }
0x3e: {  	[tilespmem:$0x86F0] =	vst v0  }
0x3f: {  	[tilespmem:$0x8700] =	vst v0  }
0x40: {  	[tilespmem:$0x8710] =	vst v0  }
0x41: {  	[tilespmem:$0x8720] =	vst v0  }
0x42: {  	[tilespmem:$0x8730] =	vst v0  }
0x43: {  	[tilespmem:$0x8740] =	vst v0  }
0x44: {  	[tilespmem:$0x8750] =	vst v0  }
0x45: {  	[tilespmem:$0x8760] =	vst v0  }
0x46: {  	[tilespmem:$0x8770] =	vst v0  }
0x47: {  	[tilespmem:$0x8780] =	vst v0  }
0x48: {  	[tilespmem:$0x8790] =	vst v0  }
0x49: {  	[tilespmem:$0x87A0] =	vst v0  }
0x4a: {  	[tilespmem:$0x87B0] =	vst v0  }
0x4b: {  	[tilespmem:$0x87C0] =	vst v0  }
0x4c: {  	[tilespmem:$0x87D0] =	vst v0  }
0x4d: {  	[tilespmem:$0x87E0] =	vst v0  }
0x4e: {  	[tilespmem:$0x87F0] =	vst v0  }
0x4f: {  	[tilespmem:$0x8800] =	vst v0  }
0x50: {  	[tilespmem:$0x8810] =	vst v0  }
0x51: {  	[tilespmem:$0x8820] =	vst v0  }
0x52: {  	[tilespmem:$0x8830] =	vst v0  }
0x53: {  	[tilespmem:$0x8840] =	vst v0  }
0x54: {  	[tilespmem:$0x8850] =	vst v0  }
0x55: {  	[tilespmem:$0x8860] =	vst v0  }
0x56: {  	[tilespmem:$0x8870] =	vst v0  }
0x57: {  	[tilespmem:$0x8880] =	vst v0  }
0x58: {  	[tilespmem:$0x8890] =	vst v0  }
0x59: {  	[tilespmem:$0x88A0] =	vst v0  }
0x5a: {  	[tilespmem:$0x88B0] =	vst v0  }
0x5b: {  	[tilespmem:$0x88C0] =	vst v0  }
0x5c: {  	[tilespmem:$0x88D0] =	vst v0  }
0x5d: {  	[tilespmem:$0x88E0] =	vst v0  }
0x5e: {  	[tilespmem:$0x88F0] =	vst v0  }
0x5f: {  	[tilespmem:$0x8900] =	vst v0  }
0x60: {  	[tilespmem:$0x8910] =	vst v0  }
0x61: {  	[tilespmem:$0x8920] =	vst v0  }
0x62: {  	[tilespmem:$0x8930] =	vst v0  }
0x63: {  	[tilespmem:$0x8940] =	vst v0  }
0x64: {  	[tilespmem:$0x8950] =	vst v0  }
0x65: {  	[tilespmem:$0x8960] =	vst v0  }
0x66: {  	[tilespmem:$0x8970] =	vst v0  }
0x67: {  	[tilespmem:$0x8980] =	vst v0  }
0x68: {  	[tilespmem:$0x8990] =	vst v0  }
0x69: {  	[tilespmem:$0x89A0] =	vst v0  }
0x6a: {  	[tilespmem:$0x89B0] =	vst v0  }
0x6b: {  	[tilespmem:$0x89C0] =	vst v0  }
0x6c: {  	[tilespmem:$0x89D0] =	vst v0  }
0x6d: {  	[tilespmem:$0x89E0] =	vst v0  }
0x6e: {  	[tilespmem:$0x89F0] =	vst v0  }
0x6f: {  	[tilespmem:$0x8A00] =	vst v0  }
0x70: {  	[tilespmem:$0x8A10] =	vst v0  }
0x71: {  	[tilespmem:$0x8A20] =	vst v0  }
0x72: {  	[tilespmem:$0x8A30] =	vst v0  }
0x73: {  	[tilespmem:$0x8A40] =	vst v0  }
0x74: {  	[tilespmem:$0x8A50] =	vst v0  }
0x75: {  	[tilespmem:$0x8A60] =	vst v0  }
0x76: {  	[tilespmem:$0x8A70] =	vst v0  }
0x77: {  	[tilespmem:$0x8A80] =	vst v0  }
0x78: {  	[tilespmem:$0x8A90] =	vst v0  }
0x79: {  	s17 =	simm.s32 $0x0;
	s16 =	simm.s32 $0x40;
	[tilespmem:$0x8AA0] =	vst v0  }
.LBB2_2:
0x7a: {  	p0 =	sne.s32 s16, $0x9C00;
	[tilespmem:s17+$0x5BA0] =	vst v0;
	s17 =	smov.u32 s16;
	s16 =	sadd.s32 $0x40, s16  }
.Ltmp0:
0x7b: {  	(pc) =	sbr.rel @p0 .LBB2_2-.Ltmp0, $2  }
0x7c: {  	_ =	sdelay $0x2  }
0x7d: {  	s17 =	sshra.s32 s17, $0x2  }
0x7e: {  	[tilespmem:s17+$0x5BA0] =	vst v0  }
0x7f: {  	[spmem:s9] =	stream.linear.scatter [tilespmem:s4], [sflag:$0x2], $0x400, $0x38;
	[tilespmem:$0x12AB0] =	vst v63  }
0x80: {  	_ =	swait.ge [sflag:s31], $0x400  }
0x81: {  	[sflag:s31] =	ssyncset.done $0x0  }
0x82: {  	s16 =	rddreg [dreg:$0x6];
	[sflag:s31] =	ssyncadd.s32 $0xFFFFFC00  }
0x83: {  	[spmem:s16] =	stream.linear.scatter [tilespmem:s4], [sflag:$0x2], $0x400, $0x38;
	[tilespmem:$0x12AB0] =	vst v63  }
0x84: {  	_ =	swait.ge [sflag:s31], $0x400  }
0x85: {  	[sflag:s31] =	ssyncset.done $0x0  }
0x86: {  	s23 =	rddreg [dreg:$0x7];
	[sflag:s31] =	ssyncadd.s32 $0xFFFFFC00  }
0x87: {  	[spmem:s23] =	stream.linear.scatter [tilespmem:s4], [sflag:$0x2], $0x400, $0x38;
	[tilespmem:$0x12AB0] =	vst v63  }
0x88: {  	_ =	swait.ge [sflag:s31], $0x400  }
0x89: {  	[sflag:s31] =	ssyncset.done $0x0  }
0x8a: {  	s24 =	rddreg [dreg:$0x8];
	[sflag:s31] =	ssyncadd.s32 $0xFFFFFC00  }
0x8b: {  	[spmem:s24] =	stream.linear.scatter [tilespmem:s4], [sflag:$0x2], $0x400, $0x38;
	[tilespmem:$0x12AB0] =	vst v63  }
0x8c: {  	_ =	swait.ge [sflag:s31], $0x400  }
0x8d: {  	[sflag:s31] =	ssyncset.done $0x0  }
0x8e: {  	s17 =	rddreg [dreg:$0x9];
	[sflag:s31] =	ssyncadd.s32 $0xFFFFFC00  }
0x8f: {  	[spmem:s17] =	stream.linear.scatter [tilespmem:s4], [sflag:$0x2], $0x400, $0x38;
	[tilespmem:$0x12AB0] =	vst v63  }
0x90: {  	_ =	swait.ge [sflag:s31], $0x400  }
0x91: {  	[sflag:s31] =	ssyncset.done $0x0  }
0x92: {  	s18 =	rddreg [dreg:$0xa];
	[sflag:s31] =	ssyncadd.s32 $0xFFFFFC00  }
0x93: {  	[spmem:s18] =	stream.linear.scatter [tilespmem:s4], [sflag:$0x2], $0x400, $0x38;
	[tilespmem:$0x12AB0] =	vst v63  }
0x94: {  	_ =	swait.ge [sflag:s31], $0x400  }
0x95: {  	[sflag:s31] =	ssyncset.done $0x0  }
0x96: {  	s19 =	rddreg [dreg:$0xb];
	[sflag:s31] =	ssyncadd.s32 $0xFFFFFC00  }
0x97: {  	[spmem:s19] =	stream.linear.scatter [tilespmem:s4], [sflag:$0x2], $0x400, $0x38;
	[tilespmem:$0x12AB0] =	vst v63  }
0x98: {  	_ =	swait.ge [sflag:s31], $0x400  }
0x99: {  	[sflag:s31] =	ssyncset.done $0x0  }
0x9a: {  	s21 =	rddreg [dreg:$0xc];
	[sflag:s31] =	ssyncadd.s32 $0xFFFFFC00  }
0x9b: {  	[spmem:s21] =	stream.linear.scatter [tilespmem:s4], [sflag:$0x2], $0x400, $0x38;
	[tilespmem:$0x12AB0] =	vst v63  }
0x9c: {  	_ =	swait.ge [sflag:s31], $0x400  }
0x9d: {  	[sflag:s31] =	ssyncset.done $0x0  }
0x9e: {  	s23 =	rddreg [dreg:$0xd];
	[sflag:s31] =	ssyncadd.s32 $0xFFFFFC00  }
0x9f: {  	[spmem:s23] =	stream.linear.scatter [tilespmem:s4], [sflag:$0x2], $0x400, $0x38;
	[tilespmem:$0x12AB0] =	vst v63  }
0xa0: {  	_ =	swait.ge [sflag:s31], $0x400  }
0xa1: {  	[sflag:s31] =	ssyncset.done $0x0  }
0xa2: {  	s24 =	rddreg [dreg:$0xe];
	[sflag:s31] =	ssyncadd.s32 $0xFFFFFC00  }
0xa3: {  	[spmem:s24] =	stream.linear.scatter [tilespmem:s4], [sflag:$0x2], $0x400, $0x38;
	[tilespmem:$0x12AB0] =	vst v63  }
0xa4: {  	_ =	swait.ge [sflag:s31], $0x400  }
0xa5: {  	[sflag:s31] =	ssyncset.done $0x0  }
0xa6: {  	s17 =	rddreg [dreg:$0xf];
	[sflag:s31] =	ssyncadd.s32 $0xFFFFFC00  }
0xa7: {  	[spmem:s17] =	stream.linear.scatter [tilespmem:s4], [sflag:$0x2], $0x400, $0x38;
	[tilespmem:$0x12AB0] =	vst v63  }
0xa8: {  	_ =	swait.ge [sflag:s31], $0x400  }
0xa9: {  	[sflag:s31] =	ssyncset.done $0x0  }
0xaa: {  	s18 =	rddreg [dreg:$0x11];
	[sflag:s31] =	ssyncadd.s32 $0xFFFFFC00  }
0xab: {  	[spmem:s18] =	stream.linear.scatter [tilespmem:s4], [sflag:$0x2], $0x400, $0x38;
	[tilespmem:$0x12AB0] =	vst v63  }
0xac: {  	_ =	swait.ge [sflag:s31], $0x400  }
0xad: {  	[sflag:s31] =	ssyncset.done $0x0  }
0xae: {  	s19 =	rddreg [dreg:$0x15];
	[sflag:s31] =	ssyncadd.s32 $0xFFFFFC00  }
0xaf: {  	[spmem:s19] =	stream.linear.scatter [tilespmem:s4], [sflag:$0x2], $0x400, $0x38;
	[tilespmem:$0x12AB0] =	vst v63  }
0xb0: {  	_ =	swait.ge [sflag:s31], $0x400  }
0xb1: {  	[sflag:s31] =	ssyncset.done $0x0  }
0xb2: {  	s21 =	rddreg [dreg:$0x16];
	[sflag:s31] =	ssyncadd.s32 $0xFFFFFC00  }
0xb3: {  	[spmem:s21] =	stream.linear.scatter [tilespmem:s4], [sflag:$0x2], $0x400, $0x38;
	[tilespmem:$0x12AB0] =	vst v63  }
0xb4: {  	_ =	swait.ge [sflag:s31], $0x400  }
0xb5: {  	[sflag:s31] =	ssyncset.done $0x0  }
0xb6: {  	s23 =	rddreg [dreg:$0x17];
	[sflag:s31] =	ssyncadd.s32 $0xFFFFFC00  }
0xb7: {  	[spmem:s23] =	stream.linear.scatter [tilespmem:s4], [sflag:$0x2], $0x400, $0x38;
	[tilespmem:$0x12AB0] =	vst v63  }
0xb8: {  	_ =	swait.ge [sflag:s31], $0x400  }
0xb9: {  	[sflag:s31] =	ssyncset.done $0x0  }
0xba: {  	s24 =	rddreg [dreg:$0x18];
	[sflag:s31] =	ssyncadd.s32 $0xFFFFFC00  }
0xbb: {  	[spmem:s24] =	stream.linear.scatter [tilespmem:s4], [sflag:$0x2], $0x400, $0x38;
	[tilespmem:$0x12AB0] =	vst v63  }
0xbc: {  	_ =	swait.ge [sflag:s31], $0x400  }
0xbd: {  	[sflag:s31] =	ssyncset.done $0x0  }
0xbe: {  	s17 =	rddreg [dreg:$0x19];
	[sflag:s31] =	ssyncadd.s32 $0xFFFFFC00  }
0xbf: {  	[spmem:s17] =	stream.linear.scatter [tilespmem:s4], [sflag:$0x2], $0x400, $0x38;
	[tilespmem:$0x12AB0] =	vst v63  }
0xc0: {  	_ =	swait.ge [sflag:s31], $0x400  }
0xc1: {  	[sflag:s31] =	ssyncset.done $0x0  }
0xc2: {  	s18 =	rddreg [dreg:$0x1a];
	[sflag:s31] =	ssyncadd.s32 $0xFFFFFC00  }
0xc3: {  	[spmem:s18] =	stream.linear.scatter [tilespmem:s4], [sflag:$0x2], $0x400, $0x38;
	[tilespmem:$0x12AB0] =	vst v63  }
0xc4: {  	_ =	swait.ge [sflag:s31], $0x400  }
0xc5: {  	[sflag:s31] =	ssyncset.done $0x0  }
0xc6: {  	s19 =	rddreg [dreg:$0x1b];
	[sflag:s31] =	ssyncadd.s32 $0xFFFFFC00  }
0xc7: {  	[spmem:s19] =	stream.linear.scatter [tilespmem:s4], [sflag:$0x2], $0x400, $0x38;
	[tilespmem:$0x12AB0] =	vst v63  }
0xc8: {  	_ =	swait.ge [sflag:s31], $0x400  }
0xc9: {  	[sflag:s31] =	ssyncset.done $0x0  }
0xca: {  	s21 =	rddreg [dreg:$0x1c];
	[sflag:s31] =	ssyncadd.s32 $0xFFFFFC00  }
0xcb: {  	[spmem:s21] =	stream.linear.scatter [tilespmem:s4], [sflag:$0x2], $0x400, $0x38;
	[tilespmem:$0x12AB0] =	vst v63  }
0xcc: {  	_ =	swait.ge [sflag:s31], $0x400  }
0xcd: {  	[sflag:s31] =	ssyncset.done $0x0  }
0xce: {  	s23 =	rddreg [dreg:$0x1d];
	[sflag:s31] =	ssyncadd.s32 $0xFFFFFC00  }
0xcf: {  	[spmem:s23] =	stream.linear.scatter [tilespmem:s4], [sflag:$0x2], $0x400, $0x38;
	[tilespmem:$0x12AB0] =	vst v63  }
0xd0: {  	_ =	swait.ge [sflag:s31], $0x400  }
0xd1: {  	[sflag:s31] =	ssyncset.done $0x0  }
0xd2: {  	s24 =	rddreg [dreg:$0x1e];
	[sflag:s31] =	ssyncadd.s32 $0xFFFFFC00  }
0xd3: {  	[spmem:s24] =	stream.linear.scatter [tilespmem:s4], [sflag:$0x2], $0x400, $0x38;
	[tilespmem:$0x12AB0] =	vst v63  }
0xd4: {  	_ =	swait.ge [sflag:s31], $0x400  }
0xd5: {  	[sflag:s31] =	ssyncset.done $0x0  }
0xd6: {  	s17 =	rddreg [dreg:$0x1f];
	[sflag:s31] =	ssyncadd.s32 $0xFFFFFC00  }
0xd7: {  	[spmem:s17] =	stream.linear.scatter [tilespmem:s4], [sflag:$0x2], $0x400, $0x38;
	[tilespmem:$0x12AB0] =	vst v63  }
0xd8: {  	_ =	swait.ge [sflag:s31], $0x400  }
0xd9: {  	s18 =	sld [smem:$0x7F3]  }
0xda: {  	[sflag:s31] =	ssyncset.done $0x0  }
0xdb: {  	[sflag:s31] =	ssyncadd.s32 $0xFFFFFC00  }
0xdc: {  	[spmem:s18] =	stream.linear.scatter [tilespmem:s4], [sflag:$0x2], $0x400, $0x38;
	[tilespmem:$0x12AB0] =	vst v63  }
0xdd: {  	_ =	swait.ge [sflag:s31], $0x400  }
0xde: {  	s19 =	sld [smem:$0x7F4]  }
0xdf: {  	[sflag:s31] =	ssyncset.done $0x0  }
0xe0: {  	[sflag:s31] =	ssyncadd.s32 $0xFFFFFC00  }
0xe1: {  	[spmem:s19] =	stream.linear.scatter [tilespmem:s4], [sflag:$0x2], $0x400, $0x38;
	[tilespmem:$0x12AB0] =	vst v63  }
0xe2: {  	_ =	swait.ge [sflag:s31], $0x400  }
0xe3: {  	s21 =	sld [smem:$0x7F5]  }
0xe4: {  	[sflag:s31] =	ssyncset.done $0x0  }
0xe5: {  	[sflag:s31] =	ssyncadd.s32 $0xFFFFFC00  }
0xe6: {  	[spmem:s21] =	stream.linear.scatter [tilespmem:s4], [sflag:$0x2], $0x400, $0x38;
	[tilespmem:$0x12AB0] =	vst v63  }
0xe7: {  	_ =	swait.ge [sflag:s31], $0x400  }
0xe8: {  	s23 =	sld [smem:$0x7F6]  }
0xe9: {  	[sflag:s31] =	ssyncset.done $0x0  }
0xea: {  	[sflag:s31] =	ssyncadd.s32 $0xFFFFFC00  }
0xeb: {  	[spmem:s23] =	stream.linear.scatter [tilespmem:s4], [sflag:$0x2], $0x400, $0x38;
	[tilespmem:$0x12AB0] =	vst v63  }
0xec: {  	_ =	swait.ge [sflag:s31], $0x400  }
0xed: {  	s24 =	sld [smem:$0x7F7]  }
0xee: {  	[sflag:s31] =	ssyncset.done $0x0  }
0xef: {  	[sflag:s31] =	ssyncadd.s32 $0xFFFFFC00  }
0xf0: {  	[spmem:s24] =	stream.linear.scatter [tilespmem:s4], [sflag:$0x2], $0x400, $0x38;
	[tilespmem:$0x12AB0] =	vst v63  }
0xf1: {  	_ =	swait.ge [sflag:s31], $0x400  }
0xf2: {  	s17 =	sld [smem:$0x7F8]  }
0xf3: {  	[sflag:s31] =	ssyncset.done $0x0  }
0xf4: {  	[sflag:s31] =	ssyncadd.s32 $0xFFFFFC00  }
0xf5: {  	[spmem:s17] =	stream.linear.scatter [tilespmem:s4], [sflag:$0x2], $0x400, $0x38;
	[tilespmem:$0x12AB0] =	vst v63  }
0xf6: {  	_ =	swait.ge [sflag:s31], $0x400  }
0xf7: {  	s18 =	sld [smem:$0x7F9]  }
0xf8: {  	[sflag:s31] =	ssyncset.done $0x0  }
0xf9: {  	[sflag:s31] =	ssyncadd.s32 $0xFFFFFC00  }
0xfa: {  	[spmem:s18] =	stream.linear.scatter [tilespmem:s4], [sflag:$0x2], $0x400, $0x38;
	[tilespmem:$0x12AB0] =	vst v63  }
0xfb: {  	_ =	swait.ge [sflag:s31], $0x400  }
0xfc: {  	s19 =	sld [smem:$0x7FA]  }
0xfd: {  	[sflag:s31] =	ssyncset.done $0x0  }
0xfe: {  	[sflag:s31] =	ssyncadd.s32 $0xFFFFFC00  }
0xff: {  	[spmem:s19] =	stream.linear.scatter [tilespmem:s4], [sflag:$0x2], $0x400, $0x38;
	[tilespmem:$0x12AB0] =	vst v63  }
0x100: {  	_ =	swait.ge [sflag:s31], $0x400  }
0x101: {  	s21 =	sld [smem:$0x7FB]  }
0x102: {  	[sflag:s31] =	ssyncset.done $0x0  }
0x103: {  	[sflag:s31] =	ssyncadd.s32 $0xFFFFFC00  }
0x104: {  	[spmem:s21] =	stream.linear.scatter [tilespmem:s4], [sflag:$0x2], $0x400, $0x38;
	[tilespmem:$0x12AB0] =	vst v63  }
0x105: {  	_ =	swait.ge [sflag:s31], $0x400  }
0x106: {  	s23 =	sld [smem:$0x7FC]  }
0x107: {  	[sflag:s31] =	ssyncset.done $0x0  }
0x108: {  	[sflag:s31] =	ssyncadd.s32 $0xFFFFFC00  }
0x109: {  	[spmem:s23] =	stream.linear.scatter [tilespmem:s4], [sflag:$0x2], $0x400, $0x38;
	[tilespmem:$0x12AB0] =	vst v63  }
0x10a: {  	_ =	swait.ge [sflag:s31], $0x400  }
0x10b: {  	s24 =	sld [smem:$0x7FD]  }
0x10c: {  	[sflag:s31] =	ssyncset.done $0x0  }
0x10d: {  	[sflag:s31] =	ssyncadd.s32 $0xFFFFFC00  }
0x10e: {  	[spmem:s24] =	stream.linear.scatter [tilespmem:s4], [sflag:$0x2], $0x400, $0x38;
	[tilespmem:$0x12AB0] =	vst v63  }
0x10f: {  	_ =	swait.ge [sflag:s31], $0x400  }
0x110: {  	[sflag:s31] =	ssyncset.done $0x0  }
0x111: {  	[sflag:s31] =	ssyncadd.s32 $0xFFFFFC00  }
0x112: {  	[spmem:s25] =	stream.linear.scatter [tilespmem:s4], [sflag:$0x2], $0x400, $0x38;
	[tilespmem:$0x12AB0] =	vst v63  }
0x113: {  	_ =	swait.ge [sflag:s31], $0x400  }
0x114: {  	[sflag:s31] =	ssyncset.done $0x0  }
0x115: {  	[sflag:s31] =	ssyncadd.s32 $0xFFFFFC00  }
0x116: {  	[spmem:s26] =	stream.linear.scatter [tilespmem:s4], [sflag:$0x2], $0x400, $0x38;
	[tilespmem:$0x12AB0] =	vst v63  }
0x117: {  	_ =	swait.ge [sflag:s31], $0x400  }
0x118: {  	[sflag:s31] =	ssyncset.done $0x0  }
0x119: {  	[sflag:s31] =	ssyncadd.s32 $0xFFFFFC00  }
0x11a: {  	[spmem:s20] =	stream.linear.scatter [tilespmem:s4], [sflag:$0x2], $0x400, $0x38;
	[tilespmem:$0x12AB0] =	vst v63  }
0x11b: {  	_ =	swait.ge [sflag:s31], $0x400  }
0x11c: {  	[sflag:s31] =	ssyncset.done $0x0  }
0x11d: {  	[sflag:s31] =	ssyncadd.s32 $0xFFFFFC00  }
0x11e: {  	[spmem:s28] =	stream.linear.scatter [tilespmem:s4], [sflag:$0x2], $0x400, $0x38;
	[tilespmem:$0x12AB0] =	vst v63  }
0x11f: {  	_ =	swait.ge [sflag:s31], $0x400  }
0x120: {  	[sflag:s31] =	ssyncset.done $0x0  }
0x121: {  	[sflag:s31] =	ssyncadd.s32 $0xFFFFFC00  }
0x122: {  	[spmem:s29] =	stream.linear.scatter [tilespmem:s4], [sflag:$0x2], $0x400, $0x38;
	[tilespmem:$0x12AB0] =	vst v63  }
0x123: {  	_ =	swait.ge [sflag:s31], $0x400  }
0x124: {  	[sflag:s31] =	ssyncset.done $0x0  }
0x125: {  	[sflag:s31] =	ssyncadd.s32 $0xFFFFFC00  }
0x126: {  	[spmem:s30] =	stream.linear.scatter [tilespmem:s4], [sflag:$0x2], $0x400, $0x38;
	[tilespmem:$0x12AB0] =	vst v63  }
0x127: {  	_ =	swait.ge [sflag:s31], $0x400  }
0x128: {  	[sflag:s31] =	ssyncset.done $0x0  }
0x129: {  	[sflag:s31] =	ssyncadd.s32 $0xFFFFFC00  }
0x12a: {  	[bflag:$0x0] =	sbarrier.arrive $0xFFFF  }
0x12b: {  	s16 =	simm.s32 $0x0;
	s18 =	simm.s32 $0x0;
	s17 =	rddreg [dreg:$0x10]  }
.LBB2_4:
0x12c: {  	s19 =	smul.u32 $0x48, s18;
	_ =	sdelay $0x1  }
0x12d: {  	s19 =	sadd.s32 s22, s19  }
0x12e: {  	s19 =	sshll.u32 s19, $0x1  }
0x12f: {  	s21 =	sadd.s32 s5, s19  }
0x130: {  	[tilespmem:s7], [sflag:$0x2] =	stream.linear.gather [hbm4b:s21+s16], $0x480, $0x38;
	[tilespmem:$0x12AB0] =	vst v63  }
0x131: {  	_ =	swait.ge [sflag:s31], $0x480  }
0x132: {  	[sflag:s31] =	ssyncset.done $0x0  }
0x133: {  	s19 =	sadd.s32 s6, s19;
	[sflag:s31] =	ssyncadd.s32 $0xFFFFFB80  }
0x134: {  	[tilespmem:s8], [sflag:$0x2] =	stream.linear.gather [hbm4b:s19+s16], $0x480, $0x38;
	[tilespmem:$0x12AB0] =	vst v63  }
0x135: {  	_ =	swait.ge [sflag:s31], $0x480  }
0x136: {  	[sflag:s31] =	ssyncset.done $0x0  }
0x137: {  	s21 =	simm.s32 $0x0;
	s19 =	smov.u32 s17;
	[sflag:s31] =	ssyncadd.s32 $0xFFFFFB80  }
.LBB2_5:
0x138: {  	s23 =	sshra.s32 s21, $0x2  }
0x139: {  	v2 =	vld [tilespmem:s23+$0x4E20]  }
0x13a: {  	v3 =	vld [tilespmem:s23+$0x52A0];
	_ =	sdelay $0x6  }
0x13b: {  	v2 =	vld.idx.msk [tilespmem:v2+s3+$0x0], $0xffff  }
0x13c: {  	v4 =	vld.idx.msk [tilespmem:v3+s0+$0x0], $0xffff;
	_ =	sdelay $0x4  }
0x13d: {  	v2 =	vadd.f32 v4, v2;
	_ =	sdelay $0x1  }
0x13e: {  	v4 =	vmul.f32 $2.000000030e-01, v2  }
0x13f: {  	vm0 =	vge.f32 v2, $0.0e+00  }
0x140: {  	v2 =	vsel vm0, v2, v4  }
0x141: {  	v2 =	vmul.f32 $1.442695020e+00, v2;
	_ =	sdelay $0x1  }
0x142: {  	(erf) = vpow2.f32 v2;
	_ =	sdelay $0x8  }
0x143: {  	p0 =	slt.u32 s19, $0x50910;
	v2 =	vpop (erf)  }
0x144: {  	v2 =	vpsel !p0, $0x0, v2;
	p0 =	sne.s32 s21, $0x11C0  }
.Ltmp1:
0x145: {  	_ = 	snop;
	(pc) =	sbr.rel @p0 .LBB2_5-.Ltmp1, $3  }
0x146: {  	_ =	sdelay $0x1  }
0x147: {  	[tilespmem:s23+$0x5720] =	vst v2  }
0x148: {  	s19 =	sadd.s32 $0x10, s19;
	s21 =	sadd.s32 $0x40, s21;
	[tilespmem:v3+s10+$0x0] =	vst.idx.add.f32.msk $0xffff, v2  }
0x149: {  	s19 =	simm.s32 $0xF;
	s21 =	simm.s32 $0x4E20;
	s23 =	simm.s32 $0x52A0  }
.LBB2_7:
0x14a: {  	s24 =	sadd.s32 $0xFFFFFFF1, s19  }
0x14b: {  	v2 =	vmov s24  }
0x14c: {  	v2 =	vshrl.u32 v2, $0x3  }
0x14d: {  	v2 =	vshll.u32 v2, v1  }
0x14e: {  	v3 =	vbroadcast v2, $0x0  }
0x14f: {  	[tilespmem:s12], [sflag:$0x1] =	stream.indirect.gather [hbm4b:s1+s11], $0x40, s21, s11, $0xb8;
	[tilespmem:$0x12AB0] =	vst v63  }
0x150: {  	_ =	swait.ge [sflag:s13], $0x400  }
0x151: {  	[sflag:s13] =	ssyncset.done $0x0  }
0x152: {  	[sflag:s13] =	ssyncadd.s32 $0xFFFFFC00  }
0x153: {  	v4 =	vld [tilespmem:$0x82B0]  }
0x154: {  	v3 =	vld.idx.msk [tilespmem:v3+s14+$0x0], $0xffff  }
0x155: {  	v5 =	vld [tilespmem:$0x82C0]  }
0x156: {  	v6 =	vld [tilespmem:$0x82D0]  }
0x157: {  	v7 =	vld [tilespmem:$0x82E0]  }
0x158: {  	v8 =	vadd.s32 $0x1, v2  }
0x159: {  	v8 =	vbroadcast v8, $0x0;
	v4 =	vmul.f32 v4, v3  }
0x15a: {  	v5 =	vmul.f32 v5, v3  }
0x15b: {  	v46 =	vmul.f32 v6, v3;
	[tilespmem:$0x82B0] =	vst v4  }
0x15c: {  	v3 =	vmul.f32 v7, v3;
	[tilespmem:$0x82C0] =	vst v5  }
0x15d: {  	[tilespmem:$0x82D0] =	vst v46  }
0x15e: {  	v47 =	vld [tilespmem:$0x82F0];
	[tilespmem:$0x82E0] =	vst v3  }
0x15f: {  	v3 =	vld.idx.msk [tilespmem:v8+s14+$0x0], $0xffff  }
0x160: {  	v48 =	vld [tilespmem:$0x8300]  }
0x161: {  	v49 =	vld [tilespmem:$0x8310]  }
0x162: {  	v50 =	vld [tilespmem:$0x8320]  }
0x163: {  	v51 =	vadd.s32 $0x2, v2  }
0x164: {  	v8 =	vbroadcast v51, $0x0;
	v4 =	vmul.f32 v47, v3  }
0x165: {  	v5 =	vmul.f32 v48, v3  }
0x166: {  	v52 =	vmul.f32 v49, v3;
	[tilespmem:$0x82F0] =	vst v4  }
0x167: {  	v3 =	vmul.f32 v50, v3;
	[tilespmem:$0x8300] =	vst v5  }
0x168: {  	[tilespmem:$0x8310] =	vst v52  }
0x169: {  	v53 =	vld [tilespmem:$0x8330];
	[tilespmem:$0x8320] =	vst v3  }
0x16a: {  	v3 =	vld.idx.msk [tilespmem:v8+s14+$0x0], $0xffff  }
0x16b: {  	v54 =	vld [tilespmem:$0x8340]  }
0x16c: {  	v55 =	vld [tilespmem:$0x8350]  }
0x16d: {  	v56 =	vld [tilespmem:$0x8360]  }
0x16e: {  	v57 =	vadd.s32 $0x3, v2  }
0x16f: {  	v8 =	vbroadcast v57, $0x0;
	v4 =	vmul.f32 v53, v3  }
0x170: {  	v5 =	vmul.f32 v54, v3  }
0x171: {  	v58 =	vmul.f32 v55, v3;
	[tilespmem:$0x8330] =	vst v4  }
0x172: {  	v3 =	vmul.f32 v56, v3;
	[tilespmem:$0x8340] =	vst v5  }
0x173: {  	[tilespmem:$0x8350] =	vst v58  }
0x174: {  	v59 =	vld [tilespmem:$0x8370];
	[tilespmem:$0x8360] =	vst v3  }
0x175: {  	v3 =	vld.idx.msk [tilespmem:v8+s14+$0x0], $0xffff  }
0x176: {  	v60 =	vld [tilespmem:$0x8380]  }
0x177: {  	v61 =	vld [tilespmem:$0x8390]  }
0x178: {  	v62 =	vld [tilespmem:$0x83A0]  }
0x179: {  	v63 =	vadd.s32 $0x4, v2  }
0x17a: {  	v8 =	vbroadcast v63, $0x0;
	v4 =	vmul.f32 v59, v3  }
0x17b: {  	v5 =	vmul.f32 v60, v3  }
0x17c: {  	v11 =	vmul.f32 v61, v3;
	[tilespmem:$0x8370] =	vst v4  }
0x17d: {  	v3 =	vmul.f32 v62, v3;
	[tilespmem:$0x8380] =	vst v5  }
0x17e: {  	[tilespmem:$0x8390] =	vst v11  }
0x17f: {  	v12 =	vld [tilespmem:$0x83B0];
	[tilespmem:$0x83A0] =	vst v3  }
0x180: {  	v3 =	vld.idx.msk [tilespmem:v8+s14+$0x0], $0xffff  }
0x181: {  	v13 =	vld [tilespmem:$0x83C0]  }
0x182: {  	v14 =	vld [tilespmem:$0x83D0]  }
0x183: {  	v15 =	vld [tilespmem:$0x83E0]  }
0x184: {  	v16 =	vadd.s32 $0x5, v2  }
0x185: {  	v8 =	vbroadcast v16, $0x0;
	v4 =	vmul.f32 v12, v3  }
0x186: {  	v5 =	vmul.f32 v13, v3  }
0x187: {  	v17 =	vmul.f32 v14, v3;
	[tilespmem:$0x83B0] =	vst v4  }
0x188: {  	v3 =	vmul.f32 v15, v3;
	[tilespmem:$0x83C0] =	vst v5  }
0x189: {  	[tilespmem:$0x83D0] =	vst v17  }
0x18a: {  	v18 =	vld [tilespmem:$0x83F0];
	[tilespmem:$0x83E0] =	vst v3  }
0x18b: {  	v3 =	vld.idx.msk [tilespmem:v8+s14+$0x0], $0xffff  }
0x18c: {  	v19 =	vld [tilespmem:$0x8400]  }
0x18d: {  	v20 =	vld [tilespmem:$0x8410]  }
0x18e: {  	v21 =	vld [tilespmem:$0x8420]  }
0x18f: {  	v22 =	vadd.s32 $0x6, v2  }
0x190: {  	v8 =	vbroadcast v22, $0x0;
	v4 =	vmul.f32 v18, v3  }
0x191: {  	v5 =	vmul.f32 v19, v3  }
0x192: {  	v23 =	vmul.f32 v20, v3;
	[tilespmem:$0x83F0] =	vst v4  }
0x193: {  	v3 =	vmul.f32 v21, v3;
	[tilespmem:$0x8400] =	vst v5  }
0x194: {  	[tilespmem:$0x8410] =	vst v23  }
0x195: {  	v24 =	vld [tilespmem:$0x8430];
	[tilespmem:$0x8420] =	vst v3  }
0x196: {  	v3 =	vld.idx.msk [tilespmem:v8+s14+$0x0], $0xffff  }
0x197: {  	v25 =	vld [tilespmem:$0x8440]  }
0x198: {  	v26 =	vld [tilespmem:$0x8450]  }
0x199: {  	v27 =	vld [tilespmem:$0x8460]  }
0x19a: {  	v2 =	vadd.s32 $0x7, v2  }
0x19b: {  	v2 =	vbroadcast v2, $0x0;
	v4 =	vmul.f32 v24, v3  }
0x19c: {  	v5 =	vmul.f32 v25, v3  }
0x19d: {  	v28 =	vmul.f32 v26, v3;
	[tilespmem:$0x8430] =	vst v4  }
0x19e: {  	v3 =	vmul.f32 v27, v3;
	[tilespmem:$0x8440] =	vst v5  }
0x19f: {  	[tilespmem:$0x8450] =	vst v28  }
0x1a0: {  	[tilespmem:$0x8460] =	vst v3;
	v3 =	vld [tilespmem:$0x8470]  }
0x1a1: {  	v2 =	vld.idx.msk [tilespmem:v2+s14+$0x0], $0xffff  }
0x1a2: {  	s24 =	sadd.s32 $0xFFFFFFF9, s19;
	v29 =	vld [tilespmem:$0x8480]  }
0x1a3: {  	v31 =	vmov s24;
	v30 =	vld [tilespmem:$0x8490]  }
0x1a4: {  	v32 =	vld [tilespmem:$0x84A0];
	v6 =	vshrl.u32 v31, $0x3  }
0x1a5: {  	v6 =	vshll.u32 v6, v1  }
0x1a6: {  	v6 =	vbroadcast v6, $0x0;
	v3 =	vmul.f32 v3, v2  }
0x1a7: {  	v4 =	vmul.f32 v29, v2  }
0x1a8: {  	[tilespmem:$0x8470] =	vst v3;
	v3 =	vmul.f32 v30, v2  }
0x1a9: {  	[tilespmem:$0x8480] =	vst v4;
	v2 =	vmul.f32 v32, v2  }
0x1aa: {  	[tilespmem:$0x8490] =	vst v3  }
0x1ab: {  	[tilespmem:$0x84A0] =	vst v2;
	v3 =	vld [tilespmem:$0x84B0]  }
0x1ac: {  	s24 =	sadd.s32 $0xFFFFFFFA, s19;
	v2 =	vld.idx.msk [tilespmem:v6+s14+$0x0], $0xffff  }
0x1ad: {  	v34 =	vmov s24;
	v33 =	vld [tilespmem:$0x84C0]  }
0x1ae: {  	v35 =	vld [tilespmem:$0x84D0];
	v5 =	vshrl.u32 v34, $0x3  }
0x1af: {  	v36 =	vld [tilespmem:$0x84E0];
	v5 =	vshll.u32 v5, v1  }
0x1b0: {  	v5 =	vadd.s32 $0x1, v5  }
0x1b1: {  	v5 =	vbroadcast v5, $0x0;
	v3 =	vmul.f32 v3, v2  }
0x1b2: {  	v4 =	vmul.f32 v33, v2  }
0x1b3: {  	[tilespmem:$0x84B0] =	vst v3;
	v3 =	vmul.f32 v35, v2  }
0x1b4: {  	[tilespmem:$0x84C0] =	vst v4;
	v2 =	vmul.f32 v36, v2  }
0x1b5: {  	[tilespmem:$0x84D0] =	vst v3  }
0x1b6: {  	[tilespmem:$0x84E0] =	vst v2;
	v3 =	vld [tilespmem:$0x84F0]  }
0x1b7: {  	s24 =	sadd.s32 $0xFFFFFFFB, s19;
	v2 =	vld.idx.msk [tilespmem:v5+s14+$0x0], $0xffff  }
0x1b8: {  	v37 =	vld [tilespmem:$0x8500];
	v38 =	vmov s24  }
0x1b9: {  	v39 =	vld [tilespmem:$0x8510];
	v5 =	vshrl.u32 v38, $0x3  }
0x1ba: {  	v40 =	vld [tilespmem:$0x8520];
	v5 =	vshll.u32 v5, v1  }
0x1bb: {  	v5 =	vadd.s32 $0x2, v5  }
0x1bc: {  	v5 =	vbroadcast v5, $0x0;
	v3 =	vmul.f32 v3, v2  }
0x1bd: {  	v4 =	vmul.f32 v37, v2  }
0x1be: {  	[tilespmem:$0x84F0] =	vst v3;
	v3 =	vmul.f32 v39, v2  }
0x1bf: {  	[tilespmem:$0x8500] =	vst v4;
	v2 =	vmul.f32 v40, v2  }
0x1c0: {  	[tilespmem:$0x8510] =	vst v3  }
0x1c1: {  	[tilespmem:$0x8520] =	vst v2;
	v3 =	vld [tilespmem:$0x8530]  }
0x1c2: {  	s24 =	sadd.s32 $0xFFFFFFFC, s19;
	v2 =	vld.idx.msk [tilespmem:v5+s14+$0x0], $0xffff  }
0x1c3: {  	v41 =	vld [tilespmem:$0x8540];
	v42 =	vmov s24  }
0x1c4: {  	v43 =	vld [tilespmem:$0x8550];
	v5 =	vshrl.u32 v42, $0x3  }
0x1c5: {  	v44 =	vld [tilespmem:$0x8560];
	v5 =	vshll.u32 v5, v1  }
0x1c6: {  	v5 =	vadd.s32 $0x3, v5  }
0x1c7: {  	v5 =	vbroadcast v5, $0x0;
	v3 =	vmul.f32 v3, v2  }
0x1c8: {  	v4 =	vmul.f32 v41, v2  }
0x1c9: {  	[tilespmem:$0x8530] =	vst v3;
	v3 =	vmul.f32 v43, v2  }
0x1ca: {  	[tilespmem:$0x8540] =	vst v4;
	v2 =	vmul.f32 v44, v2  }
0x1cb: {  	[tilespmem:$0x8550] =	vst v3  }
0x1cc: {  	[tilespmem:$0x8560] =	vst v2;
	v3 =	vld [tilespmem:$0x8570]  }
0x1cd: {  	s24 =	sadd.s32 $0xFFFFFFFD, s19;
	v2 =	vld.idx.msk [tilespmem:v5+s14+$0x0], $0xffff  }
0x1ce: {  	v45 =	vld [tilespmem:$0x8580];
	v46 =	vmov s24  }
0x1cf: {  	v47 =	vld [tilespmem:$0x8590];
	v5 =	vshrl.u32 v46, $0x3  }
0x1d0: {  	v48 =	vld [tilespmem:$0x85A0];
	v5 =	vshll.u32 v5, v1  }
0x1d1: {  	v5 =	vadd.s32 $0x4, v5  }
0x1d2: {  	v5 =	vbroadcast v5, $0x0;
	v3 =	vmul.f32 v3, v2  }
0x1d3: {  	v4 =	vmul.f32 v45, v2  }
0x1d4: {  	[tilespmem:$0x8570] =	vst v3;
	v3 =	vmul.f32 v47, v2  }
0x1d5: {  	[tilespmem:$0x8580] =	vst v4;
	v2 =	vmul.f32 v48, v2  }
0x1d6: {  	[tilespmem:$0x8590] =	vst v3  }
0x1d7: {  	[tilespmem:$0x85A0] =	vst v2;
	v3 =	vld [tilespmem:$0x85B0]  }
0x1d8: {  	s24 =	sadd.s32 $0xFFFFFFFE, s19;
	v2 =	vld.idx.msk [tilespmem:v5+s14+$0x0], $0xffff  }
0x1d9: {  	v49 =	vld [tilespmem:$0x85C0];
	v50 =	vmov s24  }
0x1da: {  	v51 =	vld [tilespmem:$0x85D0];
	v5 =	vshrl.u32 v50, $0x3  }
0x1db: {  	v52 =	vld [tilespmem:$0x85E0];
	v5 =	vshll.u32 v5, v1  }
0x1dc: {  	v5 =	vadd.s32 $0x5, v5  }
0x1dd: {  	v5 =	vbroadcast v5, $0x0;
	v3 =	vmul.f32 v3, v2  }
0x1de: {  	v4 =	vmul.f32 v49, v2  }
0x1df: {  	[tilespmem:$0x85B0] =	vst v3;
	v3 =	vmul.f32 v51, v2  }
0x1e0: {  	[tilespmem:$0x85C0] =	vst v4;
	v2 =	vmul.f32 v52, v2  }
0x1e1: {  	[tilespmem:$0x85D0] =	vst v3  }
0x1e2: {  	[tilespmem:$0x85E0] =	vst v2;
	v3 =	vld [tilespmem:$0x85F0]  }
0x1e3: {  	s24 =	sadd.s32 $0xFFFFFFFF, s19;
	v2 =	vld.idx.msk [tilespmem:v5+s14+$0x0], $0xffff  }
0x1e4: {  	v53 =	vld [tilespmem:$0x8600];
	v54 =	vmov s24  }
0x1e5: {  	v55 =	vld [tilespmem:$0x8610];
	v5 =	vshrl.u32 v54, $0x3  }
0x1e6: {  	v56 =	vld [tilespmem:$0x8620];
	v5 =	vshll.u32 v5, v1  }
0x1e7: {  	v5 =	vadd.s32 $0x6, v5  }
0x1e8: {  	v5 =	vbroadcast v5, $0x0;
	v3 =	vmul.f32 v3, v2  }
0x1e9: {  	v4 =	vmul.f32 v53, v2  }
0x1ea: {  	[tilespmem:$0x85F0] =	vst v3;
	v3 =	vmul.f32 v55, v2  }
0x1eb: {  	[tilespmem:$0x8600] =	vst v4;
	v2 =	vmul.f32 v56, v2  }
0x1ec: {  	[tilespmem:$0x8610] =	vst v3  }
0x1ed: {  	[tilespmem:$0x8620] =	vst v2;
	v3 =	vld [tilespmem:$0x8630]  }
0x1ee: {  	v2 =	vld.idx.msk [tilespmem:v5+s14+$0x0], $0xffff  }
0x1ef: {  	v57 =	vld [tilespmem:$0x8640];
	v58 =	vmov s19  }
0x1f0: {  	v59 =	vld [tilespmem:$0x8650];
	v5 =	vshrl.u32 v58, $0x3  }
0x1f1: {  	v60 =	vld [tilespmem:$0x8660];
	v5 =	vshll.u32 v5, v1  }
0x1f2: {  	v5 =	vadd.s32 $0x7, v5  }
0x1f3: {  	v5 =	vbroadcast v5, $0x0;
	v3 =	vmul.f32 v3, v2  }
0x1f4: {  	v4 =	vmul.f32 v57, v2  }
0x1f5: {  	[tilespmem:$0x8630] =	vst v3;
	v3 =	vmul.f32 v59, v2  }
0x1f6: {  	[tilespmem:$0x8640] =	vst v4;
	v2 =	vmul.f32 v60, v2  }
0x1f7: {  	[tilespmem:$0x8650] =	vst v3  }
0x1f8: {  	[tilespmem:$0x8660] =	vst v2;
	v3 =	vld [tilespmem:$0x8670]  }
0x1f9: {  	v2 =	vld.idx.msk [tilespmem:v5+s14+$0x0], $0xffff  }
0x1fa: {  	v61 =	vld [tilespmem:$0x8680]  }
0x1fb: {  	v62 =	vld [tilespmem:$0x8690]  }
0x1fc: {  	v63 =	vld [tilespmem:$0x86A0];
	_ =	sdelay $0x1  }
0x1fd: {  	v3 =	vmul.f32 v3, v2  }
0x1fe: {  	v4 =	vmul.f32 v61, v2  }
0x1ff: {  	[tilespmem:$0x8670] =	vst v3;
	v3 =	vmul.f32 v62, v2  }
0x200: {  	[tilespmem:$0x8680] =	vst v4;
	v2 =	vmul.f32 v63, v2  }
0x201: {  	p0 =	sne.s32 s19, $0x47F;
	[tilespmem:$0x8690] =	vst v3  }
.Ltmp2:
0x202: {  	[tilespmem:$0x86A0] =	vst v2;
	(pc) =	sbr.rel @p0 .LBB2_7-.Ltmp2, $4  }
0x203: {  	[spmem:s2] =	stream.indirect.scatter.add.f32 [tilespmem:s12], [sflag:$0x2], $0x40, s23, s11, $0xb8;
	[tilespmem:$0x12AB0] =	vst v63  }
0x204: {  	_ =	swait.ge [sflag:s31], $0x400  }
0x205: {  	s21 =	sadd.s32 $0x10, s21;
	[sflag:s31] =	ssyncset.done $0x0  }
0x206: {  	s19 =	sadd.s32 $0x10, s19;
	s23 =	sadd.s32 $0x10, s23;
	[sflag:s31] =	ssyncadd.s32 $0xFFFFFC00  }
0x207: {  	s18 =	sadd.s32 $0x1, s18  }
0x208: {  	p0 =	sne.s32 s18, $0x9  }
.Ltmp3:
0x209: {  	_ = 	snop;
	(pc) =	sbr.rel @p0 .LBB2_4-.Ltmp3, $2  }
0x20a: {  	_ =	sdelay $0x2  }
0x20b: {  	s17 =	sadd.s32 $0x480, s17  }
0x20c: {  	s16 =	stileid.u32  }
0x20d: {  	[bflag:$0x0] =	sbarrier.arrive $0xFFFF;
	s16 =	sshll.u32 s16, $0x6  }
0x20e: {  	s17 =	sshrl.u32 s9, $0x3;
	s18 =	rddreg [dreg:$0x12];
	s16 =	sor.u32 $0x1C02, s16  }
0x20f: {  	[hbm:s18], [sflag:s16] =	dma.local [spmem:s17], $0x1400  }
0x210: {  	_ =	swait.ge [sflag:s31], $0x1400  }
0x211: {  	[sflag:s31] =	ssyncset.done $0x0  }
0x212: {  	s23 =	rddreg [dreg:$0x13];
	[sflag:s31] =	ssyncadd.s32 $0xFFFFEC00  }
0x213: {  	[hbm4b:s23+s3] =	stream.linear.scatter [tilespmem:s10], [sflag:$0x2], $0x2710, $0x38;
	[tilespmem:$0x12AB0] =	vst v63  }
0x214: {  	_ =	swait.ge [sflag:s31], $0x2710  }
0x215: {  	s15 =	sadd.s32 $0x1, s15;
	s24 =	rddreg [dreg:$0x14]  }
0x216: {  	p0 =	sne.s32 s15, s24  }
.Ltmp4:
0x217: {  	_ = 	snop;
	(pc) =	sbr.rel @p0 .LBB2_1-.Ltmp4, $3  }
0x218: {  	_ =	sdelay $0x1  }
0x219: {  	[sflag:s31] =	ssyncset.done $0x0  }
0x21a: {  	[sflag:s31] =	ssyncadd.s32 $0xFFFFD8F0  }
0x21b: {  	_ =	sfence.sel $0x180000  }
0x21c: {  	[bflag:$0x0] =	sbarrier.arrive $0xFFFF  }
0x21d: {  	_ =	strace $0x90000047  }
0x21e: {  	s0 =	stileid.u32;
	[bflag:$0x2] =	sbarrier.arrive $0xFFFF  }
0x21f: {  	p0 =	sne.s32 s0, $0x0;
	s0 =	rddreg [dreg:$0x3]  }
0x220: {  	s0 =	sadd.s32 @!p0 $0x100000, s0  }
0x221: {  	[sflag:s0] =	ssyncadd.tile.s32 @!p0 $0x1;
	_ =	shalt  }
.Lfunc_end2:
_tile_overlayer_lowered:
.L_overlay_start_2:
0x222: {  	(tag) =	ssettag $0x2  }
0x223: {  	s0 =	rddreg [dreg:$0x0];
	s2 =	stileid.u32  }
0x224: {  	s1 =	rddreg [dreg:$0x1];
	p0 =	sne.s32 s2, $0x0  }
0x225: {  	s3 =	rddreg [dreg:$0x2];
	[bflag:$0x3] =	sbarrier.arrive $0xFFFF;
	s2 =	simm.s32 @!p0 $0x1C02  }
0x226: {  	[timem:s3], [sflag:s2] =	dma.local @!p0 [hbm:s0], s1  }
0x227: {  	s0 =	simm.s32 @!p0 $0x2  }
0x228: {  	_ =	swait.ge @!p0 [sflag:s0], s1  }
0x229: {  	s1 =	ssub.s32 @!p0 $0x0, s1;
	[sflag:s0] =	ssyncset.done @!p0 $0x0  }
0x22a: {  	[sflag:s0] =	ssyncadd.s32 @!p0 s1  }
0x22b: {  	[bflag:$0x3] =	sbarrier.arrive $0xFFFF  }
0x22c: {  	_ =	shalt  }

</sc_bundles>
